<compile_context>
chip_gen: v7x
topology: tpu7x:2x2x1
jax: 0.10.2.dev20260603
libtpu: 0.0.44.dev20260713+nightly
codegen_flags: <defaults>
</compile_context>

<pallas_src>
import functools

import jax
import jax.numpy as jnp
from jax import lax
from jax.experimental import pallas as pl
from jax.experimental.pallas import tpu as pltpu
from jax.experimental.pallas import tpu_sc as plsc

NC = 2
NSC = 16
NW = NC * NSC
LB = 8192


def _largest_divisor_leq(n, cap):
    for k in range(cap - cap % 8, 0, -8):
        if n % k == 0:
            return k
    return 8


def _iota16():
    return lax.iota(jnp.int32, 16)



def _phase_a_body(MR, RPW, nchunks, NPn,
                  pxh, pyh, pzh, sph, snd2_h, rcv2_h,
                  sx_h, sy_h, sz_h, sp_h, rx_h, ry_h, rz_h,
                  px_s, py_s, pz_s, sp_s,
                  idx_s, idx_r,
                  sxb, syb, szb, spb, rxb, ryb, rzb, sem, semo, semo1):
    cid = lax.axis_index("c")
    sid = lax.axis_index("s")
    wid = sid * NC + cid
    cke = MR * 128
    ST = NPn // NSC
    obufs = (sxb, syb, szb, spb, rxb, ryb, rzb)
    ohs = (sx_h, sy_h, sz_h, sp_h, rx_h, ry_h, rz_h)

    for hsrc, sdst in ((pxh, px_s), (pyh, py_s), (pzh, pz_s), (sph, sp_s)):
        pltpu.sync_copy(hsrc.at[pl.ds(sid * ST, ST)],
                        sxb.at[0, pl.ds(0, ST)])
        pltpu.sync_copy(sxb.at[0, pl.ds(0, ST)],
                        sdst.at[pl.ds(sid * ST, ST)])
    plsc.subcore_barrier()

    def chunk(ci, carry):
        b = ci % 2
        @pl.when((ci >= 2) & (b == 0))
        def _():
            for buf in obufs:
                pltpu.make_async_copy(pxh.at[pl.ds(0, cke)],
                                      buf.at[0], semo).wait()

        @pl.when((ci >= 2) & (b == 1))
        def _():
            for buf in obufs:
                pltpu.make_async_copy(pxh.at[pl.ds(0, cke)],
                                      buf.at[0], semo1).wait()

        rowbase = wid * RPW + ci * MR
        pltpu.sync_copy(snd2_h.at[pl.ds(rowbase, MR)], idx_s)
        pltpu.sync_copy(rcv2_h.at[pl.ds(rowbase, MR)], idx_r)

        def gath(j, c2):
            off = j * 128
            for tab, dst in ((px_s, sxb), (py_s, syb), (pz_s, szb),
                             (sp_s, spb)):
                pltpu.async_copy(tab.at[idx_s.at[j]],
                                 dst.at[b, pl.ds(off, 128)], sem)
            for tab, dst in ((px_s, rxb), (py_s, ryb), (pz_s, rzb)):
                pltpu.async_copy(tab.at[idx_r.at[j]],
                                 dst.at[b, pl.ds(off, 128)], sem)
            return c2

        lax.fori_loop(0, MR, gath, 0)
        for buf in obufs:
            pltpu.make_async_copy(pxh.at[pl.ds(0, cke)],
                                  buf.at[0], sem).wait()

        ebase = wid * (RPW * 128) + ci * cke

        @pl.when(b == 0)
        def _():
            for buf, oh in zip(obufs, ohs):
                pltpu.async_copy(buf.at[0], oh.at[pl.ds(ebase, cke)], semo)

        @pl.when(b == 1)
        def _():
            for buf, oh in zip(obufs, ohs):
                pltpu.async_copy(buf.at[1], oh.at[pl.ds(ebase, cke)], semo1)
        return carry

    lax.fori_loop(0, nchunks, chunk, 0)
    for buf in obufs:
        pltpu.make_async_copy(pxh.at[pl.ds(0, cke)], buf.at[0], semo).wait()
    for buf in obufs:
        pltpu.make_async_copy(pxh.at[pl.ds(0, cke)], buf.at[0], semo1).wait()


def _make_phase_a(NP_edges, MR, RPW, NPn):
    nchunks = RPW // MR
    cke = MR * 128
    mesh = plsc.VectorSubcoreMesh(core_axis_name="c", subcore_axis_name="s",
                                  num_cores=NC, num_subcores=NSC)
    f32 = jnp.float32
    out = [jax.ShapeDtypeStruct((NP_edges,), f32) for _ in range(7)]
    scratch = (
        [pltpu.VMEM_SHARED((NPn,), f32) for _ in range(4)]
        + [pltpu.VMEM((MR, 128), jnp.int32) for _ in range(2)]
        + [pltpu.VMEM((2, cke), f32) for _ in range(7)]
        + [pltpu.SemaphoreType.DMA, pltpu.SemaphoreType.DMA,
           pltpu.SemaphoreType.DMA]
    )
    return pl.kernel(
        functools.partial(_phase_a_body, MR, RPW, nchunks, NPn),
        out_type=tuple(out), mesh=mesh, scratch_types=scratch)



def _recip(x):
    r = 1.0 / x
    return r * (2.0 - x * r)


def _sigm(x):
    return _recip(1.0 + jnp.exp(-x))


def _b16(x):
    i = lax.bitcast_convert_type(x, jnp.int32)
    i = (i + 0x7FFF + ((i >> 16) & 1)) & jnp.int32(-65536)
    return lax.bitcast_convert_type(i, jnp.float32)


def _phase_b_body(sx, sy, sz, spf, rx, ry, rz, shx, shy, shz,
                  cellT, w1c, b1c, w2t, w2n, b2c, temb,
                  fxo, fyo, fzo, eno):
    sh3 = jnp.concatenate([shx[0], shy[0], shz[0]], axis=0)
    sc3 = jnp.dot(cellT[...], sh3, preferred_element_type=jnp.float32)
    wx = rx[0] - sx[0] + sc3[0:1, :] + 1e-12
    wy = ry[0] - sy[0] + sc3[1:2, :] + 1e-12
    wz = rz[0] - sz[0] + sc3[2:3, :] + 1e-12
    d2 = wx * wx + wy * wy + wz * wz
    irt = lax.rsqrt(d2)
    irt = irt * (1.5 - 0.5 * d2 * irt * irt)
    d = d2 * irt

    u = w1c[...] * _b16(d) + b1c[...]
    su = _sigm(u)
    a = u * su
    v = jnp.dot(w2t[...], a, preferred_element_type=jnp.float32) + b2c[...]
    sv = _sigm(v)
    h2 = v * sv

    sp = lax.bitcast_convert_type(spf[0], jnp.int32)
    onehot = (lax.broadcasted_iota(jnp.int32, (128,) + sp.shape[1:], 0)
              == sp).astype(jnp.float32)
    te = jnp.dot(temb[...], onehot, preferred_element_type=jnp.float32)

    g = jnp.sum(h2 * te).reshape(1, 1)

    dsu = su * (1.0 + u * (1.0 - su))
    dsv = sv * (1.0 + v * (1.0 - sv))
    dvg = te * dsv
    dag = jnp.dot(w2n[...], dvg, preferred_element_type=jnp.float32)
    dug = dag * dsu
    c = jnp.sum(w1c[...] * dug, axis=0, keepdims=True)

    q = c * irt
    fxo[0] = q * wx
    fyo[0] = q * wy
    fzo[0] = q * wz

    @pl.when(pl.program_id(0) == 0)
    def _():
        eno[...] = jnp.zeros((1, 1), jnp.float32)

    eno[...] += g


def _make_phase_b(NP_edges):
    grid = (NP_edges // LB,)
    f32 = jnp.float32

    def row(i):
        return (i, 0, 0)

    def fixed(i):
        return (0, 0)

    edge_spec = pl.BlockSpec((1, 1, LB), row)
    in_specs = [edge_spec] * 10 + [
        pl.BlockSpec((3, 3), fixed),
        pl.BlockSpec((16, 1), fixed),
        pl.BlockSpec((16, 1), fixed),
        pl.BlockSpec((16, 16), fixed),
        pl.BlockSpec((16, 16), fixed),
        pl.BlockSpec((16, 1), fixed),
        pl.BlockSpec((16, 128), fixed),
    ]
    out_specs = [edge_spec, edge_spec, edge_spec,
                 pl.BlockSpec((1, 1), fixed)]
    out_shape = [jax.ShapeDtypeStruct((NP_edges // LB, 1, LB), f32)] * 3 + [
        jax.ShapeDtypeStruct((1, 1), f32)]
    return pl.pallas_call(_phase_b_body, grid=grid, in_specs=in_specs,
                          out_specs=out_specs, out_shape=out_shape)



def _phase_c_body(CR, RPW, NPn,
                  fx2, fy2, fz2, snd2, rcv2, zeros_h, dz_h,
                  outa_h, outb_h,
                  f4, fxc, fyc, fzc, sc2, rc2,
                  isx, isy, isz, irx, iry, irz, nbx, nby, nbz, zwb,
                  sem, semi):
    cid = lax.axis_index("c")
    sid = lax.axis_index("s")
    wid = sid * NC + cid
    SW = NPn * 4 // NSC
    ZW = NPn // 32

    pltpu.sync_copy(zeros_h, zwb)

    def zero(k, c2):
        pltpu.sync_copy(zwb, f4.at[pl.ds(sid * SW + k * ZW, ZW)])
        return c2

    lax.fori_loop(0, 8, zero, 0)
    plsc.subcore_barrier()

    def fire_inputs(ch, par):
        rb = wid * RPW + ch * CR
        pltpu.async_copy(fx2.at[pl.ds(rb, CR)], fxc.at[par], semi)
        pltpu.async_copy(fy2.at[pl.ds(rb, CR)], fyc.at[par], semi)
        pltpu.async_copy(fz2.at[pl.ds(rb, CR)], fzc.at[par], semi)
        pltpu.async_copy(snd2.at[pl.ds(rb, CR)], sc2.at[par], semi)
        pltpu.async_copy(rcv2.at[pl.ds(rb, CR)], rc2.at[par], semi)

    nch = RPW // CR
    fire_inputs(0, 0)

    def chunk(ch, c2):
        b = ch % 2
        for dref in (fxc, fyc, fzc):
            pltpu.make_async_copy(fx2.at[pl.ds(0, CR)], dref.at[0], semi).wait()
        for dref in (sc2, rc2):
            pltpu.make_async_copy(snd2.at[pl.ds(0, CR)], dref.at[0], semi).wait()

        @pl.when(ch + 1 < nch)
        def _():
            fire_inputs(ch + 1, 1 - b)

        def rowbuild(rr, c3):
            def grp(g, c4):
                off = g * 16
                s4 = sc2[b, rr, pl.ds(off, 16)] * 4
                r4 = rc2[b, rr, pl.ds(off, 16)] * 4
                isx[rr, pl.ds(off, 16)] = s4
                isy[rr, pl.ds(off, 16)] = s4 + 1
                isz[rr, pl.ds(off, 16)] = s4 + 2
                irx[rr, pl.ds(off, 16)] = r4
                iry[rr, pl.ds(off, 16)] = r4 + 1
                irz[rr, pl.ds(off, 16)] = r4 + 2
                nbx[rr, pl.ds(off, 16)] = -fxc[b, rr, pl.ds(off, 16)]
                nby[rr, pl.ds(off, 16)] = -fyc[b, rr, pl.ds(off, 16)]
                nbz[rr, pl.ds(off, 16)] = -fzc[b, rr, pl.ds(off, 16)]
                return c4

            lax.fori_loop(0, 8, grp, 0)
            return c3

        lax.fori_loop(0, CR, rowbuild, 0)

        def fire(rr, c3):
            pltpu.async_copy(fxc.at[b, rr], f4.at[isx.at[rr]], sem, add=True)
            pltpu.async_copy(fyc.at[b, rr], f4.at[isy.at[rr]], sem, add=True)
            pltpu.async_copy(fzc.at[b, rr], f4.at[isz.at[rr]], sem, add=True)
            for dref in (isx, isy, isz):
                pltpu.make_async_copy(dz_h, dref.at[rr], sem).wait()
            pltpu.async_copy(nbx.at[rr], f4.at[irx.at[rr]], sem, add=True)
            pltpu.async_copy(nby.at[rr], f4.at[iry.at[rr]], sem, add=True)
            pltpu.async_copy(nbz.at[rr], f4.at[irz.at[rr]], sem, add=True)
            for dref in (irx, iry, irz):
                pltpu.make_async_copy(dz_h, dref.at[rr], sem).wait()
            return c3

        lax.fori_loop(0, CR, fire, 0)
        return c2

    lax.fori_loop(0, RPW // CR, chunk, 0)
    plsc.subcore_barrier()

    @pl.when(cid == 0)
    def _():
        def writeback(k, c2):
            pltpu.sync_copy(f4.at[pl.ds(sid * SW + k * ZW, ZW)], zwb)
            pltpu.sync_copy(zwb, outa_h.at[pl.ds(sid * SW + k * ZW, ZW)])
            return c2

        lax.fori_loop(0, 8, writeback, 0)

    @pl.when(cid == 1)
    def _():
        def writeback(k, c2):
            pltpu.sync_copy(f4.at[pl.ds(sid * SW + k * ZW, ZW)], zwb)
            pltpu.sync_copy(zwb, outb_h.at[pl.ds(sid * SW + k * ZW, ZW)])
            return c2

        lax.fori_loop(0, 8, writeback, 0)


def _make_phase_c(NPn, CR, RPW):
    mesh = plsc.VectorSubcoreMesh(core_axis_name="c", subcore_axis_name="s",
                                  num_cores=NC, num_subcores=NSC)
    f32 = jnp.float32
    scratch = (
        [pltpu.VMEM_SHARED((NPn * 4,), f32)]
        + [pltpu.VMEM((2, CR, 128), f32) for _ in range(3)]
        + [pltpu.VMEM((2, CR, 128), jnp.int32) for _ in range(2)]
        + [pltpu.VMEM((CR, 128), jnp.int32) for _ in range(6)]
        + [pltpu.VMEM((CR, 128), f32) for _ in range(3)]
        + [pltpu.VMEM((NPn // 32,), f32)]
        + [pltpu.SemaphoreType.DMA, pltpu.SemaphoreType.DMA]
    )
    return pl.kernel(
        functools.partial(_phase_c_body, CR, RPW, NPn),
        out_type=(jax.ShapeDtypeStruct((NPn * 4,), f32),
                  jax.ShapeDtypeStruct((NPn * 4,), f32)),
        mesh=mesh, scratch_types=scratch)



def kernel(positions, species, senders, receivers, shifts, cell,
           emb, W1, b1, W2, b2, w_out):
    f32 = jnp.float32
    N = positions.shape[0]
    E = senders.shape[0]
    S = emb.shape[0]

    EPQ = NW * 128 * 8
    EP = ((E + EPQ - 1) // EPQ) * EPQ
    RPW = EP // 128 // NW
    NPn = ((N + 511) // 512) * 512
    MR = _largest_divisor_leq(RPW, 32)
    CR = _largest_divisor_leq(RPW, 32)

    pad_e = EP - E
    snd_p = jnp.concatenate([senders, jnp.zeros((pad_e,), jnp.int32)])
    rcv_p = jnp.concatenate([receivers, jnp.zeros((pad_e,), jnp.int32)])
    shifts_p = jnp.concatenate([shifts, jnp.zeros((pad_e, 3), f32)], axis=0)
    snd2 = snd_p.reshape(EP // 128, 128)
    rcv2 = rcv_p.reshape(EP // 128, 128)

    pad_n = NPn - N
    padn = lambda a: jnp.concatenate([a, jnp.zeros((pad_n,), f32)])
    pxh = padn(positions[:, 0])
    pyh = padn(positions[:, 1])
    pzh = padn(positions[:, 2])
    sph = padn(lax.bitcast_convert_type(species, f32))

    sx, sy, sz, spf, rx, ry, rz = _make_phase_a(EP, MR, RPW, NPn)(
        pxh, pyh, pzh, sph, snd2, rcv2)

    r2 = (EP // LB, 1, LB)
    def b16(x):
        i = lax.bitcast_convert_type(x.astype(f32), jnp.int32)
        i = (i + 0x7FFF + ((i >> 16) & 1)) & jnp.int32(-65536)
        return lax.bitcast_convert_type(i, f32)

    cellT = cell[0].T.astype(f32)
    w1c = b16(W1.reshape(16, 1).astype(f32))
    b1c = b1.reshape(16, 1).astype(f32)
    w2t = W2.T.astype(f32)
    w2n = W2.astype(f32)
    b2c = b2.reshape(16, 1).astype(f32)
    wo16 = b16(w_out)
    temb = jnp.zeros((16, 128), f32).at[:, :S].set((emb * wo16[None, :]).T)

    fx, fy, fz, en = _make_phase_b(EP)(
        sx.reshape(r2), sy.reshape(r2), sz.reshape(r2), spf.reshape(r2),
        rx.reshape(r2), ry.reshape(r2), rz.reshape(r2),
        shifts_p[:, 0].reshape(r2), shifts_p[:, 1].reshape(r2),
        shifts_p[:, 2].reshape(r2),
        cellT, w1c, b1c, w2t, w2n, b2c, temb)

    rr2 = (EP // 128, 128)
    zeros_h = jnp.zeros((NPn // 32,), f32)
    dz_h = jnp.zeros((128,), jnp.int32)
    outa, outb = _make_phase_c(NPn, CR, RPW)(
        fx.reshape(rr2), fy.reshape(rr2), fz.reshape(rr2),
        snd2, rcv2, zeros_h, dz_h)

    forces = (outa + outb).reshape(NPn, 4)[:N, :3]
    return en.reshape(1), forces

# --- scband reference (transcript-rebuilt; emitter-appended) ---
"""Pipeline reference for scband-force-field-predictor-46531675685340 (READ-ONLY COPY).

The authoritative reference and input builder live on the scoring server;
editing this copy changes nothing except your own understanding.
"""

import jax, jax.numpy as jnp
import numpy as np

N = 100000
E = 3200000
H = 16
S = 119

def setup_inputs(seed: int = 0) -> dict:
    key = jax.random.key(seed)
    ks = jax.random.split(key, 10)
    positions = jax.random.normal(ks[0], (N, 3), jnp.float32) * 5.0
    species = jax.random.randint(ks[1], (N,), 0, S, dtype=jnp.int32)
    senders = jax.random.randint(ks[2], (E,), 0, N, dtype=jnp.int32)
    receivers = jax.random.randint(ks[3], (E,), 0, N, dtype=jnp.int32)
    shifts = jax.random.normal(ks[4], (E, 3), jnp.float32)
    cell = jnp.eye(3, dtype=jnp.float32)[None] * 10.0 + 0.01 * jax.random.normal(ks[5], (1, 3, 3), jnp.float32)
    emb = jax.random.normal(ks[6], (S, H), jnp.float32) * 0.1
    W1 = jax.random.normal(ks[7], (1, H), jnp.float32) * 0.5
    b1 = jnp.zeros((H,), jnp.float32)
    W2 = jax.random.normal(ks[8], (H, H), jnp.float32) / np.sqrt(H)
    b2 = jnp.zeros((H,), jnp.float32)
    w_out = jax.random.normal(ks[9], (H,), jnp.float32) * 0.1
    return {"positions": positions, "species": species, "senders": senders,
            "receivers": receivers, "shifts": shifts, "cell": cell,
            "emb": emb, "W1": W1, "b1": b1, "W2": W2, "b2": b2, "w_out": w_out}

def _node_energies(positions, cell, shifts, species, senders, receivers, emb, W1, b1, W2, b2, w_out):
    # get_edge_relative_vectors: r_recv - r_send + shifts @ cell (single graph)
    vectors = positions[receivers] - positions[senders] + shifts @ cell[0]
    d = jnp.linalg.norm(vectors + 1e-12, axis=-1, keepdims=True)
    h = jax.nn.silu(d @ W1 + b1)
    h = jax.nn.silu(h @ W2 + b2)
    msg = h * emb[species[senders]]
    node_feat = jax.ops.segment_sum(msg, receivers, num_segments=positions.shape[0])
    return node_feat @ w_out

def reference(positions, species, senders, receivers, shifts, cell, emb, W1, b1, W2, b2, w_out):
    # _compute_energy returns (sum(node_energies), node_energies); forces = -grad wrt positions
    def _energy(pos):
        ne = _node_energies(pos, cell, shifts, species, senders, receivers, emb, W1, b1, W2, b2, w_out)
        return jnp.sum(ne), ne
    minus_forces, node_energies = jax.grad(_energy, has_aux=True)(positions)
    # e3nn.scatter_sum(node_energies, nel=n_node) with a single graph
    graph_ids = jnp.zeros((positions.shape[0],), jnp.int32)
    graph_energies = jax.ops.segment_sum(node_energies, graph_ids, num_segments=1)
    forces = -minus_forces
    return graph_energies, forces

if __name__ == "__main__":
    import jax
    _d = setup_inputs()
    print(jax.jit(kernel)(*tuple(_d.values())))

</pallas_src>

<mosaic_0001>
#map = affine_map<(d0, d1) -> (0, 0)>
#map1 = affine_map<(d0, d1) -> (0)>
module attributes {stable_mosaic.version = 14 : i64} {
  func.func @_phase_c_body(%arg0: i32, %arg1: i32, %arg2: memref<25088x128xf32, #tpu.memory_space<hbm>>, %arg3: memref<25088x128xf32, #tpu.memory_space<hbm>>, %arg4: memref<25088x128xf32, #tpu.memory_space<hbm>>, %arg5: memref<25088x128xi32, #tpu.memory_space<hbm>>, %arg6: memref<25088x128xi32, #tpu.memory_space<hbm>>, %arg7: memref<3136xf32, #tpu.memory_space<hbm>>, %arg8: memref<128xi32, #tpu.memory_space<hbm>>, %arg9: memref<401408xf32, #tpu.memory_space<hbm>>, %arg10: memref<401408xf32, #tpu.memory_space<hbm>>, %arg11: memref<401408xf32, #tpu.memory_space<vmem_shared>>, %arg12: memref<2x16x128xf32, #tpu.memory_space<vmem>>, %arg13: memref<2x16x128xf32, #tpu.memory_space<vmem>>, %arg14: memref<2x16x128xf32, #tpu.memory_space<vmem>>, %arg15: memref<2x16x128xi32, #tpu.memory_space<vmem>>, %arg16: memref<2x16x128xi32, #tpu.memory_space<vmem>>, %arg17: memref<16x128xi32, #tpu.memory_space<vmem>>, %arg18: memref<16x128xi32, #tpu.memory_space<vmem>>, %arg19: memref<16x128xi32, #tpu.memory_space<vmem>>, %arg20: memref<16x128xi32, #tpu.memory_space<vmem>>, %arg21: memref<16x128xi32, #tpu.memory_space<vmem>>, %arg22: memref<16x128xi32, #tpu.memory_space<vmem>>, %arg23: memref<16x128xf32, #tpu.memory_space<vmem>>, %arg24: memref<16x128xf32, #tpu.memory_space<vmem>>, %arg25: memref<16x128xf32, #tpu.memory_space<vmem>>, %arg26: memref<3136xf32, #tpu.memory_space<vmem>>, %arg27: memref<!tpu.dma_semaphore, #tpu.memory_space<semaphore_mem>>, %arg28: memref<!tpu.dma_semaphore, #tpu.memory_space<semaphore_mem>>) attributes {dimension_semantics = [#tpu.dimension_semantics<core_parallel>, #tpu.dimension_semantics<subcore_parallel>], iteration_bounds = array<i64: 2, 16>, scalar_prefetch = 0 : i64, scratch_operands = 18 : i64, tpu.core_type = #tpu.core_type<sc_vector_subcore>, window_params = [{transform_indices = #map}, {transform_indices = #map}, {transform_indices = #map}, {transform_indices = #map}, {transform_indices = #map}, {transform_indices = #map1}, {transform_indices = #map1}, {transform_indices = #map1}, {transform_indices = #map1}]} {
    %mul3A = arith.constant 2 : i32
    %mul3A_0 = arith.muli %arg1, %mul3A : i32
    %add3A = arith.addi %mul3A_0, %arg0 : i32
    "tpu.region"() ({
      %run_scoped3A = tpu.sem_alloc : memref<!tpu.dma_semaphore, #tpu.memory_space<semaphore_mem>>
      tpu.enqueue_dma source(%arg7 : memref<3136xf32, #tpu.memory_space<hbm>>) target(%arg26 : memref<3136xf32, #tpu.memory_space<vmem>>) target_semaphore(%run_scoped3A : memref<!tpu.dma_semaphore, #tpu.memory_space<semaphore_mem>>)
      tpu.wait_dma2 semaphore(%run_scoped3A : memref<!tpu.dma_semaphore, #tpu.memory_space<semaphore_mem>>) src(%arg7 : memref<3136xf32, #tpu.memory_space<hbm>>) dst(%arg26 : memref<3136xf32, #tpu.memory_space<vmem>>)
      tpu.yield
    }) : () -> ()
    %scan3A = arith.constant 0 : i32
    %scan3A_1 = arith.constant 0 : i32
    %scan3A_2 = arith.constant 8 : i32
    %scan3A_3 = arith.addi %scan3A_1, %scan3A_2 : i32
    %scan3A_4 = arith.constant 1 : i32
    scf.for %scan3A_88 = %scan3A_1 to %scan3A_3 step %scan3A_4  : i32 {
      %mul3A_89 = arith.constant 25088 : i32
      %mul3A_90 = arith.muli %arg1, %mul3A_89 : i32
      %mul3A_91 = arith.constant 3136 : i32
      %mul3A_92 = arith.muli %scan3A_88, %mul3A_91 : i32
      %add3A_93 = arith.addi %mul3A_90, %mul3A_92 : i32
      "tpu.region"() ({
        %run_scoped3A = tpu.sem_alloc : memref<!tpu.dma_semaphore, #tpu.memory_space<semaphore_mem>>
        %dma_start3A_94 = tpu.memref_slice %arg11[%add3A_93] : memref<401408xf32, #tpu.memory_space<vmem_shared>> -> memref<3136xf32, #tpu.memory_space<vmem_shared>>
        %dma_start3A_95 = tpu.memref_slice %arg11[%add3A_93] : memref<401408xf32, #tpu.memory_space<vmem_shared>> -> memref<3136xf32, #tpu.memory_space<vmem_shared>>
        tpu.enqueue_dma source(%arg26 : memref<3136xf32, #tpu.memory_space<vmem>>) target(%dma_start3A_95 : memref<3136xf32, #tpu.memory_space<vmem_shared>>) target_semaphore(%run_scoped3A : memref<!tpu.dma_semaphore, #tpu.memory_space<semaphore_mem>>)
        %dma_wait3A = tpu.memref_slice %arg11[%add3A_93] : memref<401408xf32, #tpu.memory_space<vmem_shared>> -> memref<3136xf32, #tpu.memory_space<vmem_shared>>
        %dma_wait3A_96 = tpu.memref_slice %arg11[%add3A_93] : memref<401408xf32, #tpu.memory_space<vmem_shared>> -> memref<3136xf32, #tpu.memory_space<vmem_shared>>
        tpu.wait_dma2 semaphore(%run_scoped3A : memref<!tpu.dma_semaphore, #tpu.memory_space<semaphore_mem>>) src(%arg26 : memref<3136xf32, #tpu.memory_space<vmem>>) dst(%dma_wait3A_96 : memref<3136xf32, #tpu.memory_space<vmem_shared>>)
        tpu.yield
      }) : () -> ()
    }
    %scan3A_5 = arith.constant 8 : i32
    %barrier3A = arith.constant 0 : index
    tpu.barrier barrier_id(%barrier3A)
    %mul3A_6 = arith.constant 784 : i32
    %mul3A_7 = arith.muli %add3A, %mul3A_6 : i32
    %add3A_8 = arith.constant 0 : i32
    %add3A_9 = arith.addi %mul3A_7, %add3A_8 : i32
    %dma_start3A = arith.constant 0 : i32
    %dma_start3A_10 = arith.constant 0 : i32
    %dma_start3A_11 = arith.constant 0 : i32
    %dma_start3A_12 = tpu.memref_slice %arg12[%dma_start3A, %dma_start3A_10, %dma_start3A_11] : memref<2x16x128xf32, #tpu.memory_space<vmem>> -> memref<1x16x128xf32, #tpu.memory_space<vmem>>
    %dma_start3A_13 = tpu.memref_squeeze %dma_start3A_12 : memref<1x16x128xf32, #tpu.memory_space<vmem>> -> memref<16x128xf32, #tpu.memory_space<vmem>>
    %dma_start3A_14 = arith.constant 0 : i32
    %dma_start3A_15 = tpu.memref_slice %arg2[%add3A_9, %dma_start3A_14] : memref<25088x128xf32, #tpu.memory_space<hbm>> -> memref<16x128xf32, #tpu.memory_space<hbm>>
    %dma_start3A_16 = arith.constant 0 : i32
    %dma_start3A_17 = arith.constant 0 : i32
    %dma_start3A_18 = tpu.memref_slice %arg12[%dma_start3A, %dma_start3A_16, %dma_start3A_17] : memref<2x16x128xf32, #tpu.memory_space<vmem>> -> memref<1x16x128xf32, #tpu.memory_space<vmem>>
    %dma_start3A_19 = tpu.memref_squeeze %dma_start3A_18 : memref<1x16x128xf32, #tpu.memory_space<vmem>> -> memref<16x128xf32, #tpu.memory_space<vmem>>
    %dma_start3A_20 = arith.constant 0 : i32
    %dma_start3A_21 = tpu.memref_slice %arg2[%add3A_9, %dma_start3A_20] : memref<25088x128xf32, #tpu.memory_space<hbm>> -> memref<16x128xf32, #tpu.memory_space<hbm>>
    tpu.enqueue_dma source(%dma_start3A_21 : memref<16x128xf32, #tpu.memory_space<hbm>>) target(%dma_start3A_19 : memref<16x128xf32, #tpu.memory_space<vmem>>) target_semaphore(%arg28 : memref<!tpu.dma_semaphore, #tpu.memory_space<semaphore_mem>>)
    %dma_start3A_22 = arith.constant 0 : i32
    %dma_start3A_23 = arith.constant 0 : i32
    %dma_start3A_24 = arith.constant 0 : i32
    %dma_start3A_25 = tpu.memref_slice %arg13[%dma_start3A_22, %dma_start3A_23, %dma_start3A_24] : memref<2x16x128xf32, #tpu.memory_space<vmem>> -> memref<1x16x128xf32, #tpu.memory_space<vmem>>
    %dma_start3A_26 = tpu.memref_squeeze %dma_start3A_25 : memref<1x16x128xf32, #tpu.memory_space<vmem>> -> memref<16x128xf32, #tpu.memory_space<vmem>>
    %dma_start3A_27 = arith.constant 0 : i32
    %dma_start3A_28 = tpu.memref_slice %arg3[%add3A_9, %dma_start3A_27] : memref<25088x128xf32, #tpu.memory_space<hbm>> -> memref<16x128xf32, #tpu.memory_space<hbm>>
    %dma_start3A_29 = arith.constant 0 : i32
    %dma_start3A_30 = arith.constant 0 : i32
    %dma_start3A_31 = tpu.memref_slice %arg13[%dma_start3A_22, %dma_start3A_29, %dma_start3A_30] : memref<2x16x128xf32, #tpu.memory_space<vmem>> -> memref<1x16x128xf32, #tpu.memory_space<vmem>>
    %dma_start3A_32 = tpu.memref_squeeze %dma_start3A_31 : memref<1x16x128xf32, #tpu.memory_space<vmem>> -> memref<16x128xf32, #tpu.memory_space<vmem>>
    %dma_start3A_33 = arith.constant 0 : i32
    %dma_start3A_34 = tpu.memref_slice %arg3[%add3A_9, %dma_start3A_33] : memref<25088x128xf32, #tpu.memory_space<hbm>> -> memref<16x128xf32, #tpu.memory_space<hbm>>
    tpu.enqueue_dma source(%dma_start3A_34 : memref<16x128xf32, #tpu.memory_space<hbm>>) target(%dma_start3A_32 : memref<16x128xf32, #tpu.memory_space<vmem>>) target_semaphore(%arg28 : memref<!tpu.dma_semaphore, #tpu.memory_space<semaphore_mem>>)
    %dma_start3A_35 = arith.constant 0 : i32
    %dma_start3A_36 = arith.constant 0 : i32
    %dma_start3A_37 = arith.constant 0 : i32
    %dma_start3A_38 = tpu.memref_slice %arg14[%dma_start3A_35, %dma_start3A_36, %dma_start3A_37] : memref<2x16x128xf32, #tpu.memory_space<vmem>> -> memref<1x16x128xf32, #tpu.memory_space<vmem>>
    %dma_start3A_39 = tpu.memref_squeeze %dma_start3A_38 : memref<1x16x128xf32, #tpu.memory_space<vmem>> -> memref<16x128xf32, #tpu.memory_space<vmem>>
    %dma_start3A_40 = arith.constant 0 : i32
    %dma_start3A_41 = tpu.memref_slice %arg4[%add3A_9, %dma_start3A_40] : memref<25088x128xf32, #tpu.memory_space<hbm>> -> memref<16x128xf32, #tpu.memory_space<hbm>>
    %dma_start3A_42 = arith.constant 0 : i32
    %dma_start3A_43 = arith.constant 0 : i32
    %dma_start3A_44 = tpu.memref_slice %arg14[%dma_start3A_35, %dma_start3A_42, %dma_start3A_43] : memref<2x16x128xf32, #tpu.memory_space<vmem>> -> memref<1x16x128xf32, #tpu.memory_space<vmem>>
    %dma_start3A_45 = tpu.memref_squeeze %dma_start3A_44 : memref<1x16x128xf32, #tpu.memory_space<vmem>> -> memref<16x128xf32, #tpu.memory_space<vmem>>
    %dma_start3A_46 = arith.constant 0 : i32
    %dma_start3A_47 = tpu.memref_slice %arg4[%add3A_9, %dma_start3A_46] : memref<25088x128xf32, #tpu.memory_space<hbm>> -> memref<16x128xf32, #tpu.memory_space<hbm>>
    tpu.enqueue_dma source(%dma_start3A_47 : memref<16x128xf32, #tpu.memory_space<hbm>>) target(%dma_start3A_45 : memref<16x128xf32, #tpu.memory_space<vmem>>) target_semaphore(%arg28 : memref<!tpu.dma_semaphore, #tpu.memory_space<semaphore_mem>>)
    %dma_start3A_48 = arith.constant 0 : i32
    %dma_start3A_49 = arith.constant 0 : i32
    %dma_start3A_50 = arith.constant 0 : i32
    %dma_start3A_51 = tpu.memref_slice %arg15[%dma_start3A_48, %dma_start3A_49, %dma_start3A_50] : memref<2x16x128xi32, #tpu.memory_space<vmem>> -> memref<1x16x128xi32, #tpu.memory_space<vmem>>
    %dma_start3A_52 = tpu.memref_squeeze %dma_start3A_51 : memref<1x16x128xi32, #tpu.memory_space<vmem>> -> memref<16x128xi32, #tpu.memory_space<vmem>>
    %dma_start3A_53 = arith.constant 0 : i32
    %dma_start3A_54 = tpu.memref_slice %arg5[%add3A_9, %dma_start3A_53] : memref<25088x128xi32, #tpu.memory_space<hbm>> -> memref<16x128xi32, #tpu.memory_space<hbm>>
    %dma_start3A_55 = arith.constant 0 : i32
    %dma_start3A_56 = arith.constant 0 : i32
    %dma_start3A_57 = tpu.memref_slice %arg15[%dma_start3A_48, %dma_start3A_55, %dma_start3A_56] : memref<2x16x128xi32, #tpu.memory_space<vmem>> -> memref<1x16x128xi32, #tpu.memory_space<vmem>>
    %dma_start3A_58 = tpu.memref_squeeze %dma_start3A_57 : memref<1x16x128xi32, #tpu.memory_space<vmem>> -> memref<16x128xi32, #tpu.memory_space<vmem>>
    %dma_start3A_59 = arith.constant 0 : i32
    %dma_start3A_60 = tpu.memref_slice %arg5[%add3A_9, %dma_start3A_59] : memref<25088x128xi32, #tpu.memory_space<hbm>> -> memref<16x128xi32, #tpu.memory_space<hbm>>
    tpu.enqueue_dma source(%dma_start3A_60 : memref<16x128xi32, #tpu.memory_space<hbm>>) target(%dma_start3A_58 : memref<16x128xi32, #tpu.memory_space<vmem>>) target_semaphore(%arg28 : memref<!tpu.dma_semaphore, #tpu.memory_space<semaphore_mem>>)
    %dma_start3A_61 = arith.constant 0 : i32
    %dma_start3A_62 = arith.constant 0 : i32
    %dma_start3A_63 = arith.constant 0 : i32
    %dma_start3A_64 = tpu.memref_slice %arg16[%dma_start3A_61, %dma_start3A_62, %dma_start3A_63] : memref<2x16x128xi32, #tpu.memory_space<vmem>> -> memref<1x16x128xi32, #tpu.memory_space<vmem>>
    %dma_start3A_65 = tpu.memref_squeeze %dma_start3A_64 : memref<1x16x128xi32, #tpu.memory_space<vmem>> -> memref<16x128xi32, #tpu.memory_space<vmem>>
    %dma_start3A_66 = arith.constant 0 : i32
    %dma_start3A_67 = tpu.memref_slice %arg6[%add3A_9, %dma_start3A_66] : memref<25088x128xi32, #tpu.memory_space<hbm>> -> memref<16x128xi32, #tpu.memory_space<hbm>>
    %dma_start3A_68 = arith.constant 0 : i32
    %dma_start3A_69 = arith.constant 0 : i32
    %dma_start3A_70 = tpu.memref_slice %arg16[%dma_start3A_61, %dma_start3A_68, %dma_start3A_69] : memref<2x16x128xi32, #tpu.memory_space<vmem>> -> memref<1x16x128xi32, #tpu.memory_space<vmem>>
    %dma_start3A_71 = tpu.memref_squeeze %dma_start3A_70 : memref<1x16x128xi32, #tpu.memory_space<vmem>> -> memref<16x128xi32, #tpu.memory_space<vmem>>
    %dma_start3A_72 = arith.constant 0 : i32
    %dma_start3A_73 = tpu.memref_slice %arg6[%add3A_9, %dma_start3A_72] : memref<25088x128xi32, #tpu.memory_space<hbm>> -> memref<16x128xi32, #tpu.memory_space<hbm>>
    tpu.enqueue_dma source(%dma_start3A_73 : memref<16x128xi32, #tpu.memory_space<hbm>>) target(%dma_start3A_71 : memref<16x128xi32, #tpu.memory_space<vmem>>) target_semaphore(%arg28 : memref<!tpu.dma_semaphore, #tpu.memory_space<semaphore_mem>>)
    %scan3A_74 = arith.constant 0 : i32
    %scan3A_75 = arith.constant 0 : i32
    %scan3A_76 = arith.constant 49 : i32
    %scan3A_77 = arith.addi %scan3A_75, %scan3A_76 : i32
    %scan3A_78 = arith.constant 1 : i32
    scf.for %scan3A_88 = %scan3A_75 to %scan3A_77 step %scan3A_78  : i32 {
      %jit3A = arith.constant 2 : i32
      %eq3A_89 = arith.constant 0 : i32
      %eq3A_90 = arith.cmpi eq, %jit3A, %eq3A_89 : i32
      %jit3A_91 = arith.constant 1 : i32
      %select_n3A = arith.select %eq3A_90, %jit3A_91, %jit3A : i32
      %rem3A = arith.remsi %scan3A_88, %select_n3A : i32
      %ne3A = arith.constant 0 : i32
      %ne3A_92 = arith.cmpi ne, %rem3A, %ne3A : i32
      %lt3A = arith.constant 0 : i32
      %lt3A_93 = arith.cmpi slt, %rem3A, %lt3A : i32
      %lt3A_94 = arith.constant 0 : i32
      %lt3A_95 = arith.cmpi slt, %select_n3A, %lt3A_94 : i32
      %ne3A_96 = arith.xori %lt3A_93, %lt3A_95 : i1
      %and3A = arith.andi %ne3A_96, %ne3A_92 : i1
      %add3A_97 = arith.addi %rem3A, %select_n3A : i32
      %select_n3A_98 = arith.select %and3A, %add3A_97, %rem3A : i32
      %dma_wait3A = arith.constant 0 : i32
      %dma_wait3A_99 = arith.constant 0 : i32
      %dma_wait3A_100 = arith.constant 0 : i32
      %dma_wait3A_101 = tpu.memref_slice %arg12[%dma_wait3A, %dma_wait3A_99, %dma_wait3A_100] : memref<2x16x128xf32, #tpu.memory_space<vmem>> -> memref<1x16x128xf32, #tpu.memory_space<vmem>>
      %dma_wait3A_102 = tpu.memref_squeeze %dma_wait3A_101 : memref<1x16x128xf32, #tpu.memory_space<vmem>> -> memref<16x128xf32, #tpu.memory_space<vmem>>
      %dma_wait3A_103 = arith.constant 0 : i32
      %dma_wait3A_104 = arith.constant 0 : i32
      %dma_wait3A_105 = tpu.memref_slice %arg2[%dma_wait3A_103, %dma_wait3A_104] : memref<25088x128xf32, #tpu.memory_space<hbm>> -> memref<16x128xf32, #tpu.memory_space<hbm>>
      %dma_wait3A_106 = arith.constant 0 : i32
      %dma_wait3A_107 = arith.constant 0 : i32
      %dma_wait3A_108 = tpu.memref_slice %arg12[%dma_wait3A, %dma_wait3A_106, %dma_wait3A_107] : memref<2x16x128xf32, #tpu.memory_space<vmem>> -> memref<1x16x128xf32, #tpu.memory_space<vmem>>
      %dma_wait3A_109 = tpu.memref_squeeze %dma_wait3A_108 : memref<1x16x128xf32, #tpu.memory_space<vmem>> -> memref<16x128xf32, #tpu.memory_space<vmem>>
      %dma_wait3A_110 = arith.constant 0 : i32
      %dma_wait3A_111 = arith.constant 0 : i32
      %dma_wait3A_112 = tpu.memref_slice %arg2[%dma_wait3A_110, %dma_wait3A_111] : memref<25088x128xf32, #tpu.memory_space<hbm>> -> memref<16x128xf32, #tpu.memory_space<hbm>>
      tpu.wait_dma2 semaphore(%arg28 : memref<!tpu.dma_semaphore, #tpu.memory_space<semaphore_mem>>) src(%dma_wait3A_112 : memref<16x128xf32, #tpu.memory_space<hbm>>) dst(%dma_wait3A_109 : memref<16x128xf32, #tpu.memory_space<vmem>>)
      %dma_wait3A_113 = arith.constant 0 : i32
      %dma_wait3A_114 = arith.constant 0 : i32
      %dma_wait3A_115 = arith.constant 0 : i32
      %dma_wait3A_116 = tpu.memref_slice %arg13[%dma_wait3A_113, %dma_wait3A_114, %dma_wait3A_115] : memref<2x16x128xf32, #tpu.memory_space<vmem>> -> memref<1x16x128xf32, #tpu.memory_space<vmem>>
      %dma_wait3A_117 = tpu.memref_squeeze %dma_wait3A_116 : memref<1x16x128xf32, #tpu.memory_space<vmem>> -> memref<16x128xf32, #tpu.memory_space<vmem>>
      %dma_wait3A_118 = arith.constant 0 : i32
      %dma_wait3A_119 = arith.constant 0 : i32
      %dma_wait3A_120 = tpu.memref_slice %arg2[%dma_wait3A_118, %dma_wait3A_119] : memref<25088x128xf32, #tpu.memory_space<hbm>> -> memref<16x128xf32, #tpu.memory_space<hbm>>
      %dma_wait3A_121 = arith.constant 0 : i32
      %dma_wait3A_122 = arith.constant 0 : i32
      %dma_wait3A_123 = tpu.memref_slice %arg13[%dma_wait3A_113, %dma_wait3A_121, %dma_wait3A_122] : memref<2x16x128xf32, #tpu.memory_space<vmem>> -> memref<1x16x128xf32, #tpu.memory_space<vmem>>
      %dma_wait3A_124 = tpu.memref_squeeze %dma_wait3A_123 : memref<1x16x128xf32, #tpu.memory_space<vmem>> -> memref<16x128xf32, #tpu.memory_space<vmem>>
      %dma_wait3A_125 = arith.constant 0 : i32
      %dma_wait3A_126 = arith.constant 0 : i32
      %dma_wait3A_127 = tpu.memref_slice %arg2[%dma_wait3A_125, %dma_wait3A_126] : memref<25088x128xf32, #tpu.memory_space<hbm>> -> memref<16x128xf32, #tpu.memory_space<hbm>>
      tpu.wait_dma2 semaphore(%arg28 : memref<!tpu.dma_semaphore, #tpu.memory_space<semaphore_mem>>) src(%dma_wait3A_127 : memref<16x128xf32, #tpu.memory_space<hbm>>) dst(%dma_wait3A_124 : memref<16x128xf32, #tpu.memory_space<vmem>>)
      %dma_wait3A_128 = arith.constant 0 : i32
      %dma_wait3A_129 = arith.constant 0 : i32
      %dma_wait3A_130 = arith.constant 0 : i32
      %dma_wait3A_131 = tpu.memref_slice %arg14[%dma_wait3A_128, %dma_wait3A_129, %dma_wait3A_130] : memref<2x16x128xf32, #tpu.memory_space<vmem>> -> memref<1x16x128xf32, #tpu.memory_space<vmem>>
      %dma_wait3A_132 = tpu.memref_squeeze %dma_wait3A_131 : memref<1x16x128xf32, #tpu.memory_space<vmem>> -> memref<16x128xf32, #tpu.memory_space<vmem>>
      %dma_wait3A_133 = arith.constant 0 : i32
      %dma_wait3A_134 = arith.constant 0 : i32
      %dma_wait3A_135 = tpu.memref_slice %arg2[%dma_wait3A_133, %dma_wait3A_134] : memref<25088x128xf32, #tpu.memory_space<hbm>> -> memref<16x128xf32, #tpu.memory_space<hbm>>
      %dma_wait3A_136 = arith.constant 0 : i32
      %dma_wait3A_137 = arith.constant 0 : i32
      %dma_wait3A_138 = tpu.memref_slice %arg14[%dma_wait3A_128, %dma_wait3A_136, %dma_wait3A_137] : memref<2x16x128xf32, #tpu.memory_space<vmem>> -> memref<1x16x128xf32, #tpu.memory_space<vmem>>
      %dma_wait3A_139 = tpu.memref_squeeze %dma_wait3A_138 : memref<1x16x128xf32, #tpu.memory_space<vmem>> -> memref<16x128xf32, #tpu.memory_space<vmem>>
      %dma_wait3A_140 = arith.constant 0 : i32
      %dma_wait3A_141 = arith.constant 0 : i32
      %dma_wait3A_142 = tpu.memref_slice %arg2[%dma_wait3A_140, %dma_wait3A_141] : memref<25088x128xf32, #tpu.memory_space<hbm>> -> memref<16x128xf32, #tpu.memory_space<hbm>>
      tpu.wait_dma2 semaphore(%arg28 : memref<!tpu.dma_semaphore, #tpu.memory_space<semaphore_mem>>) src(%dma_wait3A_142 : memref<16x128xf32, #tpu.memory_space<hbm>>) dst(%dma_wait3A_139 : memref<16x128xf32, #tpu.memory_space<vmem>>)
      %dma_wait3A_143 = arith.constant 0 : i32
      %dma_wait3A_144 = arith.constant 0 : i32
      %dma_wait3A_145 = arith.constant 0 : i32
      %dma_wait3A_146 = tpu.memref_slice %arg15[%dma_wait3A_143, %dma_wait3A_144, %dma_wait3A_145] : memref<2x16x128xi32, #tpu.memory_space<vmem>> -> memref<1x16x128xi32, #tpu.memory_space<vmem>>
      %dma_wait3A_147 = tpu.memref_squeeze %dma_wait3A_146 : memref<1x16x128xi32, #tpu.memory_space<vmem>> -> memref<16x128xi32, #tpu.memory_space<vmem>>
      %dma_wait3A_148 = arith.constant 0 : i32
      %dma_wait3A_149 = arith.constant 0 : i32
      %dma_wait3A_150 = tpu.memref_slice %arg5[%dma_wait3A_148, %dma_wait3A_149] : memref<25088x128xi32, #tpu.memory_space<hbm>> -> memref<16x128xi32, #tpu.memory_space<hbm>>
      %dma_wait3A_151 = arith.constant 0 : i32
      %dma_wait3A_152 = arith.constant 0 : i32
      %dma_wait3A_153 = tpu.memref_slice %arg15[%dma_wait3A_143, %dma_wait3A_151, %dma_wait3A_152] : memref<2x16x128xi32, #tpu.memory_space<vmem>> -> memref<1x16x128xi32, #tpu.memory_space<vmem>>
      %dma_wait3A_154 = tpu.memref_squeeze %dma_wait3A_153 : memref<1x16x128xi32, #tpu.memory_space<vmem>> -> memref<16x128xi32, #tpu.memory_space<vmem>>
      %dma_wait3A_155 = arith.constant 0 : i32
      %dma_wait3A_156 = arith.constant 0 : i32
      %dma_wait3A_157 = tpu.memref_slice %arg5[%dma_wait3A_155, %dma_wait3A_156] : memref<25088x128xi32, #tpu.memory_space<hbm>> -> memref<16x128xi32, #tpu.memory_space<hbm>>
      tpu.wait_dma2 semaphore(%arg28 : memref<!tpu.dma_semaphore, #tpu.memory_space<semaphore_mem>>) src(%dma_wait3A_157 : memref<16x128xi32, #tpu.memory_space<hbm>>) dst(%dma_wait3A_154 : memref<16x128xi32, #tpu.memory_space<vmem>>)
      %dma_wait3A_158 = arith.constant 0 : i32
      %dma_wait3A_159 = arith.constant 0 : i32
      %dma_wait3A_160 = arith.constant 0 : i32
      %dma_wait3A_161 = tpu.memref_slice %arg16[%dma_wait3A_158, %dma_wait3A_159, %dma_wait3A_160] : memref<2x16x128xi32, #tpu.memory_space<vmem>> -> memref<1x16x128xi32, #tpu.memory_space<vmem>>
      %dma_wait3A_162 = tpu.memref_squeeze %dma_wait3A_161 : memref<1x16x128xi32, #tpu.memory_space<vmem>> -> memref<16x128xi32, #tpu.memory_space<vmem>>
      %dma_wait3A_163 = arith.constant 0 : i32
      %dma_wait3A_164 = arith.constant 0 : i32
      %dma_wait3A_165 = tpu.memref_slice %arg5[%dma_wait3A_163, %dma_wait3A_164] : memref<25088x128xi32, #tpu.memory_space<hbm>> -> memref<16x128xi32, #tpu.memory_space<hbm>>
      %dma_wait3A_166 = arith.constant 0 : i32
      %dma_wait3A_167 = arith.constant 0 : i32
      %dma_wait3A_168 = tpu.memref_slice %arg16[%dma_wait3A_158, %dma_wait3A_166, %dma_wait3A_167] : memref<2x16x128xi32, #tpu.memory_space<vmem>> -> memref<1x16x128xi32, #tpu.memory_space<vmem>>
      %dma_wait3A_169 = tpu.memref_squeeze %dma_wait3A_168 : memref<1x16x128xi32, #tpu.memory_space<vmem>> -> memref<16x128xi32, #tpu.memory_space<vmem>>
      %dma_wait3A_170 = arith.constant 0 : i32
      %dma_wait3A_171 = arith.constant 0 : i32
      %dma_wait3A_172 = tpu.memref_slice %arg5[%dma_wait3A_170, %dma_wait3A_171] : memref<25088x128xi32, #tpu.memory_space<hbm>> -> memref<16x128xi32, #tpu.memory_space<hbm>>
      tpu.wait_dma2 semaphore(%arg28 : memref<!tpu.dma_semaphore, #tpu.memory_space<semaphore_mem>>) src(%dma_wait3A_172 : memref<16x128xi32, #tpu.memory_space<hbm>>) dst(%dma_wait3A_169 : memref<16x128xi32, #tpu.memory_space<vmem>>)
      %add3A_173 = arith.constant 1 : i32
      %add3A_174 = arith.addi %scan3A_88, %add3A_173 : i32
      %lt3A_175 = arith.constant 49 : i32
      %lt3A_176 = arith.cmpi slt, %add3A_174, %lt3A_175 : i32
      %convert_element_type3A_177 = arith.extui %lt3A_176 : i1 to i32
      %cond3A_178 = arith.constant 0 : i32
      %cond3A_179 = arith.cmpi ne, %convert_element_type3A_177, %cond3A_178 : i32
      scf.if %cond3A_179 {
        %add3A_192 = arith.constant 1 : i32
        %add3A_193 = arith.addi %scan3A_88, %add3A_192 : i32
        %sub3A = arith.constant 1 : i32
        %sub3A_194 = arith.subi %sub3A, %select_n3A_98 : i32
        %mul3A_195 = arith.constant 784 : i32
        %mul3A_196 = arith.muli %add3A, %mul3A_195 : i32
        %mul3A_197 = arith.constant 16 : i32
        %mul3A_198 = arith.muli %add3A_193, %mul3A_197 : i32
        %add3A_199 = arith.addi %mul3A_196, %mul3A_198 : i32
        %dma_start3A_200 = arith.constant 0 : i32
        %dma_start3A_201 = arith.constant 0 : i32
        %dma_start3A_202 = tpu.memref_slice %arg12[%sub3A_194, %dma_start3A_200, %dma_start3A_201] : memref<2x16x128xf32, #tpu.memory_space<vmem>> -> memref<1x16x128xf32, #tpu.memory_space<vmem>>
        %dma_start3A_203 = tpu.memref_squeeze %dma_start3A_202 : memref<1x16x128xf32, #tpu.memory_space<vmem>> -> memref<16x128xf32, #tpu.memory_space<vmem>>
        %dma_start3A_204 = arith.constant 0 : i32
        %dma_start3A_205 = tpu.memref_slice %arg2[%add3A_199, %dma_start3A_204] : memref<25088x128xf32, #tpu.memory_space<hbm>> -> memref<16x128xf32, #tpu.memory_space<hbm>>
        %dma_start3A_206 = arith.constant 0 : i32
        %dma_start3A_207 = arith.constant 0 : i32
        %dma_start3A_208 = tpu.memref_slice %arg12[%sub3A_194, %dma_start3A_206, %dma_start3A_207] : memref<2x16x128xf32, #tpu.memory_space<vmem>> -> memref<1x16x128xf32, #tpu.memory_space<vmem>>
        %dma_start3A_209 = tpu.memref_squeeze %dma_start3A_208 : memref<1x16x128xf32, #tpu.memory_space<vmem>> -> memref<16x128xf32, #tpu.memory_space<vmem>>
        %dma_start3A_210 = arith.constant 0 : i32
        %dma_start3A_211 = tpu.memref_slice %arg2[%add3A_199, %dma_start3A_210] : memref<25088x128xf32, #tpu.memory_space<hbm>> -> memref<16x128xf32, #tpu.memory_space<hbm>>
        tpu.enqueue_dma source(%dma_start3A_211 : memref<16x128xf32, #tpu.memory_space<hbm>>) target(%dma_start3A_209 : memref<16x128xf32, #tpu.memory_space<vmem>>) target_semaphore(%arg28 : memref<!tpu.dma_semaphore, #tpu.memory_space<semaphore_mem>>)
        %dma_start3A_212 = arith.constant 0 : i32
        %dma_start3A_213 = arith.constant 0 : i32
        %dma_start3A_214 = tpu.memref_slice %arg13[%sub3A_194, %dma_start3A_212, %dma_start3A_213] : memref<2x16x128xf32, #tpu.memory_space<vmem>> -> memref<1x16x128xf32, #tpu.memory_space<vmem>>
        %dma_start3A_215 = tpu.memref_squeeze %dma_start3A_214 : memref<1x16x128xf32, #tpu.memory_space<vmem>> -> memref<16x128xf32, #tpu.memory_space<vmem>>
        %dma_start3A_216 = arith.constant 0 : i32
        %dma_start3A_217 = tpu.memref_slice %arg3[%add3A_199, %dma_start3A_216] : memref<25088x128xf32, #tpu.memory_space<hbm>> -> memref<16x128xf32, #tpu.memory_space<hbm>>
        %dma_start3A_218 = arith.constant 0 : i32
        %dma_start3A_219 = arith.constant 0 : i32
        %dma_start3A_220 = tpu.memref_slice %arg13[%sub3A_194, %dma_start3A_218, %dma_start3A_219] : memref<2x16x128xf32, #tpu.memory_space<vmem>> -> memref<1x16x128xf32, #tpu.memory_space<vmem>>
        %dma_start3A_221 = tpu.memref_squeeze %dma_start3A_220 : memref<1x16x128xf32, #tpu.memory_space<vmem>> -> memref<16x128xf32, #tpu.memory_space<vmem>>
        %dma_start3A_222 = arith.constant 0 : i32
        %dma_start3A_223 = tpu.memref_slice %arg3[%add3A_199, %dma_start3A_222] : memref<25088x128xf32, #tpu.memory_space<hbm>> -> memref<16x128xf32, #tpu.memory_space<hbm>>
        tpu.enqueue_dma source(%dma_start3A_223 : memref<16x128xf32, #tpu.memory_space<hbm>>) target(%dma_start3A_221 : memref<16x128xf32, #tpu.memory_space<vmem>>) target_semaphore(%arg28 : memref<!tpu.dma_semaphore, #tpu.memory_space<semaphore_mem>>)
        %dma_start3A_224 = arith.constant 0 : i32
        %dma_start3A_225 = arith.constant 0 : i32
        %dma_start3A_226 = tpu.memref_slice %arg14[%sub3A_194, %dma_start3A_224, %dma_start3A_225] : memref<2x16x128xf32, #tpu.memory_space<vmem>> -> memref<1x16x128xf32, #tpu.memory_space<vmem>>
        %dma_start3A_227 = tpu.memref_squeeze %dma_start3A_226 : memref<1x16x128xf32, #tpu.memory_space<vmem>> -> memref<16x128xf32, #tpu.memory_space<vmem>>
        %dma_start3A_228 = arith.constant 0 : i32
        %dma_start3A_229 = tpu.memref_slice %arg4[%add3A_199, %dma_start3A_228] : memref<25088x128xf32, #tpu.memory_space<hbm>> -> memref<16x128xf32, #tpu.memory_space<hbm>>
        %dma_start3A_230 = arith.constant 0 : i32
        %dma_start3A_231 = arith.constant 0 : i32
        %dma_start3A_232 = tpu.memref_slice %arg14[%sub3A_194, %dma_start3A_230, %dma_start3A_231] : memref<2x16x128xf32, #tpu.memory_space<vmem>> -> memref<1x16x128xf32, #tpu.memory_space<vmem>>
        %dma_start3A_233 = tpu.memref_squeeze %dma_start3A_232 : memref<1x16x128xf32, #tpu.memory_space<vmem>> -> memref<16x128xf32, #tpu.memory_space<vmem>>
        %dma_start3A_234 = arith.constant 0 : i32
        %dma_start3A_235 = tpu.memref_slice %arg4[%add3A_199, %dma_start3A_234] : memref<25088x128xf32, #tpu.memory_space<hbm>> -> memref<16x128xf32, #tpu.memory_space<hbm>>
        tpu.enqueue_dma source(%dma_start3A_235 : memref<16x128xf32, #tpu.memory_space<hbm>>) target(%dma_start3A_233 : memref<16x128xf32, #tpu.memory_space<vmem>>) target_semaphore(%arg28 : memref<!tpu.dma_semaphore, #tpu.memory_space<semaphore_mem>>)
        %dma_start3A_236 = arith.constant 0 : i32
        %dma_start3A_237 = arith.constant 0 : i32
        %dma_start3A_238 = tpu.memref_slice %arg15[%sub3A_194, %dma_start3A_236, %dma_start3A_237] : memref<2x16x128xi32, #tpu.memory_space<vmem>> -> memref<1x16x128xi32, #tpu.memory_space<vmem>>
        %dma_start3A_239 = tpu.memref_squeeze %dma_start3A_238 : memref<1x16x128xi32, #tpu.memory_space<vmem>> -> memref<16x128xi32, #tpu.memory_space<vmem>>
        %dma_start3A_240 = arith.constant 0 : i32
        %dma_start3A_241 = tpu.memref_slice %arg5[%add3A_199, %dma_start3A_240] : memref<25088x128xi32, #tpu.memory_space<hbm>> -> memref<16x128xi32, #tpu.memory_space<hbm>>
        %dma_start3A_242 = arith.constant 0 : i32
        %dma_start3A_243 = arith.constant 0 : i32
        %dma_start3A_244 = tpu.memref_slice %arg15[%sub3A_194, %dma_start3A_242, %dma_start3A_243] : memref<2x16x128xi32, #tpu.memory_space<vmem>> -> memref<1x16x128xi32, #tpu.memory_space<vmem>>
        %dma_start3A_245 = tpu.memref_squeeze %dma_start3A_244 : memref<1x16x128xi32, #tpu.memory_space<vmem>> -> memref<16x128xi32, #tpu.memory_space<vmem>>
        %dma_start3A_246 = arith.constant 0 : i32
        %dma_start3A_247 = tpu.memref_slice %arg5[%add3A_199, %dma_start3A_246] : memref<25088x128xi32, #tpu.memory_space<hbm>> -> memref<16x128xi32, #tpu.memory_space<hbm>>
        tpu.enqueue_dma source(%dma_start3A_247 : memref<16x128xi32, #tpu.memory_space<hbm>>) target(%dma_start3A_245 : memref<16x128xi32, #tpu.memory_space<vmem>>) target_semaphore(%arg28 : memref<!tpu.dma_semaphore, #tpu.memory_space<semaphore_mem>>)
        %dma_start3A_248 = arith.constant 0 : i32
        %dma_start3A_249 = arith.constant 0 : i32
        %dma_start3A_250 = tpu.memref_slice %arg16[%sub3A_194, %dma_start3A_248, %dma_start3A_249] : memref<2x16x128xi32, #tpu.memory_space<vmem>> -> memref<1x16x128xi32, #tpu.memory_space<vmem>>
        %dma_start3A_251 = tpu.memref_squeeze %dma_start3A_250 : memref<1x16x128xi32, #tpu.memory_space<vmem>> -> memref<16x128xi32, #tpu.memory_space<vmem>>
        %dma_start3A_252 = arith.constant 0 : i32
        %dma_start3A_253 = tpu.memref_slice %arg6[%add3A_199, %dma_start3A_252] : memref<25088x128xi32, #tpu.memory_space<hbm>> -> memref<16x128xi32, #tpu.memory_space<hbm>>
        %dma_start3A_254 = arith.constant 0 : i32
        %dma_start3A_255 = arith.constant 0 : i32
        %dma_start3A_256 = tpu.memref_slice %arg16[%sub3A_194, %dma_start3A_254, %dma_start3A_255] : memref<2x16x128xi32, #tpu.memory_space<vmem>> -> memref<1x16x128xi32, #tpu.memory_space<vmem>>
        %dma_start3A_257 = tpu.memref_squeeze %dma_start3A_256 : memref<1x16x128xi32, #tpu.memory_space<vmem>> -> memref<16x128xi32, #tpu.memory_space<vmem>>
        %dma_start3A_258 = arith.constant 0 : i32
        %dma_start3A_259 = tpu.memref_slice %arg6[%add3A_199, %dma_start3A_258] : memref<25088x128xi32, #tpu.memory_space<hbm>> -> memref<16x128xi32, #tpu.memory_space<hbm>>
        tpu.enqueue_dma source(%dma_start3A_259 : memref<16x128xi32, #tpu.memory_space<hbm>>) target(%dma_start3A_257 : memref<16x128xi32, #tpu.memory_space<vmem>>) target_semaphore(%arg28 : memref<!tpu.dma_semaphore, #tpu.memory_space<semaphore_mem>>)
      } else {
      }
      %scan3A_180 = arith.constant 0 : i32
      %scan3A_181 = arith.constant 0 : i32
      %scan3A_182 = arith.constant 16 : i32
      %scan3A_183 = arith.addi %scan3A_181, %scan3A_182 : i32
      %scan3A_184 = arith.constant 1 : i32
      scf.for %scan3A_192 = %scan3A_181 to %scan3A_183 step %scan3A_184  : i32 {
        %scan3A_193 = arith.constant 0 : i32
        %scan3A_194 = arith.constant 0 : i32
        %scan3A_195 = arith.constant 8 : i32
        %scan3A_196 = arith.addi %scan3A_194, %scan3A_195 : i32
        %scan3A_197 = arith.constant 1 : i32
        scf.for %scan3A_199 = %scan3A_194 to %scan3A_196 step %scan3A_197  : i32 {
          %mul3A_200 = arith.constant 16 : i32
          %mul3A_201 = arith.muli %scan3A_199, %mul3A_200 : i32
          %get3A = arith.index_cast %select_n3A_98 : i32 to index
          %get3A_202 = arith.index_cast %scan3A_192 : i32 to index
          %get3A_203 = arith.index_cast %mul3A_201 : i32 to index
          %get3A_204 = tpu.vector_load %arg15[%get3A, %get3A_202, %get3A_203] {strides = array<i32>} : memref<2x16x128xi32, #tpu.memory_space<vmem>>, vector<1x1x16xi32>,
          %get3A_205 = vector.shape_cast %get3A_204 : vector<1x1x16xi32> to vector<16xi32>
          %mul3A_206 = arith.constant 4 : i32
          %mul3A_207 = vector.broadcast %mul3A_206 : i32 to vector<16xi32>
          %mul3A_208 = arith.muli %get3A_205, %mul3A_207 : vector<16xi32>
          %get3A_209 = arith.index_cast %select_n3A_98 : i32 to index
          %get3A_210 = arith.index_cast %scan3A_192 : i32 to index
          %get3A_211 = arith.index_cast %mul3A_201 : i32 to index
          %get3A_212 = tpu.vector_load %arg16[%get3A_209, %get3A_210, %get3A_211] {strides = array<i32>} : memref<2x16x128xi32, #tpu.memory_space<vmem>>, vector<1x1x16xi32>,
          %get3A_213 = vector.shape_cast %get3A_212 : vector<1x1x16xi32> to vector<16xi32>
          %mul3A_214 = arith.constant 4 : i32
          %mul3A_215 = vector.broadcast %mul3A_214 : i32 to vector<16xi32>
          %mul3A_216 = arith.muli %get3A_213, %mul3A_215 : vector<16xi32>
          %swap3A = arith.index_cast %scan3A_192 : i32 to index
          %swap3A_217 = arith.index_cast %mul3A_201 : i32 to index
          %swap3A_218 = tpu.vector_load %arg17[%swap3A, %swap3A_217] {strides = array<i32>} : memref<16x128xi32, #tpu.memory_space<vmem>>, vector<1x16xi32>,
          %swap3A_219 = vector.shape_cast %swap3A_218 : vector<1x16xi32> to vector<16xi32>
          %swap3A_220 = vector.shape_cast %mul3A_208 : vector<16xi32> to vector<1x16xi32>
          tpu.vector_store %arg17[%swap3A, %swap3A_217], %swap3A_220 {strides = array<i32>} : memref<16x128xi32, #tpu.memory_space<vmem>>, vector<1x16xi32>,
          %add3A_221 = arith.constant 1 : i32
          %add3A_222 = vector.broadcast %add3A_221 : i32 to vector<16xi32>
          %add3A_223 = arith.addi %mul3A_208, %add3A_222 : vector<16xi32>
          %swap3A_224 = arith.index_cast %scan3A_192 : i32 to index
          %swap3A_225 = arith.index_cast %mul3A_201 : i32 to index
          %swap3A_226 = tpu.vector_load %arg18[%swap3A_224, %swap3A_225] {strides = array<i32>} : memref<16x128xi32, #tpu.memory_space<vmem>>, vector<1x16xi32>,
          %swap3A_227 = vector.shape_cast %swap3A_226 : vector<1x16xi32> to vector<16xi32>
          %swap3A_228 = vector.shape_cast %add3A_223 : vector<16xi32> to vector<1x16xi32>
          tpu.vector_store %arg18[%swap3A_224, %swap3A_225], %swap3A_228 {strides = array<i32>} : memref<16x128xi32, #tpu.memory_space<vmem>>, vector<1x16xi32>,
          %add3A_229 = arith.constant 2 : i32
          %add3A_230 = vector.broadcast %add3A_229 : i32 to vector<16xi32>
          %add3A_231 = arith.addi %mul3A_208, %add3A_230 : vector<16xi32>
          %swap3A_232 = arith.index_cast %scan3A_192 : i32 to index
          %swap3A_233 = arith.index_cast %mul3A_201 : i32 to index
          %swap3A_234 = tpu.vector_load %arg19[%swap3A_232, %swap3A_233] {strides = array<i32>} : memref<16x128xi32, #tpu.memory_space<vmem>>, vector<1x16xi32>,
          %swap3A_235 = vector.shape_cast %swap3A_234 : vector<1x16xi32> to vector<16xi32>
          %swap3A_236 = vector.shape_cast %add3A_231 : vector<16xi32> to vector<1x16xi32>
          tpu.vector_store %arg19[%swap3A_232, %swap3A_233], %swap3A_236 {strides = array<i32>} : memref<16x128xi32, #tpu.memory_space<vmem>>, vector<1x16xi32>,
          %swap3A_237 = arith.index_cast %scan3A_192 : i32 to index
          %swap3A_238 = arith.index_cast %mul3A_201 : i32 to index
          %swap3A_239 = tpu.vector_load %arg20[%swap3A_237, %swap3A_238] {strides = array<i32>} : memref<16x128xi32, #tpu.memory_space<vmem>>, vector<1x16xi32>,
          %swap3A_240 = vector.shape_cast %swap3A_239 : vector<1x16xi32> to vector<16xi32>
          %swap3A_241 = vector.shape_cast %mul3A_216 : vector<16xi32> to vector<1x16xi32>
          tpu.vector_store %arg20[%swap3A_237, %swap3A_238], %swap3A_241 {strides = array<i32>} : memref<16x128xi32, #tpu.memory_space<vmem>>, vector<1x16xi32>,
          %add3A_242 = arith.constant 1 : i32
          %add3A_243 = vector.broadcast %add3A_242 : i32 to vector<16xi32>
          %add3A_244 = arith.addi %mul3A_216, %add3A_243 : vector<16xi32>
          %swap3A_245 = arith.index_cast %scan3A_192 : i32 to index
          %swap3A_246 = arith.index_cast %mul3A_201 : i32 to index
          %swap3A_247 = tpu.vector_load %arg21[%swap3A_245, %swap3A_246] {strides = array<i32>} : memref<16x128xi32, #tpu.memory_space<vmem>>, vector<1x16xi32>,
          %swap3A_248 = vector.shape_cast %swap3A_247 : vector<1x16xi32> to vector<16xi32>
          %swap3A_249 = vector.shape_cast %add3A_244 : vector<16xi32> to vector<1x16xi32>
          tpu.vector_store %arg21[%swap3A_245, %swap3A_246], %swap3A_249 {strides = array<i32>} : memref<16x128xi32, #tpu.memory_space<vmem>>, vector<1x16xi32>,
          %add3A_250 = arith.constant 2 : i32
          %add3A_251 = vector.broadcast %add3A_250 : i32 to vector<16xi32>
          %add3A_252 = arith.addi %mul3A_216, %add3A_251 : vector<16xi32>
          %swap3A_253 = arith.index_cast %scan3A_192 : i32 to index
          %swap3A_254 = arith.index_cast %mul3A_201 : i32 to index
          %swap3A_255 = tpu.vector_load %arg22[%swap3A_253, %swap3A_254] {strides = array<i32>} : memref<16x128xi32, #tpu.memory_space<vmem>>, vector<1x16xi32>,
          %swap3A_256 = vector.shape_cast %swap3A_255 : vector<1x16xi32> to vector<16xi32>
          %swap3A_257 = vector.shape_cast %add3A_252 : vector<16xi32> to vector<1x16xi32>
          tpu.vector_store %arg22[%swap3A_253, %swap3A_254], %swap3A_257 {strides = array<i32>} : memref<16x128xi32, #tpu.memory_space<vmem>>, vector<1x16xi32>,
          %get3A_258 = arith.index_cast %select_n3A_98 : i32 to index
          %get3A_259 = arith.index_cast %scan3A_192 : i32 to index
          %get3A_260 = arith.index_cast %mul3A_201 : i32 to index
          %get3A_261 = tpu.vector_load %arg12[%get3A_258, %get3A_259, %get3A_260] {strides = array<i32>} : memref<2x16x128xf32, #tpu.memory_space<vmem>>, vector<1x1x16xf32>,
          %get3A_262 = vector.shape_cast %get3A_261 : vector<1x1x16xf32> to vector<16xf32>
          %neg3A = arith.constant 0.000000e+00 : f32
          %neg3A_263 = vector.broadcast %neg3A : f32 to vector<16xf32>
          %neg3A_264 = arith.subf %neg3A_263, %get3A_262 : vector<16xf32>
          %swap3A_265 = arith.index_cast %scan3A_192 : i32 to index
          %swap3A_266 = arith.index_cast %mul3A_201 : i32 to index
          %swap3A_267 = tpu.vector_load %arg23[%swap3A_265, %swap3A_266] {strides = array<i32>} : memref<16x128xf32, #tpu.memory_space<vmem>>, vector<1x16xf32>,
          %swap3A_268 = vector.shape_cast %swap3A_267 : vector<1x16xf32> to vector<16xf32>
          %swap3A_269 = vector.shape_cast %neg3A_264 : vector<16xf32> to vector<1x16xf32>
          tpu.vector_store %arg23[%swap3A_265, %swap3A_266], %swap3A_269 {strides = array<i32>} : memref<16x128xf32, #tpu.memory_space<vmem>>, vector<1x16xf32>,
          %get3A_270 = arith.index_cast %select_n3A_98 : i32 to index
          %get3A_271 = arith.index_cast %scan3A_192 : i32 to index
          %get3A_272 = arith.index_cast %mul3A_201 : i32 to index
          %get3A_273 = tpu.vector_load %arg13[%get3A_270, %get3A_271, %get3A_272] {strides = array<i32>} : memref<2x16x128xf32, #tpu.memory_space<vmem>>, vector<1x1x16xf32>,
          %get3A_274 = vector.shape_cast %get3A_273 : vector<1x1x16xf32> to vector<16xf32>
          %neg3A_275 = arith.constant 0.000000e+00 : f32
          %neg3A_276 = vector.broadcast %neg3A_275 : f32 to vector<16xf32>
          %neg3A_277 = arith.subf %neg3A_276, %get3A_274 : vector<16xf32>
          %swap3A_278 = arith.index_cast %scan3A_192 : i32 to index
          %swap3A_279 = arith.index_cast %mul3A_201 : i32 to index
          %swap3A_280 = tpu.vector_load %arg24[%swap3A_278, %swap3A_279] {strides = array<i32>} : memref<16x128xf32, #tpu.memory_space<vmem>>, vector<1x16xf32>,
          %swap3A_281 = vector.shape_cast %swap3A_280 : vector<1x16xf32> to vector<16xf32>
          %swap3A_282 = vector.shape_cast %neg3A_277 : vector<16xf32> to vector<1x16xf32>
          tpu.vector_store %arg24[%swap3A_278, %swap3A_279], %swap3A_282 {strides = array<i32>} : memref<16x128xf32, #tpu.memory_space<vmem>>, vector<1x16xf32>,
          %get3A_283 = arith.index_cast %select_n3A_98 : i32 to index
          %get3A_284 = arith.index_cast %scan3A_192 : i32 to index
          %get3A_285 = arith.index_cast %mul3A_201 : i32 to index
          %get3A_286 = tpu.vector_load %arg14[%get3A_283, %get3A_284, %get3A_285] {strides = array<i32>} : memref<2x16x128xf32, #tpu.memory_space<vmem>>, vector<1x1x16xf32>,
          %get3A_287 = vector.shape_cast %get3A_286 : vector<1x1x16xf32> to vector<16xf32>
          %neg3A_288 = arith.constant 0.000000e+00 : f32
          %neg3A_289 = vector.broadcast %neg3A_288 : f32 to vector<16xf32>
          %neg3A_290 = arith.subf %neg3A_289, %get3A_287 : vector<16xf32>
          %swap3A_291 = arith.index_cast %scan3A_192 : i32 to index
          %swap3A_292 = arith.index_cast %mul3A_201 : i32 to index
          %swap3A_293 = tpu.vector_load %arg25[%swap3A_291, %swap3A_292] {strides = array<i32>} : memref<16x128xf32, #tpu.memory_space<vmem>>, vector<1x16xf32>,
          %swap3A_294 = vector.shape_cast %swap3A_293 : vector<1x16xf32> to vector<16xf32>
          %swap3A_295 = vector.shape_cast %neg3A_290 : vector<16xf32> to vector<1x16xf32>
          tpu.vector_store %arg25[%swap3A_291, %swap3A_292], %swap3A_295 {strides = array<i32>} : memref<16x128xf32, #tpu.memory_space<vmem>>, vector<1x16xf32>,
        }
        %scan3A_198 = arith.constant 8 : i32
      }
      %scan3A_185 = arith.constant 16 : i32
      %scan3A_186 = arith.constant 0 : i32
      %scan3A_187 = arith.constant 0 : i32
      %scan3A_188 = arith.constant 16 : i32
      %scan3A_189 = arith.addi %scan3A_187, %scan3A_188 : i32
      %scan3A_190 = arith.constant 1 : i32
      scf.for %scan3A_192 = %scan3A_187 to %scan3A_189 step %scan3A_190  : i32 {
        %dma_start3A_193 = arith.constant 0 : i32
        %dma_start3A_194 = tpu.memref_slice %arg12[%select_n3A_98, %scan3A_192, %dma_start3A_193] : memref<2x16x128xf32, #tpu.memory_space<vmem>> -> memref<1x1x128xf32, #tpu.memory_space<vmem>>
        %dma_start3A_195 = tpu.memref_squeeze %dma_start3A_194 : memref<1x1x128xf32, #tpu.memory_space<vmem>> -> memref<128xf32, #tpu.memory_space<vmem>>
        %dma_start3A_196 = arith.constant 0 : i32
        %dma_start3A_197 = tpu.memref_slice %arg17[%scan3A_192, %dma_start3A_196] : memref<16x128xi32, #tpu.memory_space<vmem>> -> memref<1x128xi32, #tpu.memory_space<vmem>>
        %dma_start3A_198 = tpu.memref_squeeze %dma_start3A_197 : memref<1x128xi32, #tpu.memory_space<vmem>> -> memref<128xi32, #tpu.memory_space<vmem>>
        %dma_start3A_199 = arith.constant 0 : i32
        %dma_start3A_200 = tpu.memref_slice %arg11[%dma_start3A_199] : memref<401408xf32, #tpu.memory_space<vmem_shared>> -> memref<401408xf32, #tpu.memory_space<vmem_shared>>
        tpu.enqueue_indirect_dma source(%dma_start3A_195 : memref<128xf32, #tpu.memory_space<vmem>>) target(%dma_start3A_200 : memref<401408xf32, #tpu.memory_space<vmem_shared>>) offsets(%dma_start3A_198 : memref<128xi32, #tpu.memory_space<vmem>>) semaphore(%arg27 : memref<!tpu.dma_semaphore, #tpu.memory_space<semaphore_mem>>) {add = true}
        %dma_start3A_201 = arith.constant 0 : i32
        %dma_start3A_202 = tpu.memref_slice %arg13[%select_n3A_98, %scan3A_192, %dma_start3A_201] : memref<2x16x128xf32, #tpu.memory_space<vmem>> -> memref<1x1x128xf32, #tpu.memory_space<vmem>>
        %dma_start3A_203 = tpu.memref_squeeze %dma_start3A_202 : memref<1x1x128xf32, #tpu.memory_space<vmem>> -> memref<128xf32, #tpu.memory_space<vmem>>
        %dma_start3A_204 = arith.constant 0 : i32
        %dma_start3A_205 = tpu.memref_slice %arg18[%scan3A_192, %dma_start3A_204] : memref<16x128xi32, #tpu.memory_space<vmem>> -> memref<1x128xi32, #tpu.memory_space<vmem>>
        %dma_start3A_206 = tpu.memref_squeeze %dma_start3A_205 : memref<1x128xi32, #tpu.memory_space<vmem>> -> memref<128xi32, #tpu.memory_space<vmem>>
        %dma_start3A_207 = arith.constant 0 : i32
        %dma_start3A_208 = tpu.memref_slice %arg11[%dma_start3A_207] : memref<401408xf32, #tpu.memory_space<vmem_shared>> -> memref<401408xf32, #tpu.memory_space<vmem_shared>>
        tpu.enqueue_indirect_dma source(%dma_start3A_203 : memref<128xf32, #tpu.memory_space<vmem>>) target(%dma_start3A_208 : memref<401408xf32, #tpu.memory_space<vmem_shared>>) offsets(%dma_start3A_206 : memref<128xi32, #tpu.memory_space<vmem>>) semaphore(%arg27 : memref<!tpu.dma_semaphore, #tpu.memory_space<semaphore_mem>>) {add = true}
        %dma_start3A_209 = arith.constant 0 : i32
        %dma_start3A_210 = tpu.memref_slice %arg14[%select_n3A_98, %scan3A_192, %dma_start3A_209] : memref<2x16x128xf32, #tpu.memory_space<vmem>> -> memref<1x1x128xf32, #tpu.memory_space<vmem>>
        %dma_start3A_211 = tpu.memref_squeeze %dma_start3A_210 : memref<1x1x128xf32, #tpu.memory_space<vmem>> -> memref<128xf32, #tpu.memory_space<vmem>>
        %dma_start3A_212 = arith.constant 0 : i32
        %dma_start3A_213 = tpu.memref_slice %arg19[%scan3A_192, %dma_start3A_212] : memref<16x128xi32, #tpu.memory_space<vmem>> -> memref<1x128xi32, #tpu.memory_space<vmem>>
        %dma_start3A_214 = tpu.memref_squeeze %dma_start3A_213 : memref<1x128xi32, #tpu.memory_space<vmem>> -> memref<128xi32, #tpu.memory_space<vmem>>
        %dma_start3A_215 = arith.constant 0 : i32
        %dma_start3A_216 = tpu.memref_slice %arg11[%dma_start3A_215] : memref<401408xf32, #tpu.memory_space<vmem_shared>> -> memref<401408xf32, #tpu.memory_space<vmem_shared>>
        tpu.enqueue_indirect_dma source(%dma_start3A_211 : memref<128xf32, #tpu.memory_space<vmem>>) target(%dma_start3A_216 : memref<401408xf32, #tpu.memory_space<vmem_shared>>) offsets(%dma_start3A_214 : memref<128xi32, #tpu.memory_space<vmem>>) semaphore(%arg27 : memref<!tpu.dma_semaphore, #tpu.memory_space<semaphore_mem>>) {add = true}
        %dma_wait3A_217 = arith.constant 0 : i32
        %dma_wait3A_218 = tpu.memref_slice %arg17[%scan3A_192, %dma_wait3A_217] : memref<16x128xi32, #tpu.memory_space<vmem>> -> memref<1x128xi32, #tpu.memory_space<vmem>>
        %dma_wait3A_219 = tpu.memref_squeeze %dma_wait3A_218 : memref<1x128xi32, #tpu.memory_space<vmem>> -> memref<128xi32, #tpu.memory_space<vmem>>
        %dma_wait3A_220 = arith.constant 0 : i32
        %dma_wait3A_221 = tpu.memref_slice %arg17[%scan3A_192, %dma_wait3A_220] : memref<16x128xi32, #tpu.memory_space<vmem>> -> memref<1x128xi32, #tpu.memory_space<vmem>>
        %dma_wait3A_222 = tpu.memref_squeeze %dma_wait3A_221 : memref<1x128xi32, #tpu.memory_space<vmem>> -> memref<128xi32, #tpu.memory_space<vmem>>
        tpu.wait_dma2 semaphore(%arg27 : memref<!tpu.dma_semaphore, #tpu.memory_space<semaphore_mem>>) src(%arg8 : memref<128xi32, #tpu.memory_space<hbm>>) dst(%dma_wait3A_222 : memref<128xi32, #tpu.memory_space<vmem>>)
        %dma_wait3A_223 = arith.constant 0 : i32
        %dma_wait3A_224 = tpu.memref_slice %arg18[%scan3A_192, %dma_wait3A_223] : memref<16x128xi32, #tpu.memory_space<vmem>> -> memref<1x128xi32, #tpu.memory_space<vmem>>
        %dma_wait3A_225 = tpu.memref_squeeze %dma_wait3A_224 : memref<1x128xi32, #tpu.memory_space<vmem>> -> memref<128xi32, #tpu.memory_space<vmem>>
        %dma_wait3A_226 = arith.constant 0 : i32
        %dma_wait3A_227 = tpu.memref_slice %arg18[%scan3A_192, %dma_wait3A_226] : memref<16x128xi32, #tpu.memory_space<vmem>> -> memref<1x128xi32, #tpu.memory_space<vmem>>
        %dma_wait3A_228 = tpu.memref_squeeze %dma_wait3A_227 : memref<1x128xi32, #tpu.memory_space<vmem>> -> memref<128xi32, #tpu.memory_space<vmem>>
        tpu.wait_dma2 semaphore(%arg27 : memref<!tpu.dma_semaphore, #tpu.memory_space<semaphore_mem>>) src(%arg8 : memref<128xi32, #tpu.memory_space<hbm>>) dst(%dma_wait3A_228 : memref<128xi32, #tpu.memory_space<vmem>>)
        %dma_wait3A_229 = arith.constant 0 : i32
        %dma_wait3A_230 = tpu.memref_slice %arg19[%scan3A_192, %dma_wait3A_229] : memref<16x128xi32, #tpu.memory_space<vmem>> -> memref<1x128xi32, #tpu.memory_space<vmem>>
        %dma_wait3A_231 = tpu.memref_squeeze %dma_wait3A_230 : memref<1x128xi32, #tpu.memory_space<vmem>> -> memref<128xi32, #tpu.memory_space<vmem>>
        %dma_wait3A_232 = arith.constant 0 : i32
        %dma_wait3A_233 = tpu.memref_slice %arg19[%scan3A_192, %dma_wait3A_232] : memref<16x128xi32, #tpu.memory_space<vmem>> -> memref<1x128xi32, #tpu.memory_space<vmem>>
        %dma_wait3A_234 = tpu.memref_squeeze %dma_wait3A_233 : memref<1x128xi32, #tpu.memory_space<vmem>> -> memref<128xi32, #tpu.memory_space<vmem>>
        tpu.wait_dma2 semaphore(%arg27 : memref<!tpu.dma_semaphore, #tpu.memory_space<semaphore_mem>>) src(%arg8 : memref<128xi32, #tpu.memory_space<hbm>>) dst(%dma_wait3A_234 : memref<128xi32, #tpu.memory_space<vmem>>)
        %dma_start3A_235 = arith.constant 0 : i32
        %dma_start3A_236 = tpu.memref_slice %arg23[%scan3A_192, %dma_start3A_235] : memref<16x128xf32, #tpu.memory_space<vmem>> -> memref<1x128xf32, #tpu.memory_space<vmem>>
        %dma_start3A_237 = tpu.memref_squeeze %dma_start3A_236 : memref<1x128xf32, #tpu.memory_space<vmem>> -> memref<128xf32, #tpu.memory_space<vmem>>
        %dma_start3A_238 = arith.constant 0 : i32
        %dma_start3A_239 = tpu.memref_slice %arg20[%scan3A_192, %dma_start3A_238] : memref<16x128xi32, #tpu.memory_space<vmem>> -> memref<1x128xi32, #tpu.memory_space<vmem>>
        %dma_start3A_240 = tpu.memref_squeeze %dma_start3A_239 : memref<1x128xi32, #tpu.memory_space<vmem>> -> memref<128xi32, #tpu.memory_space<vmem>>
        %dma_start3A_241 = arith.constant 0 : i32
        %dma_start3A_242 = tpu.memref_slice %arg11[%dma_start3A_241] : memref<401408xf32, #tpu.memory_space<vmem_shared>> -> memref<401408xf32, #tpu.memory_space<vmem_shared>>
        tpu.enqueue_indirect_dma source(%dma_start3A_237 : memref<128xf32, #tpu.memory_space<vmem>>) target(%dma_start3A_242 : memref<401408xf32, #tpu.memory_space<vmem_shared>>) offsets(%dma_start3A_240 : memref<128xi32, #tpu.memory_space<vmem>>) semaphore(%arg27 : memref<!tpu.dma_semaphore, #tpu.memory_space<semaphore_mem>>) {add = true}
        %dma_start3A_243 = arith.constant 0 : i32
        %dma_start3A_244 = tpu.memref_slice %arg24[%scan3A_192, %dma_start3A_243] : memref<16x128xf32, #tpu.memory_space<vmem>> -> memref<1x128xf32, #tpu.memory_space<vmem>>
        %dma_start3A_245 = tpu.memref_squeeze %dma_start3A_244 : memref<1x128xf32, #tpu.memory_space<vmem>> -> memref<128xf32, #tpu.memory_space<vmem>>
        %dma_start3A_246 = arith.constant 0 : i32
        %dma_start3A_247 = tpu.memref_slice %arg21[%scan3A_192, %dma_start3A_246] : memref<16x128xi32, #tpu.memory_space<vmem>> -> memref<1x128xi32, #tpu.memory_space<vmem>>
        %dma_start3A_248 = tpu.memref_squeeze %dma_start3A_247 : memref<1x128xi32, #tpu.memory_space<vmem>> -> memref<128xi32, #tpu.memory_space<vmem>>
        %dma_start3A_249 = arith.constant 0 : i32
        %dma_start3A_250 = tpu.memref_slice %arg11[%dma_start3A_249] : memref<401408xf32, #tpu.memory_space<vmem_shared>> -> memref<401408xf32, #tpu.memory_space<vmem_shared>>
        tpu.enqueue_indirect_dma source(%dma_start3A_245 : memref<128xf32, #tpu.memory_space<vmem>>) target(%dma_start3A_250 : memref<401408xf32, #tpu.memory_space<vmem_shared>>) offsets(%dma_start3A_248 : memref<128xi32, #tpu.memory_space<vmem>>) semaphore(%arg27 : memref<!tpu.dma_semaphore, #tpu.memory_space<semaphore_mem>>) {add = true}
        %dma_start3A_251 = arith.constant 0 : i32
        %dma_start3A_252 = tpu.memref_slice %arg25[%scan3A_192, %dma_start3A_251] : memref<16x128xf32, #tpu.memory_space<vmem>> -> memref<1x128xf32, #tpu.memory_space<vmem>>
        %dma_start3A_253 = tpu.memref_squeeze %dma_start3A_252 : memref<1x128xf32, #tpu.memory_space<vmem>> -> memref<128xf32, #tpu.memory_space<vmem>>
        %dma_start3A_254 = arith.constant 0 : i32
        %dma_start3A_255 = tpu.memref_slice %arg22[%scan3A_192, %dma_start3A_254] : memref<16x128xi32, #tpu.memory_space<vmem>> -> memref<1x128xi32, #tpu.memory_space<vmem>>
        %dma_start3A_256 = tpu.memref_squeeze %dma_start3A_255 : memref<1x128xi32, #tpu.memory_space<vmem>> -> memref<128xi32, #tpu.memory_space<vmem>>
        %dma_start3A_257 = arith.constant 0 : i32
        %dma_start3A_258 = tpu.memref_slice %arg11[%dma_start3A_257] : memref<401408xf32, #tpu.memory_space<vmem_shared>> -> memref<401408xf32, #tpu.memory_space<vmem_shared>>
        tpu.enqueue_indirect_dma source(%dma_start3A_253 : memref<128xf32, #tpu.memory_space<vmem>>) target(%dma_start3A_258 : memref<401408xf32, #tpu.memory_space<vmem_shared>>) offsets(%dma_start3A_256 : memref<128xi32, #tpu.memory_space<vmem>>) semaphore(%arg27 : memref<!tpu.dma_semaphore, #tpu.memory_space<semaphore_mem>>) {add = true}
        %dma_wait3A_259 = arith.constant 0 : i32
        %dma_wait3A_260 = tpu.memref_slice %arg20[%scan3A_192, %dma_wait3A_259] : memref<16x128xi32, #tpu.memory_space<vmem>> -> memref<1x128xi32, #tpu.memory_space<vmem>>
        %dma_wait3A_261 = tpu.memref_squeeze %dma_wait3A_260 : memref<1x128xi32, #tpu.memory_space<vmem>> -> memref<128xi32, #tpu.memory_space<vmem>>
        %dma_wait3A_262 = arith.constant 0 : i32
        %dma_wait3A_263 = tpu.memref_slice %arg20[%scan3A_192, %dma_wait3A_262] : memref<16x128xi32, #tpu.memory_space<vmem>> -> memref<1x128xi32, #tpu.memory_space<vmem>>
        %dma_wait3A_264 = tpu.memref_squeeze %dma_wait3A_263 : memref<1x128xi32, #tpu.memory_space<vmem>> -> memref<128xi32, #tpu.memory_space<vmem>>
        tpu.wait_dma2 semaphore(%arg27 : memref<!tpu.dma_semaphore, #tpu.memory_space<semaphore_mem>>) src(%arg8 : memref<128xi32, #tpu.memory_space<hbm>>) dst(%dma_wait3A_264 : memref<128xi32, #tpu.memory_space<vmem>>)
        %dma_wait3A_265 = arith.constant 0 : i32
        %dma_wait3A_266 = tpu.memref_slice %arg21[%scan3A_192, %dma_wait3A_265] : memref<16x128xi32, #tpu.memory_space<vmem>> -> memref<1x128xi32, #tpu.memory_space<vmem>>
        %dma_wait3A_267 = tpu.memref_squeeze %dma_wait3A_266 : memref<1x128xi32, #tpu.memory_space<vmem>> -> memref<128xi32, #tpu.memory_space<vmem>>
        %dma_wait3A_268 = arith.constant 0 : i32
        %dma_wait3A_269 = tpu.memref_slice %arg21[%scan3A_192, %dma_wait3A_268] : memref<16x128xi32, #tpu.memory_space<vmem>> -> memref<1x128xi32, #tpu.memory_space<vmem>>
        %dma_wait3A_270 = tpu.memref_squeeze %dma_wait3A_269 : memref<1x128xi32, #tpu.memory_space<vmem>> -> memref<128xi32, #tpu.memory_space<vmem>>
        tpu.wait_dma2 semaphore(%arg27 : memref<!tpu.dma_semaphore, #tpu.memory_space<semaphore_mem>>) src(%arg8 : memref<128xi32, #tpu.memory_space<hbm>>) dst(%dma_wait3A_270 : memref<128xi32, #tpu.memory_space<vmem>>)
        %dma_wait3A_271 = arith.constant 0 : i32
        %dma_wait3A_272 = tpu.memref_slice %arg22[%scan3A_192, %dma_wait3A_271] : memref<16x128xi32, #tpu.memory_space<vmem>> -> memref<1x128xi32, #tpu.memory_space<vmem>>
        %dma_wait3A_273 = tpu.memref_squeeze %dma_wait3A_272 : memref<1x128xi32, #tpu.memory_space<vmem>> -> memref<128xi32, #tpu.memory_space<vmem>>
        %dma_wait3A_274 = arith.constant 0 : i32
        %dma_wait3A_275 = tpu.memref_slice %arg22[%scan3A_192, %dma_wait3A_274] : memref<16x128xi32, #tpu.memory_space<vmem>> -> memref<1x128xi32, #tpu.memory_space<vmem>>
        %dma_wait3A_276 = tpu.memref_squeeze %dma_wait3A_275 : memref<1x128xi32, #tpu.memory_space<vmem>> -> memref<128xi32, #tpu.memory_space<vmem>>
        tpu.wait_dma2 semaphore(%arg27 : memref<!tpu.dma_semaphore, #tpu.memory_space<semaphore_mem>>) src(%arg8 : memref<128xi32, #tpu.memory_space<hbm>>) dst(%dma_wait3A_276 : memref<128xi32, #tpu.memory_space<vmem>>)
      }
      %scan3A_191 = arith.constant 16 : i32
    }
    %scan3A_79 = arith.constant 49 : i32
    %barrier3A_80 = arith.constant 0 : index
    tpu.barrier barrier_id(%barrier3A_80)
    %eq3A = arith.constant 0 : i32
    %eq3A_81 = arith.cmpi eq, %arg0, %eq3A : i32
    %convert_element_type3A = arith.extui %eq3A_81 : i1 to i32
    %cond3A = arith.constant 0 : i32
    %cond3A_82 = arith.cmpi ne, %convert_element_type3A, %cond3A : i32
    scf.if %cond3A_82 {
      %scan3A_88 = arith.constant 0 : i32
      %scan3A_89 = arith.constant 0 : i32
      %scan3A_90 = arith.constant 8 : i32
      %scan3A_91 = arith.addi %scan3A_89, %scan3A_90 : i32
      %scan3A_92 = arith.constant 1 : i32
      scf.for %scan3A_94 = %scan3A_89 to %scan3A_91 step %scan3A_92  : i32 {
        %mul3A_95 = arith.constant 25088 : i32
        %mul3A_96 = arith.muli %arg1, %mul3A_95 : i32
        %mul3A_97 = arith.constant 3136 : i32
        %mul3A_98 = arith.muli %scan3A_94, %mul3A_97 : i32
        %add3A_99 = arith.addi %mul3A_96, %mul3A_98 : i32
        "tpu.region"() ({
          %run_scoped3A = tpu.sem_alloc : memref<!tpu.dma_semaphore, #tpu.memory_space<semaphore_mem>>
          %dma_start3A_105 = tpu.memref_slice %arg11[%add3A_99] : memref<401408xf32, #tpu.memory_space<vmem_shared>> -> memref<3136xf32, #tpu.memory_space<vmem_shared>>
          %dma_start3A_106 = tpu.memref_slice %arg11[%add3A_99] : memref<401408xf32, #tpu.memory_space<vmem_shared>> -> memref<3136xf32, #tpu.memory_space<vmem_shared>>
          tpu.enqueue_dma source(%dma_start3A_106 : memref<3136xf32, #tpu.memory_space<vmem_shared>>) target(%arg26 : memref<3136xf32, #tpu.memory_space<vmem>>) target_semaphore(%run_scoped3A : memref<!tpu.dma_semaphore, #tpu.memory_space<semaphore_mem>>)
          %dma_wait3A = tpu.memref_slice %arg11[%add3A_99] : memref<401408xf32, #tpu.memory_space<vmem_shared>> -> memref<3136xf32, #tpu.memory_space<vmem_shared>>
          %dma_wait3A_107 = tpu.memref_slice %arg11[%add3A_99] : memref<401408xf32, #tpu.memory_space<vmem_shared>> -> memref<3136xf32, #tpu.memory_space<vmem_shared>>
          tpu.wait_dma2 semaphore(%run_scoped3A : memref<!tpu.dma_semaphore, #tpu.memory_space<semaphore_mem>>) src(%dma_wait3A_107 : memref<3136xf32, #tpu.memory_space<vmem_shared>>) dst(%arg26 : memref<3136xf32, #tpu.memory_space<vmem>>)
          tpu.yield
        }) : () -> ()
        %mul3A_100 = arith.constant 25088 : i32
        %mul3A_101 = arith.muli %arg1, %mul3A_100 : i32
        %mul3A_102 = arith.constant 3136 : i32
        %mul3A_103 = arith.muli %scan3A_94, %mul3A_102 : i32
        %add3A_104 = arith.addi %mul3A_101, %mul3A_103 : i32
        "tpu.region"() ({
          %run_scoped3A = tpu.sem_alloc : memref<!tpu.dma_semaphore, #tpu.memory_space<semaphore_mem>>
          %dma_start3A_105 = tpu.memref_slice %arg9[%add3A_104] : memref<401408xf32, #tpu.memory_space<hbm>> -> memref<3136xf32, #tpu.memory_space<hbm>>
          %dma_start3A_106 = tpu.memref_slice %arg9[%add3A_104] : memref<401408xf32, #tpu.memory_space<hbm>> -> memref<3136xf32, #tpu.memory_space<hbm>>
          tpu.enqueue_dma source(%arg26 : memref<3136xf32, #tpu.memory_space<vmem>>) target(%dma_start3A_106 : memref<3136xf32, #tpu.memory_space<hbm>>) target_semaphore(%run_scoped3A : memref<!tpu.dma_semaphore, #tpu.memory_space<semaphore_mem>>)
          %dma_wait3A = tpu.memref_slice %arg9[%add3A_104] : memref<401408xf32, #tpu.memory_space<hbm>> -> memref<3136xf32, #tpu.memory_space<hbm>>
          %dma_wait3A_107 = tpu.memref_slice %arg9[%add3A_104] : memref<401408xf32, #tpu.memory_space<hbm>> -> memref<3136xf32, #tpu.memory_space<hbm>>
          tpu.wait_dma2 semaphore(%run_scoped3A : memref<!tpu.dma_semaphore, #tpu.memory_space<semaphore_mem>>) src(%arg26 : memref<3136xf32, #tpu.memory_space<vmem>>) dst(%dma_wait3A_107 : memref<3136xf32, #tpu.memory_space<hbm>>)
          tpu.yield
        }) : () -> ()
      }
      %scan3A_93 = arith.constant 8 : i32
    } else {
    }
    %eq3A_83 = arith.constant 1 : i32
    %eq3A_84 = arith.cmpi eq, %arg0, %eq3A_83 : i32
    %convert_element_type3A_85 = arith.extui %eq3A_84 : i1 to i32
    %cond3A_86 = arith.constant 0 : i32
    %cond3A_87 = arith.cmpi ne, %convert_element_type3A_85, %cond3A_86 : i32
    scf.if %cond3A_87 {
      %scan3A_88 = arith.constant 0 : i32
      %scan3A_89 = arith.constant 0 : i32
      %scan3A_90 = arith.constant 8 : i32
      %scan3A_91 = arith.addi %scan3A_89, %scan3A_90 : i32
      %scan3A_92 = arith.constant 1 : i32
      scf.for %scan3A_94 = %scan3A_89 to %scan3A_91 step %scan3A_92  : i32 {
        %mul3A_95 = arith.constant 25088 : i32
        %mul3A_96 = arith.muli %arg1, %mul3A_95 : i32
        %mul3A_97 = arith.constant 3136 : i32
        %mul3A_98 = arith.muli %scan3A_94, %mul3A_97 : i32
        %add3A_99 = arith.addi %mul3A_96, %mul3A_98 : i32
        "tpu.region"() ({
          %run_scoped3A = tpu.sem_alloc : memref<!tpu.dma_semaphore, #tpu.memory_space<semaphore_mem>>
          %dma_start3A_105 = tpu.memref_slice %arg11[%add3A_99] : memref<401408xf32, #tpu.memory_space<vmem_shared>> -> memref<3136xf32, #tpu.memory_space<vmem_shared>>
          %dma_start3A_106 = tpu.memref_slice %arg11[%add3A_99] : memref<401408xf32, #tpu.memory_space<vmem_shared>> -> memref<3136xf32, #tpu.memory_space<vmem_shared>>
          tpu.enqueue_dma source(%dma_start3A_106 : memref<3136xf32, #tpu.memory_space<vmem_shared>>) target(%arg26 : memref<3136xf32, #tpu.memory_space<vmem>>) target_semaphore(%run_scoped3A : memref<!tpu.dma_semaphore, #tpu.memory_space<semaphore_mem>>)
          %dma_wait3A = tpu.memref_slice %arg11[%add3A_99] : memref<401408xf32, #tpu.memory_space<vmem_shared>> -> memref<3136xf32, #tpu.memory_space<vmem_shared>>
          %dma_wait3A_107 = tpu.memref_slice %arg11[%add3A_99] : memref<401408xf32, #tpu.memory_space<vmem_shared>> -> memref<3136xf32, #tpu.memory_space<vmem_shared>>
          tpu.wait_dma2 semaphore(%run_scoped3A : memref<!tpu.dma_semaphore, #tpu.memory_space<semaphore_mem>>) src(%dma_wait3A_107 : memref<3136xf32, #tpu.memory_space<vmem_shared>>) dst(%arg26 : memref<3136xf32, #tpu.memory_space<vmem>>)
          tpu.yield
        }) : () -> ()
        %mul3A_100 = arith.constant 25088 : i32
        %mul3A_101 = arith.muli %arg1, %mul3A_100 : i32
        %mul3A_102 = arith.constant 3136 : i32
        %mul3A_103 = arith.muli %scan3A_94, %mul3A_102 : i32
        %add3A_104 = arith.addi %mul3A_101, %mul3A_103 : i32
        "tpu.region"() ({
          %run_scoped3A = tpu.sem_alloc : memref<!tpu.dma_semaphore, #tpu.memory_space<semaphore_mem>>
          %dma_start3A_105 = tpu.memref_slice %arg10[%add3A_104] : memref<401408xf32, #tpu.memory_space<hbm>> -> memref<3136xf32, #tpu.memory_space<hbm>>
          %dma_start3A_106 = tpu.memref_slice %arg10[%add3A_104] : memref<401408xf32, #tpu.memory_space<hbm>> -> memref<3136xf32, #tpu.memory_space<hbm>>
          tpu.enqueue_dma source(%arg26 : memref<3136xf32, #tpu.memory_space<vmem>>) target(%dma_start3A_106 : memref<3136xf32, #tpu.memory_space<hbm>>) target_semaphore(%run_scoped3A : memref<!tpu.dma_semaphore, #tpu.memory_space<semaphore_mem>>)
          %dma_wait3A = tpu.memref_slice %arg10[%add3A_104] : memref<401408xf32, #tpu.memory_space<hbm>> -> memref<3136xf32, #tpu.memory_space<hbm>>
          %dma_wait3A_107 = tpu.memref_slice %arg10[%add3A_104] : memref<401408xf32, #tpu.memory_space<hbm>> -> memref<3136xf32, #tpu.memory_space<hbm>>
          tpu.wait_dma2 semaphore(%run_scoped3A : memref<!tpu.dma_semaphore, #tpu.memory_space<semaphore_mem>>) src(%arg26 : memref<3136xf32, #tpu.memory_space<vmem>>) dst(%dma_wait3A_107 : memref<3136xf32, #tpu.memory_space<hbm>>)
          tpu.yield
        }) : () -> ()
      }
      %scan3A_93 = arith.constant 8 : i32
    } else {
    }
    return
  }
}

#map = affine_map<(d0, d1) -> (0)>
#map1 = affine_map<(d0, d1) -> (0, 0)>
module attributes {stable_mosaic.version = 14 : i64} {
  func.func @_phase_a_body(%arg0: i32, %arg1: i32, %arg2: memref<100352xf32, #tpu.memory_space<hbm>>, %arg3: memref<100352xf32, #tpu.memory_space<hbm>>, %arg4: memref<100352xf32, #tpu.memory_space<hbm>>, %arg5: memref<100352xf32, #tpu.memory_space<hbm>>, %arg6: memref<25088x128xi32, #tpu.memory_space<hbm>>, %arg7: memref<25088x128xi32, #tpu.memory_space<hbm>>, %arg8: memref<3211264xf32, #tpu.memory_space<hbm>>, %arg9: memref<3211264xf32, #tpu.memory_space<hbm>>, %arg10: memref<3211264xf32, #tpu.memory_space<hbm>>, %arg11: memref<3211264xf32, #tpu.memory_space<hbm>>, %arg12: memref<3211264xf32, #tpu.memory_space<hbm>>, %arg13: memref<3211264xf32, #tpu.memory_space<hbm>>, %arg14: memref<3211264xf32, #tpu.memory_space<hbm>>, %arg15: memref<100352xf32, #tpu.memory_space<vmem_shared>>, %arg16: memref<100352xf32, #tpu.memory_space<vmem_shared>>, %arg17: memref<100352xf32, #tpu.memory_space<vmem_shared>>, %arg18: memref<100352xf32, #tpu.memory_space<vmem_shared>>, %arg19: memref<16x128xi32, #tpu.memory_space<vmem>>, %arg20: memref<16x128xi32, #tpu.memory_space<vmem>>, %arg21: memref<2x2048xf32, #tpu.memory_space<vmem>>, %arg22: memref<2x2048xf32, #tpu.memory_space<vmem>>, %arg23: memref<2x2048xf32, #tpu.memory_space<vmem>>, %arg24: memref<2x2048xf32, #tpu.memory_space<vmem>>, %arg25: memref<2x2048xf32, #tpu.memory_space<vmem>>, %arg26: memref<2x2048xf32, #tpu.memory_space<vmem>>, %arg27: memref<2x2048xf32, #tpu.memory_space<vmem>>, %arg28: memref<!tpu.dma_semaphore, #tpu.memory_space<semaphore_mem>>, %arg29: memref<!tpu.dma_semaphore, #tpu.memory_space<semaphore_mem>>, %arg30: memref<!tpu.dma_semaphore, #tpu.memory_space<semaphore_mem>>) attributes {dimension_semantics = [#tpu.dimension_semantics<core_parallel>, #tpu.dimension_semantics<subcore_parallel>], iteration_bounds = array<i64: 2, 16>, scalar_prefetch = 0 : i64, scratch_operands = 16 : i64, tpu.core_type = #tpu.core_type<sc_vector_subcore>, window_params = [{transform_indices = #map}, {transform_indices = #map}, {transform_indices = #map}, {transform_indices = #map}, {transform_indices = #map1}, {transform_indices = #map1}, {transform_indices = #map}, {transform_indices = #map}, {transform_indices = #map}, {transform_indices = #map}, {transform_indices = #map}, {transform_indices = #map}, {transform_indices = #map}]} {
    %mul3A = arith.constant 2 : i32
    %mul3A_0 = arith.muli %arg1, %mul3A : i32
    %add3A = arith.addi %mul3A_0, %arg0 : i32
    %mul3A_1 = arith.constant 6272 : i32
    %mul3A_2 = arith.muli %arg1, %mul3A_1 : i32
    %run_scoped3A = arith.constant 0 : i32
    "tpu.region"() ({
      %run_scoped3A_182 = tpu.sem_alloc : memref<!tpu.dma_semaphore, #tpu.memory_space<semaphore_mem>>
      %dma_start3A = arith.constant 0 : i32
      %dma_start3A_183 = tpu.memref_slice %arg21[%run_scoped3A, %dma_start3A] : memref<2x2048xf32, #tpu.memory_space<vmem>> -> memref<1x6272xf32, #tpu.memory_space<vmem>>
      %dma_start3A_184 = tpu.memref_squeeze %dma_start3A_183 : memref<1x6272xf32, #tpu.memory_space<vmem>> -> memref<6272xf32, #tpu.memory_space<vmem>>
      %dma_start3A_185 = tpu.memref_slice %arg2[%mul3A_2] : memref<100352xf32, #tpu.memory_space<hbm>> -> memref<6272xf32, #tpu.memory_space<hbm>>
      %dma_start3A_186 = arith.constant 0 : i32
      %dma_start3A_187 = tpu.memref_slice %arg21[%run_scoped3A, %dma_start3A_186] : memref<2x2048xf32, #tpu.memory_space<vmem>> -> memref<1x6272xf32, #tpu.memory_space<vmem>>
      %dma_start3A_188 = tpu.memref_squeeze %dma_start3A_187 : memref<1x6272xf32, #tpu.memory_space<vmem>> -> memref<6272xf32, #tpu.memory_space<vmem>>
      %dma_start3A_189 = tpu.memref_slice %arg2[%mul3A_2] : memref<100352xf32, #tpu.memory_space<hbm>> -> memref<6272xf32, #tpu.memory_space<hbm>>
      tpu.enqueue_dma source(%dma_start3A_189 : memref<6272xf32, #tpu.memory_space<hbm>>) target(%dma_start3A_188 : memref<6272xf32, #tpu.memory_space<vmem>>) target_semaphore(%run_scoped3A_182 : memref<!tpu.dma_semaphore, #tpu.memory_space<semaphore_mem>>)
      %dma_wait3A_190 = arith.constant 0 : i32
      %dma_wait3A_191 = tpu.memref_slice %arg21[%run_scoped3A, %dma_wait3A_190] : memref<2x2048xf32, #tpu.memory_space<vmem>> -> memref<1x6272xf32, #tpu.memory_space<vmem>>
      %dma_wait3A_192 = tpu.memref_squeeze %dma_wait3A_191 : memref<1x6272xf32, #tpu.memory_space<vmem>> -> memref<6272xf32, #tpu.memory_space<vmem>>
      %dma_wait3A_193 = tpu.memref_slice %arg2[%mul3A_2] : memref<100352xf32, #tpu.memory_space<hbm>> -> memref<6272xf32, #tpu.memory_space<hbm>>
      %dma_wait3A_194 = arith.constant 0 : i32
      %dma_wait3A_195 = tpu.memref_slice %arg21[%run_scoped3A, %dma_wait3A_194] : memref<2x2048xf32, #tpu.memory_space<vmem>> -> memref<1x6272xf32, #tpu.memory_space<vmem>>
      %dma_wait3A_196 = tpu.memref_squeeze %dma_wait3A_195 : memref<1x6272xf32, #tpu.memory_space<vmem>> -> memref<6272xf32, #tpu.memory_space<vmem>>
      %dma_wait3A_197 = tpu.memref_slice %arg2[%mul3A_2] : memref<100352xf32, #tpu.memory_space<hbm>> -> memref<6272xf32, #tpu.memory_space<hbm>>
      tpu.wait_dma2 semaphore(%run_scoped3A_182 : memref<!tpu.dma_semaphore, #tpu.memory_space<semaphore_mem>>) src(%dma_wait3A_197 : memref<6272xf32, #tpu.memory_space<hbm>>) dst(%dma_wait3A_196 : memref<6272xf32, #tpu.memory_space<vmem>>)
      tpu.yield
    }) : () -> ()
    %mul3A_3 = arith.constant 6272 : i32
    %mul3A_4 = arith.muli %arg1, %mul3A_3 : i32
    %run_scoped3A_5 = arith.constant 0 : i32
    "tpu.region"() ({
      %run_scoped3A_182 = tpu.sem_alloc : memref<!tpu.dma_semaphore, #tpu.memory_space<semaphore_mem>>
      %dma_start3A = arith.constant 0 : i32
      %dma_start3A_183 = tpu.memref_slice %arg21[%run_scoped3A_5, %dma_start3A] : memref<2x2048xf32, #tpu.memory_space<vmem>> -> memref<1x6272xf32, #tpu.memory_space<vmem>>
      %dma_start3A_184 = tpu.memref_squeeze %dma_start3A_183 : memref<1x6272xf32, #tpu.memory_space<vmem>> -> memref<6272xf32, #tpu.memory_space<vmem>>
      %dma_start3A_185 = tpu.memref_slice %arg15[%mul3A_4] : memref<100352xf32, #tpu.memory_space<vmem_shared>> -> memref<6272xf32, #tpu.memory_space<vmem_shared>>
      %dma_start3A_186 = tpu.memref_slice %arg15[%mul3A_4] : memref<100352xf32, #tpu.memory_space<vmem_shared>> -> memref<6272xf32, #tpu.memory_space<vmem_shared>>
      %dma_start3A_187 = arith.constant 0 : i32
      %dma_start3A_188 = tpu.memref_slice %arg21[%run_scoped3A_5, %dma_start3A_187] : memref<2x2048xf32, #tpu.memory_space<vmem>> -> memref<1x6272xf32, #tpu.memory_space<vmem>>
      %dma_start3A_189 = tpu.memref_squeeze %dma_start3A_188 : memref<1x6272xf32, #tpu.memory_space<vmem>> -> memref<6272xf32, #tpu.memory_space<vmem>>
      tpu.enqueue_dma source(%dma_start3A_189 : memref<6272xf32, #tpu.memory_space<vmem>>) target(%dma_start3A_186 : memref<6272xf32, #tpu.memory_space<vmem_shared>>) target_semaphore(%run_scoped3A_182 : memref<!tpu.dma_semaphore, #tpu.memory_space<semaphore_mem>>)
      %dma_wait3A_190 = arith.constant 0 : i32
      %dma_wait3A_191 = tpu.memref_slice %arg21[%run_scoped3A_5, %dma_wait3A_190] : memref<2x2048xf32, #tpu.memory_space<vmem>> -> memref<1x6272xf32, #tpu.memory_space<vmem>>
      %dma_wait3A_192 = tpu.memref_squeeze %dma_wait3A_191 : memref<1x6272xf32, #tpu.memory_space<vmem>> -> memref<6272xf32, #tpu.memory_space<vmem>>
      %dma_wait3A_193 = tpu.memref_slice %arg15[%mul3A_4] : memref<100352xf32, #tpu.memory_space<vmem_shared>> -> memref<6272xf32, #tpu.memory_space<vmem_shared>>
      %dma_wait3A_194 = tpu.memref_slice %arg15[%mul3A_4] : memref<100352xf32, #tpu.memory_space<vmem_shared>> -> memref<6272xf32, #tpu.memory_space<vmem_shared>>
      %dma_wait3A_195 = arith.constant 0 : i32
      %dma_wait3A_196 = tpu.memref_slice %arg21[%run_scoped3A_5, %dma_wait3A_195] : memref<2x2048xf32, #tpu.memory_space<vmem>> -> memref<1x6272xf32, #tpu.memory_space<vmem>>
      %dma_wait3A_197 = tpu.memref_squeeze %dma_wait3A_196 : memref<1x6272xf32, #tpu.memory_space<vmem>> -> memref<6272xf32, #tpu.memory_space<vmem>>
      tpu.wait_dma2 semaphore(%run_scoped3A_182 : memref<!tpu.dma_semaphore, #tpu.memory_space<semaphore_mem>>) src(%dma_wait3A_197 : memref<6272xf32, #tpu.memory_space<vmem>>) dst(%dma_wait3A_194 : memref<6272xf32, #tpu.memory_space<vmem_shared>>)
      tpu.yield
    }) : () -> ()
    %mul3A_6 = arith.constant 6272 : i32
    %mul3A_7 = arith.muli %arg1, %mul3A_6 : i32
    %run_scoped3A_8 = arith.constant 0 : i32
    "tpu.region"() ({
      %run_scoped3A_182 = tpu.sem_alloc : memref<!tpu.dma_semaphore, #tpu.memory_space<semaphore_mem>>
      %dma_start3A = arith.constant 0 : i32
      %dma_start3A_183 = tpu.memref_slice %arg21[%run_scoped3A_8, %dma_start3A] : memref<2x2048xf32, #tpu.memory_space<vmem>> -> memref<1x6272xf32, #tpu.memory_space<vmem>>
      %dma_start3A_184 = tpu.memref_squeeze %dma_start3A_183 : memref<1x6272xf32, #tpu.memory_space<vmem>> -> memref<6272xf32, #tpu.memory_space<vmem>>
      %dma_start3A_185 = tpu.memref_slice %arg3[%mul3A_7] : memref<100352xf32, #tpu.memory_space<hbm>> -> memref<6272xf32, #tpu.memory_space<hbm>>
      %dma_start3A_186 = arith.constant 0 : i32
      %dma_start3A_187 = tpu.memref_slice %arg21[%run_scoped3A_8, %dma_start3A_186] : memref<2x2048xf32, #tpu.memory_space<vmem>> -> memref<1x6272xf32, #tpu.memory_space<vmem>>
      %dma_start3A_188 = tpu.memref_squeeze %dma_start3A_187 : memref<1x6272xf32, #tpu.memory_space<vmem>> -> memref<6272xf32, #tpu.memory_space<vmem>>
      %dma_start3A_189 = tpu.memref_slice %arg3[%mul3A_7] : memref<100352xf32, #tpu.memory_space<hbm>> -> memref<6272xf32, #tpu.memory_space<hbm>>
      tpu.enqueue_dma source(%dma_start3A_189 : memref<6272xf32, #tpu.memory_space<hbm>>) target(%dma_start3A_188 : memref<6272xf32, #tpu.memory_space<vmem>>) target_semaphore(%run_scoped3A_182 : memref<!tpu.dma_semaphore, #tpu.memory_space<semaphore_mem>>)
      %dma_wait3A_190 = arith.constant 0 : i32
      %dma_wait3A_191 = tpu.memref_slice %arg21[%run_scoped3A_8, %dma_wait3A_190] : memref<2x2048xf32, #tpu.memory_space<vmem>> -> memref<1x6272xf32, #tpu.memory_space<vmem>>
      %dma_wait3A_192 = tpu.memref_squeeze %dma_wait3A_191 : memref<1x6272xf32, #tpu.memory_space<vmem>> -> memref<6272xf32, #tpu.memory_space<vmem>>
      %dma_wait3A_193 = tpu.memref_slice %arg3[%mul3A_7] : memref<100352xf32, #tpu.memory_space<hbm>> -> memref<6272xf32, #tpu.memory_space<hbm>>
      %dma_wait3A_194 = arith.constant 0 : i32
      %dma_wait3A_195 = tpu.memref_slice %arg21[%run_scoped3A_8, %dma_wait3A_194] : memref<2x2048xf32, #tpu.memory_space<vmem>> -> memref<1x6272xf32, #tpu.memory_space<vmem>>
      %dma_wait3A_196 = tpu.memref_squeeze %dma_wait3A_195 : memref<1x6272xf32, #tpu.memory_space<vmem>> -> memref<6272xf32, #tpu.memory_space<vmem>>
      %dma_wait3A_197 = tpu.memref_slice %arg3[%mul3A_7] : memref<100352xf32, #tpu.memory_space<hbm>> -> memref<6272xf32, #tpu.memory_space<hbm>>
      tpu.wait_dma2 semaphore(%run_scoped3A_182 : memref<!tpu.dma_semaphore, #tpu.memory_space<semaphore_mem>>) src(%dma_wait3A_197 : memref<6272xf32, #tpu.memory_space<hbm>>) dst(%dma_wait3A_196 : memref<6272xf32, #tpu.memory_space<vmem>>)
      tpu.yield
    }) : () -> ()
    %mul3A_9 = arith.constant 6272 : i32
    %mul3A_10 = arith.muli %arg1, %mul3A_9 : i32
    %run_scoped3A_11 = arith.constant 0 : i32
    "tpu.region"() ({
      %run_scoped3A_182 = tpu.sem_alloc : memref<!tpu.dma_semaphore, #tpu.memory_space<semaphore_mem>>
      %dma_start3A = arith.constant 0 : i32
      %dma_start3A_183 = tpu.memref_slice %arg21[%run_scoped3A_11, %dma_start3A] : memref<2x2048xf32, #tpu.memory_space<vmem>> -> memref<1x6272xf32, #tpu.memory_space<vmem>>
      %dma_start3A_184 = tpu.memref_squeeze %dma_start3A_183 : memref<1x6272xf32, #tpu.memory_space<vmem>> -> memref<6272xf32, #tpu.memory_space<vmem>>
      %dma_start3A_185 = tpu.memref_slice %arg16[%mul3A_10] : memref<100352xf32, #tpu.memory_space<vmem_shared>> -> memref<6272xf32, #tpu.memory_space<vmem_shared>>
      %dma_start3A_186 = tpu.memref_slice %arg16[%mul3A_10] : memref<100352xf32, #tpu.memory_space<vmem_shared>> -> memref<6272xf32, #tpu.memory_space<vmem_shared>>
      %dma_start3A_187 = arith.constant 0 : i32
      %dma_start3A_188 = tpu.memref_slice %arg21[%run_scoped3A_11, %dma_start3A_187] : memref<2x2048xf32, #tpu.memory_space<vmem>> -> memref<1x6272xf32, #tpu.memory_space<vmem>>
      %dma_start3A_189 = tpu.memref_squeeze %dma_start3A_188 : memref<1x6272xf32, #tpu.memory_space<vmem>> -> memref<6272xf32, #tpu.memory_space<vmem>>
      tpu.enqueue_dma source(%dma_start3A_189 : memref<6272xf32, #tpu.memory_space<vmem>>) target(%dma_start3A_186 : memref<6272xf32, #tpu.memory_space<vmem_shared>>) target_semaphore(%run_scoped3A_182 : memref<!tpu.dma_semaphore, #tpu.memory_space<semaphore_mem>>)
      %dma_wait3A_190 = arith.constant 0 : i32
      %dma_wait3A_191 = tpu.memref_slice %arg21[%run_scoped3A_11, %dma_wait3A_190] : memref<2x2048xf32, #tpu.memory_space<vmem>> -> memref<1x6272xf32, #tpu.memory_space<vmem>>
      %dma_wait3A_192 = tpu.memref_squeeze %dma_wait3A_191 : memref<1x6272xf32, #tpu.memory_space<vmem>> -> memref<6272xf32, #tpu.memory_space<vmem>>
      %dma_wait3A_193 = tpu.memref_slice %arg16[%mul3A_10] : memref<100352xf32, #tpu.memory_space<vmem_shared>> -> memref<6272xf32, #tpu.memory_space<vmem_shared>>
      %dma_wait3A_194 = tpu.memref_slice %arg16[%mul3A_10] : memref<100352xf32, #tpu.memory_space<vmem_shared>> -> memref<6272xf32, #tpu.memory_space<vmem_shared>>
      %dma_wait3A_195 = arith.constant 0 : i32
      %dma_wait3A_196 = tpu.memref_slice %arg21[%run_scoped3A_11, %dma_wait3A_195] : memref<2x2048xf32, #tpu.memory_space<vmem>> -> memref<1x6272xf32, #tpu.memory_space<vmem>>
      %dma_wait3A_197 = tpu.memref_squeeze %dma_wait3A_196 : memref<1x6272xf32, #tpu.memory_space<vmem>> -> memref<6272xf32, #tpu.memory_space<vmem>>
      tpu.wait_dma2 semaphore(%run_scoped3A_182 : memref<!tpu.dma_semaphore, #tpu.memory_space<semaphore_mem>>) src(%dma_wait3A_197 : memref<6272xf32, #tpu.memory_space<vmem>>) dst(%dma_wait3A_194 : memref<6272xf32, #tpu.memory_space<vmem_shared>>)
      tpu.yield
    }) : () -> ()
    %mul3A_12 = arith.constant 6272 : i32
    %mul3A_13 = arith.muli %arg1, %mul3A_12 : i32
    %run_scoped3A_14 = arith.constant 0 : i32
    "tpu.region"() ({
      %run_scoped3A_182 = tpu.sem_alloc : memref<!tpu.dma_semaphore, #tpu.memory_space<semaphore_mem>>
      %dma_start3A = arith.constant 0 : i32
      %dma_start3A_183 = tpu.memref_slice %arg21[%run_scoped3A_14, %dma_start3A] : memref<2x2048xf32, #tpu.memory_space<vmem>> -> memref<1x6272xf32, #tpu.memory_space<vmem>>
      %dma_start3A_184 = tpu.memref_squeeze %dma_start3A_183 : memref<1x6272xf32, #tpu.memory_space<vmem>> -> memref<6272xf32, #tpu.memory_space<vmem>>
      %dma_start3A_185 = tpu.memref_slice %arg4[%mul3A_13] : memref<100352xf32, #tpu.memory_space<hbm>> -> memref<6272xf32, #tpu.memory_space<hbm>>
      %dma_start3A_186 = arith.constant 0 : i32
      %dma_start3A_187 = tpu.memref_slice %arg21[%run_scoped3A_14, %dma_start3A_186] : memref<2x2048xf32, #tpu.memory_space<vmem>> -> memref<1x6272xf32, #tpu.memory_space<vmem>>
      %dma_start3A_188 = tpu.memref_squeeze %dma_start3A_187 : memref<1x6272xf32, #tpu.memory_space<vmem>> -> memref<6272xf32, #tpu.memory_space<vmem>>
      %dma_start3A_189 = tpu.memref_slice %arg4[%mul3A_13] : memref<100352xf32, #tpu.memory_space<hbm>> -> memref<6272xf32, #tpu.memory_space<hbm>>
      tpu.enqueue_dma source(%dma_start3A_189 : memref<6272xf32, #tpu.memory_space<hbm>>) target(%dma_start3A_188 : memref<6272xf32, #tpu.memory_space<vmem>>) target_semaphore(%run_scoped3A_182 : memref<!tpu.dma_semaphore, #tpu.memory_space<semaphore_mem>>)
      %dma_wait3A_190 = arith.constant 0 : i32
      %dma_wait3A_191 = tpu.memref_slice %arg21[%run_scoped3A_14, %dma_wait3A_190] : memref<2x2048xf32, #tpu.memory_space<vmem>> -> memref<1x6272xf32, #tpu.memory_space<vmem>>
      %dma_wait3A_192 = tpu.memref_squeeze %dma_wait3A_191 : memref<1x6272xf32, #tpu.memory_space<vmem>> -> memref<6272xf32, #tpu.memory_space<vmem>>
      %dma_wait3A_193 = tpu.memref_slice %arg4[%mul3A_13] : memref<100352xf32, #tpu.memory_space<hbm>> -> memref<6272xf32, #tpu.memory_space<hbm>>
      %dma_wait3A_194 = arith.constant 0 : i32
      %dma_wait3A_195 = tpu.memref_slice %arg21[%run_scoped3A_14, %dma_wait3A_194] : memref<2x2048xf32, #tpu.memory_space<vmem>> -> memref<1x6272xf32, #tpu.memory_space<vmem>>
      %dma_wait3A_196 = tpu.memref_squeeze %dma_wait3A_195 : memref<1x6272xf32, #tpu.memory_space<vmem>> -> memref<6272xf32, #tpu.memory_space<vmem>>
      %dma_wait3A_197 = tpu.memref_slice %arg4[%mul3A_13] : memref<100352xf32, #tpu.memory_space<hbm>> -> memref<6272xf32, #tpu.memory_space<hbm>>
      tpu.wait_dma2 semaphore(%run_scoped3A_182 : memref<!tpu.dma_semaphore, #tpu.memory_space<semaphore_mem>>) src(%dma_wait3A_197 : memref<6272xf32, #tpu.memory_space<hbm>>) dst(%dma_wait3A_196 : memref<6272xf32, #tpu.memory_space<vmem>>)
      tpu.yield
    }) : () -> ()
    %mul3A_15 = arith.constant 6272 : i32
    %mul3A_16 = arith.muli %arg1, %mul3A_15 : i32
    %run_scoped3A_17 = arith.constant 0 : i32
    "tpu.region"() ({
      %run_scoped3A_182 = tpu.sem_alloc : memref<!tpu.dma_semaphore, #tpu.memory_space<semaphore_mem>>
      %dma_start3A = arith.constant 0 : i32
      %dma_start3A_183 = tpu.memref_slice %arg21[%run_scoped3A_17, %dma_start3A] : memref<2x2048xf32, #tpu.memory_space<vmem>> -> memref<1x6272xf32, #tpu.memory_space<vmem>>
      %dma_start3A_184 = tpu.memref_squeeze %dma_start3A_183 : memref<1x6272xf32, #tpu.memory_space<vmem>> -> memref<6272xf32, #tpu.memory_space<vmem>>
      %dma_start3A_185 = tpu.memref_slice %arg17[%mul3A_16] : memref<100352xf32, #tpu.memory_space<vmem_shared>> -> memref<6272xf32, #tpu.memory_space<vmem_shared>>
      %dma_start3A_186 = tpu.memref_slice %arg17[%mul3A_16] : memref<100352xf32, #tpu.memory_space<vmem_shared>> -> memref<6272xf32, #tpu.memory_space<vmem_shared>>
      %dma_start3A_187 = arith.constant 0 : i32
      %dma_start3A_188 = tpu.memref_slice %arg21[%run_scoped3A_17, %dma_start3A_187] : memref<2x2048xf32, #tpu.memory_space<vmem>> -> memref<1x6272xf32, #tpu.memory_space<vmem>>
      %dma_start3A_189 = tpu.memref_squeeze %dma_start3A_188 : memref<1x6272xf32, #tpu.memory_space<vmem>> -> memref<6272xf32, #tpu.memory_space<vmem>>
      tpu.enqueue_dma source(%dma_start3A_189 : memref<6272xf32, #tpu.memory_space<vmem>>) target(%dma_start3A_186 : memref<6272xf32, #tpu.memory_space<vmem_shared>>) target_semaphore(%run_scoped3A_182 : memref<!tpu.dma_semaphore, #tpu.memory_space<semaphore_mem>>)
      %dma_wait3A_190 = arith.constant 0 : i32
      %dma_wait3A_191 = tpu.memref_slice %arg21[%run_scoped3A_17, %dma_wait3A_190] : memref<2x2048xf32, #tpu.memory_space<vmem>> -> memref<1x6272xf32, #tpu.memory_space<vmem>>
      %dma_wait3A_192 = tpu.memref_squeeze %dma_wait3A_191 : memref<1x6272xf32, #tpu.memory_space<vmem>> -> memref<6272xf32, #tpu.memory_space<vmem>>
      %dma_wait3A_193 = tpu.memref_slice %arg17[%mul3A_16] : memref<100352xf32, #tpu.memory_space<vmem_shared>> -> memref<6272xf32, #tpu.memory_space<vmem_shared>>
      %dma_wait3A_194 = tpu.memref_slice %arg17[%mul3A_16] : memref<100352xf32, #tpu.memory_space<vmem_shared>> -> memref<6272xf32, #tpu.memory_space<vmem_shared>>
      %dma_wait3A_195 = arith.constant 0 : i32
      %dma_wait3A_196 = tpu.memref_slice %arg21[%run_scoped3A_17, %dma_wait3A_195] : memref<2x2048xf32, #tpu.memory_space<vmem>> -> memref<1x6272xf32, #tpu.memory_space<vmem>>
      %dma_wait3A_197 = tpu.memref_squeeze %dma_wait3A_196 : memref<1x6272xf32, #tpu.memory_space<vmem>> -> memref<6272xf32, #tpu.memory_space<vmem>>
      tpu.wait_dma2 semaphore(%run_scoped3A_182 : memref<!tpu.dma_semaphore, #tpu.memory_space<semaphore_mem>>) src(%dma_wait3A_197 : memref<6272xf32, #tpu.memory_space<vmem>>) dst(%dma_wait3A_194 : memref<6272xf32, #tpu.memory_space<vmem_shared>>)
      tpu.yield
    }) : () -> ()
    %mul3A_18 = arith.constant 6272 : i32
    %mul3A_19 = arith.muli %arg1, %mul3A_18 : i32
    %run_scoped3A_20 = arith.constant 0 : i32
    "tpu.region"() ({
      %run_scoped3A_182 = tpu.sem_alloc : memref<!tpu.dma_semaphore, #tpu.memory_space<semaphore_mem>>
      %dma_start3A = arith.constant 0 : i32
      %dma_start3A_183 = tpu.memref_slice %arg21[%run_scoped3A_20, %dma_start3A] : memref<2x2048xf32, #tpu.memory_space<vmem>> -> memref<1x6272xf32, #tpu.memory_space<vmem>>
      %dma_start3A_184 = tpu.memref_squeeze %dma_start3A_183 : memref<1x6272xf32, #tpu.memory_space<vmem>> -> memref<6272xf32, #tpu.memory_space<vmem>>
      %dma_start3A_185 = tpu.memref_slice %arg5[%mul3A_19] : memref<100352xf32, #tpu.memory_space<hbm>> -> memref<6272xf32, #tpu.memory_space<hbm>>
      %dma_start3A_186 = arith.constant 0 : i32
      %dma_start3A_187 = tpu.memref_slice %arg21[%run_scoped3A_20, %dma_start3A_186] : memref<2x2048xf32, #tpu.memory_space<vmem>> -> memref<1x6272xf32, #tpu.memory_space<vmem>>
      %dma_start3A_188 = tpu.memref_squeeze %dma_start3A_187 : memref<1x6272xf32, #tpu.memory_space<vmem>> -> memref<6272xf32, #tpu.memory_space<vmem>>
      %dma_start3A_189 = tpu.memref_slice %arg5[%mul3A_19] : memref<100352xf32, #tpu.memory_space<hbm>> -> memref<6272xf32, #tpu.memory_space<hbm>>
      tpu.enqueue_dma source(%dma_start3A_189 : memref<6272xf32, #tpu.memory_space<hbm>>) target(%dma_start3A_188 : memref<6272xf32, #tpu.memory_space<vmem>>) target_semaphore(%run_scoped3A_182 : memref<!tpu.dma_semaphore, #tpu.memory_space<semaphore_mem>>)
      %dma_wait3A_190 = arith.constant 0 : i32
      %dma_wait3A_191 = tpu.memref_slice %arg21[%run_scoped3A_20, %dma_wait3A_190] : memref<2x2048xf32, #tpu.memory_space<vmem>> -> memref<1x6272xf32, #tpu.memory_space<vmem>>
      %dma_wait3A_192 = tpu.memref_squeeze %dma_wait3A_191 : memref<1x6272xf32, #tpu.memory_space<vmem>> -> memref<6272xf32, #tpu.memory_space<vmem>>
      %dma_wait3A_193 = tpu.memref_slice %arg5[%mul3A_19] : memref<100352xf32, #tpu.memory_space<hbm>> -> memref<6272xf32, #tpu.memory_space<hbm>>
      %dma_wait3A_194 = arith.constant 0 : i32
      %dma_wait3A_195 = tpu.memref_slice %arg21[%run_scoped3A_20, %dma_wait3A_194] : memref<2x2048xf32, #tpu.memory_space<vmem>> -> memref<1x6272xf32, #tpu.memory_space<vmem>>
      %dma_wait3A_196 = tpu.memref_squeeze %dma_wait3A_195 : memref<1x6272xf32, #tpu.memory_space<vmem>> -> memref<6272xf32, #tpu.memory_space<vmem>>
      %dma_wait3A_197 = tpu.memref_slice %arg5[%mul3A_19] : memref<100352xf32, #tpu.memory_space<hbm>> -> memref<6272xf32, #tpu.memory_space<hbm>>
      tpu.wait_dma2 semaphore(%run_scoped3A_182 : memref<!tpu.dma_semaphore, #tpu.memory_space<semaphore_mem>>) src(%dma_wait3A_197 : memref<6272xf32, #tpu.memory_space<hbm>>) dst(%dma_wait3A_196 : memref<6272xf32, #tpu.memory_space<vmem>>)
      tpu.yield
    }) : () -> ()
    %mul3A_21 = arith.constant 6272 : i32
    %mul3A_22 = arith.muli %arg1, %mul3A_21 : i32
    %run_scoped3A_23 = arith.constant 0 : i32
    "tpu.region"() ({
      %run_scoped3A_182 = tpu.sem_alloc : memref<!tpu.dma_semaphore, #tpu.memory_space<semaphore_mem>>
      %dma_start3A = arith.constant 0 : i32
      %dma_start3A_183 = tpu.memref_slice %arg21[%run_scoped3A_23, %dma_start3A] : memref<2x2048xf32, #tpu.memory_space<vmem>> -> memref<1x6272xf32, #tpu.memory_space<vmem>>
      %dma_start3A_184 = tpu.memref_squeeze %dma_start3A_183 : memref<1x6272xf32, #tpu.memory_space<vmem>> -> memref<6272xf32, #tpu.memory_space<vmem>>
      %dma_start3A_185 = tpu.memref_slice %arg18[%mul3A_22] : memref<100352xf32, #tpu.memory_space<vmem_shared>> -> memref<6272xf32, #tpu.memory_space<vmem_shared>>
      %dma_start3A_186 = tpu.memref_slice %arg18[%mul3A_22] : memref<100352xf32, #tpu.memory_space<vmem_shared>> -> memref<6272xf32, #tpu.memory_space<vmem_shared>>
      %dma_start3A_187 = arith.constant 0 : i32
      %dma_start3A_188 = tpu.memref_slice %arg21[%run_scoped3A_23, %dma_start3A_187] : memref<2x2048xf32, #tpu.memory_space<vmem>> -> memref<1x6272xf32, #tpu.memory_space<vmem>>
      %dma_start3A_189 = tpu.memref_squeeze %dma_start3A_188 : memref<1x6272xf32, #tpu.memory_space<vmem>> -> memref<6272xf32, #tpu.memory_space<vmem>>
      tpu.enqueue_dma source(%dma_start3A_189 : memref<6272xf32, #tpu.memory_space<vmem>>) target(%dma_start3A_186 : memref<6272xf32, #tpu.memory_space<vmem_shared>>) target_semaphore(%run_scoped3A_182 : memref<!tpu.dma_semaphore, #tpu.memory_space<semaphore_mem>>)
      %dma_wait3A_190 = arith.constant 0 : i32
      %dma_wait3A_191 = tpu.memref_slice %arg21[%run_scoped3A_23, %dma_wait3A_190] : memref<2x2048xf32, #tpu.memory_space<vmem>> -> memref<1x6272xf32, #tpu.memory_space<vmem>>
      %dma_wait3A_192 = tpu.memref_squeeze %dma_wait3A_191 : memref<1x6272xf32, #tpu.memory_space<vmem>> -> memref<6272xf32, #tpu.memory_space<vmem>>
      %dma_wait3A_193 = tpu.memref_slice %arg18[%mul3A_22] : memref<100352xf32, #tpu.memory_space<vmem_shared>> -> memref<6272xf32, #tpu.memory_space<vmem_shared>>
      %dma_wait3A_194 = tpu.memref_slice %arg18[%mul3A_22] : memref<100352xf32, #tpu.memory_space<vmem_shared>> -> memref<6272xf32, #tpu.memory_space<vmem_shared>>
      %dma_wait3A_195 = arith.constant 0 : i32
      %dma_wait3A_196 = tpu.memref_slice %arg21[%run_scoped3A_23, %dma_wait3A_195] : memref<2x2048xf32, #tpu.memory_space<vmem>> -> memref<1x6272xf32, #tpu.memory_space<vmem>>
      %dma_wait3A_197 = tpu.memref_squeeze %dma_wait3A_196 : memref<1x6272xf32, #tpu.memory_space<vmem>> -> memref<6272xf32, #tpu.memory_space<vmem>>
      tpu.wait_dma2 semaphore(%run_scoped3A_182 : memref<!tpu.dma_semaphore, #tpu.memory_space<semaphore_mem>>) src(%dma_wait3A_197 : memref<6272xf32, #tpu.memory_space<vmem>>) dst(%dma_wait3A_194 : memref<6272xf32, #tpu.memory_space<vmem_shared>>)
      tpu.yield
    }) : () -> ()
    %barrier3A = arith.constant 0 : index
    tpu.barrier barrier_id(%barrier3A)
    %scan3A = arith.constant 0 : i32
    %scan3A_24 = arith.constant 0 : i32
    %scan3A_25 = arith.constant 49 : i32
    %scan3A_26 = arith.addi %scan3A_24, %scan3A_25 : i32
    %scan3A_27 = arith.constant 1 : i32
    scf.for %scan3A_182 = %scan3A_24 to %scan3A_26 step %scan3A_27  : i32 {
      %jit3A = arith.constant 2 : i32
      %eq3A = arith.constant 0 : i32
      %eq3A_183 = arith.cmpi eq, %jit3A, %eq3A : i32
      %jit3A_184 = arith.constant 1 : i32
      %select_n3A = arith.select %eq3A_183, %jit3A_184, %jit3A : i32
      %rem3A = arith.remsi %scan3A_182, %select_n3A : i32
      %ne3A = arith.constant 0 : i32
      %ne3A_185 = arith.cmpi ne, %rem3A, %ne3A : i32
      %lt3A = arith.constant 0 : i32
      %lt3A_186 = arith.cmpi slt, %rem3A, %lt3A : i32
      %lt3A_187 = arith.constant 0 : i32
      %lt3A_188 = arith.cmpi slt, %select_n3A, %lt3A_187 : i32
      %ne3A_189 = arith.xori %lt3A_186, %lt3A_188 : i1
      %and3A = arith.andi %ne3A_189, %ne3A_185 : i1
      %add3A_190 = arith.addi %rem3A, %select_n3A : i32
      %select_n3A_191 = arith.select %and3A, %add3A_190, %rem3A : i32
      %ge3A = arith.constant 2 : i32
      %ge3A_192 = arith.cmpi sge, %scan3A_182, %ge3A : i32
      %eq3A_193 = arith.constant 0 : i32
      %eq3A_194 = arith.cmpi eq, %select_n3A_191, %eq3A_193 : i32
      %and3A_195 = arith.andi %ge3A_192, %eq3A_194 : i1
      %convert_element_type3A = arith.extui %and3A_195 : i1 to i32
      %cond3A = arith.constant 0 : i32
      %cond3A_196 = arith.cmpi ne, %convert_element_type3A, %cond3A : i32
      scf.if %cond3A_196 {
        %dma_wait3A_308 = arith.constant 0 : i32
        %dma_wait3A_309 = arith.constant 0 : i32
        %dma_wait3A_310 = tpu.memref_slice %arg21[%dma_wait3A_308, %dma_wait3A_309] : memref<2x2048xf32, #tpu.memory_space<vmem>> -> memref<1x2048xf32, #tpu.memory_space<vmem>>
        %dma_wait3A_311 = tpu.memref_squeeze %dma_wait3A_310 : memref<1x2048xf32, #tpu.memory_space<vmem>> -> memref<2048xf32, #tpu.memory_space<vmem>>
        %dma_wait3A_312 = arith.constant 0 : i32
        %dma_wait3A_313 = tpu.memref_slice %arg2[%dma_wait3A_312] : memref<100352xf32, #tpu.memory_space<hbm>> -> memref<2048xf32, #tpu.memory_space<hbm>>
        %dma_wait3A_314 = arith.constant 0 : i32
        %dma_wait3A_315 = tpu.memref_slice %arg21[%dma_wait3A_308, %dma_wait3A_314] : memref<2x2048xf32, #tpu.memory_space<vmem>> -> memref<1x2048xf32, #tpu.memory_space<vmem>>
        %dma_wait3A_316 = tpu.memref_squeeze %dma_wait3A_315 : memref<1x2048xf32, #tpu.memory_space<vmem>> -> memref<2048xf32, #tpu.memory_space<vmem>>
        %dma_wait3A_317 = arith.constant 0 : i32
        %dma_wait3A_318 = tpu.memref_slice %arg2[%dma_wait3A_317] : memref<100352xf32, #tpu.memory_space<hbm>> -> memref<2048xf32, #tpu.memory_space<hbm>>
        tpu.wait_dma2 semaphore(%arg29 : memref<!tpu.dma_semaphore, #tpu.memory_space<semaphore_mem>>) src(%dma_wait3A_318 : memref<2048xf32, #tpu.memory_space<hbm>>) dst(%dma_wait3A_316 : memref<2048xf32, #tpu.memory_space<vmem>>)
        %dma_wait3A_319 = arith.constant 0 : i32
        %dma_wait3A_320 = arith.constant 0 : i32
        %dma_wait3A_321 = tpu.memref_slice %arg22[%dma_wait3A_319, %dma_wait3A_320] : memref<2x2048xf32, #tpu.memory_space<vmem>> -> memref<1x2048xf32, #tpu.memory_space<vmem>>
        %dma_wait3A_322 = tpu.memref_squeeze %dma_wait3A_321 : memref<1x2048xf32, #tpu.memory_space<vmem>> -> memref<2048xf32, #tpu.memory_space<vmem>>
        %dma_wait3A_323 = arith.constant 0 : i32
        %dma_wait3A_324 = tpu.memref_slice %arg2[%dma_wait3A_323] : memref<100352xf32, #tpu.memory_space<hbm>> -> memref<2048xf32, #tpu.memory_space<hbm>>
        %dma_wait3A_325 = arith.constant 0 : i32
        %dma_wait3A_326 = tpu.memref_slice %arg22[%dma_wait3A_319, %dma_wait3A_325] : memref<2x2048xf32, #tpu.memory_space<vmem>> -> memref<1x2048xf32, #tpu.memory_space<vmem>>
        %dma_wait3A_327 = tpu.memref_squeeze %dma_wait3A_326 : memref<1x2048xf32, #tpu.memory_space<vmem>> -> memref<2048xf32, #tpu.memory_space<vmem>>
        %dma_wait3A_328 = arith.constant 0 : i32
        %dma_wait3A_329 = tpu.memref_slice %arg2[%dma_wait3A_328] : memref<100352xf32, #tpu.memory_space<hbm>> -> memref<2048xf32, #tpu.memory_space<hbm>>
        tpu.wait_dma2 semaphore(%arg29 : memref<!tpu.dma_semaphore, #tpu.memory_space<semaphore_mem>>) src(%dma_wait3A_329 : memref<2048xf32, #tpu.memory_space<hbm>>) dst(%dma_wait3A_327 : memref<2048xf32, #tpu.memory_space<vmem>>)
        %dma_wait3A_330 = arith.constant 0 : i32
        %dma_wait3A_331 = arith.constant 0 : i32
        %dma_wait3A_332 = tpu.memref_slice %arg23[%dma_wait3A_330, %dma_wait3A_331] : memref<2x2048xf32, #tpu.memory_space<vmem>> -> memref<1x2048xf32, #tpu.memory_space<vmem>>
        %dma_wait3A_333 = tpu.memref_squeeze %dma_wait3A_332 : memref<1x2048xf32, #tpu.memory_space<vmem>> -> memref<2048xf32, #tpu.memory_space<vmem>>
        %dma_wait3A_334 = arith.constant 0 : i32
        %dma_wait3A_335 = tpu.memref_slice %arg2[%dma_wait3A_334] : memref<100352xf32, #tpu.memory_space<hbm>> -> memref<2048xf32, #tpu.memory_space<hbm>>
        %dma_wait3A_336 = arith.constant 0 : i32
        %dma_wait3A_337 = tpu.memref_slice %arg23[%dma_wait3A_330, %dma_wait3A_336] : memref<2x2048xf32, #tpu.memory_space<vmem>> -> memref<1x2048xf32, #tpu.memory_space<vmem>>
        %dma_wait3A_338 = tpu.memref_squeeze %dma_wait3A_337 : memref<1x2048xf32, #tpu.memory_space<vmem>> -> memref<2048xf32, #tpu.memory_space<vmem>>
        %dma_wait3A_339 = arith.constant 0 : i32
        %dma_wait3A_340 = tpu.memref_slice %arg2[%dma_wait3A_339] : memref<100352xf32, #tpu.memory_space<hbm>> -> memref<2048xf32, #tpu.memory_space<hbm>>
        tpu.wait_dma2 semaphore(%arg29 : memref<!tpu.dma_semaphore, #tpu.memory_space<semaphore_mem>>) src(%dma_wait3A_340 : memref<2048xf32, #tpu.memory_space<hbm>>) dst(%dma_wait3A_338 : memref<2048xf32, #tpu.memory_space<vmem>>)
        %dma_wait3A_341 = arith.constant 0 : i32
        %dma_wait3A_342 = arith.constant 0 : i32
        %dma_wait3A_343 = tpu.memref_slice %arg24[%dma_wait3A_341, %dma_wait3A_342] : memref<2x2048xf32, #tpu.memory_space<vmem>> -> memref<1x2048xf32, #tpu.memory_space<vmem>>
        %dma_wait3A_344 = tpu.memref_squeeze %dma_wait3A_343 : memref<1x2048xf32, #tpu.memory_space<vmem>> -> memref<2048xf32, #tpu.memory_space<vmem>>
        %dma_wait3A_345 = arith.constant 0 : i32
        %dma_wait3A_346 = tpu.memref_slice %arg2[%dma_wait3A_345] : memref<100352xf32, #tpu.memory_space<hbm>> -> memref<2048xf32, #tpu.memory_space<hbm>>
        %dma_wait3A_347 = arith.constant 0 : i32
        %dma_wait3A_348 = tpu.memref_slice %arg24[%dma_wait3A_341, %dma_wait3A_347] : memref<2x2048xf32, #tpu.memory_space<vmem>> -> memref<1x2048xf32, #tpu.memory_space<vmem>>
        %dma_wait3A_349 = tpu.memref_squeeze %dma_wait3A_348 : memref<1x2048xf32, #tpu.memory_space<vmem>> -> memref<2048xf32, #tpu.memory_space<vmem>>
        %dma_wait3A_350 = arith.constant 0 : i32
        %dma_wait3A_351 = tpu.memref_slice %arg2[%dma_wait3A_350] : memref<100352xf32, #tpu.memory_space<hbm>> -> memref<2048xf32, #tpu.memory_space<hbm>>
        tpu.wait_dma2 semaphore(%arg29 : memref<!tpu.dma_semaphore, #tpu.memory_space<semaphore_mem>>) src(%dma_wait3A_351 : memref<2048xf32, #tpu.memory_space<hbm>>) dst(%dma_wait3A_349 : memref<2048xf32, #tpu.memory_space<vmem>>)
        %dma_wait3A_352 = arith.constant 0 : i32
        %dma_wait3A_353 = arith.constant 0 : i32
        %dma_wait3A_354 = tpu.memref_slice %arg25[%dma_wait3A_352, %dma_wait3A_353] : memref<2x2048xf32, #tpu.memory_space<vmem>> -> memref<1x2048xf32, #tpu.memory_space<vmem>>
        %dma_wait3A_355 = tpu.memref_squeeze %dma_wait3A_354 : memref<1x2048xf32, #tpu.memory_space<vmem>> -> memref<2048xf32, #tpu.memory_space<vmem>>
        %dma_wait3A_356 = arith.constant 0 : i32
        %dma_wait3A_357 = tpu.memref_slice %arg2[%dma_wait3A_356] : memref<100352xf32, #tpu.memory_space<hbm>> -> memref<2048xf32, #tpu.memory_space<hbm>>
        %dma_wait3A_358 = arith.constant 0 : i32
        %dma_wait3A_359 = tpu.memref_slice %arg25[%dma_wait3A_352, %dma_wait3A_358] : memref<2x2048xf32, #tpu.memory_space<vmem>> -> memref<1x2048xf32, #tpu.memory_space<vmem>>
        %dma_wait3A_360 = tpu.memref_squeeze %dma_wait3A_359 : memref<1x2048xf32, #tpu.memory_space<vmem>> -> memref<2048xf32, #tpu.memory_space<vmem>>
        %dma_wait3A_361 = arith.constant 0 : i32
        %dma_wait3A_362 = tpu.memref_slice %arg2[%dma_wait3A_361] : memref<100352xf32, #tpu.memory_space<hbm>> -> memref<2048xf32, #tpu.memory_space<hbm>>
        tpu.wait_dma2 semaphore(%arg29 : memref<!tpu.dma_semaphore, #tpu.memory_space<semaphore_mem>>) src(%dma_wait3A_362 : memref<2048xf32, #tpu.memory_space<hbm>>) dst(%dma_wait3A_360 : memref<2048xf32, #tpu.memory_space<vmem>>)
        %dma_wait3A_363 = arith.constant 0 : i32
        %dma_wait3A_364 = arith.constant 0 : i32
        %dma_wait3A_365 = tpu.memref_slice %arg26[%dma_wait3A_363, %dma_wait3A_364] : memref<2x2048xf32, #tpu.memory_space<vmem>> -> memref<1x2048xf32, #tpu.memory_space<vmem>>
        %dma_wait3A_366 = tpu.memref_squeeze %dma_wait3A_365 : memref<1x2048xf32, #tpu.memory_space<vmem>> -> memref<2048xf32, #tpu.memory_space<vmem>>
        %dma_wait3A_367 = arith.constant 0 : i32
        %dma_wait3A_368 = tpu.memref_slice %arg2[%dma_wait3A_367] : memref<100352xf32, #tpu.memory_space<hbm>> -> memref<2048xf32, #tpu.memory_space<hbm>>
        %dma_wait3A_369 = arith.constant 0 : i32
        %dma_wait3A_370 = tpu.memref_slice %arg26[%dma_wait3A_363, %dma_wait3A_369] : memref<2x2048xf32, #tpu.memory_space<vmem>> -> memref<1x2048xf32, #tpu.memory_space<vmem>>
        %dma_wait3A_371 = tpu.memref_squeeze %dma_wait3A_370 : memref<1x2048xf32, #tpu.memory_space<vmem>> -> memref<2048xf32, #tpu.memory_space<vmem>>
        %dma_wait3A_372 = arith.constant 0 : i32
        %dma_wait3A_373 = tpu.memref_slice %arg2[%dma_wait3A_372] : memref<100352xf32, #tpu.memory_space<hbm>> -> memref<2048xf32, #tpu.memory_space<hbm>>
        tpu.wait_dma2 semaphore(%arg29 : memref<!tpu.dma_semaphore, #tpu.memory_space<semaphore_mem>>) src(%dma_wait3A_373 : memref<2048xf32, #tpu.memory_space<hbm>>) dst(%dma_wait3A_371 : memref<2048xf32, #tpu.memory_space<vmem>>)
        %dma_wait3A_374 = arith.constant 0 : i32
        %dma_wait3A_375 = arith.constant 0 : i32
        %dma_wait3A_376 = tpu.memref_slice %arg27[%dma_wait3A_374, %dma_wait3A_375] : memref<2x2048xf32, #tpu.memory_space<vmem>> -> memref<1x2048xf32, #tpu.memory_space<vmem>>
        %dma_wait3A_377 = tpu.memref_squeeze %dma_wait3A_376 : memref<1x2048xf32, #tpu.memory_space<vmem>> -> memref<2048xf32, #tpu.memory_space<vmem>>
        %dma_wait3A_378 = arith.constant 0 : i32
        %dma_wait3A_379 = tpu.memref_slice %arg2[%dma_wait3A_378] : memref<100352xf32, #tpu.memory_space<hbm>> -> memref<2048xf32, #tpu.memory_space<hbm>>
        %dma_wait3A_380 = arith.constant 0 : i32
        %dma_wait3A_381 = tpu.memref_slice %arg27[%dma_wait3A_374, %dma_wait3A_380] : memref<2x2048xf32, #tpu.memory_space<vmem>> -> memref<1x2048xf32, #tpu.memory_space<vmem>>
        %dma_wait3A_382 = tpu.memref_squeeze %dma_wait3A_381 : memref<1x2048xf32, #tpu.memory_space<vmem>> -> memref<2048xf32, #tpu.memory_space<vmem>>
        %dma_wait3A_383 = arith.constant 0 : i32
        %dma_wait3A_384 = tpu.memref_slice %arg2[%dma_wait3A_383] : memref<100352xf32, #tpu.memory_space<hbm>> -> memref<2048xf32, #tpu.memory_space<hbm>>
        tpu.wait_dma2 semaphore(%arg29 : memref<!tpu.dma_semaphore, #tpu.memory_space<semaphore_mem>>) src(%dma_wait3A_384 : memref<2048xf32, #tpu.memory_space<hbm>>) dst(%dma_wait3A_382 : memref<2048xf32, #tpu.memory_space<vmem>>)
      } else {
      }
      %ge3A_197 = arith.constant 2 : i32
      %ge3A_198 = arith.cmpi sge, %scan3A_182, %ge3A_197 : i32
      %eq3A_199 = arith.constant 1 : i32
      %eq3A_200 = arith.cmpi eq, %select_n3A_191, %eq3A_199 : i32
      %and3A_201 = arith.andi %ge3A_198, %eq3A_200 : i1
      %convert_element_type3A_202 = arith.extui %and3A_201 : i1 to i32
      %cond3A_203 = arith.constant 0 : i32
      %cond3A_204 = arith.cmpi ne, %convert_element_type3A_202, %cond3A_203 : i32
      scf.if %cond3A_204 {
        %dma_wait3A_308 = arith.constant 0 : i32
        %dma_wait3A_309 = arith.constant 0 : i32
        %dma_wait3A_310 = tpu.memref_slice %arg21[%dma_wait3A_308, %dma_wait3A_309] : memref<2x2048xf32, #tpu.memory_space<vmem>> -> memref<1x2048xf32, #tpu.memory_space<vmem>>
        %dma_wait3A_311 = tpu.memref_squeeze %dma_wait3A_310 : memref<1x2048xf32, #tpu.memory_space<vmem>> -> memref<2048xf32, #tpu.memory_space<vmem>>
        %dma_wait3A_312 = arith.constant 0 : i32
        %dma_wait3A_313 = tpu.memref_slice %arg2[%dma_wait3A_312] : memref<100352xf32, #tpu.memory_space<hbm>> -> memref<2048xf32, #tpu.memory_space<hbm>>
        %dma_wait3A_314 = arith.constant 0 : i32
        %dma_wait3A_315 = tpu.memref_slice %arg21[%dma_wait3A_308, %dma_wait3A_314] : memref<2x2048xf32, #tpu.memory_space<vmem>> -> memref<1x2048xf32, #tpu.memory_space<vmem>>
        %dma_wait3A_316 = tpu.memref_squeeze %dma_wait3A_315 : memref<1x2048xf32, #tpu.memory_space<vmem>> -> memref<2048xf32, #tpu.memory_space<vmem>>
        %dma_wait3A_317 = arith.constant 0 : i32
        %dma_wait3A_318 = tpu.memref_slice %arg2[%dma_wait3A_317] : memref<100352xf32, #tpu.memory_space<hbm>> -> memref<2048xf32, #tpu.memory_space<hbm>>
        tpu.wait_dma2 semaphore(%arg30 : memref<!tpu.dma_semaphore, #tpu.memory_space<semaphore_mem>>) src(%dma_wait3A_318 : memref<2048xf32, #tpu.memory_space<hbm>>) dst(%dma_wait3A_316 : memref<2048xf32, #tpu.memory_space<vmem>>)
        %dma_wait3A_319 = arith.constant 0 : i32
        %dma_wait3A_320 = arith.constant 0 : i32
        %dma_wait3A_321 = tpu.memref_slice %arg22[%dma_wait3A_319, %dma_wait3A_320] : memref<2x2048xf32, #tpu.memory_space<vmem>> -> memref<1x2048xf32, #tpu.memory_space<vmem>>
        %dma_wait3A_322 = tpu.memref_squeeze %dma_wait3A_321 : memref<1x2048xf32, #tpu.memory_space<vmem>> -> memref<2048xf32, #tpu.memory_space<vmem>>
        %dma_wait3A_323 = arith.constant 0 : i32
        %dma_wait3A_324 = tpu.memref_slice %arg2[%dma_wait3A_323] : memref<100352xf32, #tpu.memory_space<hbm>> -> memref<2048xf32, #tpu.memory_space<hbm>>
        %dma_wait3A_325 = arith.constant 0 : i32
        %dma_wait3A_326 = tpu.memref_slice %arg22[%dma_wait3A_319, %dma_wait3A_325] : memref<2x2048xf32, #tpu.memory_space<vmem>> -> memref<1x2048xf32, #tpu.memory_space<vmem>>
        %dma_wait3A_327 = tpu.memref_squeeze %dma_wait3A_326 : memref<1x2048xf32, #tpu.memory_space<vmem>> -> memref<2048xf32, #tpu.memory_space<vmem>>
        %dma_wait3A_328 = arith.constant 0 : i32
        %dma_wait3A_329 = tpu.memref_slice %arg2[%dma_wait3A_328] : memref<100352xf32, #tpu.memory_space<hbm>> -> memref<2048xf32, #tpu.memory_space<hbm>>
        tpu.wait_dma2 semaphore(%arg30 : memref<!tpu.dma_semaphore, #tpu.memory_space<semaphore_mem>>) src(%dma_wait3A_329 : memref<2048xf32, #tpu.memory_space<hbm>>) dst(%dma_wait3A_327 : memref<2048xf32, #tpu.memory_space<vmem>>)
        %dma_wait3A_330 = arith.constant 0 : i32
        %dma_wait3A_331 = arith.constant 0 : i32
        %dma_wait3A_332 = tpu.memref_slice %arg23[%dma_wait3A_330, %dma_wait3A_331] : memref<2x2048xf32, #tpu.memory_space<vmem>> -> memref<1x2048xf32, #tpu.memory_space<vmem>>
        %dma_wait3A_333 = tpu.memref_squeeze %dma_wait3A_332 : memref<1x2048xf32, #tpu.memory_space<vmem>> -> memref<2048xf32, #tpu.memory_space<vmem>>
        %dma_wait3A_334 = arith.constant 0 : i32
        %dma_wait3A_335 = tpu.memref_slice %arg2[%dma_wait3A_334] : memref<100352xf32, #tpu.memory_space<hbm>> -> memref<2048xf32, #tpu.memory_space<hbm>>
        %dma_wait3A_336 = arith.constant 0 : i32
        %dma_wait3A_337 = tpu.memref_slice %arg23[%dma_wait3A_330, %dma_wait3A_336] : memref<2x2048xf32, #tpu.memory_space<vmem>> -> memref<1x2048xf32, #tpu.memory_space<vmem>>
        %dma_wait3A_338 = tpu.memref_squeeze %dma_wait3A_337 : memref<1x2048xf32, #tpu.memory_space<vmem>> -> memref<2048xf32, #tpu.memory_space<vmem>>
        %dma_wait3A_339 = arith.constant 0 : i32
        %dma_wait3A_340 = tpu.memref_slice %arg2[%dma_wait3A_339] : memref<100352xf32, #tpu.memory_space<hbm>> -> memref<2048xf32, #tpu.memory_space<hbm>>
        tpu.wait_dma2 semaphore(%arg30 : memref<!tpu.dma_semaphore, #tpu.memory_space<semaphore_mem>>) src(%dma_wait3A_340 : memref<2048xf32, #tpu.memory_space<hbm>>) dst(%dma_wait3A_338 : memref<2048xf32, #tpu.memory_space<vmem>>)
        %dma_wait3A_341 = arith.constant 0 : i32
        %dma_wait3A_342 = arith.constant 0 : i32
        %dma_wait3A_343 = tpu.memref_slice %arg24[%dma_wait3A_341, %dma_wait3A_342] : memref<2x2048xf32, #tpu.memory_space<vmem>> -> memref<1x2048xf32, #tpu.memory_space<vmem>>
        %dma_wait3A_344 = tpu.memref_squeeze %dma_wait3A_343 : memref<1x2048xf32, #tpu.memory_space<vmem>> -> memref<2048xf32, #tpu.memory_space<vmem>>
        %dma_wait3A_345 = arith.constant 0 : i32
        %dma_wait3A_346 = tpu.memref_slice %arg2[%dma_wait3A_345] : memref<100352xf32, #tpu.memory_space<hbm>> -> memref<2048xf32, #tpu.memory_space<hbm>>
        %dma_wait3A_347 = arith.constant 0 : i32
        %dma_wait3A_348 = tpu.memref_slice %arg24[%dma_wait3A_341, %dma_wait3A_347] : memref<2x2048xf32, #tpu.memory_space<vmem>> -> memref<1x2048xf32, #tpu.memory_space<vmem>>
        %dma_wait3A_349 = tpu.memref_squeeze %dma_wait3A_348 : memref<1x2048xf32, #tpu.memory_space<vmem>> -> memref<2048xf32, #tpu.memory_space<vmem>>
        %dma_wait3A_350 = arith.constant 0 : i32
        %dma_wait3A_351 = tpu.memref_slice %arg2[%dma_wait3A_350] : memref<100352xf32, #tpu.memory_space<hbm>> -> memref<2048xf32, #tpu.memory_space<hbm>>
        tpu.wait_dma2 semaphore(%arg30 : memref<!tpu.dma_semaphore, #tpu.memory_space<semaphore_mem>>) src(%dma_wait3A_351 : memref<2048xf32, #tpu.memory_space<hbm>>) dst(%dma_wait3A_349 : memref<2048xf32, #tpu.memory_space<vmem>>)
        %dma_wait3A_352 = arith.constant 0 : i32
        %dma_wait3A_353 = arith.constant 0 : i32
        %dma_wait3A_354 = tpu.memref_slice %arg25[%dma_wait3A_352, %dma_wait3A_353] : memref<2x2048xf32, #tpu.memory_space<vmem>> -> memref<1x2048xf32, #tpu.memory_space<vmem>>
        %dma_wait3A_355 = tpu.memref_squeeze %dma_wait3A_354 : memref<1x2048xf32, #tpu.memory_space<vmem>> -> memref<2048xf32, #tpu.memory_space<vmem>>
        %dma_wait3A_356 = arith.constant 0 : i32
        %dma_wait3A_357 = tpu.memref_slice %arg2[%dma_wait3A_356] : memref<100352xf32, #tpu.memory_space<hbm>> -> memref<2048xf32, #tpu.memory_space<hbm>>
        %dma_wait3A_358 = arith.constant 0 : i32
        %dma_wait3A_359 = tpu.memref_slice %arg25[%dma_wait3A_352, %dma_wait3A_358] : memref<2x2048xf32, #tpu.memory_space<vmem>> -> memref<1x2048xf32, #tpu.memory_space<vmem>>
        %dma_wait3A_360 = tpu.memref_squeeze %dma_wait3A_359 : memref<1x2048xf32, #tpu.memory_space<vmem>> -> memref<2048xf32, #tpu.memory_space<vmem>>
        %dma_wait3A_361 = arith.constant 0 : i32
        %dma_wait3A_362 = tpu.memref_slice %arg2[%dma_wait3A_361] : memref<100352xf32, #tpu.memory_space<hbm>> -> memref<2048xf32, #tpu.memory_space<hbm>>
        tpu.wait_dma2 semaphore(%arg30 : memref<!tpu.dma_semaphore, #tpu.memory_space<semaphore_mem>>) src(%dma_wait3A_362 : memref<2048xf32, #tpu.memory_space<hbm>>) dst(%dma_wait3A_360 : memref<2048xf32, #tpu.memory_space<vmem>>)
        %dma_wait3A_363 = arith.constant 0 : i32
        %dma_wait3A_364 = arith.constant 0 : i32
        %dma_wait3A_365 = tpu.memref_slice %arg26[%dma_wait3A_363, %dma_wait3A_364] : memref<2x2048xf32, #tpu.memory_space<vmem>> -> memref<1x2048xf32, #tpu.memory_space<vmem>>
        %dma_wait3A_366 = tpu.memref_squeeze %dma_wait3A_365 : memref<1x2048xf32, #tpu.memory_space<vmem>> -> memref<2048xf32, #tpu.memory_space<vmem>>
        %dma_wait3A_367 = arith.constant 0 : i32
        %dma_wait3A_368 = tpu.memref_slice %arg2[%dma_wait3A_367] : memref<100352xf32, #tpu.memory_space<hbm>> -> memref<2048xf32, #tpu.memory_space<hbm>>
        %dma_wait3A_369 = arith.constant 0 : i32
        %dma_wait3A_370 = tpu.memref_slice %arg26[%dma_wait3A_363, %dma_wait3A_369] : memref<2x2048xf32, #tpu.memory_space<vmem>> -> memref<1x2048xf32, #tpu.memory_space<vmem>>
        %dma_wait3A_371 = tpu.memref_squeeze %dma_wait3A_370 : memref<1x2048xf32, #tpu.memory_space<vmem>> -> memref<2048xf32, #tpu.memory_space<vmem>>
        %dma_wait3A_372 = arith.constant 0 : i32
        %dma_wait3A_373 = tpu.memref_slice %arg2[%dma_wait3A_372] : memref<100352xf32, #tpu.memory_space<hbm>> -> memref<2048xf32, #tpu.memory_space<hbm>>
        tpu.wait_dma2 semaphore(%arg30 : memref<!tpu.dma_semaphore, #tpu.memory_space<semaphore_mem>>) src(%dma_wait3A_373 : memref<2048xf32, #tpu.memory_space<hbm>>) dst(%dma_wait3A_371 : memref<2048xf32, #tpu.memory_space<vmem>>)
        %dma_wait3A_374 = arith.constant 0 : i32
        %dma_wait3A_375 = arith.constant 0 : i32
        %dma_wait3A_376 = tpu.memref_slice %arg27[%dma_wait3A_374, %dma_wait3A_375] : memref<2x2048xf32, #tpu.memory_space<vmem>> -> memref<1x2048xf32, #tpu.memory_space<vmem>>
        %dma_wait3A_377 = tpu.memref_squeeze %dma_wait3A_376 : memref<1x2048xf32, #tpu.memory_space<vmem>> -> memref<2048xf32, #tpu.memory_space<vmem>>
        %dma_wait3A_378 = arith.constant 0 : i32
        %dma_wait3A_379 = tpu.memref_slice %arg2[%dma_wait3A_378] : memref<100352xf32, #tpu.memory_space<hbm>> -> memref<2048xf32, #tpu.memory_space<hbm>>
        %dma_wait3A_380 = arith.constant 0 : i32
        %dma_wait3A_381 = tpu.memref_slice %arg27[%dma_wait3A_374, %dma_wait3A_380] : memref<2x2048xf32, #tpu.memory_space<vmem>> -> memref<1x2048xf32, #tpu.memory_space<vmem>>
        %dma_wait3A_382 = tpu.memref_squeeze %dma_wait3A_381 : memref<1x2048xf32, #tpu.memory_space<vmem>> -> memref<2048xf32, #tpu.memory_space<vmem>>
        %dma_wait3A_383 = arith.constant 0 : i32
        %dma_wait3A_384 = tpu.memref_slice %arg2[%dma_wait3A_383] : memref<100352xf32, #tpu.memory_space<hbm>> -> memref<2048xf32, #tpu.memory_space<hbm>>
        tpu.wait_dma2 semaphore(%arg30 : memref<!tpu.dma_semaphore, #tpu.memory_space<semaphore_mem>>) src(%dma_wait3A_384 : memref<2048xf32, #tpu.memory_space<hbm>>) dst(%dma_wait3A_382 : memref<2048xf32, #tpu.memory_space<vmem>>)
      } else {
      }
      %mul3A_205 = arith.constant 784 : i32
      %mul3A_206 = arith.muli %add3A, %mul3A_205 : i32
      %mul3A_207 = arith.constant 16 : i32
      %mul3A_208 = arith.muli %scan3A_182, %mul3A_207 : i32
      %add3A_209 = arith.addi %mul3A_206, %mul3A_208 : i32
      "tpu.region"() ({
        %run_scoped3A_308 = tpu.sem_alloc : memref<!tpu.dma_semaphore, #tpu.memory_space<semaphore_mem>>
        %dma_start3A = arith.constant 0 : i32
        %dma_start3A_309 = tpu.memref_slice %arg6[%add3A_209, %dma_start3A] : memref<25088x128xi32, #tpu.memory_space<hbm>> -> memref<16x128xi32, #tpu.memory_space<hbm>>
        %dma_start3A_310 = arith.constant 0 : i32
        %dma_start3A_311 = tpu.memref_slice %arg6[%add3A_209, %dma_start3A_310] : memref<25088x128xi32, #tpu.memory_space<hbm>> -> memref<16x128xi32, #tpu.memory_space<hbm>>
        tpu.enqueue_dma source(%dma_start3A_311 : memref<16x128xi32, #tpu.memory_space<hbm>>) target(%arg19 : memref<16x128xi32, #tpu.memory_space<vmem>>) target_semaphore(%run_scoped3A_308 : memref<!tpu.dma_semaphore, #tpu.memory_space<semaphore_mem>>)
        %dma_wait3A_312 = arith.constant 0 : i32
        %dma_wait3A_313 = tpu.memref_slice %arg6[%add3A_209, %dma_wait3A_312] : memref<25088x128xi32, #tpu.memory_space<hbm>> -> memref<16x128xi32, #tpu.memory_space<hbm>>
        %dma_wait3A_314 = arith.constant 0 : i32
        %dma_wait3A_315 = tpu.memref_slice %arg6[%add3A_209, %dma_wait3A_314] : memref<25088x128xi32, #tpu.memory_space<hbm>> -> memref<16x128xi32, #tpu.memory_space<hbm>>
        tpu.wait_dma2 semaphore(%run_scoped3A_308 : memref<!tpu.dma_semaphore, #tpu.memory_space<semaphore_mem>>) src(%dma_wait3A_315 : memref<16x128xi32, #tpu.memory_space<hbm>>) dst(%arg19 : memref<16x128xi32, #tpu.memory_space<vmem>>)
        tpu.yield
      }) : () -> ()
      "tpu.region"() ({
        %run_scoped3A_308 = tpu.sem_alloc : memref<!tpu.dma_semaphore, #tpu.memory_space<semaphore_mem>>
        %dma_start3A = arith.constant 0 : i32
        %dma_start3A_309 = tpu.memref_slice %arg7[%add3A_209, %dma_start3A] : memref<25088x128xi32, #tpu.memory_space<hbm>> -> memref<16x128xi32, #tpu.memory_space<hbm>>
        %dma_start3A_310 = arith.constant 0 : i32
        %dma_start3A_311 = tpu.memref_slice %arg7[%add3A_209, %dma_start3A_310] : memref<25088x128xi32, #tpu.memory_space<hbm>> -> memref<16x128xi32, #tpu.memory_space<hbm>>
        tpu.enqueue_dma source(%dma_start3A_311 : memref<16x128xi32, #tpu.memory_space<hbm>>) target(%arg20 : memref<16x128xi32, #tpu.memory_space<vmem>>) target_semaphore(%run_scoped3A_308 : memref<!tpu.dma_semaphore, #tpu.memory_space<semaphore_mem>>)
        %dma_wait3A_312 = arith.constant 0 : i32
        %dma_wait3A_313 = tpu.memref_slice %arg7[%add3A_209, %dma_wait3A_312] : memref<25088x128xi32, #tpu.memory_space<hbm>> -> memref<16x128xi32, #tpu.memory_space<hbm>>
        %dma_wait3A_314 = arith.constant 0 : i32
        %dma_wait3A_315 = tpu.memref_slice %arg7[%add3A_209, %dma_wait3A_314] : memref<25088x128xi32, #tpu.memory_space<hbm>> -> memref<16x128xi32, #tpu.memory_space<hbm>>
        tpu.wait_dma2 semaphore(%run_scoped3A_308 : memref<!tpu.dma_semaphore, #tpu.memory_space<semaphore_mem>>) src(%dma_wait3A_315 : memref<16x128xi32, #tpu.memory_space<hbm>>) dst(%arg20 : memref<16x128xi32, #tpu.memory_space<vmem>>)
        tpu.yield
      }) : () -> ()
      %scan3A_210 = arith.constant 0 : i32
      %scan3A_211 = arith.constant 0 : i32
      %scan3A_212 = arith.constant 16 : i32
      %scan3A_213 = arith.addi %scan3A_211, %scan3A_212 : i32
      %scan3A_214 = arith.constant 1 : i32
      scf.for %scan3A_308 = %scan3A_211 to %scan3A_213 step %scan3A_214  : i32 {
        %mul3A_309 = arith.constant 128 : i32
        %mul3A_310 = arith.muli %scan3A_308, %mul3A_309 : i32
        %dma_start3A = tpu.memref_slice %arg21[%select_n3A_191, %mul3A_310] : memref<2x2048xf32, #tpu.memory_space<vmem>> -> memref<1x128xf32, #tpu.memory_space<vmem>>
        %dma_start3A_311 = tpu.memref_squeeze %dma_start3A : memref<1x128xf32, #tpu.memory_space<vmem>> -> memref<128xf32, #tpu.memory_space<vmem>>
        %dma_start3A_312 = arith.constant 0 : i32
        %dma_start3A_313 = tpu.memref_slice %arg19[%scan3A_308, %dma_start3A_312] : memref<16x128xi32, #tpu.memory_space<vmem>> -> memref<1x128xi32, #tpu.memory_space<vmem>>
        %dma_start3A_314 = tpu.memref_squeeze %dma_start3A_313 : memref<1x128xi32, #tpu.memory_space<vmem>> -> memref<128xi32, #tpu.memory_space<vmem>>
        %dma_start3A_315 = arith.constant 0 : i32
        %dma_start3A_316 = tpu.memref_slice %arg15[%dma_start3A_315] : memref<100352xf32, #tpu.memory_space<vmem_shared>> -> memref<100352xf32, #tpu.memory_space<vmem_shared>>
        tpu.enqueue_indirect_dma source(%dma_start3A_316 : memref<100352xf32, #tpu.memory_space<vmem_shared>>) target(%dma_start3A_311 : memref<128xf32, #tpu.memory_space<vmem>>) offsets(%dma_start3A_314 : memref<128xi32, #tpu.memory_space<vmem>>) semaphore(%arg28 : memref<!tpu.dma_semaphore, #tpu.memory_space<semaphore_mem>>)
        %dma_start3A_317 = tpu.memref_slice %arg22[%select_n3A_191, %mul3A_310] : memref<2x2048xf32, #tpu.memory_space<vmem>> -> memref<1x128xf32, #tpu.memory_space<vmem>>
        %dma_start3A_318 = tpu.memref_squeeze %dma_start3A_317 : memref<1x128xf32, #tpu.memory_space<vmem>> -> memref<128xf32, #tpu.memory_space<vmem>>
        %dma_start3A_319 = arith.constant 0 : i32
        %dma_start3A_320 = tpu.memref_slice %arg19[%scan3A_308, %dma_start3A_319] : memref<16x128xi32, #tpu.memory_space<vmem>> -> memref<1x128xi32, #tpu.memory_space<vmem>>
        %dma_start3A_321 = tpu.memref_squeeze %dma_start3A_320 : memref<1x128xi32, #tpu.memory_space<vmem>> -> memref<128xi32, #tpu.memory_space<vmem>>
        %dma_start3A_322 = arith.constant 0 : i32
        %dma_start3A_323 = tpu.memref_slice %arg16[%dma_start3A_322] : memref<100352xf32, #tpu.memory_space<vmem_shared>> -> memref<100352xf32, #tpu.memory_space<vmem_shared>>
        tpu.enqueue_indirect_dma source(%dma_start3A_323 : memref<100352xf32, #tpu.memory_space<vmem_shared>>) target(%dma_start3A_318 : memref<128xf32, #tpu.memory_space<vmem>>) offsets(%dma_start3A_321 : memref<128xi32, #tpu.memory_space<vmem>>) semaphore(%arg28 : memref<!tpu.dma_semaphore, #tpu.memory_space<semaphore_mem>>)
        %dma_start3A_324 = tpu.memref_slice %arg23[%select_n3A_191, %mul3A_310] : memref<2x2048xf32, #tpu.memory_space<vmem>> -> memref<1x128xf32, #tpu.memory_space<vmem>>
        %dma_start3A_325 = tpu.memref_squeeze %dma_start3A_324 : memref<1x128xf32, #tpu.memory_space<vmem>> -> memref<128xf32, #tpu.memory_space<vmem>>
        %dma_start3A_326 = arith.constant 0 : i32
        %dma_start3A_327 = tpu.memref_slice %arg19[%scan3A_308, %dma_start3A_326] : memref<16x128xi32, #tpu.memory_space<vmem>> -> memref<1x128xi32, #tpu.memory_space<vmem>>
        %dma_start3A_328 = tpu.memref_squeeze %dma_start3A_327 : memref<1x128xi32, #tpu.memory_space<vmem>> -> memref<128xi32, #tpu.memory_space<vmem>>
        %dma_start3A_329 = arith.constant 0 : i32
        %dma_start3A_330 = tpu.memref_slice %arg17[%dma_start3A_329] : memref<100352xf32, #tpu.memory_space<vmem_shared>> -> memref<100352xf32, #tpu.memory_space<vmem_shared>>
        tpu.enqueue_indirect_dma source(%dma_start3A_330 : memref<100352xf32, #tpu.memory_space<vmem_shared>>) target(%dma_start3A_325 : memref<128xf32, #tpu.memory_space<vmem>>) offsets(%dma_start3A_328 : memref<128xi32, #tpu.memory_space<vmem>>) semaphore(%arg28 : memref<!tpu.dma_semaphore, #tpu.memory_space<semaphore_mem>>)
        %dma_start3A_331 = tpu.memref_slice %arg24[%select_n3A_191, %mul3A_310] : memref<2x2048xf32, #tpu.memory_space<vmem>> -> memref<1x128xf32, #tpu.memory_space<vmem>>
        %dma_start3A_332 = tpu.memref_squeeze %dma_start3A_331 : memref<1x128xf32, #tpu.memory_space<vmem>> -> memref<128xf32, #tpu.memory_space<vmem>>
        %dma_start3A_333 = arith.constant 0 : i32
        %dma_start3A_334 = tpu.memref_slice %arg19[%scan3A_308, %dma_start3A_333] : memref<16x128xi32, #tpu.memory_space<vmem>> -> memref<1x128xi32, #tpu.memory_space<vmem>>
        %dma_start3A_335 = tpu.memref_squeeze %dma_start3A_334 : memref<1x128xi32, #tpu.memory_space<vmem>> -> memref<128xi32, #tpu.memory_space<vmem>>
        %dma_start3A_336 = arith.constant 0 : i32
        %dma_start3A_337 = tpu.memref_slice %arg18[%dma_start3A_336] : memref<100352xf32, #tpu.memory_space<vmem_shared>> -> memref<100352xf32, #tpu.memory_space<vmem_shared>>
        tpu.enqueue_indirect_dma source(%dma_start3A_337 : memref<100352xf32, #tpu.memory_space<vmem_shared>>) target(%dma_start3A_332 : memref<128xf32, #tpu.memory_space<vmem>>) offsets(%dma_start3A_335 : memref<128xi32, #tpu.memory_space<vmem>>) semaphore(%arg28 : memref<!tpu.dma_semaphore, #tpu.memory_space<semaphore_mem>>)
        %dma_start3A_338 = tpu.memref_slice %arg25[%select_n3A_191, %mul3A_310] : memref<2x2048xf32, #tpu.memory_space<vmem>> -> memref<1x128xf32, #tpu.memory_space<vmem>>
        %dma_start3A_339 = tpu.memref_squeeze %dma_start3A_338 : memref<1x128xf32, #tpu.memory_space<vmem>> -> memref<128xf32, #tpu.memory_space<vmem>>
        %dma_start3A_340 = arith.constant 0 : i32
        %dma_start3A_341 = tpu.memref_slice %arg20[%scan3A_308, %dma_start3A_340] : memref<16x128xi32, #tpu.memory_space<vmem>> -> memref<1x128xi32, #tpu.memory_space<vmem>>
        %dma_start3A_342 = tpu.memref_squeeze %dma_start3A_341 : memref<1x128xi32, #tpu.memory_space<vmem>> -> memref<128xi32, #tpu.memory_space<vmem>>
        %dma_start3A_343 = arith.constant 0 : i32
        %dma_start3A_344 = tpu.memref_slice %arg15[%dma_start3A_343] : memref<100352xf32, #tpu.memory_space<vmem_shared>> -> memref<100352xf32, #tpu.memory_space<vmem_shared>>
        tpu.enqueue_indirect_dma source(%dma_start3A_344 : memref<100352xf32, #tpu.memory_space<vmem_shared>>) target(%dma_start3A_339 : memref<128xf32, #tpu.memory_space<vmem>>) offsets(%dma_start3A_342 : memref<128xi32, #tpu.memory_space<vmem>>) semaphore(%arg28 : memref<!tpu.dma_semaphore, #tpu.memory_space<semaphore_mem>>)
        %dma_start3A_345 = tpu.memref_slice %arg26[%select_n3A_191, %mul3A_310] : memref<2x2048xf32, #tpu.memory_space<vmem>> -> memref<1x128xf32, #tpu.memory_space<vmem>>
        %dma_start3A_346 = tpu.memref_squeeze %dma_start3A_345 : memref<1x128xf32, #tpu.memory_space<vmem>> -> memref<128xf32, #tpu.memory_space<vmem>>
        %dma_start3A_347 = arith.constant 0 : i32
        %dma_start3A_348 = tpu.memref_slice %arg20[%scan3A_308, %dma_start3A_347] : memref<16x128xi32, #tpu.memory_space<vmem>> -> memref<1x128xi32, #tpu.memory_space<vmem>>
        %dma_start3A_349 = tpu.memref_squeeze %dma_start3A_348 : memref<1x128xi32, #tpu.memory_space<vmem>> -> memref<128xi32, #tpu.memory_space<vmem>>
        %dma_start3A_350 = arith.constant 0 : i32
        %dma_start3A_351 = tpu.memref_slice %arg16[%dma_start3A_350] : memref<100352xf32, #tpu.memory_space<vmem_shared>> -> memref<100352xf32, #tpu.memory_space<vmem_shared>>
        tpu.enqueue_indirect_dma source(%dma_start3A_351 : memref<100352xf32, #tpu.memory_space<vmem_shared>>) target(%dma_start3A_346 : memref<128xf32, #tpu.memory_space<vmem>>) offsets(%dma_start3A_349 : memref<128xi32, #tpu.memory_space<vmem>>) semaphore(%arg28 : memref<!tpu.dma_semaphore, #tpu.memory_space<semaphore_mem>>)
        %dma_start3A_352 = tpu.memref_slice %arg27[%select_n3A_191, %mul3A_310] : memref<2x2048xf32, #tpu.memory_space<vmem>> -> memref<1x128xf32, #tpu.memory_space<vmem>>
        %dma_start3A_353 = tpu.memref_squeeze %dma_start3A_352 : memref<1x128xf32, #tpu.memory_space<vmem>> -> memref<128xf32, #tpu.memory_space<vmem>>
        %dma_start3A_354 = arith.constant 0 : i32
        %dma_start3A_355 = tpu.memref_slice %arg20[%scan3A_308, %dma_start3A_354] : memref<16x128xi32, #tpu.memory_space<vmem>> -> memref<1x128xi32, #tpu.memory_space<vmem>>
        %dma_start3A_356 = tpu.memref_squeeze %dma_start3A_355 : memref<1x128xi32, #tpu.memory_space<vmem>> -> memref<128xi32, #tpu.memory_space<vmem>>
        %dma_start3A_357 = arith.constant 0 : i32
        %dma_start3A_358 = tpu.memref_slice %arg17[%dma_start3A_357] : memref<100352xf32, #tpu.memory_space<vmem_shared>> -> memref<100352xf32, #tpu.memory_space<vmem_shared>>
        tpu.enqueue_indirect_dma source(%dma_start3A_358 : memref<100352xf32, #tpu.memory_space<vmem_shared>>) target(%dma_start3A_353 : memref<128xf32, #tpu.memory_space<vmem>>) offsets(%dma_start3A_356 : memref<128xi32, #tpu.memory_space<vmem>>) semaphore(%arg28 : memref<!tpu.dma_semaphore, #tpu.memory_space<semaphore_mem>>)
      }
      %scan3A_215 = arith.constant 16 : i32
      %dma_wait3A_216 = arith.constant 0 : i32
      %dma_wait3A_217 = arith.constant 0 : i32
      %dma_wait3A_218 = tpu.memref_slice %arg21[%dma_wait3A_216, %dma_wait3A_217] : memref<2x2048xf32, #tpu.memory_space<vmem>> -> memref<1x2048xf32, #tpu.memory_space<vmem>>
      %dma_wait3A_219 = tpu.memref_squeeze %dma_wait3A_218 : memref<1x2048xf32, #tpu.memory_space<vmem>> -> memref<2048xf32, #tpu.memory_space<vmem>>
      %dma_wait3A_220 = arith.constant 0 : i32
      %dma_wait3A_221 = tpu.memref_slice %arg2[%dma_wait3A_220] : memref<100352xf32, #tpu.memory_space<hbm>> -> memref<2048xf32, #tpu.memory_space<hbm>>
      %dma_wait3A_222 = arith.constant 0 : i32
      %dma_wait3A_223 = tpu.memref_slice %arg21[%dma_wait3A_216, %dma_wait3A_222] : memref<2x2048xf32, #tpu.memory_space<vmem>> -> memref<1x2048xf32, #tpu.memory_space<vmem>>
      %dma_wait3A_224 = tpu.memref_squeeze %dma_wait3A_223 : memref<1x2048xf32, #tpu.memory_space<vmem>> -> memref<2048xf32, #tpu.memory_space<vmem>>
      %dma_wait3A_225 = arith.constant 0 : i32
      %dma_wait3A_226 = tpu.memref_slice %arg2[%dma_wait3A_225] : memref<100352xf32, #tpu.memory_space<hbm>> -> memref<2048xf32, #tpu.memory_space<hbm>>
      tpu.wait_dma2 semaphore(%arg28 : memref<!tpu.dma_semaphore, #tpu.memory_space<semaphore_mem>>) src(%dma_wait3A_226 : memref<2048xf32, #tpu.memory_space<hbm>>) dst(%dma_wait3A_224 : memref<2048xf32, #tpu.memory_space<vmem>>)
      %dma_wait3A_227 = arith.constant 0 : i32
      %dma_wait3A_228 = arith.constant 0 : i32
      %dma_wait3A_229 = tpu.memref_slice %arg22[%dma_wait3A_227, %dma_wait3A_228] : memref<2x2048xf32, #tpu.memory_space<vmem>> -> memref<1x2048xf32, #tpu.memory_space<vmem>>
      %dma_wait3A_230 = tpu.memref_squeeze %dma_wait3A_229 : memref<1x2048xf32, #tpu.memory_space<vmem>> -> memref<2048xf32, #tpu.memory_space<vmem>>
      %dma_wait3A_231 = arith.constant 0 : i32
      %dma_wait3A_232 = tpu.memref_slice %arg2[%dma_wait3A_231] : memref<100352xf32, #tpu.memory_space<hbm>> -> memref<2048xf32, #tpu.memory_space<hbm>>
      %dma_wait3A_233 = arith.constant 0 : i32
      %dma_wait3A_234 = tpu.memref_slice %arg22[%dma_wait3A_227, %dma_wait3A_233] : memref<2x2048xf32, #tpu.memory_space<vmem>> -> memref<1x2048xf32, #tpu.memory_space<vmem>>
      %dma_wait3A_235 = tpu.memref_squeeze %dma_wait3A_234 : memref<1x2048xf32, #tpu.memory_space<vmem>> -> memref<2048xf32, #tpu.memory_space<vmem>>
      %dma_wait3A_236 = arith.constant 0 : i32
      %dma_wait3A_237 = tpu.memref_slice %arg2[%dma_wait3A_236] : memref<100352xf32, #tpu.memory_space<hbm>> -> memref<2048xf32, #tpu.memory_space<hbm>>
      tpu.wait_dma2 semaphore(%arg28 : memref<!tpu.dma_semaphore, #tpu.memory_space<semaphore_mem>>) src(%dma_wait3A_237 : memref<2048xf32, #tpu.memory_space<hbm>>) dst(%dma_wait3A_235 : memref<2048xf32, #tpu.memory_space<vmem>>)
      %dma_wait3A_238 = arith.constant 0 : i32
      %dma_wait3A_239 = arith.constant 0 : i32
      %dma_wait3A_240 = tpu.memref_slice %arg23[%dma_wait3A_238, %dma_wait3A_239] : memref<2x2048xf32, #tpu.memory_space<vmem>> -> memref<1x2048xf32, #tpu.memory_space<vmem>>
      %dma_wait3A_241 = tpu.memref_squeeze %dma_wait3A_240 : memref<1x2048xf32, #tpu.memory_space<vmem>> -> memref<2048xf32, #tpu.memory_space<vmem>>
      %dma_wait3A_242 = arith.constant 0 : i32
      %dma_wait3A_243 = tpu.memref_slice %arg2[%dma_wait3A_242] : memref<100352xf32, #tpu.memory_space<hbm>> -> memref<2048xf32, #tpu.memory_space<hbm>>
      %dma_wait3A_244 = arith.constant 0 : i32
      %dma_wait3A_245 = tpu.memref_slice %arg23[%dma_wait3A_238, %dma_wait3A_244] : memref<2x2048xf32, #tpu.memory_space<vmem>> -> memref<1x2048xf32, #tpu.memory_space<vmem>>
      %dma_wait3A_246 = tpu.memref_squeeze %dma_wait3A_245 : memref<1x2048xf32, #tpu.memory_space<vmem>> -> memref<2048xf32, #tpu.memory_space<vmem>>
      %dma_wait3A_247 = arith.constant 0 : i32
      %dma_wait3A_248 = tpu.memref_slice %arg2[%dma_wait3A_247] : memref<100352xf32, #tpu.memory_space<hbm>> -> memref<2048xf32, #tpu.memory_space<hbm>>
      tpu.wait_dma2 semaphore(%arg28 : memref<!tpu.dma_semaphore, #tpu.memory_space<semaphore_mem>>) src(%dma_wait3A_248 : memref<2048xf32, #tpu.memory_space<hbm>>) dst(%dma_wait3A_246 : memref<2048xf32, #tpu.memory_space<vmem>>)
      %dma_wait3A_249 = arith.constant 0 : i32
      %dma_wait3A_250 = arith.constant 0 : i32
      %dma_wait3A_251 = tpu.memref_slice %arg24[%dma_wait3A_249, %dma_wait3A_250] : memref<2x2048xf32, #tpu.memory_space<vmem>> -> memref<1x2048xf32, #tpu.memory_space<vmem>>
      %dma_wait3A_252 = tpu.memref_squeeze %dma_wait3A_251 : memref<1x2048xf32, #tpu.memory_space<vmem>> -> memref<2048xf32, #tpu.memory_space<vmem>>
      %dma_wait3A_253 = arith.constant 0 : i32
      %dma_wait3A_254 = tpu.memref_slice %arg2[%dma_wait3A_253] : memref<100352xf32, #tpu.memory_space<hbm>> -> memref<2048xf32, #tpu.memory_space<hbm>>
      %dma_wait3A_255 = arith.constant 0 : i32
      %dma_wait3A_256 = tpu.memref_slice %arg24[%dma_wait3A_249, %dma_wait3A_255] : memref<2x2048xf32, #tpu.memory_space<vmem>> -> memref<1x2048xf32, #tpu.memory_space<vmem>>
      %dma_wait3A_257 = tpu.memref_squeeze %dma_wait3A_256 : memref<1x2048xf32, #tpu.memory_space<vmem>> -> memref<2048xf32, #tpu.memory_space<vmem>>
      %dma_wait3A_258 = arith.constant 0 : i32
      %dma_wait3A_259 = tpu.memref_slice %arg2[%dma_wait3A_258] : memref<100352xf32, #tpu.memory_space<hbm>> -> memref<2048xf32, #tpu.memory_space<hbm>>
      tpu.wait_dma2 semaphore(%arg28 : memref<!tpu.dma_semaphore, #tpu.memory_space<semaphore_mem>>) src(%dma_wait3A_259 : memref<2048xf32, #tpu.memory_space<hbm>>) dst(%dma_wait3A_257 : memref<2048xf32, #tpu.memory_space<vmem>>)
      %dma_wait3A_260 = arith.constant 0 : i32
      %dma_wait3A_261 = arith.constant 0 : i32
      %dma_wait3A_262 = tpu.memref_slice %arg25[%dma_wait3A_260, %dma_wait3A_261] : memref<2x2048xf32, #tpu.memory_space<vmem>> -> memref<1x2048xf32, #tpu.memory_space<vmem>>
      %dma_wait3A_263 = tpu.memref_squeeze %dma_wait3A_262 : memref<1x2048xf32, #tpu.memory_space<vmem>> -> memref<2048xf32, #tpu.memory_space<vmem>>
      %dma_wait3A_264 = arith.constant 0 : i32
      %dma_wait3A_265 = tpu.memref_slice %arg2[%dma_wait3A_264] : memref<100352xf32, #tpu.memory_space<hbm>> -> memref<2048xf32, #tpu.memory_space<hbm>>
      %dma_wait3A_266 = arith.constant 0 : i32
      %dma_wait3A_267 = tpu.memref_slice %arg25[%dma_wait3A_260, %dma_wait3A_266] : memref<2x2048xf32, #tpu.memory_space<vmem>> -> memref<1x2048xf32, #tpu.memory_space<vmem>>
      %dma_wait3A_268 = tpu.memref_squeeze %dma_wait3A_267 : memref<1x2048xf32, #tpu.memory_space<vmem>> -> memref<2048xf32, #tpu.memory_space<vmem>>
      %dma_wait3A_269 = arith.constant 0 : i32
      %dma_wait3A_270 = tpu.memref_slice %arg2[%dma_wait3A_269] : memref<100352xf32, #tpu.memory_space<hbm>> -> memref<2048xf32, #tpu.memory_space<hbm>>
      tpu.wait_dma2 semaphore(%arg28 : memref<!tpu.dma_semaphore, #tpu.memory_space<semaphore_mem>>) src(%dma_wait3A_270 : memref<2048xf32, #tpu.memory_space<hbm>>) dst(%dma_wait3A_268 : memref<2048xf32, #tpu.memory_space<vmem>>)
      %dma_wait3A_271 = arith.constant 0 : i32
      %dma_wait3A_272 = arith.constant 0 : i32
      %dma_wait3A_273 = tpu.memref_slice %arg26[%dma_wait3A_271, %dma_wait3A_272] : memref<2x2048xf32, #tpu.memory_space<vmem>> -> memref<1x2048xf32, #tpu.memory_space<vmem>>
      %dma_wait3A_274 = tpu.memref_squeeze %dma_wait3A_273 : memref<1x2048xf32, #tpu.memory_space<vmem>> -> memref<2048xf32, #tpu.memory_space<vmem>>
      %dma_wait3A_275 = arith.constant 0 : i32
      %dma_wait3A_276 = tpu.memref_slice %arg2[%dma_wait3A_275] : memref<100352xf32, #tpu.memory_space<hbm>> -> memref<2048xf32, #tpu.memory_space<hbm>>
      %dma_wait3A_277 = arith.constant 0 : i32
      %dma_wait3A_278 = tpu.memref_slice %arg26[%dma_wait3A_271, %dma_wait3A_277] : memref<2x2048xf32, #tpu.memory_space<vmem>> -> memref<1x2048xf32, #tpu.memory_space<vmem>>
      %dma_wait3A_279 = tpu.memref_squeeze %dma_wait3A_278 : memref<1x2048xf32, #tpu.memory_space<vmem>> -> memref<2048xf32, #tpu.memory_space<vmem>>
      %dma_wait3A_280 = arith.constant 0 : i32
      %dma_wait3A_281 = tpu.memref_slice %arg2[%dma_wait3A_280] : memref<100352xf32, #tpu.memory_space<hbm>> -> memref<2048xf32, #tpu.memory_space<hbm>>
      tpu.wait_dma2 semaphore(%arg28 : memref<!tpu.dma_semaphore, #tpu.memory_space<semaphore_mem>>) src(%dma_wait3A_281 : memref<2048xf32, #tpu.memory_space<hbm>>) dst(%dma_wait3A_279 : memref<2048xf32, #tpu.memory_space<vmem>>)
      %dma_wait3A_282 = arith.constant 0 : i32
      %dma_wait3A_283 = arith.constant 0 : i32
      %dma_wait3A_284 = tpu.memref_slice %arg27[%dma_wait3A_282, %dma_wait3A_283] : memref<2x2048xf32, #tpu.memory_space<vmem>> -> memref<1x2048xf32, #tpu.memory_space<vmem>>
      %dma_wait3A_285 = tpu.memref_squeeze %dma_wait3A_284 : memref<1x2048xf32, #tpu.memory_space<vmem>> -> memref<2048xf32, #tpu.memory_space<vmem>>
      %dma_wait3A_286 = arith.constant 0 : i32
      %dma_wait3A_287 = tpu.memref_slice %arg2[%dma_wait3A_286] : memref<100352xf32, #tpu.memory_space<hbm>> -> memref<2048xf32, #tpu.memory_space<hbm>>
      %dma_wait3A_288 = arith.constant 0 : i32
      %dma_wait3A_289 = tpu.memref_slice %arg27[%dma_wait3A_282, %dma_wait3A_288] : memref<2x2048xf32, #tpu.memory_space<vmem>> -> memref<1x2048xf32, #tpu.memory_space<vmem>>
      %dma_wait3A_290 = tpu.memref_squeeze %dma_wait3A_289 : memref<1x2048xf32, #tpu.memory_space<vmem>> -> memref<2048xf32, #tpu.memory_space<vmem>>
      %dma_wait3A_291 = arith.constant 0 : i32
      %dma_wait3A_292 = tpu.memref_slice %arg2[%dma_wait3A_291] : memref<100352xf32, #tpu.memory_space<hbm>> -> memref<2048xf32, #tpu.memory_space<hbm>>
      tpu.wait_dma2 semaphore(%arg28 : memref<!tpu.dma_semaphore, #tpu.memory_space<semaphore_mem>>) src(%dma_wait3A_292 : memref<2048xf32, #tpu.memory_space<hbm>>) dst(%dma_wait3A_290 : memref<2048xf32, #tpu.memory_space<vmem>>)
      %mul3A_293 = arith.constant 100352 : i32
      %mul3A_294 = arith.muli %add3A, %mul3A_293 : i32
      %mul3A_295 = arith.constant 2048 : i32
      %mul3A_296 = arith.muli %scan3A_182, %mul3A_295 : i32
      %add3A_297 = arith.addi %mul3A_294, %mul3A_296 : i32
      %eq3A_298 = arith.constant 0 : i32
      %eq3A_299 = arith.cmpi eq, %select_n3A_191, %eq3A_298 : i32
      %convert_element_type3A_300 = arith.extui %eq3A_299 : i1 to i32
      %cond3A_301 = arith.constant 0 : i32
      %cond3A_302 = arith.cmpi ne, %convert_element_type3A_300, %cond3A_301 : i32
      scf.if %cond3A_302 {
        %dma_start3A = arith.constant 0 : i32
        %dma_start3A_308 = arith.constant 0 : i32
        %dma_start3A_309 = tpu.memref_slice %arg21[%dma_start3A, %dma_start3A_308] : memref<2x2048xf32, #tpu.memory_space<vmem>> -> memref<1x2048xf32, #tpu.memory_space<vmem>>
        %dma_start3A_310 = tpu.memref_squeeze %dma_start3A_309 : memref<1x2048xf32, #tpu.memory_space<vmem>> -> memref<2048xf32, #tpu.memory_space<vmem>>
        %dma_start3A_311 = tpu.memref_slice %arg8[%add3A_297] : memref<3211264xf32, #tpu.memory_space<hbm>> -> memref<2048xf32, #tpu.memory_space<hbm>>
        %dma_start3A_312 = tpu.memref_slice %arg8[%add3A_297] : memref<3211264xf32, #tpu.memory_space<hbm>> -> memref<2048xf32, #tpu.memory_space<hbm>>
        %dma_start3A_313 = arith.constant 0 : i32
        %dma_start3A_314 = tpu.memref_slice %arg21[%dma_start3A, %dma_start3A_313] : memref<2x2048xf32, #tpu.memory_space<vmem>> -> memref<1x2048xf32, #tpu.memory_space<vmem>>
        %dma_start3A_315 = tpu.memref_squeeze %dma_start3A_314 : memref<1x2048xf32, #tpu.memory_space<vmem>> -> memref<2048xf32, #tpu.memory_space<vmem>>
        tpu.enqueue_dma source(%dma_start3A_315 : memref<2048xf32, #tpu.memory_space<vmem>>) target(%dma_start3A_312 : memref<2048xf32, #tpu.memory_space<hbm>>) target_semaphore(%arg29 : memref<!tpu.dma_semaphore, #tpu.memory_space<semaphore_mem>>)
        %dma_start3A_316 = arith.constant 0 : i32
        %dma_start3A_317 = arith.constant 0 : i32
        %dma_start3A_318 = tpu.memref_slice %arg22[%dma_start3A_316, %dma_start3A_317] : memref<2x2048xf32, #tpu.memory_space<vmem>> -> memref<1x2048xf32, #tpu.memory_space<vmem>>
        %dma_start3A_319 = tpu.memref_squeeze %dma_start3A_318 : memref<1x2048xf32, #tpu.memory_space<vmem>> -> memref<2048xf32, #tpu.memory_space<vmem>>
        %dma_start3A_320 = tpu.memref_slice %arg9[%add3A_297] : memref<3211264xf32, #tpu.memory_space<hbm>> -> memref<2048xf32, #tpu.memory_space<hbm>>
        %dma_start3A_321 = tpu.memref_slice %arg9[%add3A_297] : memref<3211264xf32, #tpu.memory_space<hbm>> -> memref<2048xf32, #tpu.memory_space<hbm>>
        %dma_start3A_322 = arith.constant 0 : i32
        %dma_start3A_323 = tpu.memref_slice %arg22[%dma_start3A_316, %dma_start3A_322] : memref<2x2048xf32, #tpu.memory_space<vmem>> -> memref<1x2048xf32, #tpu.memory_space<vmem>>
        %dma_start3A_324 = tpu.memref_squeeze %dma_start3A_323 : memref<1x2048xf32, #tpu.memory_space<vmem>> -> memref<2048xf32, #tpu.memory_space<vmem>>
        tpu.enqueue_dma source(%dma_start3A_324 : memref<2048xf32, #tpu.memory_space<vmem>>) target(%dma_start3A_321 : memref<2048xf32, #tpu.memory_space<hbm>>) target_semaphore(%arg29 : memref<!tpu.dma_semaphore, #tpu.memory_space<semaphore_mem>>)
        %dma_start3A_325 = arith.constant 0 : i32
        %dma_start3A_326 = arith.constant 0 : i32
        %dma_start3A_327 = tpu.memref_slice %arg23[%dma_start3A_325, %dma_start3A_326] : memref<2x2048xf32, #tpu.memory_space<vmem>> -> memref<1x2048xf32, #tpu.memory_space<vmem>>
        %dma_start3A_328 = tpu.memref_squeeze %dma_start3A_327 : memref<1x2048xf32, #tpu.memory_space<vmem>> -> memref<2048xf32, #tpu.memory_space<vmem>>
        %dma_start3A_329 = tpu.memref_slice %arg10[%add3A_297] : memref<3211264xf32, #tpu.memory_space<hbm>> -> memref<2048xf32, #tpu.memory_space<hbm>>
        %dma_start3A_330 = tpu.memref_slice %arg10[%add3A_297] : memref<3211264xf32, #tpu.memory_space<hbm>> -> memref<2048xf32, #tpu.memory_space<hbm>>
        %dma_start3A_331 = arith.constant 0 : i32
        %dma_start3A_332 = tpu.memref_slice %arg23[%dma_start3A_325, %dma_start3A_331] : memref<2x2048xf32, #tpu.memory_space<vmem>> -> memref<1x2048xf32, #tpu.memory_space<vmem>>
        %dma_start3A_333 = tpu.memref_squeeze %dma_start3A_332 : memref<1x2048xf32, #tpu.memory_space<vmem>> -> memref<2048xf32, #tpu.memory_space<vmem>>
        tpu.enqueue_dma source(%dma_start3A_333 : memref<2048xf32, #tpu.memory_space<vmem>>) target(%dma_start3A_330 : memref<2048xf32, #tpu.memory_space<hbm>>) target_semaphore(%arg29 : memref<!tpu.dma_semaphore, #tpu.memory_space<semaphore_mem>>)
        %dma_start3A_334 = arith.constant 0 : i32
        %dma_start3A_335 = arith.constant 0 : i32
        %dma_start3A_336 = tpu.memref_slice %arg24[%dma_start3A_334, %dma_start3A_335] : memref<2x2048xf32, #tpu.memory_space<vmem>> -> memref<1x2048xf32, #tpu.memory_space<vmem>>
        %dma_start3A_337 = tpu.memref_squeeze %dma_start3A_336 : memref<1x2048xf32, #tpu.memory_space<vmem>> -> memref<2048xf32, #tpu.memory_space<vmem>>
        %dma_start3A_338 = tpu.memref_slice %arg11[%add3A_297] : memref<3211264xf32, #tpu.memory_space<hbm>> -> memref<2048xf32, #tpu.memory_space<hbm>>
        %dma_start3A_339 = tpu.memref_slice %arg11[%add3A_297] : memref<3211264xf32, #tpu.memory_space<hbm>> -> memref<2048xf32, #tpu.memory_space<hbm>>
        %dma_start3A_340 = arith.constant 0 : i32
        %dma_start3A_341 = tpu.memref_slice %arg24[%dma_start3A_334, %dma_start3A_340] : memref<2x2048xf32, #tpu.memory_space<vmem>> -> memref<1x2048xf32, #tpu.memory_space<vmem>>
        %dma_start3A_342 = tpu.memref_squeeze %dma_start3A_341 : memref<1x2048xf32, #tpu.memory_space<vmem>> -> memref<2048xf32, #tpu.memory_space<vmem>>
        tpu.enqueue_dma source(%dma_start3A_342 : memref<2048xf32, #tpu.memory_space<vmem>>) target(%dma_start3A_339 : memref<2048xf32, #tpu.memory_space<hbm>>) target_semaphore(%arg29 : memref<!tpu.dma_semaphore, #tpu.memory_space<semaphore_mem>>)
        %dma_start3A_343 = arith.constant 0 : i32
        %dma_start3A_344 = arith.constant 0 : i32
        %dma_start3A_345 = tpu.memref_slice %arg25[%dma_start3A_343, %dma_start3A_344] : memref<2x2048xf32, #tpu.memory_space<vmem>> -> memref<1x2048xf32, #tpu.memory_space<vmem>>
        %dma_start3A_346 = tpu.memref_squeeze %dma_start3A_345 : memref<1x2048xf32, #tpu.memory_space<vmem>> -> memref<2048xf32, #tpu.memory_space<vmem>>
        %dma_start3A_347 = tpu.memref_slice %arg12[%add3A_297] : memref<3211264xf32, #tpu.memory_space<hbm>> -> memref<2048xf32, #tpu.memory_space<hbm>>
        %dma_start3A_348 = tpu.memref_slice %arg12[%add3A_297] : memref<3211264xf32, #tpu.memory_space<hbm>> -> memref<2048xf32, #tpu.memory_space<hbm>>
        %dma_start3A_349 = arith.constant 0 : i32
        %dma_start3A_350 = tpu.memref_slice %arg25[%dma_start3A_343, %dma_start3A_349] : memref<2x2048xf32, #tpu.memory_space<vmem>> -> memref<1x2048xf32, #tpu.memory_space<vmem>>
        %dma_start3A_351 = tpu.memref_squeeze %dma_start3A_350 : memref<1x2048xf32, #tpu.memory_space<vmem>> -> memref<2048xf32, #tpu.memory_space<vmem>>
        tpu.enqueue_dma source(%dma_start3A_351 : memref<2048xf32, #tpu.memory_space<vmem>>) target(%dma_start3A_348 : memref<2048xf32, #tpu.memory_space<hbm>>) target_semaphore(%arg29 : memref<!tpu.dma_semaphore, #tpu.memory_space<semaphore_mem>>)
        %dma_start3A_352 = arith.constant 0 : i32
        %dma_start3A_353 = arith.constant 0 : i32
        %dma_start3A_354 = tpu.memref_slice %arg26[%dma_start3A_352, %dma_start3A_353] : memref<2x2048xf32, #tpu.memory_space<vmem>> -> memref<1x2048xf32, #tpu.memory_space<vmem>>
        %dma_start3A_355 = tpu.memref_squeeze %dma_start3A_354 : memref<1x2048xf32, #tpu.memory_space<vmem>> -> memref<2048xf32, #tpu.memory_space<vmem>>
        %dma_start3A_356 = tpu.memref_slice %arg13[%add3A_297] : memref<3211264xf32, #tpu.memory_space<hbm>> -> memref<2048xf32, #tpu.memory_space<hbm>>
        %dma_start3A_357 = tpu.memref_slice %arg13[%add3A_297] : memref<3211264xf32, #tpu.memory_space<hbm>> -> memref<2048xf32, #tpu.memory_space<hbm>>
        %dma_start3A_358 = arith.constant 0 : i32
        %dma_start3A_359 = tpu.memref_slice %arg26[%dma_start3A_352, %dma_start3A_358] : memref<2x2048xf32, #tpu.memory_space<vmem>> -> memref<1x2048xf32, #tpu.memory_space<vmem>>
        %dma_start3A_360 = tpu.memref_squeeze %dma_start3A_359 : memref<1x2048xf32, #tpu.memory_space<vmem>> -> memref<2048xf32, #tpu.memory_space<vmem>>
        tpu.enqueue_dma source(%dma_start3A_360 : memref<2048xf32, #tpu.memory_space<vmem>>) target(%dma_start3A_357 : memref<2048xf32, #tpu.memory_space<hbm>>) target_semaphore(%arg29 : memref<!tpu.dma_semaphore, #tpu.memory_space<semaphore_mem>>)
        %dma_start3A_361 = arith.constant 0 : i32
        %dma_start3A_362 = arith.constant 0 : i32
        %dma_start3A_363 = tpu.memref_slice %arg27[%dma_start3A_361, %dma_start3A_362] : memref<2x2048xf32, #tpu.memory_space<vmem>> -> memref<1x2048xf32, #tpu.memory_space<vmem>>
        %dma_start3A_364 = tpu.memref_squeeze %dma_start3A_363 : memref<1x2048xf32, #tpu.memory_space<vmem>> -> memref<2048xf32, #tpu.memory_space<vmem>>
        %dma_start3A_365 = tpu.memref_slice %arg14[%add3A_297] : memref<3211264xf32, #tpu.memory_space<hbm>> -> memref<2048xf32, #tpu.memory_space<hbm>>
        %dma_start3A_366 = tpu.memref_slice %arg14[%add3A_297] : memref<3211264xf32, #tpu.memory_space<hbm>> -> memref<2048xf32, #tpu.memory_space<hbm>>
        %dma_start3A_367 = arith.constant 0 : i32
        %dma_start3A_368 = tpu.memref_slice %arg27[%dma_start3A_361, %dma_start3A_367] : memref<2x2048xf32, #tpu.memory_space<vmem>> -> memref<1x2048xf32, #tpu.memory_space<vmem>>
        %dma_start3A_369 = tpu.memref_squeeze %dma_start3A_368 : memref<1x2048xf32, #tpu.memory_space<vmem>> -> memref<2048xf32, #tpu.memory_space<vmem>>
        tpu.enqueue_dma source(%dma_start3A_369 : memref<2048xf32, #tpu.memory_space<vmem>>) target(%dma_start3A_366 : memref<2048xf32, #tpu.memory_space<hbm>>) target_semaphore(%arg29 : memref<!tpu.dma_semaphore, #tpu.memory_space<semaphore_mem>>)
      } else {
      }
      %eq3A_303 = arith.constant 1 : i32
      %eq3A_304 = arith.cmpi eq, %select_n3A_191, %eq3A_303 : i32
      %convert_element_type3A_305 = arith.extui %eq3A_304 : i1 to i32
      %cond3A_306 = arith.constant 0 : i32
      %cond3A_307 = arith.cmpi ne, %convert_element_type3A_305, %cond3A_306 : i32
      scf.if %cond3A_307 {
        %dma_start3A = arith.constant 1 : i32
        %dma_start3A_308 = arith.constant 0 : i32
        %dma_start3A_309 = tpu.memref_slice %arg21[%dma_start3A, %dma_start3A_308] : memref<2x2048xf32, #tpu.memory_space<vmem>> -> memref<1x2048xf32, #tpu.memory_space<vmem>>
        %dma_start3A_310 = tpu.memref_squeeze %dma_start3A_309 : memref<1x2048xf32, #tpu.memory_space<vmem>> -> memref<2048xf32, #tpu.memory_space<vmem>>
        %dma_start3A_311 = tpu.memref_slice %arg8[%add3A_297] : memref<3211264xf32, #tpu.memory_space<hbm>> -> memref<2048xf32, #tpu.memory_space<hbm>>
        %dma_start3A_312 = tpu.memref_slice %arg8[%add3A_297] : memref<3211264xf32, #tpu.memory_space<hbm>> -> memref<2048xf32, #tpu.memory_space<hbm>>
        %dma_start3A_313 = arith.constant 0 : i32
        %dma_start3A_314 = tpu.memref_slice %arg21[%dma_start3A, %dma_start3A_313] : memref<2x2048xf32, #tpu.memory_space<vmem>> -> memref<1x2048xf32, #tpu.memory_space<vmem>>
        %dma_start3A_315 = tpu.memref_squeeze %dma_start3A_314 : memref<1x2048xf32, #tpu.memory_space<vmem>> -> memref<2048xf32, #tpu.memory_space<vmem>>
        tpu.enqueue_dma source(%dma_start3A_315 : memref<2048xf32, #tpu.memory_space<vmem>>) target(%dma_start3A_312 : memref<2048xf32, #tpu.memory_space<hbm>>) target_semaphore(%arg30 : memref<!tpu.dma_semaphore, #tpu.memory_space<semaphore_mem>>)
        %dma_start3A_316 = arith.constant 1 : i32
        %dma_start3A_317 = arith.constant 0 : i32
        %dma_start3A_318 = tpu.memref_slice %arg22[%dma_start3A_316, %dma_start3A_317] : memref<2x2048xf32, #tpu.memory_space<vmem>> -> memref<1x2048xf32, #tpu.memory_space<vmem>>
        %dma_start3A_319 = tpu.memref_squeeze %dma_start3A_318 : memref<1x2048xf32, #tpu.memory_space<vmem>> -> memref<2048xf32, #tpu.memory_space<vmem>>
        %dma_start3A_320 = tpu.memref_slice %arg9[%add3A_297] : memref<3211264xf32, #tpu.memory_space<hbm>> -> memref<2048xf32, #tpu.memory_space<hbm>>
        %dma_start3A_321 = tpu.memref_slice %arg9[%add3A_297] : memref<3211264xf32, #tpu.memory_space<hbm>> -> memref<2048xf32, #tpu.memory_space<hbm>>
        %dma_start3A_322 = arith.constant 0 : i32
        %dma_start3A_323 = tpu.memref_slice %arg22[%dma_start3A_316, %dma_start3A_322] : memref<2x2048xf32, #tpu.memory_space<vmem>> -> memref<1x2048xf32, #tpu.memory_space<vmem>>
        %dma_start3A_324 = tpu.memref_squeeze %dma_start3A_323 : memref<1x2048xf32, #tpu.memory_space<vmem>> -> memref<2048xf32, #tpu.memory_space<vmem>>
        tpu.enqueue_dma source(%dma_start3A_324 : memref<2048xf32, #tpu.memory_space<vmem>>) target(%dma_start3A_321 : memref<2048xf32, #tpu.memory_space<hbm>>) target_semaphore(%arg30 : memref<!tpu.dma_semaphore, #tpu.memory_space<semaphore_mem>>)
        %dma_start3A_325 = arith.constant 1 : i32
        %dma_start3A_326 = arith.constant 0 : i32
        %dma_start3A_327 = tpu.memref_slice %arg23[%dma_start3A_325, %dma_start3A_326] : memref<2x2048xf32, #tpu.memory_space<vmem>> -> memref<1x2048xf32, #tpu.memory_space<vmem>>
        %dma_start3A_328 = tpu.memref_squeeze %dma_start3A_327 : memref<1x2048xf32, #tpu.memory_space<vmem>> -> memref<2048xf32, #tpu.memory_space<vmem>>
        %dma_start3A_329 = tpu.memref_slice %arg10[%add3A_297] : memref<3211264xf32, #tpu.memory_space<hbm>> -> memref<2048xf32, #tpu.memory_space<hbm>>
        %dma_start3A_330 = tpu.memref_slice %arg10[%add3A_297] : memref<3211264xf32, #tpu.memory_space<hbm>> -> memref<2048xf32, #tpu.memory_space<hbm>>
        %dma_start3A_331 = arith.constant 0 : i32
        %dma_start3A_332 = tpu.memref_slice %arg23[%dma_start3A_325, %dma_start3A_331] : memref<2x2048xf32, #tpu.memory_space<vmem>> -> memref<1x2048xf32, #tpu.memory_space<vmem>>
        %dma_start3A_333 = tpu.memref_squeeze %dma_start3A_332 : memref<1x2048xf32, #tpu.memory_space<vmem>> -> memref<2048xf32, #tpu.memory_space<vmem>>
        tpu.enqueue_dma source(%dma_start3A_333 : memref<2048xf32, #tpu.memory_space<vmem>>) target(%dma_start3A_330 : memref<2048xf32, #tpu.memory_space<hbm>>) target_semaphore(%arg30 : memref<!tpu.dma_semaphore, #tpu.memory_space<semaphore_mem>>)
        %dma_start3A_334 = arith.constant 1 : i32
        %dma_start3A_335 = arith.constant 0 : i32
        %dma_start3A_336 = tpu.memref_slice %arg24[%dma_start3A_334, %dma_start3A_335] : memref<2x2048xf32, #tpu.memory_space<vmem>> -> memref<1x2048xf32, #tpu.memory_space<vmem>>
        %dma_start3A_337 = tpu.memref_squeeze %dma_start3A_336 : memref<1x2048xf32, #tpu.memory_space<vmem>> -> memref<2048xf32, #tpu.memory_space<vmem>>
        %dma_start3A_338 = tpu.memref_slice %arg11[%add3A_297] : memref<3211264xf32, #tpu.memory_space<hbm>> -> memref<2048xf32, #tpu.memory_space<hbm>>
        %dma_start3A_339 = tpu.memref_slice %arg11[%add3A_297] : memref<3211264xf32, #tpu.memory_space<hbm>> -> memref<2048xf32, #tpu.memory_space<hbm>>
        %dma_start3A_340 = arith.constant 0 : i32
        %dma_start3A_341 = tpu.memref_slice %arg24[%dma_start3A_334, %dma_start3A_340] : memref<2x2048xf32, #tpu.memory_space<vmem>> -> memref<1x2048xf32, #tpu.memory_space<vmem>>
        %dma_start3A_342 = tpu.memref_squeeze %dma_start3A_341 : memref<1x2048xf32, #tpu.memory_space<vmem>> -> memref<2048xf32, #tpu.memory_space<vmem>>
        tpu.enqueue_dma source(%dma_start3A_342 : memref<2048xf32, #tpu.memory_space<vmem>>) target(%dma_start3A_339 : memref<2048xf32, #tpu.memory_space<hbm>>) target_semaphore(%arg30 : memref<!tpu.dma_semaphore, #tpu.memory_space<semaphore_mem>>)
        %dma_start3A_343 = arith.constant 1 : i32
        %dma_start3A_344 = arith.constant 0 : i32
        %dma_start3A_345 = tpu.memref_slice %arg25[%dma_start3A_343, %dma_start3A_344] : memref<2x2048xf32, #tpu.memory_space<vmem>> -> memref<1x2048xf32, #tpu.memory_space<vmem>>
        %dma_start3A_346 = tpu.memref_squeeze %dma_start3A_345 : memref<1x2048xf32, #tpu.memory_space<vmem>> -> memref<2048xf32, #tpu.memory_space<vmem>>
        %dma_start3A_347 = tpu.memref_slice %arg12[%add3A_297] : memref<3211264xf32, #tpu.memory_space<hbm>> -> memref<2048xf32, #tpu.memory_space<hbm>>
        %dma_start3A_348 = tpu.memref_slice %arg12[%add3A_297] : memref<3211264xf32, #tpu.memory_space<hbm>> -> memref<2048xf32, #tpu.memory_space<hbm>>
        %dma_start3A_349 = arith.constant 0 : i32
        %dma_start3A_350 = tpu.memref_slice %arg25[%dma_start3A_343, %dma_start3A_349] : memref<2x2048xf32, #tpu.memory_space<vmem>> -> memref<1x2048xf32, #tpu.memory_space<vmem>>
        %dma_start3A_351 = tpu.memref_squeeze %dma_start3A_350 : memref<1x2048xf32, #tpu.memory_space<vmem>> -> memref<2048xf32, #tpu.memory_space<vmem>>
        tpu.enqueue_dma source(%dma_start3A_351 : memref<2048xf32, #tpu.memory_space<vmem>>) target(%dma_start3A_348 : memref<2048xf32, #tpu.memory_space<hbm>>) target_semaphore(%arg30 : memref<!tpu.dma_semaphore, #tpu.memory_space<semaphore_mem>>)
        %dma_start3A_352 = arith.constant 1 : i32
        %dma_start3A_353 = arith.constant 0 : i32
        %dma_start3A_354 = tpu.memref_slice %arg26[%dma_start3A_352, %dma_start3A_353] : memref<2x2048xf32, #tpu.memory_space<vmem>> -> memref<1x2048xf32, #tpu.memory_space<vmem>>
        %dma_start3A_355 = tpu.memref_squeeze %dma_start3A_354 : memref<1x2048xf32, #tpu.memory_space<vmem>> -> memref<2048xf32, #tpu.memory_space<vmem>>
        %dma_start3A_356 = tpu.memref_slice %arg13[%add3A_297] : memref<3211264xf32, #tpu.memory_space<hbm>> -> memref<2048xf32, #tpu.memory_space<hbm>>
        %dma_start3A_357 = tpu.memref_slice %arg13[%add3A_297] : memref<3211264xf32, #tpu.memory_space<hbm>> -> memref<2048xf32, #tpu.memory_space<hbm>>
        %dma_start3A_358 = arith.constant 0 : i32
        %dma_start3A_359 = tpu.memref_slice %arg26[%dma_start3A_352, %dma_start3A_358] : memref<2x2048xf32, #tpu.memory_space<vmem>> -> memref<1x2048xf32, #tpu.memory_space<vmem>>
        %dma_start3A_360 = tpu.memref_squeeze %dma_start3A_359 : memref<1x2048xf32, #tpu.memory_space<vmem>> -> memref<2048xf32, #tpu.memory_space<vmem>>
        tpu.enqueue_dma source(%dma_start3A_360 : memref<2048xf32, #tpu.memory_space<vmem>>) target(%dma_start3A_357 : memref<2048xf32, #tpu.memory_space<hbm>>) target_semaphore(%arg30 : memref<!tpu.dma_semaphore, #tpu.memory_space<semaphore_mem>>)
        %dma_start3A_361 = arith.constant 1 : i32
        %dma_start3A_362 = arith.constant 0 : i32
        %dma_start3A_363 = tpu.memref_slice %arg27[%dma_start3A_361, %dma_start3A_362] : memref<2x2048xf32, #tpu.memory_space<vmem>> -> memref<1x2048xf32, #tpu.memory_space<vmem>>
        %dma_start3A_364 = tpu.memref_squeeze %dma_start3A_363 : memref<1x2048xf32, #tpu.memory_space<vmem>> -> memref<2048xf32, #tpu.memory_space<vmem>>
        %dma_start3A_365 = tpu.memref_slice %arg14[%add3A_297] : memref<3211264xf32, #tpu.memory_space<hbm>> -> memref<2048xf32, #tpu.memory_space<hbm>>
        %dma_start3A_366 = tpu.memref_slice %arg14[%add3A_297] : memref<3211264xf32, #tpu.memory_space<hbm>> -> memref<2048xf32, #tpu.memory_space<hbm>>
        %dma_start3A_367 = arith.constant 0 : i32
        %dma_start3A_368 = tpu.memref_slice %arg27[%dma_start3A_361, %dma_start3A_367] : memref<2x2048xf32, #tpu.memory_space<vmem>> -> memref<1x2048xf32, #tpu.memory_space<vmem>>
        %dma_start3A_369 = tpu.memref_squeeze %dma_start3A_368 : memref<1x2048xf32, #tpu.memory_space<vmem>> -> memref<2048xf32, #tpu.memory_space<vmem>>
        tpu.enqueue_dma source(%dma_start3A_369 : memref<2048xf32, #tpu.memory_space<vmem>>) target(%dma_start3A_366 : memref<2048xf32, #tpu.memory_space<hbm>>) target_semaphore(%arg30 : memref<!tpu.dma_semaphore, #tpu.memory_space<semaphore_mem>>)
      } else {
      }
    }
    %scan3A_28 = arith.constant 49 : i32
    %dma_wait3A = arith.constant 0 : i32
    %dma_wait3A_29 = arith.constant 0 : i32
    %dma_wait3A_30 = tpu.memref_slice %arg21[%dma_wait3A, %dma_wait3A_29] : memref<2x2048xf32, #tpu.memory_space<vmem>> -> memref<1x2048xf32, #tpu.memory_space<vmem>>
    %dma_wait3A_31 = tpu.memref_squeeze %dma_wait3A_30 : memref<1x2048xf32, #tpu.memory_space<vmem>> -> memref<2048xf32, #tpu.memory_space<vmem>>
    %dma_wait3A_32 = arith.constant 0 : i32
    %dma_wait3A_33 = tpu.memref_slice %arg2[%dma_wait3A_32] : memref<100352xf32, #tpu.memory_space<hbm>> -> memref<2048xf32, #tpu.memory_space<hbm>>
    %dma_wait3A_34 = arith.constant 0 : i32
    %dma_wait3A_35 = tpu.memref_slice %arg21[%dma_wait3A, %dma_wait3A_34] : memref<2x2048xf32, #tpu.memory_space<vmem>> -> memref<1x2048xf32, #tpu.memory_space<vmem>>
    %dma_wait3A_36 = tpu.memref_squeeze %dma_wait3A_35 : memref<1x2048xf32, #tpu.memory_space<vmem>> -> memref<2048xf32, #tpu.memory_space<vmem>>
    %dma_wait3A_37 = arith.constant 0 : i32
    %dma_wait3A_38 = tpu.memref_slice %arg2[%dma_wait3A_37] : memref<100352xf32, #tpu.memory_space<hbm>> -> memref<2048xf32, #tpu.memory_space<hbm>>
    tpu.wait_dma2 semaphore(%arg29 : memref<!tpu.dma_semaphore, #tpu.memory_space<semaphore_mem>>) src(%dma_wait3A_38 : memref<2048xf32, #tpu.memory_space<hbm>>) dst(%dma_wait3A_36 : memref<2048xf32, #tpu.memory_space<vmem>>)
    %dma_wait3A_39 = arith.constant 0 : i32
    %dma_wait3A_40 = arith.constant 0 : i32
    %dma_wait3A_41 = tpu.memref_slice %arg22[%dma_wait3A_39, %dma_wait3A_40] : memref<2x2048xf32, #tpu.memory_space<vmem>> -> memref<1x2048xf32, #tpu.memory_space<vmem>>
    %dma_wait3A_42 = tpu.memref_squeeze %dma_wait3A_41 : memref<1x2048xf32, #tpu.memory_space<vmem>> -> memref<2048xf32, #tpu.memory_space<vmem>>
    %dma_wait3A_43 = arith.constant 0 : i32
    %dma_wait3A_44 = tpu.memref_slice %arg2[%dma_wait3A_43] : memref<100352xf32, #tpu.memory_space<hbm>> -> memref<2048xf32, #tpu.memory_space<hbm>>
    %dma_wait3A_45 = arith.constant 0 : i32
    %dma_wait3A_46 = tpu.memref_slice %arg22[%dma_wait3A_39, %dma_wait3A_45] : memref<2x2048xf32, #tpu.memory_space<vmem>> -> memref<1x2048xf32, #tpu.memory_space<vmem>>
    %dma_wait3A_47 = tpu.memref_squeeze %dma_wait3A_46 : memref<1x2048xf32, #tpu.memory_space<vmem>> -> memref<2048xf32, #tpu.memory_space<vmem>>
    %dma_wait3A_48 = arith.constant 0 : i32
    %dma_wait3A_49 = tpu.memref_slice %arg2[%dma_wait3A_48] : memref<100352xf32, #tpu.memory_space<hbm>> -> memref<2048xf32, #tpu.memory_space<hbm>>
    tpu.wait_dma2 semaphore(%arg29 : memref<!tpu.dma_semaphore, #tpu.memory_space<semaphore_mem>>) src(%dma_wait3A_49 : memref<2048xf32, #tpu.memory_space<hbm>>) dst(%dma_wait3A_47 : memref<2048xf32, #tpu.memory_space<vmem>>)
    %dma_wait3A_50 = arith.constant 0 : i32
    %dma_wait3A_51 = arith.constant 0 : i32
    %dma_wait3A_52 = tpu.memref_slice %arg23[%dma_wait3A_50, %dma_wait3A_51] : memref<2x2048xf32, #tpu.memory_space<vmem>> -> memref<1x2048xf32, #tpu.memory_space<vmem>>
    %dma_wait3A_53 = tpu.memref_squeeze %dma_wait3A_52 : memref<1x2048xf32, #tpu.memory_space<vmem>> -> memref<2048xf32, #tpu.memory_space<vmem>>
    %dma_wait3A_54 = arith.constant 0 : i32
    %dma_wait3A_55 = tpu.memref_slice %arg2[%dma_wait3A_54] : memref<100352xf32, #tpu.memory_space<hbm>> -> memref<2048xf32, #tpu.memory_space<hbm>>
    %dma_wait3A_56 = arith.constant 0 : i32
    %dma_wait3A_57 = tpu.memref_slice %arg23[%dma_wait3A_50, %dma_wait3A_56] : memref<2x2048xf32, #tpu.memory_space<vmem>> -> memref<1x2048xf32, #tpu.memory_space<vmem>>
    %dma_wait3A_58 = tpu.memref_squeeze %dma_wait3A_57 : memref<1x2048xf32, #tpu.memory_space<vmem>> -> memref<2048xf32, #tpu.memory_space<vmem>>
    %dma_wait3A_59 = arith.constant 0 : i32
    %dma_wait3A_60 = tpu.memref_slice %arg2[%dma_wait3A_59] : memref<100352xf32, #tpu.memory_space<hbm>> -> memref<2048xf32, #tpu.memory_space<hbm>>
    tpu.wait_dma2 semaphore(%arg29 : memref<!tpu.dma_semaphore, #tpu.memory_space<semaphore_mem>>) src(%dma_wait3A_60 : memref<2048xf32, #tpu.memory_space<hbm>>) dst(%dma_wait3A_58 : memref<2048xf32, #tpu.memory_space<vmem>>)
    %dma_wait3A_61 = arith.constant 0 : i32
    %dma_wait3A_62 = arith.constant 0 : i32
    %dma_wait3A_63 = tpu.memref_slice %arg24[%dma_wait3A_61, %dma_wait3A_62] : memref<2x2048xf32, #tpu.memory_space<vmem>> -> memref<1x2048xf32, #tpu.memory_space<vmem>>
    %dma_wait3A_64 = tpu.memref_squeeze %dma_wait3A_63 : memref<1x2048xf32, #tpu.memory_space<vmem>> -> memref<2048xf32, #tpu.memory_space<vmem>>
    %dma_wait3A_65 = arith.constant 0 : i32
    %dma_wait3A_66 = tpu.memref_slice %arg2[%dma_wait3A_65] : memref<100352xf32, #tpu.memory_space<hbm>> -> memref<2048xf32, #tpu.memory_space<hbm>>
    %dma_wait3A_67 = arith.constant 0 : i32
    %dma_wait3A_68 = tpu.memref_slice %arg24[%dma_wait3A_61, %dma_wait3A_67] : memref<2x2048xf32, #tpu.memory_space<vmem>> -> memref<1x2048xf32, #tpu.memory_space<vmem>>
    %dma_wait3A_69 = tpu.memref_squeeze %dma_wait3A_68 : memref<1x2048xf32, #tpu.memory_space<vmem>> -> memref<2048xf32, #tpu.memory_space<vmem>>
    %dma_wait3A_70 = arith.constant 0 : i32
    %dma_wait3A_71 = tpu.memref_slice %arg2[%dma_wait3A_70] : memref<100352xf32, #tpu.memory_space<hbm>> -> memref<2048xf32, #tpu.memory_space<hbm>>
    tpu.wait_dma2 semaphore(%arg29 : memref<!tpu.dma_semaphore, #tpu.memory_space<semaphore_mem>>) src(%dma_wait3A_71 : memref<2048xf32, #tpu.memory_space<hbm>>) dst(%dma_wait3A_69 : memref<2048xf32, #tpu.memory_space<vmem>>)
    %dma_wait3A_72 = arith.constant 0 : i32
    %dma_wait3A_73 = arith.constant 0 : i32
    %dma_wait3A_74 = tpu.memref_slice %arg25[%dma_wait3A_72, %dma_wait3A_73] : memref<2x2048xf32, #tpu.memory_space<vmem>> -> memref<1x2048xf32, #tpu.memory_space<vmem>>
    %dma_wait3A_75 = tpu.memref_squeeze %dma_wait3A_74 : memref<1x2048xf32, #tpu.memory_space<vmem>> -> memref<2048xf32, #tpu.memory_space<vmem>>
    %dma_wait3A_76 = arith.constant 0 : i32
    %dma_wait3A_77 = tpu.memref_slice %arg2[%dma_wait3A_76] : memref<100352xf32, #tpu.memory_space<hbm>> -> memref<2048xf32, #tpu.memory_space<hbm>>
    %dma_wait3A_78 = arith.constant 0 : i32
    %dma_wait3A_79 = tpu.memref_slice %arg25[%dma_wait3A_72, %dma_wait3A_78] : memref<2x2048xf32, #tpu.memory_space<vmem>> -> memref<1x2048xf32, #tpu.memory_space<vmem>>
    %dma_wait3A_80 = tpu.memref_squeeze %dma_wait3A_79 : memref<1x2048xf32, #tpu.memory_space<vmem>> -> memref<2048xf32, #tpu.memory_space<vmem>>
    %dma_wait3A_81 = arith.constant 0 : i32
    %dma_wait3A_82 = tpu.memref_slice %arg2[%dma_wait3A_81] : memref<100352xf32, #tpu.memory_space<hbm>> -> memref<2048xf32, #tpu.memory_space<hbm>>
    tpu.wait_dma2 semaphore(%arg29 : memref<!tpu.dma_semaphore, #tpu.memory_space<semaphore_mem>>) src(%dma_wait3A_82 : memref<2048xf32, #tpu.memory_space<hbm>>) dst(%dma_wait3A_80 : memref<2048xf32, #tpu.memory_space<vmem>>)
    %dma_wait3A_83 = arith.constant 0 : i32
    %dma_wait3A_84 = arith.constant 0 : i32
    %dma_wait3A_85 = tpu.memref_slice %arg26[%dma_wait3A_83, %dma_wait3A_84] : memref<2x2048xf32, #tpu.memory_space<vmem>> -> memref<1x2048xf32, #tpu.memory_space<vmem>>
    %dma_wait3A_86 = tpu.memref_squeeze %dma_wait3A_85 : memref<1x2048xf32, #tpu.memory_space<vmem>> -> memref<2048xf32, #tpu.memory_space<vmem>>
    %dma_wait3A_87 = arith.constant 0 : i32
    %dma_wait3A_88 = tpu.memref_slice %arg2[%dma_wait3A_87] : memref<100352xf32, #tpu.memory_space<hbm>> -> memref<2048xf32, #tpu.memory_space<hbm>>
    %dma_wait3A_89 = arith.constant 0 : i32
    %dma_wait3A_90 = tpu.memref_slice %arg26[%dma_wait3A_83, %dma_wait3A_89] : memref<2x2048xf32, #tpu.memory_space<vmem>> -> memref<1x2048xf32, #tpu.memory_space<vmem>>
    %dma_wait3A_91 = tpu.memref_squeeze %dma_wait3A_90 : memref<1x2048xf32, #tpu.memory_space<vmem>> -> memref<2048xf32, #tpu.memory_space<vmem>>
    %dma_wait3A_92 = arith.constant 0 : i32
    %dma_wait3A_93 = tpu.memref_slice %arg2[%dma_wait3A_92] : memref<100352xf32, #tpu.memory_space<hbm>> -> memref<2048xf32, #tpu.memory_space<hbm>>
    tpu.wait_dma2 semaphore(%arg29 : memref<!tpu.dma_semaphore, #tpu.memory_space<semaphore_mem>>) src(%dma_wait3A_93 : memref<2048xf32, #tpu.memory_space<hbm>>) dst(%dma_wait3A_91 : memref<2048xf32, #tpu.memory_space<vmem>>)
    %dma_wait3A_94 = arith.constant 0 : i32
    %dma_wait3A_95 = arith.constant 0 : i32
    %dma_wait3A_96 = tpu.memref_slice %arg27[%dma_wait3A_94, %dma_wait3A_95] : memref<2x2048xf32, #tpu.memory_space<vmem>> -> memref<1x2048xf32, #tpu.memory_space<vmem>>
    %dma_wait3A_97 = tpu.memref_squeeze %dma_wait3A_96 : memref<1x2048xf32, #tpu.memory_space<vmem>> -> memref<2048xf32, #tpu.memory_space<vmem>>
    %dma_wait3A_98 = arith.constant 0 : i32
    %dma_wait3A_99 = tpu.memref_slice %arg2[%dma_wait3A_98] : memref<100352xf32, #tpu.memory_space<hbm>> -> memref<2048xf32, #tpu.memory_space<hbm>>
    %dma_wait3A_100 = arith.constant 0 : i32
    %dma_wait3A_101 = tpu.memref_slice %arg27[%dma_wait3A_94, %dma_wait3A_100] : memref<2x2048xf32, #tpu.memory_space<vmem>> -> memref<1x2048xf32, #tpu.memory_space<vmem>>
    %dma_wait3A_102 = tpu.memref_squeeze %dma_wait3A_101 : memref<1x2048xf32, #tpu.memory_space<vmem>> -> memref<2048xf32, #tpu.memory_space<vmem>>
    %dma_wait3A_103 = arith.constant 0 : i32
    %dma_wait3A_104 = tpu.memref_slice %arg2[%dma_wait3A_103] : memref<100352xf32, #tpu.memory_space<hbm>> -> memref<2048xf32, #tpu.memory_space<hbm>>
    tpu.wait_dma2 semaphore(%arg29 : memref<!tpu.dma_semaphore, #tpu.memory_space<semaphore_mem>>) src(%dma_wait3A_104 : memref<2048xf32, #tpu.memory_space<hbm>>) dst(%dma_wait3A_102 : memref<2048xf32, #tpu.memory_space<vmem>>)
    %dma_wait3A_105 = arith.constant 0 : i32
    %dma_wait3A_106 = arith.constant 0 : i32
    %dma_wait3A_107 = tpu.memref_slice %arg21[%dma_wait3A_105, %dma_wait3A_106] : memref<2x2048xf32, #tpu.memory_space<vmem>> -> memref<1x2048xf32, #tpu.memory_space<vmem>>
    %dma_wait3A_108 = tpu.memref_squeeze %dma_wait3A_107 : memref<1x2048xf32, #tpu.memory_space<vmem>> -> memref<2048xf32, #tpu.memory_space<vmem>>
    %dma_wait3A_109 = arith.constant 0 : i32
    %dma_wait3A_110 = tpu.memref_slice %arg2[%dma_wait3A_109] : memref<100352xf32, #tpu.memory_space<hbm>> -> memref<2048xf32, #tpu.memory_space<hbm>>
    %dma_wait3A_111 = arith.constant 0 : i32
    %dma_wait3A_112 = tpu.memref_slice %arg21[%dma_wait3A_105, %dma_wait3A_111] : memref<2x2048xf32, #tpu.memory_space<vmem>> -> memref<1x2048xf32, #tpu.memory_space<vmem>>
    %dma_wait3A_113 = tpu.memref_squeeze %dma_wait3A_112 : memref<1x2048xf32, #tpu.memory_space<vmem>> -> memref<2048xf32, #tpu.memory_space<vmem>>
    %dma_wait3A_114 = arith.constant 0 : i32
    %dma_wait3A_115 = tpu.memref_slice %arg2[%dma_wait3A_114] : memref<100352xf32, #tpu.memory_space<hbm>> -> memref<2048xf32, #tpu.memory_space<hbm>>
    tpu.wait_dma2 semaphore(%arg30 : memref<!tpu.dma_semaphore, #tpu.memory_space<semaphore_mem>>) src(%dma_wait3A_115 : memref<2048xf32, #tpu.memory_space<hbm>>) dst(%dma_wait3A_113 : memref<2048xf32, #tpu.memory_space<vmem>>)
    %dma_wait3A_116 = arith.constant 0 : i32
    %dma_wait3A_117 = arith.constant 0 : i32
    %dma_wait3A_118 = tpu.memref_slice %arg22[%dma_wait3A_116, %dma_wait3A_117] : memref<2x2048xf32, #tpu.memory_space<vmem>> -> memref<1x2048xf32, #tpu.memory_space<vmem>>
    %dma_wait3A_119 = tpu.memref_squeeze %dma_wait3A_118 : memref<1x2048xf32, #tpu.memory_space<vmem>> -> memref<2048xf32, #tpu.memory_space<vmem>>
    %dma_wait3A_120 = arith.constant 0 : i32
    %dma_wait3A_121 = tpu.memref_slice %arg2[%dma_wait3A_120] : memref<100352xf32, #tpu.memory_space<hbm>> -> memref<2048xf32, #tpu.memory_space<hbm>>
    %dma_wait3A_122 = arith.constant 0 : i32
    %dma_wait3A_123 = tpu.memref_slice %arg22[%dma_wait3A_116, %dma_wait3A_122] : memref<2x2048xf32, #tpu.memory_space<vmem>> -> memref<1x2048xf32, #tpu.memory_space<vmem>>
    %dma_wait3A_124 = tpu.memref_squeeze %dma_wait3A_123 : memref<1x2048xf32, #tpu.memory_space<vmem>> -> memref<2048xf32, #tpu.memory_space<vmem>>
    %dma_wait3A_125 = arith.constant 0 : i32
    %dma_wait3A_126 = tpu.memref_slice %arg2[%dma_wait3A_125] : memref<100352xf32, #tpu.memory_space<hbm>> -> memref<2048xf32, #tpu.memory_space<hbm>>
    tpu.wait_dma2 semaphore(%arg30 : memref<!tpu.dma_semaphore, #tpu.memory_space<semaphore_mem>>) src(%dma_wait3A_126 : memref<2048xf32, #tpu.memory_space<hbm>>) dst(%dma_wait3A_124 : memref<2048xf32, #tpu.memory_space<vmem>>)
    %dma_wait3A_127 = arith.constant 0 : i32
    %dma_wait3A_128 = arith.constant 0 : i32
    %dma_wait3A_129 = tpu.memref_slice %arg23[%dma_wait3A_127, %dma_wait3A_128] : memref<2x2048xf32, #tpu.memory_space<vmem>> -> memref<1x2048xf32, #tpu.memory_space<vmem>>
    %dma_wait3A_130 = tpu.memref_squeeze %dma_wait3A_129 : memref<1x2048xf32, #tpu.memory_space<vmem>> -> memref<2048xf32, #tpu.memory_space<vmem>>
    %dma_wait3A_131 = arith.constant 0 : i32
    %dma_wait3A_132 = tpu.memref_slice %arg2[%dma_wait3A_131] : memref<100352xf32, #tpu.memory_space<hbm>> -> memref<2048xf32, #tpu.memory_space<hbm>>
    %dma_wait3A_133 = arith.constant 0 : i32
    %dma_wait3A_134 = tpu.memref_slice %arg23[%dma_wait3A_127, %dma_wait3A_133] : memref<2x2048xf32, #tpu.memory_space<vmem>> -> memref<1x2048xf32, #tpu.memory_space<vmem>>
    %dma_wait3A_135 = tpu.memref_squeeze %dma_wait3A_134 : memref<1x2048xf32, #tpu.memory_space<vmem>> -> memref<2048xf32, #tpu.memory_space<vmem>>
    %dma_wait3A_136 = arith.constant 0 : i32
    %dma_wait3A_137 = tpu.memref_slice %arg2[%dma_wait3A_136] : memref<100352xf32, #tpu.memory_space<hbm>> -> memref<2048xf32, #tpu.memory_space<hbm>>
    tpu.wait_dma2 semaphore(%arg30 : memref<!tpu.dma_semaphore, #tpu.memory_space<semaphore_mem>>) src(%dma_wait3A_137 : memref<2048xf32, #tpu.memory_space<hbm>>) dst(%dma_wait3A_135 : memref<2048xf32, #tpu.memory_space<vmem>>)
    %dma_wait3A_138 = arith.constant 0 : i32
    %dma_wait3A_139 = arith.constant 0 : i32
    %dma_wait3A_140 = tpu.memref_slice %arg24[%dma_wait3A_138, %dma_wait3A_139] : memref<2x2048xf32, #tpu.memory_space<vmem>> -> memref<1x2048xf32, #tpu.memory_space<vmem>>
    %dma_wait3A_141 = tpu.memref_squeeze %dma_wait3A_140 : memref<1x2048xf32, #tpu.memory_space<vmem>> -> memref<2048xf32, #tpu.memory_space<vmem>>
    %dma_wait3A_142 = arith.constant 0 : i32
    %dma_wait3A_143 = tpu.memref_slice %arg2[%dma_wait3A_142] : memref<100352xf32, #tpu.memory_space<hbm>> -> memref<2048xf32, #tpu.memory_space<hbm>>
    %dma_wait3A_144 = arith.constant 0 : i32
    %dma_wait3A_145 = tpu.memref_slice %arg24[%dma_wait3A_138, %dma_wait3A_144] : memref<2x2048xf32, #tpu.memory_space<vmem>> -> memref<1x2048xf32, #tpu.memory_space<vmem>>
    %dma_wait3A_146 = tpu.memref_squeeze %dma_wait3A_145 : memref<1x2048xf32, #tpu.memory_space<vmem>> -> memref<2048xf32, #tpu.memory_space<vmem>>
    %dma_wait3A_147 = arith.constant 0 : i32
    %dma_wait3A_148 = tpu.memref_slice %arg2[%dma_wait3A_147] : memref<100352xf32, #tpu.memory_space<hbm>> -> memref<2048xf32, #tpu.memory_space<hbm>>
    tpu.wait_dma2 semaphore(%arg30 : memref<!tpu.dma_semaphore, #tpu.memory_space<semaphore_mem>>) src(%dma_wait3A_148 : memref<2048xf32, #tpu.memory_space<hbm>>) dst(%dma_wait3A_146 : memref<2048xf32, #tpu.memory_space<vmem>>)
    %dma_wait3A_149 = arith.constant 0 : i32
    %dma_wait3A_150 = arith.constant 0 : i32
    %dma_wait3A_151 = tpu.memref_slice %arg25[%dma_wait3A_149, %dma_wait3A_150] : memref<2x2048xf32, #tpu.memory_space<vmem>> -> memref<1x2048xf32, #tpu.memory_space<vmem>>
    %dma_wait3A_152 = tpu.memref_squeeze %dma_wait3A_151 : memref<1x2048xf32, #tpu.memory_space<vmem>> -> memref<2048xf32, #tpu.memory_space<vmem>>
    %dma_wait3A_153 = arith.constant 0 : i32
    %dma_wait3A_154 = tpu.memref_slice %arg2[%dma_wait3A_153] : memref<100352xf32, #tpu.memory_space<hbm>> -> memref<2048xf32, #tpu.memory_space<hbm>>
    %dma_wait3A_155 = arith.constant 0 : i32
    %dma_wait3A_156 = tpu.memref_slice %arg25[%dma_wait3A_149, %dma_wait3A_155] : memref<2x2048xf32, #tpu.memory_space<vmem>> -> memref<1x2048xf32, #tpu.memory_space<vmem>>
    %dma_wait3A_157 = tpu.memref_squeeze %dma_wait3A_156 : memref<1x2048xf32, #tpu.memory_space<vmem>> -> memref<2048xf32, #tpu.memory_space<vmem>>
    %dma_wait3A_158 = arith.constant 0 : i32
    %dma_wait3A_159 = tpu.memref_slice %arg2[%dma_wait3A_158] : memref<100352xf32, #tpu.memory_space<hbm>> -> memref<2048xf32, #tpu.memory_space<hbm>>
    tpu.wait_dma2 semaphore(%arg30 : memref<!tpu.dma_semaphore, #tpu.memory_space<semaphore_mem>>) src(%dma_wait3A_159 : memref<2048xf32, #tpu.memory_space<hbm>>) dst(%dma_wait3A_157 : memref<2048xf32, #tpu.memory_space<vmem>>)
    %dma_wait3A_160 = arith.constant 0 : i32
    %dma_wait3A_161 = arith.constant 0 : i32
    %dma_wait3A_162 = tpu.memref_slice %arg26[%dma_wait3A_160, %dma_wait3A_161] : memref<2x2048xf32, #tpu.memory_space<vmem>> -> memref<1x2048xf32, #tpu.memory_space<vmem>>
    %dma_wait3A_163 = tpu.memref_squeeze %dma_wait3A_162 : memref<1x2048xf32, #tpu.memory_space<vmem>> -> memref<2048xf32, #tpu.memory_space<vmem>>
    %dma_wait3A_164 = arith.constant 0 : i32
    %dma_wait3A_165 = tpu.memref_slice %arg2[%dma_wait3A_164] : memref<100352xf32, #tpu.memory_space<hbm>> -> memref<2048xf32, #tpu.memory_space<hbm>>
    %dma_wait3A_166 = arith.constant 0 : i32
    %dma_wait3A_167 = tpu.memref_slice %arg26[%dma_wait3A_160, %dma_wait3A_166] : memref<2x2048xf32, #tpu.memory_space<vmem>> -> memref<1x2048xf32, #tpu.memory_space<vmem>>
    %dma_wait3A_168 = tpu.memref_squeeze %dma_wait3A_167 : memref<1x2048xf32, #tpu.memory_space<vmem>> -> memref<2048xf32, #tpu.memory_space<vmem>>
    %dma_wait3A_169 = arith.constant 0 : i32
    %dma_wait3A_170 = tpu.memref_slice %arg2[%dma_wait3A_169] : memref<100352xf32, #tpu.memory_space<hbm>> -> memref<2048xf32, #tpu.memory_space<hbm>>
    tpu.wait_dma2 semaphore(%arg30 : memref<!tpu.dma_semaphore, #tpu.memory_space<semaphore_mem>>) src(%dma_wait3A_170 : memref<2048xf32, #tpu.memory_space<hbm>>) dst(%dma_wait3A_168 : memref<2048xf32, #tpu.memory_space<vmem>>)
    %dma_wait3A_171 = arith.constant 0 : i32
    %dma_wait3A_172 = arith.constant 0 : i32
    %dma_wait3A_173 = tpu.memref_slice %arg27[%dma_wait3A_171, %dma_wait3A_172] : memref<2x2048xf32, #tpu.memory_space<vmem>> -> memref<1x2048xf32, #tpu.memory_space<vmem>>
    %dma_wait3A_174 = tpu.memref_squeeze %dma_wait3A_173 : memref<1x2048xf32, #tpu.memory_space<vmem>> -> memref<2048xf32, #tpu.memory_space<vmem>>
    %dma_wait3A_175 = arith.constant 0 : i32
    %dma_wait3A_176 = tpu.memref_slice %arg2[%dma_wait3A_175] : memref<100352xf32, #tpu.memory_space<hbm>> -> memref<2048xf32, #tpu.memory_space<hbm>>
    %dma_wait3A_177 = arith.constant 0 : i32
    %dma_wait3A_178 = tpu.memref_slice %arg27[%dma_wait3A_171, %dma_wait3A_177] : memref<2x2048xf32, #tpu.memory_space<vmem>> -> memref<1x2048xf32, #tpu.memory_space<vmem>>
    %dma_wait3A_179 = tpu.memref_squeeze %dma_wait3A_178 : memref<1x2048xf32, #tpu.memory_space<vmem>> -> memref<2048xf32, #tpu.memory_space<vmem>>
    %dma_wait3A_180 = arith.constant 0 : i32
    %dma_wait3A_181 = tpu.memref_slice %arg2[%dma_wait3A_180] : memref<100352xf32, #tpu.memory_space<hbm>> -> memref<2048xf32, #tpu.memory_space<hbm>>
    tpu.wait_dma2 semaphore(%arg30 : memref<!tpu.dma_semaphore, #tpu.memory_space<semaphore_mem>>) src(%dma_wait3A_181 : memref<2048xf32, #tpu.memory_space<hbm>>) dst(%dma_wait3A_179 : memref<2048xf32, #tpu.memory_space<vmem>>)
    return
  }
}

module attributes {stable_mosaic.version = 14 : i64} {
  func.func @_phase_b_body(%arg0: i32, %arg1: memref<1x1x8192xf32, #tpu.memory_space<vmem>>, %arg2: memref<1x1x8192xf32, #tpu.memory_space<vmem>>, %arg3: memref<1x1x8192xf32, #tpu.memory_space<vmem>>, %arg4: memref<1x1x8192xf32, #tpu.memory_space<vmem>>, %arg5: memref<1x1x8192xf32, #tpu.memory_space<vmem>>, %arg6: memref<1x1x8192xf32, #tpu.memory_space<vmem>>, %arg7: memref<1x1x8192xf32, #tpu.memory_space<vmem>>, %arg8: memref<1x1x8192xf32, #tpu.memory_space<vmem>>, %arg9: memref<1x1x8192xf32, #tpu.memory_space<vmem>>, %arg10: memref<1x1x8192xf32, #tpu.memory_space<vmem>>, %arg11: memref<3x3xf32, #tpu.memory_space<vmem>>, %arg12: memref<16x1xf32, #tpu.memory_space<vmem>>, %arg13: memref<16x1xf32, #tpu.memory_space<vmem>>, %arg14: memref<16x16xf32, #tpu.memory_space<vmem>>, %arg15: memref<16x16xf32, #tpu.memory_space<vmem>>, %arg16: memref<16x1xf32, #tpu.memory_space<vmem>>, %arg17: memref<16x128xf32, #tpu.memory_space<vmem>>, %arg18: memref<1x1x8192xf32, #tpu.memory_space<vmem>>, %arg19: memref<1x1x8192xf32, #tpu.memory_space<vmem>>, %arg20: memref<1x1x8192xf32, #tpu.memory_space<vmem>>, %arg21: memref<1x1xf32, #tpu.memory_space<vmem>>) attributes {dimension_semantics = [#tpu.dimension_semantics<arbitrary>], iteration_bounds = array<i64: 392>, scalar_prefetch = 0 : i64, scratch_operands = 0 : i64, tpu.core_type = #tpu.core_type<tc>, window_params = [{transform_indices = @transform_0, window_bounds = array<i64: 1, 1, 8192>}, {transform_indices = @transform_1, window_bounds = array<i64: 1, 1, 8192>}, {transform_indices = @transform_2, window_bounds = array<i64: 1, 1, 8192>}, {transform_indices = @transform_3, window_bounds = array<i64: 1, 1, 8192>}, {transform_indices = @transform_4, window_bounds = array<i64: 1, 1, 8192>}, {transform_indices = @transform_5, window_bounds = array<i64: 1, 1, 8192>}, {transform_indices = @transform_6, window_bounds = array<i64: 1, 1, 8192>}, {transform_indices = @transform_7, window_bounds = array<i64: 1, 1, 8192>}, {transform_indices = @transform_8, window_bounds = array<i64: 1, 1, 8192>}, {transform_indices = @transform_9, window_bounds = array<i64: 1, 1, 8192>}, {pipeline_mode = #tpu.pipeline_mode<synchronous>, transform_indices = @transform_10, window_bounds = array<i64: 3, 3>}, {pipeline_mode = #tpu.pipeline_mode<synchronous>, transform_indices = @transform_11, window_bounds = array<i64: 16, 1>}, {pipeline_mode = #tpu.pipeline_mode<synchronous>, transform_indices = @transform_12, window_bounds = array<i64: 16, 1>}, {pipeline_mode = #tpu.pipeline_mode<synchronous>, transform_indices = @transform_13, window_bounds = array<i64: 16, 16>}, {pipeline_mode = #tpu.pipeline_mode<synchronous>, transform_indices = @transform_14, window_bounds = array<i64: 16, 16>}, {pipeline_mode = #tpu.pipeline_mode<synchronous>, transform_indices = @transform_15, window_bounds = array<i64: 16, 1>}, {pipeline_mode = #tpu.pipeline_mode<synchronous>, transform_indices = @transform_16, window_bounds = array<i64: 16, 128>}, {transform_indices = @transform_17, window_bounds = array<i64: 1, 1, 8192>}, {transform_indices = @transform_18, window_bounds = array<i64: 1, 1, 8192>}, {transform_indices = @transform_19, window_bounds = array<i64: 1, 1, 8192>}, {pipeline_mode = #tpu.pipeline_mode<synchronous>, transform_indices = @transform_20, window_bounds = array<i64: 1, 1>}]} {
    %get3A = arith.constant 0 : index
    %get3A_0 = arith.constant 0 : index
    %get3A_1 = arith.constant 0 : index
    %get3A_2 = vector.load %arg8[%get3A, %get3A_0, %get3A_1] : memref<1x1x8192xf32, #tpu.memory_space<vmem>>, vector<1x1x8192xf32>
    %get3A_3 = vector.shape_cast %get3A_2 : vector<1x1x8192xf32> to vector<1x8192xf32>
    %get3A_4 = arith.constant 0 : index
    %get3A_5 = arith.constant 0 : index
    %get3A_6 = arith.constant 0 : index
    %get3A_7 = vector.load %arg9[%get3A_4, %get3A_5, %get3A_6] : memref<1x1x8192xf32, #tpu.memory_space<vmem>>, vector<1x1x8192xf32>
    %get3A_8 = vector.shape_cast %get3A_7 : vector<1x1x8192xf32> to vector<1x8192xf32>
    %get3A_9 = arith.constant 0 : index
    %get3A_10 = arith.constant 0 : index
    %get3A_11 = arith.constant 0 : index
    %get3A_12 = vector.load %arg10[%get3A_9, %get3A_10, %get3A_11] : memref<1x1x8192xf32, #tpu.memory_space<vmem>>, vector<1x1x8192xf32>
    %get3A_13 = vector.shape_cast %get3A_12 : vector<1x1x8192xf32> to vector<1x8192xf32>
    %concatenate3A = tpu.concatenate %get3A_3, %get3A_8, %get3A_13 in 0 : vector<1x8192xf32>, vector<1x8192xf32>, vector<1x8192xf32> -> vector<3x8192xf32>
    %get3A_14 = arith.constant 0 : index
    %get3A_15 = arith.constant 0 : index
    %get3A_16 = vector.load %arg11[%get3A_14, %get3A_15] : memref<3x3xf32, #tpu.memory_space<vmem>>, vector<3x3xf32>
    %dot_general3A = arith.constant dense<0.000000e+00> : vector<3x8192xf32>
    %dot_general3A_17 = tpu.matmul %get3A_16, %concatenate3A, %dot_general3A {dimension_numbers = #tpu.dot_dimension_numbers<[1], [0], [0], [1], [0, 0, 1, 1], [], []>, transpose_lhs_hint = false} : vector<3x3xf32>, vector<3x8192xf32>, vector<3x8192xf32> -> vector<3x8192xf32>
    %get3A_18 = arith.constant 0 : index
    %get3A_19 = arith.constant 0 : index
    %get3A_20 = arith.constant 0 : index
    %get3A_21 = vector.load %arg5[%get3A_18, %get3A_19, %get3A_20] : memref<1x1x8192xf32, #tpu.memory_space<vmem>>, vector<1x1x8192xf32>
    %get3A_22 = vector.shape_cast %get3A_21 : vector<1x1x8192xf32> to vector<1x8192xf32>
    %get3A_23 = arith.constant 0 : index
    %get3A_24 = arith.constant 0 : index
    %get3A_25 = arith.constant 0 : index
    %get3A_26 = vector.load %arg1[%get3A_23, %get3A_24, %get3A_25] : memref<1x1x8192xf32, #tpu.memory_space<vmem>>, vector<1x1x8192xf32>
    %get3A_27 = vector.shape_cast %get3A_26 : vector<1x1x8192xf32> to vector<1x8192xf32>
    %sub3A = arith.subf %get3A_22, %get3A_27 : vector<1x8192xf32>
    %slice3A = vector.extract_strided_slice %dot_general3A_17 {offsets = [0, 0], sizes = [1, 8192], strides = [1, 1]} : vector<3x8192xf32> to vector<1x8192xf32>
    %add3A = arith.addf %sub3A, %slice3A : vector<1x8192xf32>
    %add3A_28 = arith.constant 9.99999996E-13 : f32
    %add3A_29 = vector.broadcast %add3A_28 : f32 to vector<1x8192xf32>
    %add3A_30 = arith.addf %add3A, %add3A_29 : vector<1x8192xf32>
    %get3A_31 = arith.constant 0 : index
    %get3A_32 = arith.constant 0 : index
    %get3A_33 = arith.constant 0 : index
    %get3A_34 = vector.load %arg6[%get3A_31, %get3A_32, %get3A_33] : memref<1x1x8192xf32, #tpu.memory_space<vmem>>, vector<1x1x8192xf32>
    %get3A_35 = vector.shape_cast %get3A_34 : vector<1x1x8192xf32> to vector<1x8192xf32>
    %get3A_36 = arith.constant 0 : index
    %get3A_37 = arith.constant 0 : index
    %get3A_38 = arith.constant 0 : index
    %get3A_39 = vector.load %arg2[%get3A_36, %get3A_37, %get3A_38] : memref<1x1x8192xf32, #tpu.memory_space<vmem>>, vector<1x1x8192xf32>
    %get3A_40 = vector.shape_cast %get3A_39 : vector<1x1x8192xf32> to vector<1x8192xf32>
    %sub3A_41 = arith.subf %get3A_35, %get3A_40 : vector<1x8192xf32>
    %slice3A_42 = vector.extract_strided_slice %dot_general3A_17 {offsets = [1, 0], sizes = [1, 8192], strides = [1, 1]} : vector<3x8192xf32> to vector<1x8192xf32>
    %add3A_43 = arith.addf %sub3A_41, %slice3A_42 : vector<1x8192xf32>
    %add3A_44 = arith.constant 9.99999996E-13 : f32
    %add3A_45 = vector.broadcast %add3A_44 : f32 to vector<1x8192xf32>
    %add3A_46 = arith.addf %add3A_43, %add3A_45 : vector<1x8192xf32>
    %get3A_47 = arith.constant 0 : index
    %get3A_48 = arith.constant 0 : index
    %get3A_49 = arith.constant 0 : index
    %get3A_50 = vector.load %arg7[%get3A_47, %get3A_48, %get3A_49] : memref<1x1x8192xf32, #tpu.memory_space<vmem>>, vector<1x1x8192xf32>
    %get3A_51 = vector.shape_cast %get3A_50 : vector<1x1x8192xf32> to vector<1x8192xf32>
    %get3A_52 = arith.constant 0 : index
    %get3A_53 = arith.constant 0 : index
    %get3A_54 = arith.constant 0 : index
    %get3A_55 = vector.load %arg3[%get3A_52, %get3A_53, %get3A_54] : memref<1x1x8192xf32, #tpu.memory_space<vmem>>, vector<1x1x8192xf32>
    %get3A_56 = vector.shape_cast %get3A_55 : vector<1x1x8192xf32> to vector<1x8192xf32>
    %sub3A_57 = arith.subf %get3A_51, %get3A_56 : vector<1x8192xf32>
    %slice3A_58 = vector.extract_strided_slice %dot_general3A_17 {offsets = [2, 0], sizes = [1, 8192], strides = [1, 1]} : vector<3x8192xf32> to vector<1x8192xf32>
    %add3A_59 = arith.addf %sub3A_57, %slice3A_58 : vector<1x8192xf32>
    %add3A_60 = arith.constant 9.99999996E-13 : f32
    %add3A_61 = vector.broadcast %add3A_60 : f32 to vector<1x8192xf32>
    %add3A_62 = arith.addf %add3A_59, %add3A_61 : vector<1x8192xf32>
    %mul3A = arith.mulf %add3A_30, %add3A_30 : vector<1x8192xf32>
    %mul3A_63 = arith.mulf %add3A_46, %add3A_46 : vector<1x8192xf32>
    %add3A_64 = arith.addf %mul3A, %mul3A_63 : vector<1x8192xf32>
    %mul3A_65 = arith.mulf %add3A_62, %add3A_62 : vector<1x8192xf32>
    %add3A_66 = arith.addf %add3A_64, %mul3A_65 : vector<1x8192xf32>
    %rsqrt3A = math.rsqrt %add3A_66 : vector<1x8192xf32>
    %mul3A_67 = arith.constant 5.000000e-01 : f32
    %mul3A_68 = vector.broadcast %mul3A_67 : f32 to vector<1x8192xf32>
    %mul3A_69 = arith.mulf %mul3A_68, %add3A_66 : vector<1x8192xf32>
    %mul3A_70 = arith.mulf %mul3A_69, %rsqrt3A : vector<1x8192xf32>
    %mul3A_71 = arith.mulf %mul3A_70, %rsqrt3A : vector<1x8192xf32>
    %sub3A_72 = arith.constant 1.500000e+00 : f32
    %sub3A_73 = vector.broadcast %sub3A_72 : f32 to vector<1x8192xf32>
    %sub3A_74 = arith.subf %sub3A_73, %mul3A_71 : vector<1x8192xf32>
    %mul3A_75 = arith.mulf %rsqrt3A, %sub3A_74 : vector<1x8192xf32>
    %mul3A_76 = arith.mulf %add3A_66, %mul3A_75 : vector<1x8192xf32>
    %get3A_77 = arith.constant 0 : index
    %get3A_78 = arith.constant 0 : index
    %get3A_79 = vector.load %arg12[%get3A_77, %get3A_78] : memref<16x1xf32, #tpu.memory_space<vmem>>, vector<16x1xf32>
    %bitcast_convert_type3A = tpu.bitcast %mul3A_76 : vector<1x8192xf32> -> vector<1x8192xi32>
    %add3A_80 = arith.constant 32767 : i32
    %add3A_81 = vector.broadcast %add3A_80 : i32 to vector<1x8192xi32>
    %add3A_82 = arith.addi %bitcast_convert_type3A, %add3A_81 : vector<1x8192xi32>
    %shift_right_arithmetic3A = arith.constant 16 : i32
    %shift_right_arithmetic3A_83 = vector.broadcast %shift_right_arithmetic3A : i32 to vector<1x8192xi32>
    %shift_right_arithmetic3A_84 = arith.shrsi %bitcast_convert_type3A, %shift_right_arithmetic3A_83 : vector<1x8192xi32>
    %and3A = arith.constant 1 : i32
    %and3A_85 = vector.broadcast %and3A : i32 to vector<1x8192xi32>
    %and3A_86 = arith.andi %shift_right_arithmetic3A_84, %and3A_85 : vector<1x8192xi32>
    %add3A_87 = arith.addi %add3A_82, %and3A_86 : vector<1x8192xi32>
    %and3A_88 = arith.constant -65536 : i32
    %and3A_89 = vector.broadcast %and3A_88 : i32 to vector<1x8192xi32>
    %and3A_90 = arith.andi %add3A_87, %and3A_89 : vector<1x8192xi32>
    %bitcast_convert_type3A_91 = tpu.bitcast %and3A_90 : vector<1x8192xi32> -> vector<1x8192xf32>
    %mul3A_92 = vector.broadcast %get3A_79 : vector<16x1xf32> to vector<16x8192xf32>
    %mul3A_93 = vector.broadcast %bitcast_convert_type3A_91 : vector<1x8192xf32> to vector<16x8192xf32>
    %mul3A_94 = arith.mulf %mul3A_92, %mul3A_93 : vector<16x8192xf32>
    %get3A_95 = arith.constant 0 : index
    %get3A_96 = arith.constant 0 : index
    %get3A_97 = vector.load %arg13[%get3A_95, %get3A_96] : memref<16x1xf32, #tpu.memory_space<vmem>>, vector<16x1xf32>
    %add3A_98 = vector.broadcast %get3A_97 : vector<16x1xf32> to vector<16x8192xf32>
    %add3A_99 = arith.addf %mul3A_94, %add3A_98 : vector<16x8192xf32>
    %neg3A = arith.constant 0.000000e+00 : f32
    %neg3A_100 = vector.broadcast %neg3A : f32 to vector<16x8192xf32>
    %neg3A_101 = arith.subf %neg3A_100, %add3A_99 : vector<16x8192xf32>
    %exp3A = math.exp %neg3A_101 : vector<16x8192xf32>
    %add3A_102 = arith.constant 1.000000e+00 : f32
    %add3A_103 = vector.broadcast %add3A_102 : f32 to vector<16x8192xf32>
    %add3A_104 = arith.addf %add3A_103, %exp3A : vector<16x8192xf32>
    %div3A = arith.constant 1.000000e+00 : f32
    %div3A_105 = vector.broadcast %div3A : f32 to vector<16x8192xf32>
    %div3A_106 = arith.divf %div3A_105, %add3A_104 : vector<16x8192xf32>
    %mul3A_107 = arith.mulf %add3A_104, %div3A_106 : vector<16x8192xf32>
    %sub3A_108 = arith.constant 2.000000e+00 : f32
    %sub3A_109 = vector.broadcast %sub3A_108 : f32 to vector<16x8192xf32>
    %sub3A_110 = arith.subf %sub3A_109, %mul3A_107 : vector<16x8192xf32>
    %mul3A_111 = arith.mulf %div3A_106, %sub3A_110 : vector<16x8192xf32>
    %mul3A_112 = arith.mulf %add3A_99, %mul3A_111 : vector<16x8192xf32>
    %get3A_113 = arith.constant 0 : index
    %get3A_114 = arith.constant 0 : index
    %get3A_115 = vector.load %arg14[%get3A_113, %get3A_114] : memref<16x16xf32, #tpu.memory_space<vmem>>, vector<16x16xf32>
    %dot_general3A_116 = arith.constant dense<0.000000e+00> : vector<16x8192xf32>
    %dot_general3A_117 = tpu.matmul %get3A_115, %mul3A_112, %dot_general3A_116 {dimension_numbers = #tpu.dot_dimension_numbers<[1], [0], [0], [1], [0, 0, 1, 1], [], []>, transpose_lhs_hint = false} : vector<16x16xf32>, vector<16x8192xf32>, vector<16x8192xf32> -> vector<16x8192xf32>
    %get3A_118 = arith.constant 0 : index
    %get3A_119 = arith.constant 0 : index
    %get3A_120 = vector.load %arg16[%get3A_118, %get3A_119] : memref<16x1xf32, #tpu.memory_space<vmem>>, vector<16x1xf32>
    %add3A_121 = vector.broadcast %get3A_120 : vector<16x1xf32> to vector<16x8192xf32>
    %add3A_122 = arith.addf %dot_general3A_117, %add3A_121 : vector<16x8192xf32>
    %neg3A_123 = arith.constant 0.000000e+00 : f32
    %neg3A_124 = vector.broadcast %neg3A_123 : f32 to vector<16x8192xf32>
    %neg3A_125 = arith.subf %neg3A_124, %add3A_122 : vector<16x8192xf32>
    %exp3A_126 = math.exp %neg3A_125 : vector<16x8192xf32>
    %add3A_127 = arith.constant 1.000000e+00 : f32
    %add3A_128 = vector.broadcast %add3A_127 : f32 to vector<16x8192xf32>
    %add3A_129 = arith.addf %add3A_128, %exp3A_126 : vector<16x8192xf32>
    %div3A_130 = arith.constant 1.000000e+00 : f32
    %div3A_131 = vector.broadcast %div3A_130 : f32 to vector<16x8192xf32>
    %div3A_132 = arith.divf %div3A_131, %add3A_129 : vector<16x8192xf32>
    %mul3A_133 = arith.mulf %add3A_129, %div3A_132 : vector<16x8192xf32>
    %sub3A_134 = arith.constant 2.000000e+00 : f32
    %sub3A_135 = vector.broadcast %sub3A_134 : f32 to vector<16x8192xf32>
    %sub3A_136 = arith.subf %sub3A_135, %mul3A_133 : vector<16x8192xf32>
    %mul3A_137 = arith.mulf %div3A_132, %sub3A_136 : vector<16x8192xf32>
    %mul3A_138 = arith.mulf %add3A_122, %mul3A_137 : vector<16x8192xf32>
    %get3A_139 = arith.constant 0 : index
    %get3A_140 = arith.constant 0 : index
    %get3A_141 = arith.constant 0 : index
    %get3A_142 = vector.load %arg4[%get3A_139, %get3A_140, %get3A_141] : memref<1x1x8192xf32, #tpu.memory_space<vmem>>, vector<1x1x8192xf32>
    %get3A_143 = vector.shape_cast %get3A_142 : vector<1x1x8192xf32> to vector<1x8192xf32>
    %bitcast_convert_type3A_144 = tpu.bitcast %get3A_143 : vector<1x8192xf32> -> vector<1x8192xi32>
    %iota3A = tpu.iota {dimensions = array<i32: 0>} : vector<128x8192xi32>
    %eq3A = vector.broadcast %bitcast_convert_type3A_144 : vector<1x8192xi32> to vector<128x8192xi32>
    %eq3A_145 = arith.cmpi eq, %iota3A, %eq3A : vector<128x8192xi32>
    %convert_element_type3A = arith.extui %eq3A_145 : vector<128x8192xi1> to vector<128x8192xi32>
    %convert_element_type3A_146 = arith.sitofp %convert_element_type3A : vector<128x8192xi32> to vector<128x8192xf32>
    %get3A_147 = arith.constant 0 : index
    %get3A_148 = arith.constant 0 : index
    %get3A_149 = vector.load %arg17[%get3A_147, %get3A_148] : memref<16x128xf32, #tpu.memory_space<vmem>>, vector<16x128xf32>
    %dot_general3A_150 = arith.constant dense<0.000000e+00> : vector<16x8192xf32>
    %dot_general3A_151 = tpu.matmul %get3A_149, %convert_element_type3A_146, %dot_general3A_150 {dimension_numbers = #tpu.dot_dimension_numbers<[1], [0], [0], [1], [0, 0, 1, 1], [], []>, transpose_lhs_hint = false} : vector<16x128xf32>, vector<128x8192xf32>, vector<16x8192xf32> -> vector<16x8192xf32>
    %mul3A_152 = arith.mulf %mul3A_138, %dot_general3A_151 : vector<16x8192xf32>
    %reduce_sum3A = vector.shape_cast %mul3A_152 : vector<16x8192xf32> to vector<1x16x8192xf32>
    %reduce_sum3A_153 = arith.constant dense<0.000000e+00> : vector<1xf32>
    %reduce_sum3A_154 = vector.multi_reduction <add>, %reduce_sum3A, %reduce_sum3A_153 [1, 2] : vector<1x16x8192xf32> to vector<1xf32>
    %reduce_sum3A_155 = vector.shape_cast %reduce_sum3A_154 : vector<1xf32> to vector<1x1x1xf32>
    %reduce_sum3A_156 = vector.extract %reduce_sum3A_155[0, 0, 0] : f32 from vector<1x1x1xf32>
    %reshape3A = vector.broadcast %reduce_sum3A_156 : f32 to vector<1x1xf32>
    %sub3A_157 = arith.constant 1.000000e+00 : f32
    %sub3A_158 = vector.broadcast %sub3A_157 : f32 to vector<16x8192xf32>
    %sub3A_159 = arith.subf %sub3A_158, %mul3A_111 : vector<16x8192xf32>
    %mul3A_160 = arith.mulf %add3A_99, %sub3A_159 : vector<16x8192xf32>
    %add3A_161 = arith.constant 1.000000e+00 : f32
    %add3A_162 = vector.broadcast %add3A_161 : f32 to vector<16x8192xf32>
    %add3A_163 = arith.addf %add3A_162, %mul3A_160 : vector<16x8192xf32>
    %mul3A_164 = arith.mulf %mul3A_111, %add3A_163 : vector<16x8192xf32>
    %sub3A_165 = arith.constant 1.000000e+00 : f32
    %sub3A_166 = vector.broadcast %sub3A_165 : f32 to vector<16x8192xf32>
    %sub3A_167 = arith.subf %sub3A_166, %mul3A_137 : vector<16x8192xf32>
    %mul3A_168 = arith.mulf %add3A_122, %sub3A_167 : vector<16x8192xf32>
    %add3A_169 = arith.constant 1.000000e+00 : f32
    %add3A_170 = vector.broadcast %add3A_169 : f32 to vector<16x8192xf32>
    %add3A_171 = arith.addf %add3A_170, %mul3A_168 : vector<16x8192xf32>
    %mul3A_172 = arith.mulf %mul3A_137, %add3A_171 : vector<16x8192xf32>
    %mul3A_173 = arith.mulf %dot_general3A_151, %mul3A_172 : vector<16x8192xf32>
    %get3A_174 = arith.constant 0 : index
    %get3A_175 = arith.constant 0 : index
    %get3A_176 = vector.load %arg15[%get3A_174, %get3A_175] : memref<16x16xf32, #tpu.memory_space<vmem>>, vector<16x16xf32>
    %dot_general3A_177 = arith.constant dense<0.000000e+00> : vector<16x8192xf32>
    %dot_general3A_178 = tpu.matmul %get3A_176, %mul3A_173, %dot_general3A_177 {dimension_numbers = #tpu.dot_dimension_numbers<[1], [0], [0], [1], [0, 0, 1, 1], [], []>, transpose_lhs_hint = false} : vector<16x16xf32>, vector<16x8192xf32>, vector<16x8192xf32> -> vector<16x8192xf32>
    %mul3A_179 = arith.mulf %dot_general3A_178, %mul3A_164 : vector<16x8192xf32>
    %get3A_180 = arith.constant 0 : index
    %get3A_181 = arith.constant 0 : index
    %get3A_182 = vector.load %arg12[%get3A_180, %get3A_181] : memref<16x1xf32, #tpu.memory_space<vmem>>, vector<16x1xf32>
    %mul3A_183 = vector.broadcast %get3A_182 : vector<16x1xf32> to vector<16x8192xf32>
    %mul3A_184 = arith.mulf %mul3A_183, %mul3A_179 : vector<16x8192xf32>
    %reduce_sum3A_185 = arith.constant dense<0.000000e+00> : vector<8192xf32>
    %reduce_sum3A_186 = vector.multi_reduction <add>, %mul3A_184, %reduce_sum3A_185 [0] : vector<16x8192xf32> to vector<8192xf32>
    %broadcast_in_dim3A = vector.shape_cast %reduce_sum3A_186 : vector<8192xf32> to vector<1x8192xf32>
    %mul3A_187 = arith.mulf %broadcast_in_dim3A, %mul3A_75 : vector<1x8192xf32>
    %mul3A_188 = arith.mulf %mul3A_187, %add3A_30 : vector<1x8192xf32>
    %swap3A = arith.constant 0 : index
    %swap3A_189 = arith.constant 0 : index
    %swap3A_190 = arith.constant 0 : index
    %swap3A_191 = vector.load %arg18[%swap3A, %swap3A_189, %swap3A_190] : memref<1x1x8192xf32, #tpu.memory_space<vmem>>, vector<1x1x8192xf32>
    %swap3A_192 = vector.shape_cast %swap3A_191 : vector<1x1x8192xf32> to vector<1x8192xf32>
    %swap3A_193 = vector.shape_cast %mul3A_188 : vector<1x8192xf32> to vector<1x1x8192xf32>
    tpu.vector_store %arg18[%swap3A, %swap3A_189, %swap3A_190], %swap3A_193 {strides = array<i32>} : memref<1x1x8192xf32, #tpu.memory_space<vmem>>, vector<1x1x8192xf32>,
    %mul3A_194 = arith.mulf %mul3A_187, %add3A_46 : vector<1x8192xf32>
    %swap3A_195 = arith.constant 0 : index
    %swap3A_196 = arith.constant 0 : index
    %swap3A_197 = arith.constant 0 : index
    %swap3A_198 = vector.load %arg19[%swap3A_195, %swap3A_196, %swap3A_197] : memref<1x1x8192xf32, #tpu.memory_space<vmem>>, vector<1x1x8192xf32>
    %swap3A_199 = vector.shape_cast %swap3A_198 : vector<1x1x8192xf32> to vector<1x8192xf32>
    %swap3A_200 = vector.shape_cast %mul3A_194 : vector<1x8192xf32> to vector<1x1x8192xf32>
    tpu.vector_store %arg19[%swap3A_195, %swap3A_196, %swap3A_197], %swap3A_200 {strides = array<i32>} : memref<1x1x8192xf32, #tpu.memory_space<vmem>>, vector<1x1x8192xf32>,
    %mul3A_201 = arith.mulf %mul3A_187, %add3A_62 : vector<1x8192xf32>
    %swap3A_202 = arith.constant 0 : index
    %swap3A_203 = arith.constant 0 : index
    %swap3A_204 = arith.constant 0 : index
    %swap3A_205 = vector.load %arg20[%swap3A_202, %swap3A_203, %swap3A_204] : memref<1x1x8192xf32, #tpu.memory_space<vmem>>, vector<1x1x8192xf32>
    %swap3A_206 = vector.shape_cast %swap3A_205 : vector<1x1x8192xf32> to vector<1x8192xf32>
    %swap3A_207 = vector.shape_cast %mul3A_201 : vector<1x8192xf32> to vector<1x1x8192xf32>
    tpu.vector_store %arg20[%swap3A_202, %swap3A_203, %swap3A_204], %swap3A_207 {strides = array<i32>} : memref<1x1x8192xf32, #tpu.memory_space<vmem>>, vector<1x1x8192xf32>,
    %eq3A_208 = arith.constant 0 : i32
    %eq3A_209 = arith.cmpi eq, %arg0, %eq3A_208 : i32
    %convert_element_type3A_210 = arith.extui %eq3A_209 : i1 to i32
    %cond3A = arith.constant 0 : i32
    %cond3A_211 = arith.cmpi ne, %convert_element_type3A_210, %cond3A : i32
    scf.if %cond3A_211 {
      %broadcast_in_dim3A_219 = arith.constant 0.000000e+00 : f32
      %broadcast_in_dim3A_220 = vector.broadcast %broadcast_in_dim3A_219 : f32 to vector<1x1xf32>
      %swap3A_221 = arith.constant 0 : index
      %swap3A_222 = arith.constant 0 : index
      %swap3A_223 = vector.load %arg21[%swap3A_221, %swap3A_222] : memref<1x1xf32, #tpu.memory_space<vmem>>, vector<1x1xf32>
      tpu.vector_store %arg21[%swap3A_221, %swap3A_222], %broadcast_in_dim3A_220 {strides = array<i32>} : memref<1x1xf32, #tpu.memory_space<vmem>>, vector<1x1xf32>,
    } else {
    }
    %get3A_212 = arith.constant 0 : index
    %get3A_213 = arith.constant 0 : index
    %get3A_214 = vector.load %arg21[%get3A_212, %get3A_213] : memref<1x1xf32, #tpu.memory_space<vmem>>, vector<1x1xf32>
    %add3A_215 = arith.addf %get3A_214, %reshape3A : vector<1x1xf32>
    %swap3A_216 = arith.constant 0 : index
    %swap3A_217 = arith.constant 0 : index
    %swap3A_218 = vector.load %arg21[%swap3A_216, %swap3A_217] : memref<1x1xf32, #tpu.memory_space<vmem>>, vector<1x1xf32>
    tpu.vector_store %arg21[%swap3A_216, %swap3A_217], %add3A_215 {strides = array<i32>} : memref<1x1xf32, #tpu.memory_space<vmem>>, vector<1x1xf32>,
    return
  }
  func.func @transform_0(%arg0: i32) -> (i32, i32, i32) {
    %c0_i32 = arith.constant 0 : i32
    %c0_i32_0 = arith.constant 0 : i32
    %c0_i32_1 = arith.constant 0 : i32
    return %arg0, %c0_i32, %c0_i32_0 : i32, i32, i32
  }
  func.func @transform_1(%arg0: i32) -> (i32, i32, i32) {
    %c0_i32 = arith.constant 0 : i32
    %c0_i32_0 = arith.constant 0 : i32
    %c0_i32_1 = arith.constant 0 : i32
    return %arg0, %c0_i32, %c0_i32_0 : i32, i32, i32
  }
  func.func @transform_2(%arg0: i32) -> (i32, i32, i32) {
    %c0_i32 = arith.constant 0 : i32
    %c0_i32_0 = arith.constant 0 : i32
    %c0_i32_1 = arith.constant 0 : i32
    return %arg0, %c0_i32, %c0_i32_0 : i32, i32, i32
  }
  func.func @transform_3(%arg0: i32) -> (i32, i32, i32) {
    %c0_i32 = arith.constant 0 : i32
    %c0_i32_0 = arith.constant 0 : i32
    %c0_i32_1 = arith.constant 0 : i32
    return %arg0, %c0_i32, %c0_i32_0 : i32, i32, i32
  }
  func.func @transform_4(%arg0: i32) -> (i32, i32, i32) {
    %c0_i32 = arith.constant 0 : i32
    %c0_i32_0 = arith.constant 0 : i32
    %c0_i32_1 = arith.constant 0 : i32
    return %arg0, %c0_i32, %c0_i32_0 : i32, i32, i32
  }
  func.func @transform_5(%arg0: i32) -> (i32, i32, i32) {
    %c0_i32 = arith.constant 0 : i32
    %c0_i32_0 = arith.constant 0 : i32
    %c0_i32_1 = arith.constant 0 : i32
    return %arg0, %c0_i32, %c0_i32_0 : i32, i32, i32
  }
  func.func @transform_6(%arg0: i32) -> (i32, i32, i32) {
    %c0_i32 = arith.constant 0 : i32
    %c0_i32_0 = arith.constant 0 : i32
    %c0_i32_1 = arith.constant 0 : i32
    return %arg0, %c0_i32, %c0_i32_0 : i32, i32, i32
  }
  func.func @transform_7(%arg0: i32) -> (i32, i32, i32) {
    %c0_i32 = arith.constant 0 : i32
    %c0_i32_0 = arith.constant 0 : i32
    %c0_i32_1 = arith.constant 0 : i32
    return %arg0, %c0_i32, %c0_i32_0 : i32, i32, i32
  }
  func.func @transform_8(%arg0: i32) -> (i32, i32, i32) {
    %c0_i32 = arith.constant 0 : i32
    %c0_i32_0 = arith.constant 0 : i32
    %c0_i32_1 = arith.constant 0 : i32
    return %arg0, %c0_i32, %c0_i32_0 : i32, i32, i32
  }
  func.func @transform_9(%arg0: i32) -> (i32, i32, i32) {
    %c0_i32 = arith.constant 0 : i32
    %c0_i32_0 = arith.constant 0 : i32
    %c0_i32_1 = arith.constant 0 : i32
    return %arg0, %c0_i32, %c0_i32_0 : i32, i32, i32
  }
  func.func @transform_10(%arg0: i32) -> (i32, i32) {
    %c0_i32 = arith.constant 0 : i32
    %c0_i32_0 = arith.constant 0 : i32
    %c0_i32_1 = arith.constant 0 : i32
    return %c0_i32, %c0_i32_0 : i32, i32
  }
  func.func @transform_11(%arg0: i32) -> (i32, i32) {
    %c0_i32 = arith.constant 0 : i32
    %c0_i32_0 = arith.constant 0 : i32
    %c0_i32_1 = arith.constant 0 : i32
    return %c0_i32, %c0_i32_0 : i32, i32
  }
  func.func @transform_12(%arg0: i32) -> (i32, i32) {
    %c0_i32 = arith.constant 0 : i32
    %c0_i32_0 = arith.constant 0 : i32
    %c0_i32_1 = arith.constant 0 : i32
    return %c0_i32, %c0_i32_0 : i32, i32
  }
  func.func @transform_13(%arg0: i32) -> (i32, i32) {
    %c0_i32 = arith.constant 0 : i32
    %c0_i32_0 = arith.constant 0 : i32
    %c0_i32_1 = arith.constant 0 : i32
    return %c0_i32, %c0_i32_0 : i32, i32
  }
  func.func @transform_14(%arg0: i32) -> (i32, i32) {
    %c0_i32 = arith.constant 0 : i32
    %c0_i32_0 = arith.constant 0 : i32
    %c0_i32_1 = arith.constant 0 : i32
    return %c0_i32, %c0_i32_0 : i32, i32
  }
  func.func @transform_15(%arg0: i32) -> (i32, i32) {
    %c0_i32 = arith.constant 0 : i32
    %c0_i32_0 = arith.constant 0 : i32
    %c0_i32_1 = arith.constant 0 : i32
    return %c0_i32, %c0_i32_0 : i32, i32
  }
  func.func @transform_16(%arg0: i32) -> (i32, i32) {
    %c0_i32 = arith.constant 0 : i32
    %c0_i32_0 = arith.constant 0 : i32
    %c0_i32_1 = arith.constant 0 : i32
    return %c0_i32, %c0_i32_0 : i32, i32
  }
  func.func @transform_17(%arg0: i32) -> (i32, i32, i32) {
    %c0_i32 = arith.constant 0 : i32
    %c0_i32_0 = arith.constant 0 : i32
    %c0_i32_1 = arith.constant 0 : i32
    return %arg0, %c0_i32, %c0_i32_0 : i32, i32, i32
  }
  func.func @transform_18(%arg0: i32) -> (i32, i32, i32) {
    %c0_i32 = arith.constant 0 : i32
    %c0_i32_0 = arith.constant 0 : i32
    %c0_i32_1 = arith.constant 0 : i32
    return %arg0, %c0_i32, %c0_i32_0 : i32, i32, i32
  }
  func.func @transform_19(%arg0: i32) -> (i32, i32, i32) {
    %c0_i32 = arith.constant 0 : i32
    %c0_i32_0 = arith.constant 0 : i32
    %c0_i32_1 = arith.constant 0 : i32
    return %arg0, %c0_i32, %c0_i32_0 : i32, i32, i32
  }
  func.func @transform_20(%arg0: i32) -> (i32, i32) {
    %c0_i32 = arith.constant 0 : i32
    %c0_i32_0 = arith.constant 0 : i32
    %c0_i32_1 = arith.constant 0 : i32
    return %c0_i32, %c0_i32_0 : i32, i32
  }
}

</mosaic_0001>

<sc_bundles>
// kernel: kernel.5.cloned.1.call-start
scs
__scs_entry_jumppad:
0x0: {  	(pc) =	sbr.rel $0x88, $3  }
0x1: {  	(tag) =	ssettag $0x0;
	lr =	simm.s32 $0x1  }
0x2: {  	[smem:$0x3F95] =	sst lr;
	_ =	strace $0xD0000000  }
0x3: {  	_ = 	snop  }
0x4: {  	_ = 	snop  }
0x5: {  	_ = 	snop  }
0x6: {  	_ = 	snop  }
0x7: {  	_ = 	snop  }
__scs_overlays_trampoline_lowered:
0x8: {  	[smem:$0x3FA4] =	sst s0  }
0x9: {  	[smem:$0x3FA5] =	sst s1  }
0xa: {  	[smem:$0x3FA6] =	sst s2  }
0xb: {  	[smem:$0x3FA7] =	sst s3  }
0xc: {  	[smem:$0x3FA8] =	sst s4  }
0xd: {  	[smem:$0x3FA9] =	sst s5  }
0xe: {  	[smem:$0x3FAA] =	sst s6  }
0xf: {  	[smem:$0x3FAB] =	sst s7  }
0x10: {  	[smem:$0x3FAC] =	sst s8  }
0x11: {  	[smem:$0x3FAD] =	sst s9;
	s0 =	simm.s32 @!p0 $0x0  }
0x12: {  	s1 =	sld [smem:$0x3F93];
	s0 =	simm.s32 @p0 $0x1  }
0x13: {  	[smem:$0x3FAE] =	sst s0;
	s0 =	simm.s32 @!p1 $0x0  }
0x14: {  	s2 =	sld [smem:$0x3F92];
	s0 =	simm.s32 @p1 $0x1  }
0x15: {  	[smem:$0x3FAF] =	sst s0;
	s0 =	simm.s32 @!p2 $0x0  }
0x16: {  	s3 =	sld [smem:$0x3FDB];
	s0 =	simm.s32 @p2 $0x1  }
0x17: {  	s4 =	simm.s32 $0x1BF5;
	[smem:$0x3FB1] =	sst s0  }
0x18: {  	s0 =	sld [smem:$0x3F94];
	_ =	swait.ge [sflag:s4], $0x0  }
0x19: {  	s7 =	sld [smem:$0x3F95]  }
0x1a: {  	s8 =	sadd.s32 $0xFFFFE003, lr  }
0x1b: {  	s9 =	sadd.s32 $0xFFFFFEF7, lr;
	s5 =	simm.s32 $0xFFFFFFFF;
	p2 =	slt.u32 s8, $0xFFFFF086  }
0x1c: {  	p1 =	slt.u32 s9, $0xF7A;
	s5 =	simm.s32 @!p2 $0x0  }
0x1d: {  	s5 =	simm.s32 @p1 $0x1;
	p0 =	seq.s32 s7, s2  }
0x1e: {  	s7 =	smul.u32 @!p0 $0xF7A, s2;
	p2 =	seq.s32 @!p0 s5, $0x0  }
0x1f: {  	s9 =	smul.u32 $0xF7A, s1;
	s8 =	simm.s32 @!p0 $0x1BF5;
	p2 =	por !p2, p0  }
0x20: {  	[sflag:s8] =	ssyncset.s32 @!p0 $0xFFFFF086;
	s6 =	sadd.s32 @!p0 s3, s7;
	s7 =	simm.s32 @!p0 $0x108  }
0x21: {  	s3 =	sadd.s32 s3, s9;
	s6 =	sadd.s32 @!p0 $0x88, s6;
	s7 =	simm.s32 @p2 $0x1082  }
0x22: {  	[simem:s7], [sflag:s8] =	dma.local @!p0 [hbm:s6], $0xF7A  }
0x23: {  	s9 =	sor.u32 $0xD0000000, s2;
	s6 =	simm.s32 $0x108;
	_ =	swait.ge @!p0 [sflag:s8], $0x0  }
0x24: {  	s3 =	sadd.s32 $0x88, s3;
	s6 =	simm.s32 @!p1 $0x1082;
	[sflag:s4] =	ssyncset.s32 $0xFFFFF086  }
0x25: {  	[simem:s6], [sflag:s4] =	dma.local [hbm:s3], $0xF7A  }
0x26: {  	[smem:$0x3F95] =	sst s1;
	(tag) =	ssettag s2;
	_ =	strace s9  }
0x27: {  	s1 =	sld [smem:$0x3FA5]  }
0x28: {  	s2 =	sld [smem:$0x3FA6]  }
0x29: {  	s4 =	sld [smem:$0x3FA8]  }
0x2a: {  	p0 =	seq.s32 s5, $0x0;
	s5 =	sld [smem:$0x3FA9]  }
0x2b: {  	s6 =	sld [smem:$0x3FAA]  }
0x2c: {  	s7 =	sld [smem:$0x3FAB]  }
0x2d: {  	s3 =	simm.s32 $0x108;
	s8 =	sld [smem:$0x3FAC]  }
0x2e: {  	s3 =	simm.s32 @!p0 $0x1082;
	s9 =	sld [smem:$0x3FAD]  }
0x2f: {  	lr =	sadd.s32 s0, s3;
	s0 =	sld [smem:$0x3FA4]  }
0x30: {  	s3 =	sld [smem:$0x3FA7]  }
0x31: {  	[smem:$0x3FB0] =	sst s10  }
0x32: {  	s10 =	sld [smem:$0x3FAE];
	_ =	sdelay $0x3  }
0x33: {  	p0 =	seq.s32 s10, $0x1;
	s10 =	sld [smem:$0x3FB0];
	_ =	sdelay $0x3  }
0x34: {  	[smem:$0x3FB0] =	sst s10  }
0x35: {  	s10 =	sld [smem:$0x3FAF];
	_ =	sdelay $0x3  }
0x36: {  	p1 =	seq.s32 s10, $0x1;
	s10 =	sld [smem:$0x3FB0];
	_ =	sdelay $0x3  }
0x37: {  	[smem:$0x3FB0] =	sst s10  }
0x38: {  	s10 =	sld [smem:$0x3FB1]  }
0x39: {  	_ = 	snop;
	(pc) =	sbr.ind lr, $3  }
0x3a: {  	_ = 	snop  }
0x3b: {  	_ = 	snop  }
0x3c: {  	p2 =	seq.s32 s10, $0x1;
	s10 =	sld [smem:$0x3FB0]  }
0x3d: {  	_ =	shalt  }
0x3e: {  	_ =	shalt  }
0x3f: {  	_ =	shalt  }
0x40: {  	_ =	shalt  }
0x41: {  	_ =	shalt  }
0x42: {  	_ =	shalt  }
0x43: {  	_ =	shalt  }
0x44: {  	_ =	shalt  }
0x45: {  	_ =	shalt  }
0x46: {  	_ =	shalt  }
0x47: {  	_ =	shalt  }
0x48: {  	_ =	shalt  }
0x49: {  	_ =	shalt  }
0x4a: {  	_ =	shalt  }
0x4b: {  	_ =	shalt  }
0x4c: {  	_ =	shalt  }
0x4d: {  	_ =	shalt  }
0x4e: {  	_ =	shalt  }
0x4f: {  	_ =	shalt  }
0x50: {  	_ =	shalt  }
0x51: {  	_ =	shalt  }
0x52: {  	_ =	shalt  }
0x53: {  	_ =	shalt  }
0x54: {  	_ =	shalt  }
0x55: {  	_ =	shalt  }
0x56: {  	_ =	shalt  }
0x57: {  	_ =	shalt  }
0x58: {  	_ =	shalt  }
0x59: {  	_ =	shalt  }
0x5a: {  	_ =	shalt  }
0x5b: {  	_ =	shalt  }
0x5c: {  	_ =	shalt  }
0x5d: {  	_ =	shalt  }
0x5e: {  	_ =	shalt  }
0x5f: {  	_ =	shalt  }
0x60: {  	_ =	shalt  }
0x61: {  	_ =	shalt  }
0x62: {  	_ =	shalt  }
0x63: {  	_ =	shalt  }
0x64: {  	_ =	shalt  }
0x65: {  	_ =	shalt  }
0x66: {  	_ =	shalt  }
0x67: {  	_ =	shalt  }
0x68: {  	_ =	shalt  }
0x69: {  	_ =	shalt  }
0x6a: {  	_ =	shalt  }
0x6b: {  	_ =	shalt  }
0x6c: {  	_ =	shalt  }
0x6d: {  	_ =	shalt  }
0x6e: {  	_ =	shalt  }
0x6f: {  	_ =	shalt  }
0x70: {  	_ =	shalt  }
0x71: {  	_ =	shalt  }
0x72: {  	_ =	shalt  }
0x73: {  	_ =	shalt  }
0x74: {  	_ =	shalt  }
0x75: {  	_ =	shalt  }
0x76: {  	_ =	shalt  }
0x77: {  	_ =	shalt  }
0x78: {  	_ =	shalt  }
0x79: {  	_ =	shalt  }
0x7a: {  	_ =	shalt  }
0x7b: {  	_ =	shalt  }
0x7c: {  	_ =	shalt  }
0x7d: {  	_ =	shalt  }
0x7e: {  	_ =	shalt  }
0x7f: {  	_ =	shalt  }
0x80: {  	_ =	shalt  }
0x81: {  	_ =	shalt  }
0x82: {  	_ =	shalt  }
0x83: {  	_ =	shalt  }
0x84: {  	_ =	shalt  }
0x85: {  	_ =	shalt  }
0x86: {  	_ =	shalt  }
0x87: {  	_ =	shalt  }
.Lfunc_end0:
.L_simem_size_0:
called_computation_lowered:
.L_overlay_start_0:
0x88: {  	s2 =	sld [smem:$0x3FD9]  }
0x89: {  	s3 =	sld [smem:$0x3FFE];
	_ =	sdelay $0x1  }
0x8a: {  	s1 =	srdreg.scid  }
0x8b: {  	s0 =	sand.u32 $0x1, s1  }
0x8c: {  	s14 =	sshll.u32 s0, $0xA;
	s2 =	sadd.s32 s3, s2  }
0x8d: {  	s2 =	sadd.s32 s2, s14  }
0x8e: {  	[smem:$0x3FBC] =	sst s2  }
0x8f: {  	_ = 	snop  }
0x90: {  	s2 =	sld [smem:$0x3FD0];
	_ =	sdelay $0x2  }
0x91: {  	s15 =	simm.s32 $0xA;
	s4 =	simm.s32 $0x10  }
0x92: {  	[smem:s4], [sflag:s15] =	dma.local [hbm:s2], $0x1  }
0x93: {  	_ =	swait.eq [sflag:s15], $0x1  }
0x94: {  	[sflag:s15] =	ssyncset.done $0x0  }
0x95: {  	[sflag:s15] =	ssyncadd.s32 $0xFFFFFFFF  }
0x96: {  	s16 =	sld [smem:$0x11];
	(tm) =	ssettm $0x1  }
0x97: {  	s17 =	sld [smem:$0x3FFB];
	_ =	sdelay $0x3  }
0x98: {  	_ =	strace s17  }
0x99: {  	s3 =	sld [smem:$0x3FFC];
	_ =	sdelay $0x3  }
0x9a: {  	_ =	strace s3  }
0x9b: {  	s3 =	sld [smem:$0x3FFD];
	_ =	sdelay $0x3  }
0x9c: {  	_ =	strace s3  }
0x9d: {  	_ =	strace $0x8FFFFFFF  }
0x9e: {  	s18 =	sld [smem:$0x3FDB];
	_ =	sdelay $0x1  }
0x9f: {  	s19 =	simm.s32 $_scs_section_size  }
0xa0: {  	s5 =	simm.s32 $_size__tile_overlayer_lowered;
	s6 =	simm.s32 $_tile_overlayer_lowered  }
0xa1: {  	s22 =	simm.s32 $0x1BFF;
	s21 =	sshll.u32 s6, $0x1;
	s3 =	sadd.s32 s19, s18  }
0xa2: {  	s7 =	simm.s32 $0x0;
	s20 =	sshll.u32 s5, $0x1;
	s5 =	sadd.s32 s21, s3  }
0xa3: {  	[timem:s7], [sflag:s22] =	dma.local [hbm:s5], s20  }
0xa4: {  	_ =	swait.ge [sflag:s22], s20  }
0xa5: {  	s4 =	ssub.s32 $0x0, s20;
	[sflag:s22] =	ssyncset.done $0x0  }
0xa6: {  	[sflag:s22] =	ssyncadd.s32 s4;
	_ =	sdelay $0x1  }
0xa7: {  	s23 =	simm.s32 $0x1B8B  }
0xa8: {  	_ =	swait.ge [sflag:s23], $0x1  }
0xa9: {  	[sflag:s23] =	ssyncset.done $0x0  }
0xaa: {  	s25 =	simm.s32 $0x1B8E;
	s24 =	sld [smem:$0x3FFE];
	[sflag:s23] =	ssyncadd.s32 $0xFFFFFFFF  }
0xab: {  	s26 =	simm.s32 $execute0_lowered;
	[smem:$0x3FD2] =	sst s25  }
0xac: {  	s5 =	sshll.u32 s26, $0x1;
	_ =	strace $0x80000046;
	[dreg:$0x1] =	wrdreg $0xFFFFFFFF  }
0xad: {  	s28 =	simm.s32 $_size_execute0_lowered;
	s3 =	sadd.s32 s3, s5;
	[dreg:$0x0] =	wrdreg $0x0  }
0xae: {  	s5 =	sshll.u32 s28, $0x1;
	[dreg:$0x2] =	wrdreg s3  }
0xaf: {  	[dreg:$0x3] =	wrdreg s5  }
0xb0: {  	[dreg:$0x4] =	wrdreg $0xC0  }
0xb1: {  	_ =	task [dreg:s7], $0x5FFFF  }
0xb2: {  	[dreg:$0x1] =	wrdreg $0xFFFFFFFF  }
0xb3: {  	[dreg:$0x0] =	wrdreg $0x60  }
0xb4: {  	[dreg:$0x2] =	wrdreg s16  }
0xb5: {  	[dreg:$0x3] =	wrdreg s24  }
0xb6: {  	[dreg:$0x4] =	wrdreg $0x0  }
0xb7: {  	[dreg:$0x5] =	wrdreg $0x18800  }
0xb8: {  	[dreg:$0x6] =	wrdreg $0x31000  }
0xb9: {  	[dreg:$0x7] =	wrdreg $0x49800  }
0xba: {  	[dreg:$0x8] =	wrdreg $0x9  }
0xbb: {  	_ =	task.clear_ibuf [dreg:s7], $0x9FFFF;
	_ =	strace $0x90000046  }
0xbc: {  	s29 =	simm.s32 $0x9;
	_ =	strace $0x80000048  }
0xbd: {  	_ =	swait.ge [sflag:s29], $0x1  }
0xbe: {  	[sflag:s29] =	ssyncadd.s32 $0xFFFFFFFF  }
0xbf: {  	_ =	strace $0x90000048  }
0xc0: {  	_ =	sfence  }
0xc1: {  	s30 =	sld [smem:$0x0];
	_ =	sdelay $0x2  }
0xc2: {  	s31 =	sshll.u32 s1, $0xD;
	s1 =	sshrl.u32 s1, $0x2  }
0xc3: {  	s3 =	sand.u32 $0x4000, s31;
	s1 =	sadd.s32 s1, s30  }
0xc4: {  	s0 =	sor.u32 s3, s0;
	s1 =	sshll.u32 s1, $0x11  }
0xc5: {  	s0 =	sor.u32 s1, s0  }
0xc6: {  	s0 =	sadd.s32 $0x8F2B, s0  }
0xc7: {  	[sflag:s0] =	ssyncadd.remote.s32 $0x1  }
0xc8: {  	_ =	sfence.sel $0xFFFF  }
0xc9: {  	[dreg:$0x0] =	wrdreg $0xFFFFFFFF;
	(pc) =	sbr.abs _section_cstart, $3  }
0xca: {  	[dreg:$0x1] =	wrdreg $0xFFFFFFFF  }
0xcb: {  	_ =	task.clear_ibuf [dreg:s7], $0x2FFFF;
	_ =	strace $0x9FFFFFFF  }
0xcc: {  	(tm) =	ssettm $0x7FFFFFFF  }
0xcd: {  	_ =	shalt  }
tec
execute0_lowered:
.L_overlay_start_1:
0x0: {  	(tag) =	ssettag $0x1  }
0x1: {  	s0 =	rddreg [dreg:$0x0]  }
0x2: {  	s1 =	rddreg [dreg:$0x1]  }
0x3: {  	s2 =	rddreg [dreg:$0x2]  }
0x4: {  	s3 =	rddreg [dreg:$0x3]  }
0x5: {  	s4 =	rddreg [dreg:$0x4]  }
0x6: {  	s5 =	rddreg [dreg:$0x5];
	s6 =	simm.s32 $0x0  }
0x7: {  	[smem:$0x7FF] =	sst s6;
	s10 =	sadd.s32 $0x6C800, s1  }
0x8: {  	s19 =	sadd.s32 $0xA800, s1;
	_ =	strace $0x80000047;
	[dreg:$0x7] =	wrdreg s10  }
0x9: {  	s20 =	sadd.s32 $0xCE800, s1;
	[dreg:$0x8] =	wrdreg s19  }
0xa: {  	s13 =	stileid.u32;
	s11 =	sadd.s32 $0x130800, s1;
	[dreg:$0x9] =	wrdreg s20  }
0xb: {  	s21 =	srdreg.scid;
	s22 =	sadd.s32 $0x192800, s1;
	[dreg:$0xa] =	wrdreg s11  }
0xc: {  	s29 =	simm.s32 $0x80;
	s23 =	sadd.s32 $0x1F4800, s1;
	[dreg:$0xb] =	wrdreg s22  }
0xd: {  	s7 =	smul.u32 $0x1880, s13;
	s24 =	sadd.s32 $0x256800, s1;
	[dreg:$0xc] =	wrdreg s23  }
0xe: {  	s12 =	sadd.s32 $0x2B8800, s1;
	s13 =	sshll.u32 s13, $0x1;
	[dreg:$0xd] =	wrdreg s24  }
0xf: {  	s10 =	sand.u32 $0x1, s21;
	[dreg:$0xe] =	wrdreg s12;
	s8 =	sshrl.u32 s7, $0x3  }
0x10: {  	s25 =	ssub.s32 $0x2, s10;
	s10 =	sor.u32 s10, s13;
	s17 =	sadd.s32 s7, s2  }
0x11: {  	s19 =	sadd.s32 s7, s3;
	s21 =	sadd.s32 s7, s4;
	s23 =	sadd.s32 s7, s5  }
.Ltmp0:
0x12: {  	s7 =	simm.s32 $0x0;
	s9 =	sadd.s32 s8, s1;
	(pc) =	sbr.rel .LBB2_1-.Ltmp0, $4  }
0x13: {  	s26 =	sshrl.u32 s25, $0x1;
	s1 =	sadd.s32 $0x31A800, s1;
	s30 =	smul.u32 $0x18800, s10  }
0x14: {  	s16 =	sadd.s32 s0, s8;
	[dreg:$0xf] =	wrdreg s1;
	s28 =	ssub.s32 s25, s26  }
0x15: {  	s18 =	sadd.s32 $0x1200, s9;
	[dreg:$0x10] =	wrdreg s30;
	s31 =	smax.u32 s28, $0x1  }
0x16: {  	s20 =	sadd.s32 $0x4400, s9;
	s22 =	sadd.s32 $0x7600, s9;
	[dreg:$0x11] =	wrdreg s31  }
.LBB2_25:
0x17: {  	s0 =	simm.s32 $0x2  }
0x18: {  	_ =	swait.ge [sflag:s0], $0x800  }
0x19: {  	[sflag:s0] =	ssyncset.done $0x0  }
0x1a: {  	[sflag:s0] =	ssyncadd.s32 $0xFFFFF800  }
0x1b: {  	_ =	swait.ge [sflag:s0], $0x800  }
0x1c: {  	[sflag:s0] =	ssyncset.done $0x0  }
0x1d: {  	[sflag:s0] =	ssyncadd.s32 $0xFFFFF800  }
0x1e: {  	_ =	swait.ge [sflag:s0], $0x800  }
0x1f: {  	[sflag:s0] =	ssyncset.done $0x0  }
0x20: {  	[sflag:s0] =	ssyncadd.s32 $0xFFFFF800  }
0x21: {  	_ =	swait.ge [sflag:s0], $0x800  }
0x22: {  	[sflag:s0] =	ssyncset.done $0x0  }
0x23: {  	[sflag:s0] =	ssyncadd.s32 $0xFFFFF800  }
0x24: {  	_ =	swait.ge [sflag:s0], $0x800  }
0x25: {  	[sflag:s0] =	ssyncset.done $0x0  }
0x26: {  	[sflag:s0] =	ssyncadd.s32 $0xFFFFF800  }
0x27: {  	_ =	swait.ge [sflag:s0], $0x800  }
0x28: {  	[sflag:s0] =	ssyncset.done $0x0  }
0x29: {  	[sflag:s0] =	ssyncadd.s32 $0xFFFFF800  }
0x2a: {  	_ =	swait.ge [sflag:s0], $0x800  }
0x2b: {  	[sflag:s0] =	ssyncset.done $0x0  }
0x2c: {  	s1 =	simm.s32 $0x3;
	[sflag:s0] =	ssyncadd.s32 $0xFFFFF800  }
0x2d: {  	_ =	swait.ge [sflag:s1], $0x800  }
0x2e: {  	[sflag:s1] =	ssyncset.done $0x0  }
0x2f: {  	[sflag:s1] =	ssyncadd.s32 $0xFFFFF800  }
0x30: {  	_ =	swait.ge [sflag:s1], $0x800  }
0x31: {  	[sflag:s1] =	ssyncset.done $0x0  }
0x32: {  	[sflag:s1] =	ssyncadd.s32 $0xFFFFF800  }
0x33: {  	_ =	swait.ge [sflag:s1], $0x800  }
0x34: {  	[sflag:s1] =	ssyncset.done $0x0  }
0x35: {  	[sflag:s1] =	ssyncadd.s32 $0xFFFFF800  }
0x36: {  	_ =	swait.ge [sflag:s1], $0x800  }
0x37: {  	[sflag:s1] =	ssyncset.done $0x0  }
0x38: {  	[sflag:s1] =	ssyncadd.s32 $0xFFFFF800  }
0x39: {  	_ =	swait.ge [sflag:s1], $0x800  }
0x3a: {  	[sflag:s1] =	ssyncset.done $0x0  }
0x3b: {  	[sflag:s1] =	ssyncadd.s32 $0xFFFFF800  }
0x3c: {  	_ =	swait.ge [sflag:s1], $0x800  }
0x3d: {  	[sflag:s1] =	ssyncset.done $0x0  }
0x3e: {  	[sflag:s1] =	ssyncadd.s32 $0xFFFFF800  }
0x3f: {  	_ =	swait.ge [sflag:s1], $0x800  }
0x40: {  	s7 =	rddreg [dreg:$0x12]  }
0x41: {  	s31 =	rddreg [dreg:$0x11];
	s7 =	sadd.s32 $0x1, s7  }
0x42: {  	p0 =	sne.s32 s7, s31  }
.Ltmp1:
0x43: {  	_ = 	snop;
	(pc) =	sbr.rel @!p0 .LBB2_26-.Ltmp1, $3  }
0x44: {  	_ =	sdelay $0x1  }
0x45: {  	[sflag:s1] =	ssyncset.done $0x0  }
0x46: {  	[sflag:s1] =	ssyncadd.s32 $0xFFFFF800  }
.LBB2_1:
0x47: {  	[dreg:$0x12] =	wrdreg s7;
	s0 =	simm.s32 $0x10  }
0x48: {  	s8 =	sadd.s32 $0x0, s16;
	s1 =	simm.s32 $0x7300;
	s7 =	simm.s32 $0x7200  }
.LBB2_2:
0x49: {  	[tilespmem:s7], [sflag:$0x4] =	stream.linear.gather [hbm4b:s8+s6], $0x80, $0x38;
	[tilespmem:$0xE200] =	vst v63  }
0x4a: {  	s8 =	smov.u32 s0;
	s7 =	smov.u32 s1;
	p0 =	sne.s32 s0, $0x300  }
.Ltmp2:
0x4b: {  	s0 =	sadd.s32 $0x10, s0;
	(pc) =	sbr.rel @p0 .LBB2_2-.Ltmp2, $2  }
0x4c: {  	_ =	sdelay $0x2  }
0x4d: {  	s1 =	sadd.s32 $0x100, s1;
	s8 =	sadd.s32 s8, s16  }
0x4e: {  	[tilespmem:s7], [sflag:$0x4] =	stream.linear.gather [hbm4b:s8+s6], $0x80, $0x38;
	[tilespmem:$0xE200] =	vst v63  }
0x4f: {  	s0 =	simm.s32 $0x4  }
0x50: {  	_ =	swait.ge [sflag:s0], $0x1880  }
0x51: {  	[sflag:s0] =	ssyncset.done $0x0  }
0x52: {  	s1 =	sadd.s32 $0x0, s17;
	[sflag:s0] =	ssyncadd.s32 $0xFFFFE780;
	s0 =	simm.s32 $0x7200  }
0x53: {  	[spmem:s1] =	stream.linear.scatter [tilespmem:s0], [sflag:$0x4], $0x80, $0x38;
	[tilespmem:$0xE200] =	vst v63  }
0x54: {  	s1 =	simm.s32 $0x200  }
.LBB2_4:
0x55: {  	p0 =	sne.s32 s1, $0x6000  }
.Ltmp3:
0x56: {  	_ = 	snop;
	(pc) =	sbr.rel @p0 .LBB2_4-.Ltmp3, $4  }
0x57: {  	_ = 	snop  }
0x58: {  	s7 =	sshra.s32 s1, $0x2;
	s1 =	sadd.s32 $0x200, s1  }
0x59: {  	s0 =	sadd.s32 $0x100, s0;
	s7 =	sadd.s32 s7, s17  }
0x5a: {  	[spmem:s7] =	stream.linear.scatter [tilespmem:s0], [sflag:$0x4], $0x80, $0x38;
	[tilespmem:$0xE200] =	vst v63  }
0x5b: {  	s0 =	simm.s32 $0x4  }
0x5c: {  	_ =	swait.ge [sflag:s0], $0x1880  }
0x5d: {  	s1 =	simm.s32 $0x10;
	s8 =	sadd.s32 $0x0, s18;
	[sflag:s0] =	ssyncset.done $0x0  }
0x5e: {  	s7 =	simm.s32 $0x7300;
	[sflag:s0] =	ssyncadd.s32 $0xFFFFE780;
	s0 =	simm.s32 $0x7200  }
.LBB2_6:
0x5f: {  	[tilespmem:s0], [sflag:$0x4] =	stream.linear.gather [hbm4b:s8+s6], $0x80, $0x38;
	[tilespmem:$0xE200] =	vst v63  }
0x60: {  	s8 =	smov.u32 s1;
	s0 =	smov.u32 s7;
	p0 =	sne.s32 s1, $0x300  }
.Ltmp4:
0x61: {  	s1 =	sadd.s32 $0x10, s1;
	(pc) =	sbr.rel @p0 .LBB2_6-.Ltmp4, $2  }
0x62: {  	_ =	sdelay $0x2  }
0x63: {  	s7 =	sadd.s32 $0x100, s7;
	s8 =	sadd.s32 s8, s18  }
0x64: {  	[tilespmem:s0], [sflag:$0x4] =	stream.linear.gather [hbm4b:s8+s6], $0x80, $0x38;
	[tilespmem:$0xE200] =	vst v63  }
0x65: {  	s31 =	simm.s32 $0x4  }
0x66: {  	_ =	swait.ge [sflag:s31], $0x1880  }
0x67: {  	[sflag:s31] =	ssyncset.done $0x0  }
0x68: {  	s0 =	simm.s32 $0x7200;
	s1 =	sadd.s32 $0x0, s19;
	[sflag:s31] =	ssyncadd.s32 $0xFFFFE780  }
0x69: {  	[spmem:s1] =	stream.linear.scatter [tilespmem:s0], [sflag:$0x4], $0x80, $0x38;
	[tilespmem:$0xE200] =	vst v63  }
0x6a: {  	s1 =	simm.s32 $0x200  }
.LBB2_8:
0x6b: {  	p0 =	sne.s32 s1, $0x6000  }
.Ltmp5:
0x6c: {  	_ = 	snop;
	(pc) =	sbr.rel @p0 .LBB2_8-.Ltmp5, $4  }
0x6d: {  	_ = 	snop  }
0x6e: {  	s7 =	sshra.s32 s1, $0x2;
	s1 =	sadd.s32 $0x200, s1  }
0x6f: {  	s0 =	sadd.s32 $0x100, s0;
	s7 =	sadd.s32 s7, s19  }
0x70: {  	[spmem:s7] =	stream.linear.scatter [tilespmem:s0], [sflag:$0x4], $0x80, $0x38;
	[tilespmem:$0xE200] =	vst v63  }
0x71: {  	s0 =	simm.s32 $0x4  }
0x72: {  	_ =	swait.ge [sflag:s0], $0x1880  }
0x73: {  	s1 =	simm.s32 $0x10;
	s8 =	sadd.s32 $0x0, s20;
	[sflag:s0] =	ssyncset.done $0x0  }
0x74: {  	s7 =	simm.s32 $0x7300;
	[sflag:s0] =	ssyncadd.s32 $0xFFFFE780;
	s0 =	simm.s32 $0x7200  }
.LBB2_10:
0x75: {  	[tilespmem:s0], [sflag:$0x4] =	stream.linear.gather [hbm4b:s8+s6], $0x80, $0x38;
	[tilespmem:$0xE200] =	vst v63  }
0x76: {  	s8 =	smov.u32 s1;
	s0 =	smov.u32 s7;
	p0 =	sne.s32 s1, $0x300  }
.Ltmp6:
0x77: {  	s1 =	sadd.s32 $0x10, s1;
	(pc) =	sbr.rel @p0 .LBB2_10-.Ltmp6, $2  }
0x78: {  	_ =	sdelay $0x2  }
0x79: {  	s7 =	sadd.s32 $0x100, s7;
	s8 =	sadd.s32 s8, s20  }
0x7a: {  	[tilespmem:s0], [sflag:$0x4] =	stream.linear.gather [hbm4b:s8+s6], $0x80, $0x38;
	[tilespmem:$0xE200] =	vst v63  }
0x7b: {  	s31 =	simm.s32 $0x4  }
0x7c: {  	_ =	swait.ge [sflag:s31], $0x1880  }
0x7d: {  	[sflag:s31] =	ssyncset.done $0x0  }
0x7e: {  	s0 =	simm.s32 $0x7200;
	s1 =	sadd.s32 $0x0, s21;
	[sflag:s31] =	ssyncadd.s32 $0xFFFFE780  }
0x7f: {  	[spmem:s1] =	stream.linear.scatter [tilespmem:s0], [sflag:$0x4], $0x80, $0x38;
	[tilespmem:$0xE200] =	vst v63  }
0x80: {  	s1 =	simm.s32 $0x200  }
.LBB2_12:
0x81: {  	p0 =	sne.s32 s1, $0x6000  }
.Ltmp7:
0x82: {  	_ = 	snop;
	(pc) =	sbr.rel @p0 .LBB2_12-.Ltmp7, $4  }
0x83: {  	_ = 	snop  }
0x84: {  	s7 =	sshra.s32 s1, $0x2;
	s1 =	sadd.s32 $0x200, s1  }
0x85: {  	s0 =	sadd.s32 $0x100, s0;
	s7 =	sadd.s32 s7, s21  }
0x86: {  	[spmem:s7] =	stream.linear.scatter [tilespmem:s0], [sflag:$0x4], $0x80, $0x38;
	[tilespmem:$0xE200] =	vst v63  }
0x87: {  	s0 =	simm.s32 $0x4  }
0x88: {  	_ =	swait.ge [sflag:s0], $0x1880  }
0x89: {  	s1 =	simm.s32 $0x10;
	s8 =	sadd.s32 $0x0, s22;
	[sflag:s0] =	ssyncset.done $0x0  }
0x8a: {  	s7 =	simm.s32 $0x7300;
	[sflag:s0] =	ssyncadd.s32 $0xFFFFE780;
	s0 =	simm.s32 $0x7200  }
.LBB2_14:
0x8b: {  	[tilespmem:s0], [sflag:$0x4] =	stream.linear.gather [hbm4b:s8+s6], $0x80, $0x38;
	[tilespmem:$0xE200] =	vst v63  }
0x8c: {  	s8 =	smov.u32 s1;
	s0 =	smov.u32 s7;
	p0 =	sne.s32 s1, $0x300  }
.Ltmp8:
0x8d: {  	s1 =	sadd.s32 $0x10, s1;
	(pc) =	sbr.rel @p0 .LBB2_14-.Ltmp8, $2  }
0x8e: {  	_ =	sdelay $0x2  }
0x8f: {  	s7 =	sadd.s32 $0x100, s7;
	s8 =	sadd.s32 s8, s22  }
0x90: {  	[tilespmem:s0], [sflag:$0x4] =	stream.linear.gather [hbm4b:s8+s6], $0x80, $0x38;
	[tilespmem:$0xE200] =	vst v63  }
0x91: {  	s31 =	simm.s32 $0x4  }
0x92: {  	_ =	swait.ge [sflag:s31], $0x1880  }
0x93: {  	[sflag:s31] =	ssyncset.done $0x0  }
0x94: {  	s0 =	simm.s32 $0x7200;
	s1 =	sadd.s32 $0x0, s23;
	[sflag:s31] =	ssyncadd.s32 $0xFFFFE780  }
0x95: {  	[spmem:s1] =	stream.linear.scatter [tilespmem:s0], [sflag:$0x4], $0x80, $0x38;
	[tilespmem:$0xE200] =	vst v63  }
0x96: {  	s1 =	simm.s32 $0x200  }
.LBB2_16:
0x97: {  	p0 =	sne.s32 s1, $0x6000  }
.Ltmp9:
0x98: {  	_ = 	snop;
	(pc) =	sbr.rel @p0 .LBB2_16-.Ltmp9, $4  }
0x99: {  	_ = 	snop  }
0x9a: {  	s7 =	sshra.s32 s1, $0x2;
	s1 =	sadd.s32 $0x200, s1  }
0x9b: {  	s0 =	sadd.s32 $0x100, s0;
	s7 =	sadd.s32 s7, s23  }
0x9c: {  	[spmem:s7] =	stream.linear.scatter [tilespmem:s0], [sflag:$0x4], $0x80, $0x38;
	[tilespmem:$0xE200] =	vst v63  }
0x9d: {  	s0 =	simm.s32 $0x4  }
.Ltmp10:
0x9e: {  	_ =	swait.ge [sflag:s0], $0x1880;
	(pc) =	sbr.rel .LBB2_18-.Ltmp10, $4  }
0x9f: {  	[sflag:s0] =	ssyncset.done $0x0  }
0xa0: {  	[sflag:s0] =	ssyncadd.s32 $0xFFFFE780  }
0xa1: {  	[bflag:$0x0] =	sbarrier.arrive $0xFFFF  }
0xa2: {  	p0 =	por $0x0, $0x0;
	s1 =	simm.s32 $0x0  }
.LBB2_24:
0xa3: {  	s1 =	rddreg [dreg:$0x13]  }
0xa4: {  	s1 =	sadd.s32 $0x1, s1  }
0xa5: {  	p1 =	sne.s32 s1, $0x31  }
.Ltmp11:
0xa6: {  	_ = 	snop;
	(pc) =	sbr.rel @!p1 .LBB2_25-.Ltmp11, $2  }
0xa7: {  	_ =	sdelay $0x2  }
0xa8: {  	p0 =	por !p0, !p0  }
.LBB2_18:
0xa9: {  	s7 =	sand.u32 $0x1, s1;
	p2 =	slt.u32 s1, $0x2  }
0xaa: {  	p1 =	sne.s32 @!p2 s7, $0x0  }
0xab: {  	p3 =	por p1, p2  }
0xac: {  	s0 =	simm.s32 @!p3 $0x2  }
0xad: {  	_ =	swait.ge @!p3 [sflag:s0], $0x800  }
0xae: {  	[sflag:s0] =	ssyncset.done @!p3 $0x0  }
0xaf: {  	[sflag:s0] =	ssyncadd.s32 @!p3 $0xFFFFF800  }
0xb0: {  	_ =	swait.ge @!p3 [sflag:s0], $0x800  }
0xb1: {  	[sflag:s0] =	ssyncset.done @!p3 $0x0  }
0xb2: {  	[sflag:s0] =	ssyncadd.s32 @!p3 $0xFFFFF800  }
0xb3: {  	_ =	swait.ge @!p3 [sflag:s0], $0x800  }
0xb4: {  	[sflag:s0] =	ssyncset.done @!p3 $0x0  }
0xb5: {  	[sflag:s0] =	ssyncadd.s32 @!p3 $0xFFFFF800  }
0xb6: {  	_ =	swait.ge @!p3 [sflag:s0], $0x800  }
0xb7: {  	[sflag:s0] =	ssyncset.done @!p3 $0x0  }
0xb8: {  	[sflag:s0] =	ssyncadd.s32 @!p3 $0xFFFFF800  }
0xb9: {  	_ =	swait.ge @!p3 [sflag:s0], $0x800  }
0xba: {  	[sflag:s0] =	ssyncset.done @!p3 $0x0  }
0xbb: {  	[sflag:s0] =	ssyncadd.s32 @!p3 $0xFFFFF800  }
0xbc: {  	_ =	swait.ge @!p3 [sflag:s0], $0x800  }
0xbd: {  	[sflag:s0] =	ssyncset.done @!p3 $0x0  }
0xbe: {  	[sflag:s0] =	ssyncadd.s32 @!p3 $0xFFFFF800  }
0xbf: {  	p1 =	seq.s32 s7, $0x1;
	_ =	swait.ge @!p3 [sflag:s0], $0x800  }
0xc0: {  	p2 =	por !p1, p2;
	[sflag:s0] =	ssyncset.done @!p3 $0x0  }
0xc1: {  	s8 =	simm.s32 @!p2 $0x3;
	[sflag:s0] =	ssyncadd.s32 @!p3 $0xFFFFF800  }
0xc2: {  	_ =	swait.ge @!p2 [sflag:s8], $0x800  }
0xc3: {  	[sflag:s8] =	ssyncset.done @!p2 $0x0  }
0xc4: {  	[sflag:s8] =	ssyncadd.s32 @!p2 $0xFFFFF800  }
0xc5: {  	_ =	swait.ge @!p2 [sflag:s8], $0x800  }
0xc6: {  	[sflag:s8] =	ssyncset.done @!p2 $0x0  }
0xc7: {  	[sflag:s8] =	ssyncadd.s32 @!p2 $0xFFFFF800  }
0xc8: {  	_ =	swait.ge @!p2 [sflag:s8], $0x800  }
0xc9: {  	[sflag:s8] =	ssyncset.done @!p2 $0x0  }
0xca: {  	[sflag:s8] =	ssyncadd.s32 @!p2 $0xFFFFF800  }
0xcb: {  	_ =	swait.ge @!p2 [sflag:s8], $0x800  }
0xcc: {  	[sflag:s8] =	ssyncset.done @!p2 $0x0  }
0xcd: {  	[sflag:s8] =	ssyncadd.s32 @!p2 $0xFFFFF800  }
0xce: {  	_ =	swait.ge @!p2 [sflag:s8], $0x800  }
0xcf: {  	[sflag:s8] =	ssyncset.done @!p2 $0x0  }
0xd0: {  	[sflag:s8] =	ssyncadd.s32 @!p2 $0xFFFFF800  }
0xd1: {  	_ =	swait.ge @!p2 [sflag:s8], $0x800  }
0xd2: {  	[sflag:s8] =	ssyncset.done @!p2 $0x0  }
0xd3: {  	[dreg:$0x13] =	wrdreg s1;
	[sflag:s8] =	ssyncadd.s32 @!p2 $0xFFFFF800  }
0xd4: {  	_ =	swait.ge @!p2 [sflag:s8], $0x800  }
0xd5: {  	s26 =	sshll.u32 s1, $0xB;
	s28 =	rddreg [dreg:$0x10]  }
0xd6: {  	s12 =	simm.s32 $0x6200;
	s0 =	sadd.s32 s28, s26  }
0xd7: {  	[sflag:s8] =	ssyncset.done @!p2 $0x0;
	s9 =	rddreg [dreg:$0x7];
	s0 =	sshrl.u32 s0, $0x3  }
0xd8: {  	s11 =	simm.s32 $0x0;
	[sflag:s8] =	ssyncadd.s32 @!p2 $0xFFFFF800;
	s10 =	sadd.s32 s9, s0  }
0xd9: {  	[tilespmem:s12], [sflag:$0x4] =	stream.linear.gather [hbm4b:s10+s11], $0x800, $0x38;
	[tilespmem:$0xE200] =	vst v63  }
0xda: {  	s10 =	simm.s32 $0x4  }
0xdb: {  	s25 =	simm.s32 $0x6A00;
	_ =	swait.ge [sflag:s10], $0x800  }
0xdc: {  	s8 =	simm.s32 $0x1;
	[sflag:s10] =	ssyncset.done $0x0;
	s13 =	rddreg [dreg:$0x8]  }
0xdd: {  	s8 =	simm.s32 @!p0 $0x0;
	[sflag:s10] =	ssyncadd.s32 $0xFFFFF800;
	s9 =	sadd.s32 s13, s0  }
0xde: {  	[tilespmem:s25], [sflag:$0x4] =	stream.linear.gather [hbm4b:s9+s11], $0x800, $0x38;
	[tilespmem:$0xE200] =	vst v63  }
0xdf: {  	s13 =	sshll.u32 s8, $0x7;
	_ =	swait.ge [sflag:s10], $0x800  }
0xe0: {  	s30 =	sor.u32 $0x7200, s13;
	[sflag:s10] =	ssyncset.done $0x0  }
0xe1: {  	s8 =	sor.u32 $0x8200, s13;
	s14 =	sadd.s32 $0x0, s30;
	[sflag:s10] =	ssyncadd.s32 $0xFFFFF800  }
0xe2: {  	[tilespmem:s14], [sflag:$0x1] =	stream.indirect.gather [spmem:s2], $0x1, s12, s29, $0xb8;
	[tilespmem:$0xE200] =	vst v63  }
0xe3: {  	s31 =	simm.s32 $0x800;
	s9 =	sor.u32 $0x9200, s13;
	s15 =	sadd.s32 $0x0, s8  }
0xe4: {  	[tilespmem:s15], [sflag:$0x1] =	stream.indirect.gather [spmem:s3], $0x1, s12, s29, $0xb8;
	[tilespmem:$0xE200] =	vst v63  }
0xe5: {  	s11 =	sor.u32 $0xB200, s13;
	s24 =	sadd.s32 $0x0, s9;
	s10 =	sor.u32 $0xA200, s13  }
0xe6: {  	[tilespmem:s24], [sflag:$0x1] =	stream.indirect.gather [spmem:s4], $0x1, s12, s29, $0xb8;
	[tilespmem:$0xE200] =	vst v63  }
0xe7: {  	s26 =	sadd.s32 $0x0, s11;
	s14 =	sadd.s32 $0x0, s10;
	s15 =	simm.s32 $0x100  }
0xe8: {  	[tilespmem:s14], [sflag:$0x1] =	stream.indirect.gather [spmem:s5], $0x1, s12, s29, $0xb8;
	[tilespmem:$0xE200] =	vst v63  }
0xe9: {  	s24 =	simm.s32 $0x6280;
	s12 =	sor.u32 $0xC200, s13;
	s13 =	sor.u32 $0xD200, s13  }
0xea: {  	[tilespmem:s26], [sflag:$0x1] =	stream.indirect.gather [spmem:s2], $0x1, s25, s29, $0xb8;
	[tilespmem:$0xE200] =	vst v63  }
0xeb: {  	s14 =	simm.s32 $0x6A80;
	s28 =	sadd.s32 $0x0, s12;
	s26 =	sadd.s32 $0x0, s13  }
0xec: {  	[tilespmem:s28], [sflag:$0x1] =	stream.indirect.gather [spmem:s3], $0x1, s25, s29, $0xb8;
	[tilespmem:$0xE200] =	vst v63  }
.LBB2_19:
0xed: {  	[tilespmem:s26], [sflag:$0x1] =	stream.indirect.gather [spmem:s4], $0x1, s25, s29, $0xb8;
	[tilespmem:$0xE200] =	vst v63  }
0xee: {  	s26 =	smov.u32 s15;
	s15 =	smov.u32 s31;
	s25 =	smov.u32 s14  }
0xef: {  	s28 =	sadd.s32 $0x400, s31;
	s15 =	sshra.s32 s15, $0x2;
	s1 =	sadd.s32 s26, s30  }
0xf0: {  	[tilespmem:s1], [sflag:$0x1] =	stream.indirect.gather [spmem:s2], $0x1, s24, s29, $0xb8;
	[tilespmem:$0xE200] =	vst v63  }
0xf1: {  	p2 =	sne.s32 s31, $0x3C00;
	s1 =	sadd.s32 s26, s8  }
0xf2: {  	[tilespmem:s1], [sflag:$0x1] =	stream.indirect.gather [spmem:s3], $0x1, s24, s29, $0xb8;
	[tilespmem:$0xE200] =	vst v63  }
0xf3: {  	s1 =	sadd.s32 s26, s9  }
0xf4: {  	[tilespmem:s1], [sflag:$0x1] =	stream.indirect.gather [spmem:s4], $0x1, s24, s29, $0xb8;
	[tilespmem:$0xE200] =	vst v63  }
0xf5: {  	s1 =	sadd.s32 s26, s10  }
0xf6: {  	[tilespmem:s1], [sflag:$0x1] =	stream.indirect.gather [spmem:s5], $0x1, s24, s29, $0xb8;
	[tilespmem:$0xE200] =	vst v63  }
.Ltmp12:
0xf7: {  	s1 =	sadd.s32 s26, s11;
	(pc) =	sbr.rel @p2 .LBB2_19-.Ltmp12, $4  }
0xf8: {  	[tilespmem:s1], [sflag:$0x1] =	stream.indirect.gather [spmem:s2], $0x1, s14, s29, $0xb8;
	[tilespmem:$0xE200] =	vst v63  }
0xf9: {  	s31 =	smov.u32 s28;
	s1 =	sadd.s32 s26, s12  }
0xfa: {  	[tilespmem:s1], [sflag:$0x1] =	stream.indirect.gather [spmem:s3], $0x1, s14, s29, $0xb8;
	[tilespmem:$0xE200] =	vst v63  }
0xfb: {  	s24 =	sadd.s32 $0x80, s24;
	s26 =	sadd.s32 s26, s13;
	s14 =	sadd.s32 $0x80, s14  }
0xfc: {  	[tilespmem:s26], [sflag:$0x1] =	stream.indirect.gather [spmem:s4], $0x1, s25, s29, $0xb8;
	[tilespmem:$0xE200] =	vst v63  }
0xfd: {  	s1 =	sadd.s32 s15, s30  }
0xfe: {  	[tilespmem:s1], [sflag:$0x1] =	stream.indirect.gather [spmem:s2], $0x1, s24, s29, $0xb8;
	[tilespmem:$0xE200] =	vst v63  }
0xff: {  	s8 =	sadd.s32 s15, s8  }
0x100: {  	[tilespmem:s8], [sflag:$0x1] =	stream.indirect.gather [spmem:s3], $0x1, s24, s29, $0xb8;
	[tilespmem:$0xE200] =	vst v63  }
0x101: {  	s9 =	sadd.s32 s15, s9  }
0x102: {  	[tilespmem:s9], [sflag:$0x1] =	stream.indirect.gather [spmem:s4], $0x1, s24, s29, $0xb8;
	[tilespmem:$0xE200] =	vst v63  }
0x103: {  	s10 =	sadd.s32 s15, s10  }
0x104: {  	[tilespmem:s10], [sflag:$0x1] =	stream.indirect.gather [spmem:s5], $0x1, s24, s29, $0xb8;
	[tilespmem:$0xE200] =	vst v63  }
0x105: {  	s24 =	sadd.s32 s15, s11  }
0x106: {  	[tilespmem:s24], [sflag:$0x1] =	stream.indirect.gather [spmem:s2], $0x1, s14, s29, $0xb8;
	[tilespmem:$0xE200] =	vst v63  }
0x107: {  	s25 =	sadd.s32 s15, s12  }
0x108: {  	[tilespmem:s25], [sflag:$0x1] =	stream.indirect.gather [spmem:s3], $0x1, s14, s29, $0xb8;
	[tilespmem:$0xE200] =	vst v63  }
0x109: {  	s26 =	sadd.s32 s15, s13;
	s28 =	simm.s32 $0x1  }
0x10a: {  	[tilespmem:s26], [sflag:$0x1] =	stream.indirect.gather [spmem:s4], $0x1, s14, s29, $0xb8;
	[tilespmem:$0xE200] =	vst v63  }
0x10b: {  	_ =	swait.ge [sflag:s28], $0x800  }
0x10c: {  	[sflag:s28] =	ssyncset.done $0x0  }
0x10d: {  	[sflag:s28] =	ssyncadd.s32 $0xFFFFF800  }
0x10e: {  	_ =	swait.ge [sflag:s28], $0x800  }
0x10f: {  	[sflag:s28] =	ssyncset.done $0x0  }
0x110: {  	[sflag:s28] =	ssyncadd.s32 $0xFFFFF800  }
0x111: {  	_ =	swait.ge [sflag:s28], $0x800  }
0x112: {  	[sflag:s28] =	ssyncset.done $0x0  }
0x113: {  	[sflag:s28] =	ssyncadd.s32 $0xFFFFF800  }
0x114: {  	_ =	swait.ge [sflag:s28], $0x800  }
0x115: {  	[sflag:s28] =	ssyncset.done $0x0  }
0x116: {  	[sflag:s28] =	ssyncadd.s32 $0xFFFFF800  }
0x117: {  	_ =	swait.ge [sflag:s28], $0x800  }
0x118: {  	[sflag:s28] =	ssyncset.done $0x0  }
0x119: {  	[sflag:s28] =	ssyncadd.s32 $0xFFFFF800  }
0x11a: {  	_ =	swait.ge [sflag:s28], $0x800  }
0x11b: {  	p2 =	sne.s32 s7, $0x0;
	[sflag:s28] =	ssyncset.done $0x0  }
.Ltmp13:
0x11c: {  	[sflag:s28] =	ssyncadd.s32 $0xFFFFF800;
	(pc) =	sbr.rel @p2 .LBB2_22-.Ltmp13, $4  }
0x11d: {  	_ =	swait.ge [sflag:s28], $0x800  }
0x11e: {  	s31 =	rddreg [dreg:$0x9]  }
0x11f: {  	[sflag:s28] =	ssyncset.done $0x0;
	s25 =	sadd.s32 s31, s0  }
0x120: {  	[sflag:s28] =	ssyncadd.s32 $0xFFFFF800;
	s30 =	sadd.s32 $0x10, s25;
	s7 =	sadd.s32 $0x20, s25  }
0x121: {  	s1 =	simm.s32 $0x7200  }
0x122: {  	[hbm4b:s25+s6] =	stream.linear.scatter [tilespmem:s1], [sflag:$0x2], $0x80, $0x38;
	[tilespmem:$0xE200] =	vst v63  }
0x123: {  	s31 =	simm.s32 $0x7300  }
0x124: {  	[hbm4b:s30+s6] =	stream.linear.scatter [tilespmem:s31], [sflag:$0x2], $0x80, $0x38;
	[tilespmem:$0xE200] =	vst v63  }
0x125: {  	s8 =	simm.s32 $0x7400  }
0x126: {  	[hbm4b:s7+s6] =	stream.linear.scatter [tilespmem:s8], [sflag:$0x2], $0x80, $0x38;
	[tilespmem:$0xE200] =	vst v63  }
0x127: {  	s9 =	sadd.s32 $0x30, s25;
	s8 =	simm.s32 $0x7500  }
0x128: {  	[hbm4b:s9+s6] =	stream.linear.scatter [tilespmem:s8], [sflag:$0x2], $0x80, $0x38;
	[tilespmem:$0xE200] =	vst v63  }
0x129: {  	s10 =	sadd.s32 $0x40, s25;
	s11 =	simm.s32 $0x7600  }
0x12a: {  	[hbm4b:s10+s6] =	stream.linear.scatter [tilespmem:s11], [sflag:$0x2], $0x80, $0x38;
	[tilespmem:$0xE200] =	vst v63  }
0x12b: {  	s12 =	sadd.s32 $0x50, s25;
	s13 =	simm.s32 $0x7700  }
0x12c: {  	[hbm4b:s12+s6] =	stream.linear.scatter [tilespmem:s13], [sflag:$0x2], $0x80, $0x38;
	[tilespmem:$0xE200] =	vst v63  }
0x12d: {  	s14 =	sadd.s32 $0x60, s25;
	s15 =	simm.s32 $0x7800  }
0x12e: {  	[hbm4b:s14+s6] =	stream.linear.scatter [tilespmem:s15], [sflag:$0x2], $0x80, $0x38;
	[tilespmem:$0xE200] =	vst v63  }
0x12f: {  	s24 =	sadd.s32 $0x70, s25;
	s26 =	simm.s32 $0x7900  }
0x130: {  	[hbm4b:s24+s6] =	stream.linear.scatter [tilespmem:s26], [sflag:$0x2], $0x80, $0x38;
	[tilespmem:$0xE200] =	vst v63  }
0x131: {  	s28 =	sadd.s32 $0x80, s25;
	s31 =	simm.s32 $0x7A00  }
0x132: {  	[hbm4b:s28+s6] =	stream.linear.scatter [tilespmem:s31], [sflag:$0x2], $0x80, $0x38;
	[tilespmem:$0xE200] =	vst v63  }
0x133: {  	s8 =	sadd.s32 $0x90, s25;
	s9 =	simm.s32 $0x7B00  }
0x134: {  	[hbm4b:s8+s6] =	stream.linear.scatter [tilespmem:s9], [sflag:$0x2], $0x80, $0x38;
	[tilespmem:$0xE200] =	vst v63  }
0x135: {  	s10 =	sadd.s32 $0xA0, s25;
	s11 =	simm.s32 $0x7C00  }
0x136: {  	[hbm4b:s10+s6] =	stream.linear.scatter [tilespmem:s11], [sflag:$0x2], $0x80, $0x38;
	[tilespmem:$0xE200] =	vst v63  }
0x137: {  	s12 =	sadd.s32 $0xB0, s25;
	s13 =	simm.s32 $0x7D00  }
0x138: {  	[hbm4b:s12+s6] =	stream.linear.scatter [tilespmem:s13], [sflag:$0x2], $0x80, $0x38;
	[tilespmem:$0xE200] =	vst v63  }
0x139: {  	s14 =	sadd.s32 $0xC0, s25;
	s15 =	simm.s32 $0x7E00  }
0x13a: {  	[hbm4b:s14+s6] =	stream.linear.scatter [tilespmem:s15], [sflag:$0x2], $0x80, $0x38;
	[tilespmem:$0xE200] =	vst v63  }
0x13b: {  	s24 =	sadd.s32 $0xD0, s25;
	s26 =	simm.s32 $0x7F00  }
0x13c: {  	[hbm4b:s24+s6] =	stream.linear.scatter [tilespmem:s26], [sflag:$0x2], $0x80, $0x38;
	[tilespmem:$0xE200] =	vst v63  }
0x13d: {  	s28 =	sadd.s32 $0xE0, s25;
	s31 =	simm.s32 $0x8000  }
0x13e: {  	[hbm4b:s28+s6] =	stream.linear.scatter [tilespmem:s31], [sflag:$0x2], $0x80, $0x38;
	[tilespmem:$0xE200] =	vst v63  }
0x13f: {  	s9 =	sadd.s32 $0xF0, s25;
	s10 =	simm.s32 $0x8100;
	s11 =	rddreg [dreg:$0xa]  }
0x140: {  	[hbm4b:s9+s6] =	stream.linear.scatter [tilespmem:s10], [sflag:$0x2], $0x80, $0x38;
	[tilespmem:$0xE200] =	vst v63  }
0x141: {  	s1 =	sadd.s32 s11, s0;
	s12 =	simm.s32 $0x8200  }
0x142: {  	[hbm4b:s1+s6] =	stream.linear.scatter [tilespmem:s12], [sflag:$0x2], $0x80, $0x38;
	[tilespmem:$0xE200] =	vst v63  }
0x143: {  	s13 =	sadd.s32 $0x10, s1;
	s9 =	simm.s32 $0x8300  }
0x144: {  	[hbm4b:s13+s6] =	stream.linear.scatter [tilespmem:s9], [sflag:$0x2], $0x80, $0x38;
	[tilespmem:$0xE200] =	vst v63  }
0x145: {  	s14 =	sadd.s32 $0x20, s1;
	s15 =	simm.s32 $0x8400  }
0x146: {  	[hbm4b:s14+s6] =	stream.linear.scatter [tilespmem:s15], [sflag:$0x2], $0x80, $0x38;
	[tilespmem:$0xE200] =	vst v63  }
0x147: {  	s24 =	sadd.s32 $0x30, s1;
	s26 =	simm.s32 $0x8500  }
0x148: {  	[hbm4b:s24+s6] =	stream.linear.scatter [tilespmem:s26], [sflag:$0x2], $0x80, $0x38;
	[tilespmem:$0xE200] =	vst v63  }
0x149: {  	s28 =	sadd.s32 $0x40, s1;
	s31 =	simm.s32 $0x8600  }
0x14a: {  	[hbm4b:s28+s6] =	stream.linear.scatter [tilespmem:s31], [sflag:$0x2], $0x80, $0x38;
	[tilespmem:$0xE200] =	vst v63  }
0x14b: {  	s11 =	simm.s32 $0x8700;
	s10 =	sadd.s32 $0x50, s1  }
0x14c: {  	[hbm4b:s10+s6] =	stream.linear.scatter [tilespmem:s11], [sflag:$0x2], $0x80, $0x38;
	[tilespmem:$0xE200] =	vst v63  }
0x14d: {  	s12 =	sadd.s32 $0x60, s1;
	s13 =	simm.s32 $0x8800  }
0x14e: {  	[hbm4b:s12+s6] =	stream.linear.scatter [tilespmem:s13], [sflag:$0x2], $0x80, $0x38;
	[tilespmem:$0xE200] =	vst v63  }
0x14f: {  	s14 =	sadd.s32 $0x70, s1;
	s15 =	simm.s32 $0x8900  }
0x150: {  	[hbm4b:s14+s6] =	stream.linear.scatter [tilespmem:s15], [sflag:$0x2], $0x80, $0x38;
	[tilespmem:$0xE200] =	vst v63  }
0x151: {  	s24 =	sadd.s32 $0x80, s1;
	s26 =	simm.s32 $0x8A00  }
0x152: {  	[hbm4b:s24+s6] =	stream.linear.scatter [tilespmem:s26], [sflag:$0x2], $0x80, $0x38;
	[tilespmem:$0xE200] =	vst v63  }
0x153: {  	s28 =	sadd.s32 $0x90, s1;
	s31 =	simm.s32 $0x8B00  }
0x154: {  	[hbm4b:s28+s6] =	stream.linear.scatter [tilespmem:s31], [sflag:$0x2], $0x80, $0x38;
	[tilespmem:$0xE200] =	vst v63  }
0x155: {  	s10 =	sadd.s32 $0xA0, s1;
	s11 =	simm.s32 $0x8C00  }
0x156: {  	[hbm4b:s10+s6] =	stream.linear.scatter [tilespmem:s11], [sflag:$0x2], $0x80, $0x38;
	[tilespmem:$0xE200] =	vst v63  }
0x157: {  	s12 =	sadd.s32 $0xB0, s1;
	s13 =	simm.s32 $0x8D00  }
0x158: {  	[hbm4b:s12+s6] =	stream.linear.scatter [tilespmem:s13], [sflag:$0x2], $0x80, $0x38;
	[tilespmem:$0xE200] =	vst v63  }
0x159: {  	s14 =	sadd.s32 $0xC0, s1;
	s15 =	simm.s32 $0x8E00  }
0x15a: {  	[hbm4b:s14+s6] =	stream.linear.scatter [tilespmem:s15], [sflag:$0x2], $0x80, $0x38;
	[tilespmem:$0xE200] =	vst v63  }
0x15b: {  	s24 =	sadd.s32 $0xD0, s1;
	s26 =	simm.s32 $0x8F00  }
0x15c: {  	[hbm4b:s24+s6] =	stream.linear.scatter [tilespmem:s26], [sflag:$0x2], $0x80, $0x38;
	[tilespmem:$0xE200] =	vst v63  }
0x15d: {  	s28 =	sadd.s32 $0xE0, s1;
	s31 =	simm.s32 $0x9000  }
0x15e: {  	[hbm4b:s28+s6] =	stream.linear.scatter [tilespmem:s31], [sflag:$0x2], $0x80, $0x38;
	[tilespmem:$0xE200] =	vst v63  }
0x15f: {  	s9 =	simm.s32 $0x9100;
	s1 =	sadd.s32 $0xF0, s1;
	s10 =	rddreg [dreg:$0xb]  }
0x160: {  	[hbm4b:s1+s6] =	stream.linear.scatter [tilespmem:s9], [sflag:$0x2], $0x80, $0x38;
	[tilespmem:$0xE200] =	vst v63  }
0x161: {  	s11 =	simm.s32 $0x9200;
	s1 =	sadd.s32 s10, s0  }
0x162: {  	[hbm4b:s1+s6] =	stream.linear.scatter [tilespmem:s11], [sflag:$0x2], $0x80, $0x38;
	[tilespmem:$0xE200] =	vst v63  }
0x163: {  	s13 =	simm.s32 $0x9300;
	s12 =	sadd.s32 $0x10, s1  }
0x164: {  	[hbm4b:s12+s6] =	stream.linear.scatter [tilespmem:s13], [sflag:$0x2], $0x80, $0x38;
	[tilespmem:$0xE200] =	vst v63  }
0x165: {  	s15 =	simm.s32 $0x9400;
	s14 =	sadd.s32 $0x20, s1  }
0x166: {  	[hbm4b:s14+s6] =	stream.linear.scatter [tilespmem:s15], [sflag:$0x2], $0x80, $0x38;
	[tilespmem:$0xE200] =	vst v63  }
0x167: {  	s26 =	simm.s32 $0x9500;
	s24 =	sadd.s32 $0x30, s1  }
0x168: {  	[hbm4b:s24+s6] =	stream.linear.scatter [tilespmem:s26], [sflag:$0x2], $0x80, $0x38;
	[tilespmem:$0xE200] =	vst v63  }
0x169: {  	s31 =	simm.s32 $0x9600;
	s28 =	sadd.s32 $0x40, s1  }
0x16a: {  	[hbm4b:s28+s6] =	stream.linear.scatter [tilespmem:s31], [sflag:$0x2], $0x80, $0x38;
	[tilespmem:$0xE200] =	vst v63  }
0x16b: {  	s10 =	sadd.s32 $0x50, s1;
	s11 =	simm.s32 $0x9700  }
0x16c: {  	[hbm4b:s10+s6] =	stream.linear.scatter [tilespmem:s11], [sflag:$0x2], $0x80, $0x38;
	[tilespmem:$0xE200] =	vst v63  }
0x16d: {  	s12 =	sadd.s32 $0x60, s1;
	s13 =	simm.s32 $0x9800  }
0x16e: {  	[hbm4b:s12+s6] =	stream.linear.scatter [tilespmem:s13], [sflag:$0x2], $0x80, $0x38;
	[tilespmem:$0xE200] =	vst v63  }
0x16f: {  	s14 =	sadd.s32 $0x70, s1;
	s15 =	simm.s32 $0x9900  }
0x170: {  	[hbm4b:s14+s6] =	stream.linear.scatter [tilespmem:s15], [sflag:$0x2], $0x80, $0x38;
	[tilespmem:$0xE200] =	vst v63  }
0x171: {  	s24 =	sadd.s32 $0x80, s1;
	s26 =	simm.s32 $0x9A00  }
0x172: {  	[hbm4b:s24+s6] =	stream.linear.scatter [tilespmem:s26], [sflag:$0x2], $0x80, $0x38;
	[tilespmem:$0xE200] =	vst v63  }
0x173: {  	s28 =	sadd.s32 $0x90, s1;
	s31 =	simm.s32 $0x9B00  }
0x174: {  	[hbm4b:s28+s6] =	stream.linear.scatter [tilespmem:s31], [sflag:$0x2], $0x80, $0x38;
	[tilespmem:$0xE200] =	vst v63  }
0x175: {  	s10 =	sadd.s32 $0xA0, s1;
	s11 =	simm.s32 $0x9C00  }
0x176: {  	[hbm4b:s10+s6] =	stream.linear.scatter [tilespmem:s11], [sflag:$0x2], $0x80, $0x38;
	[tilespmem:$0xE200] =	vst v63  }
0x177: {  	s12 =	sadd.s32 $0xB0, s1;
	s13 =	simm.s32 $0x9D00  }
0x178: {  	[hbm4b:s12+s6] =	stream.linear.scatter [tilespmem:s13], [sflag:$0x2], $0x80, $0x38;
	[tilespmem:$0xE200] =	vst v63  }
0x179: {  	s14 =	sadd.s32 $0xC0, s1;
	s15 =	simm.s32 $0x9E00  }
0x17a: {  	[hbm4b:s14+s6] =	stream.linear.scatter [tilespmem:s15], [sflag:$0x2], $0x80, $0x38;
	[tilespmem:$0xE200] =	vst v63  }
0x17b: {  	s24 =	sadd.s32 $0xD0, s1;
	s26 =	simm.s32 $0x9F00  }
0x17c: {  	[hbm4b:s24+s6] =	stream.linear.scatter [tilespmem:s26], [sflag:$0x2], $0x80, $0x38;
	[tilespmem:$0xE200] =	vst v63  }
0x17d: {  	s28 =	sadd.s32 $0xE0, s1;
	s31 =	simm.s32 $0xA000  }
0x17e: {  	[hbm4b:s28+s6] =	stream.linear.scatter [tilespmem:s31], [sflag:$0x2], $0x80, $0x38;
	[tilespmem:$0xE200] =	vst v63  }
0x17f: {  	s9 =	simm.s32 $0xA100;
	s1 =	sadd.s32 $0xF0, s1;
	s10 =	rddreg [dreg:$0xc]  }
0x180: {  	[hbm4b:s1+s6] =	stream.linear.scatter [tilespmem:s9], [sflag:$0x2], $0x80, $0x38;
	[tilespmem:$0xE200] =	vst v63  }
0x181: {  	s11 =	simm.s32 $0xA200;
	s1 =	sadd.s32 s10, s0  }
0x182: {  	[hbm4b:s1+s6] =	stream.linear.scatter [tilespmem:s11], [sflag:$0x2], $0x80, $0x38;
	[tilespmem:$0xE200] =	vst v63  }
0x183: {  	s13 =	simm.s32 $0xA300;
	s12 =	sadd.s32 $0x10, s1  }
0x184: {  	[hbm4b:s12+s6] =	stream.linear.scatter [tilespmem:s13], [sflag:$0x2], $0x80, $0x38;
	[tilespmem:$0xE200] =	vst v63  }
0x185: {  	s15 =	simm.s32 $0xA400;
	s14 =	sadd.s32 $0x20, s1  }
0x186: {  	[hbm4b:s14+s6] =	stream.linear.scatter [tilespmem:s15], [sflag:$0x2], $0x80, $0x38;
	[tilespmem:$0xE200] =	vst v63  }
0x187: {  	s26 =	simm.s32 $0xA500;
	s24 =	sadd.s32 $0x30, s1  }
0x188: {  	[hbm4b:s24+s6] =	stream.linear.scatter [tilespmem:s26], [sflag:$0x2], $0x80, $0x38;
	[tilespmem:$0xE200] =	vst v63  }
0x189: {  	s31 =	simm.s32 $0xA600;
	s28 =	sadd.s32 $0x40, s1  }
0x18a: {  	[hbm4b:s28+s6] =	stream.linear.scatter [tilespmem:s31], [sflag:$0x2], $0x80, $0x38;
	[tilespmem:$0xE200] =	vst v63  }
0x18b: {  	s10 =	sadd.s32 $0x50, s1;
	s11 =	simm.s32 $0xA700  }
0x18c: {  	[hbm4b:s10+s6] =	stream.linear.scatter [tilespmem:s11], [sflag:$0x2], $0x80, $0x38;
	[tilespmem:$0xE200] =	vst v63  }
0x18d: {  	s12 =	sadd.s32 $0x60, s1;
	s13 =	simm.s32 $0xA800  }
0x18e: {  	[hbm4b:s12+s6] =	stream.linear.scatter [tilespmem:s13], [sflag:$0x2], $0x80, $0x38;
	[tilespmem:$0xE200] =	vst v63  }
0x18f: {  	s14 =	sadd.s32 $0x70, s1;
	s15 =	simm.s32 $0xA900  }
0x190: {  	[hbm4b:s14+s6] =	stream.linear.scatter [tilespmem:s15], [sflag:$0x2], $0x80, $0x38;
	[tilespmem:$0xE200] =	vst v63  }
0x191: {  	s24 =	sadd.s32 $0x80, s1;
	s26 =	simm.s32 $0xAA00  }
0x192: {  	[hbm4b:s24+s6] =	stream.linear.scatter [tilespmem:s26], [sflag:$0x2], $0x80, $0x38;
	[tilespmem:$0xE200] =	vst v63  }
0x193: {  	s28 =	sadd.s32 $0x90, s1;
	s31 =	simm.s32 $0xAB00  }
0x194: {  	[hbm4b:s28+s6] =	stream.linear.scatter [tilespmem:s31], [sflag:$0x2], $0x80, $0x38;
	[tilespmem:$0xE200] =	vst v63  }
0x195: {  	s10 =	sadd.s32 $0xA0, s1;
	s11 =	simm.s32 $0xAC00  }
0x196: {  	[hbm4b:s10+s6] =	stream.linear.scatter [tilespmem:s11], [sflag:$0x2], $0x80, $0x38;
	[tilespmem:$0xE200] =	vst v63  }
0x197: {  	s12 =	sadd.s32 $0xB0, s1;
	s13 =	simm.s32 $0xAD00  }
0x198: {  	[hbm4b:s12+s6] =	stream.linear.scatter [tilespmem:s13], [sflag:$0x2], $0x80, $0x38;
	[tilespmem:$0xE200] =	vst v63  }
0x199: {  	s14 =	sadd.s32 $0xC0, s1;
	s15 =	simm.s32 $0xAE00  }
0x19a: {  	[hbm4b:s14+s6] =	stream.linear.scatter [tilespmem:s15], [sflag:$0x2], $0x80, $0x38;
	[tilespmem:$0xE200] =	vst v63  }
0x19b: {  	s24 =	sadd.s32 $0xD0, s1;
	s26 =	simm.s32 $0xAF00  }
0x19c: {  	[hbm4b:s24+s6] =	stream.linear.scatter [tilespmem:s26], [sflag:$0x2], $0x80, $0x38;
	[tilespmem:$0xE200] =	vst v63  }
0x19d: {  	s28 =	sadd.s32 $0xE0, s1;
	s31 =	simm.s32 $0xB000  }
0x19e: {  	[hbm4b:s28+s6] =	stream.linear.scatter [tilespmem:s31], [sflag:$0x2], $0x80, $0x38;
	[tilespmem:$0xE200] =	vst v63  }
0x19f: {  	s9 =	simm.s32 $0xB100;
	s1 =	sadd.s32 $0xF0, s1;
	s10 =	rddreg [dreg:$0xd]  }
0x1a0: {  	[hbm4b:s1+s6] =	stream.linear.scatter [tilespmem:s9], [sflag:$0x2], $0x80, $0x38;
	[tilespmem:$0xE200] =	vst v63  }
0x1a1: {  	s11 =	simm.s32 $0xB200;
	s1 =	sadd.s32 s10, s0  }
0x1a2: {  	[hbm4b:s1+s6] =	stream.linear.scatter [tilespmem:s11], [sflag:$0x2], $0x80, $0x38;
	[tilespmem:$0xE200] =	vst v63  }
0x1a3: {  	s13 =	simm.s32 $0xB300;
	s12 =	sadd.s32 $0x10, s1  }
0x1a4: {  	[hbm4b:s12+s6] =	stream.linear.scatter [tilespmem:s13], [sflag:$0x2], $0x80, $0x38;
	[tilespmem:$0xE200] =	vst v63  }
0x1a5: {  	s15 =	simm.s32 $0xB400;
	s14 =	sadd.s32 $0x20, s1  }
0x1a6: {  	[hbm4b:s14+s6] =	stream.linear.scatter [tilespmem:s15], [sflag:$0x2], $0x80, $0x38;
	[tilespmem:$0xE200] =	vst v63  }
0x1a7: {  	s26 =	simm.s32 $0xB500;
	s24 =	sadd.s32 $0x30, s1  }
0x1a8: {  	[hbm4b:s24+s6] =	stream.linear.scatter [tilespmem:s26], [sflag:$0x2], $0x80, $0x38;
	[tilespmem:$0xE200] =	vst v63  }
0x1a9: {  	s31 =	simm.s32 $0xB600;
	s28 =	sadd.s32 $0x40, s1  }
0x1aa: {  	[hbm4b:s28+s6] =	stream.linear.scatter [tilespmem:s31], [sflag:$0x2], $0x80, $0x38;
	[tilespmem:$0xE200] =	vst v63  }
0x1ab: {  	s10 =	sadd.s32 $0x50, s1;
	s11 =	simm.s32 $0xB700  }
0x1ac: {  	[hbm4b:s10+s6] =	stream.linear.scatter [tilespmem:s11], [sflag:$0x2], $0x80, $0x38;
	[tilespmem:$0xE200] =	vst v63  }
0x1ad: {  	s12 =	sadd.s32 $0x60, s1;
	s13 =	simm.s32 $0xB800  }
0x1ae: {  	[hbm4b:s12+s6] =	stream.linear.scatter [tilespmem:s13], [sflag:$0x2], $0x80, $0x38;
	[tilespmem:$0xE200] =	vst v63  }
0x1af: {  	s14 =	sadd.s32 $0x70, s1;
	s15 =	simm.s32 $0xB900  }
0x1b0: {  	[hbm4b:s14+s6] =	stream.linear.scatter [tilespmem:s15], [sflag:$0x2], $0x80, $0x38;
	[tilespmem:$0xE200] =	vst v63  }
0x1b1: {  	s24 =	sadd.s32 $0x80, s1;
	s26 =	simm.s32 $0xBA00  }
0x1b2: {  	[hbm4b:s24+s6] =	stream.linear.scatter [tilespmem:s26], [sflag:$0x2], $0x80, $0x38;
	[tilespmem:$0xE200] =	vst v63  }
0x1b3: {  	s28 =	sadd.s32 $0x90, s1;
	s31 =	simm.s32 $0xBB00  }
0x1b4: {  	[hbm4b:s28+s6] =	stream.linear.scatter [tilespmem:s31], [sflag:$0x2], $0x80, $0x38;
	[tilespmem:$0xE200] =	vst v63  }
0x1b5: {  	s10 =	sadd.s32 $0xA0, s1;
	s11 =	simm.s32 $0xBC00  }
0x1b6: {  	[hbm4b:s10+s6] =	stream.linear.scatter [tilespmem:s11], [sflag:$0x2], $0x80, $0x38;
	[tilespmem:$0xE200] =	vst v63  }
0x1b7: {  	s12 =	sadd.s32 $0xB0, s1;
	s13 =	simm.s32 $0xBD00  }
0x1b8: {  	[hbm4b:s12+s6] =	stream.linear.scatter [tilespmem:s13], [sflag:$0x2], $0x80, $0x38;
	[tilespmem:$0xE200] =	vst v63  }
0x1b9: {  	s14 =	sadd.s32 $0xC0, s1;
	s15 =	simm.s32 $0xBE00  }
0x1ba: {  	[hbm4b:s14+s6] =	stream.linear.scatter [tilespmem:s15], [sflag:$0x2], $0x80, $0x38;
	[tilespmem:$0xE200] =	vst v63  }
0x1bb: {  	s24 =	sadd.s32 $0xD0, s1;
	s26 =	simm.s32 $0xBF00  }
0x1bc: {  	[hbm4b:s24+s6] =	stream.linear.scatter [tilespmem:s26], [sflag:$0x2], $0x80, $0x38;
	[tilespmem:$0xE200] =	vst v63  }
0x1bd: {  	s28 =	sadd.s32 $0xE0, s1;
	s31 =	simm.s32 $0xC000  }
0x1be: {  	[hbm4b:s28+s6] =	stream.linear.scatter [tilespmem:s31], [sflag:$0x2], $0x80, $0x38;
	[tilespmem:$0xE200] =	vst v63  }
0x1bf: {  	s9 =	simm.s32 $0xC100;
	s1 =	sadd.s32 $0xF0, s1;
	s10 =	rddreg [dreg:$0xe]  }
0x1c0: {  	[hbm4b:s1+s6] =	stream.linear.scatter [tilespmem:s9], [sflag:$0x2], $0x80, $0x38;
	[tilespmem:$0xE200] =	vst v63  }
0x1c1: {  	s11 =	simm.s32 $0xC200;
	s1 =	sadd.s32 s10, s0  }
0x1c2: {  	[hbm4b:s1+s6] =	stream.linear.scatter [tilespmem:s11], [sflag:$0x2], $0x80, $0x38;
	[tilespmem:$0xE200] =	vst v63  }
0x1c3: {  	s13 =	simm.s32 $0xC300;
	s12 =	sadd.s32 $0x10, s1  }
0x1c4: {  	[hbm4b:s12+s6] =	stream.linear.scatter [tilespmem:s13], [sflag:$0x2], $0x80, $0x38;
	[tilespmem:$0xE200] =	vst v63  }
0x1c5: {  	s15 =	simm.s32 $0xC400;
	s14 =	sadd.s32 $0x20, s1  }
0x1c6: {  	[hbm4b:s14+s6] =	stream.linear.scatter [tilespmem:s15], [sflag:$0x2], $0x80, $0x38;
	[tilespmem:$0xE200] =	vst v63  }
0x1c7: {  	s26 =	simm.s32 $0xC500;
	s24 =	sadd.s32 $0x30, s1  }
0x1c8: {  	[hbm4b:s24+s6] =	stream.linear.scatter [tilespmem:s26], [sflag:$0x2], $0x80, $0x38;
	[tilespmem:$0xE200] =	vst v63  }
0x1c9: {  	s31 =	simm.s32 $0xC600;
	s28 =	sadd.s32 $0x40, s1  }
0x1ca: {  	[hbm4b:s28+s6] =	stream.linear.scatter [tilespmem:s31], [sflag:$0x2], $0x80, $0x38;
	[tilespmem:$0xE200] =	vst v63  }
0x1cb: {  	s10 =	sadd.s32 $0x50, s1;
	s11 =	simm.s32 $0xC700  }
0x1cc: {  	[hbm4b:s10+s6] =	stream.linear.scatter [tilespmem:s11], [sflag:$0x2], $0x80, $0x38;
	[tilespmem:$0xE200] =	vst v63  }
0x1cd: {  	s12 =	sadd.s32 $0x60, s1;
	s13 =	simm.s32 $0xC800  }
0x1ce: {  	[hbm4b:s12+s6] =	stream.linear.scatter [tilespmem:s13], [sflag:$0x2], $0x80, $0x38;
	[tilespmem:$0xE200] =	vst v63  }
0x1cf: {  	s14 =	sadd.s32 $0x70, s1;
	s15 =	simm.s32 $0xC900  }
0x1d0: {  	[hbm4b:s14+s6] =	stream.linear.scatter [tilespmem:s15], [sflag:$0x2], $0x80, $0x38;
	[tilespmem:$0xE200] =	vst v63  }
0x1d1: {  	s24 =	sadd.s32 $0x80, s1;
	s26 =	simm.s32 $0xCA00  }
0x1d2: {  	[hbm4b:s24+s6] =	stream.linear.scatter [tilespmem:s26], [sflag:$0x2], $0x80, $0x38;
	[tilespmem:$0xE200] =	vst v63  }
0x1d3: {  	s28 =	sadd.s32 $0x90, s1;
	s31 =	simm.s32 $0xCB00  }
0x1d4: {  	[hbm4b:s28+s6] =	stream.linear.scatter [tilespmem:s31], [sflag:$0x2], $0x80, $0x38;
	[tilespmem:$0xE200] =	vst v63  }
0x1d5: {  	s10 =	sadd.s32 $0xA0, s1;
	s11 =	simm.s32 $0xCC00  }
0x1d6: {  	[hbm4b:s10+s6] =	stream.linear.scatter [tilespmem:s11], [sflag:$0x2], $0x80, $0x38;
	[tilespmem:$0xE200] =	vst v63  }
0x1d7: {  	s12 =	sadd.s32 $0xB0, s1;
	s13 =	simm.s32 $0xCD00  }
0x1d8: {  	[hbm4b:s12+s6] =	stream.linear.scatter [tilespmem:s13], [sflag:$0x2], $0x80, $0x38;
	[tilespmem:$0xE200] =	vst v63  }
0x1d9: {  	s14 =	sadd.s32 $0xC0, s1;
	s15 =	simm.s32 $0xCE00  }
0x1da: {  	[hbm4b:s14+s6] =	stream.linear.scatter [tilespmem:s15], [sflag:$0x2], $0x80, $0x38;
	[tilespmem:$0xE200] =	vst v63  }
0x1db: {  	s24 =	sadd.s32 $0xD0, s1;
	s26 =	simm.s32 $0xCF00  }
0x1dc: {  	[hbm4b:s24+s6] =	stream.linear.scatter [tilespmem:s26], [sflag:$0x2], $0x80, $0x38;
	[tilespmem:$0xE200] =	vst v63  }
0x1dd: {  	s28 =	sadd.s32 $0xE0, s1;
	s31 =	simm.s32 $0xD000  }
0x1de: {  	[hbm4b:s28+s6] =	stream.linear.scatter [tilespmem:s31], [sflag:$0x2], $0x80, $0x38;
	[tilespmem:$0xE200] =	vst v63  }
0x1df: {  	s9 =	simm.s32 $0xD100;
	s1 =	sadd.s32 $0xF0, s1;
	s10 =	rddreg [dreg:$0xf]  }
0x1e0: {  	[hbm4b:s1+s6] =	stream.linear.scatter [tilespmem:s9], [sflag:$0x2], $0x80, $0x38;
	[tilespmem:$0xE200] =	vst v63  }
0x1e1: {  	s11 =	simm.s32 $0xD200;
	s1 =	sadd.s32 s10, s0  }
0x1e2: {  	[hbm4b:s1+s6] =	stream.linear.scatter [tilespmem:s11], [sflag:$0x2], $0x80, $0x38;
	[tilespmem:$0xE200] =	vst v63  }
0x1e3: {  	s13 =	simm.s32 $0xD300;
	s12 =	sadd.s32 $0x10, s1  }
0x1e4: {  	[hbm4b:s12+s6] =	stream.linear.scatter [tilespmem:s13], [sflag:$0x2], $0x80, $0x38;
	[tilespmem:$0xE200] =	vst v63  }
0x1e5: {  	s15 =	simm.s32 $0xD400;
	s14 =	sadd.s32 $0x20, s1  }
0x1e6: {  	[hbm4b:s14+s6] =	stream.linear.scatter [tilespmem:s15], [sflag:$0x2], $0x80, $0x38;
	[tilespmem:$0xE200] =	vst v63  }
0x1e7: {  	s26 =	simm.s32 $0xD500;
	s24 =	sadd.s32 $0x30, s1  }
0x1e8: {  	[hbm4b:s24+s6] =	stream.linear.scatter [tilespmem:s26], [sflag:$0x2], $0x80, $0x38;
	[tilespmem:$0xE200] =	vst v63  }
0x1e9: {  	s31 =	simm.s32 $0xD600;
	s28 =	sadd.s32 $0x40, s1  }
0x1ea: {  	[hbm4b:s28+s6] =	stream.linear.scatter [tilespmem:s31], [sflag:$0x2], $0x80, $0x38;
	[tilespmem:$0xE200] =	vst v63  }
0x1eb: {  	s10 =	sadd.s32 $0x50, s1;
	s11 =	simm.s32 $0xD700  }
0x1ec: {  	[hbm4b:s10+s6] =	stream.linear.scatter [tilespmem:s11], [sflag:$0x2], $0x80, $0x38;
	[tilespmem:$0xE200] =	vst v63  }
0x1ed: {  	s12 =	sadd.s32 $0x60, s1;
	s13 =	simm.s32 $0xD800  }
0x1ee: {  	[hbm4b:s12+s6] =	stream.linear.scatter [tilespmem:s13], [sflag:$0x2], $0x80, $0x38;
	[tilespmem:$0xE200] =	vst v63  }
0x1ef: {  	s14 =	sadd.s32 $0x70, s1;
	s15 =	simm.s32 $0xD900  }
0x1f0: {  	[hbm4b:s14+s6] =	stream.linear.scatter [tilespmem:s15], [sflag:$0x2], $0x80, $0x38;
	[tilespmem:$0xE200] =	vst v63  }
0x1f1: {  	s24 =	sadd.s32 $0x80, s1;
	s26 =	simm.s32 $0xDA00  }
0x1f2: {  	[hbm4b:s24+s6] =	stream.linear.scatter [tilespmem:s26], [sflag:$0x2], $0x80, $0x38;
	[tilespmem:$0xE200] =	vst v63  }
0x1f3: {  	s28 =	sadd.s32 $0x90, s1;
	s31 =	simm.s32 $0xDB00  }
0x1f4: {  	[hbm4b:s28+s6] =	stream.linear.scatter [tilespmem:s31], [sflag:$0x2], $0x80, $0x38;
	[tilespmem:$0xE200] =	vst v63  }
0x1f5: {  	s9 =	sadd.s32 $0xA0, s1;
	s10 =	simm.s32 $0xDC00  }
0x1f6: {  	[hbm4b:s9+s6] =	stream.linear.scatter [tilespmem:s10], [sflag:$0x2], $0x80, $0x38;
	[tilespmem:$0xE200] =	vst v63  }
0x1f7: {  	s11 =	sadd.s32 $0xB0, s1;
	s12 =	simm.s32 $0xDD00  }
0x1f8: {  	[hbm4b:s11+s6] =	stream.linear.scatter [tilespmem:s12], [sflag:$0x2], $0x80, $0x38;
	[tilespmem:$0xE200] =	vst v63  }
0x1f9: {  	s13 =	sadd.s32 $0xC0, s1;
	s14 =	simm.s32 $0xDE00  }
0x1fa: {  	[hbm4b:s13+s6] =	stream.linear.scatter [tilespmem:s14], [sflag:$0x2], $0x80, $0x38;
	[tilespmem:$0xE200] =	vst v63  }
0x1fb: {  	s15 =	sadd.s32 $0xD0, s1;
	s24 =	simm.s32 $0xDF00  }
0x1fc: {  	[hbm4b:s15+s6] =	stream.linear.scatter [tilespmem:s24], [sflag:$0x2], $0x80, $0x38;
	[tilespmem:$0xE200] =	vst v63  }
0x1fd: {  	s26 =	sadd.s32 $0xE0, s1;
	s28 =	simm.s32 $0xE000  }
0x1fe: {  	[hbm4b:s26+s6] =	stream.linear.scatter [tilespmem:s28], [sflag:$0x2], $0x80, $0x38;
	[tilespmem:$0xE200] =	vst v63  }
0x1ff: {  	s1 =	sadd.s32 $0xF0, s1;
	s31 =	simm.s32 $0xE100  }
0x200: {  	[hbm4b:s1+s6] =	stream.linear.scatter [tilespmem:s31], [sflag:$0x2], $0x80, $0x38;
	[tilespmem:$0xE200] =	vst v63  }
.LBB2_22:
.Ltmp14:
0x201: {  	(pc) =	sbr.rel @!p1 .LBB2_24-.Ltmp14, $1  }
0x202: {  	_ =	sdelay $0x3  }
0x203: {  	s1 =	simm.s32 $0x7280  }
0x204: {  	[hbm4b:s25+s6] =	stream.linear.scatter [tilespmem:s1], [sflag:$0x3], $0x80, $0x38;
	[tilespmem:$0xE200] =	vst v63  }
0x205: {  	s26 =	simm.s32 $0x7380  }
0x206: {  	[hbm4b:s30+s6] =	stream.linear.scatter [tilespmem:s26], [sflag:$0x3], $0x80, $0x38;
	[tilespmem:$0xE200] =	vst v63  }
0x207: {  	s28 =	simm.s32 $0x7480  }
0x208: {  	[hbm4b:s7+s6] =	stream.linear.scatter [tilespmem:s28], [sflag:$0x3], $0x80, $0x38;
	[tilespmem:$0xE200] =	vst v63  }
0x209: {  	s31 =	simm.s32 $0x7580;
	s30 =	sadd.s32 $0x30, s25  }
0x20a: {  	[hbm4b:s30+s6] =	stream.linear.scatter [tilespmem:s31], [sflag:$0x3], $0x80, $0x38;
	[tilespmem:$0xE200] =	vst v63  }
0x20b: {  	s8 =	simm.s32 $0x7680;
	s7 =	sadd.s32 $0x40, s25  }
0x20c: {  	[hbm4b:s7+s6] =	stream.linear.scatter [tilespmem:s8], [sflag:$0x3], $0x80, $0x38;
	[tilespmem:$0xE200] =	vst v63  }
0x20d: {  	s9 =	sadd.s32 $0x50, s25;
	s10 =	simm.s32 $0x7780  }
0x20e: {  	[hbm4b:s9+s6] =	stream.linear.scatter [tilespmem:s10], [sflag:$0x3], $0x80, $0x38;
	[tilespmem:$0xE200] =	vst v63  }
0x20f: {  	s11 =	sadd.s32 $0x60, s25;
	s12 =	simm.s32 $0x7880  }
0x210: {  	[hbm4b:s11+s6] =	stream.linear.scatter [tilespmem:s12], [sflag:$0x3], $0x80, $0x38;
	[tilespmem:$0xE200] =	vst v63  }
0x211: {  	s13 =	sadd.s32 $0x70, s25;
	s14 =	simm.s32 $0x7980  }
0x212: {  	[hbm4b:s13+s6] =	stream.linear.scatter [tilespmem:s14], [sflag:$0x3], $0x80, $0x38;
	[tilespmem:$0xE200] =	vst v63  }
0x213: {  	s15 =	sadd.s32 $0x80, s25;
	s24 =	simm.s32 $0x7A80  }
0x214: {  	[hbm4b:s15+s6] =	stream.linear.scatter [tilespmem:s24], [sflag:$0x3], $0x80, $0x38;
	[tilespmem:$0xE200] =	vst v63  }
0x215: {  	s26 =	sadd.s32 $0x90, s25;
	s28 =	simm.s32 $0x7B80  }
0x216: {  	[hbm4b:s26+s6] =	stream.linear.scatter [tilespmem:s28], [sflag:$0x3], $0x80, $0x38;
	[tilespmem:$0xE200] =	vst v63  }
0x217: {  	s30 =	sadd.s32 $0xA0, s25;
	s31 =	simm.s32 $0x7C80  }
0x218: {  	[hbm4b:s30+s6] =	stream.linear.scatter [tilespmem:s31], [sflag:$0x3], $0x80, $0x38;
	[tilespmem:$0xE200] =	vst v63  }
0x219: {  	s7 =	sadd.s32 $0xB0, s25;
	s8 =	simm.s32 $0x7D80  }
0x21a: {  	[hbm4b:s7+s6] =	stream.linear.scatter [tilespmem:s8], [sflag:$0x3], $0x80, $0x38;
	[tilespmem:$0xE200] =	vst v63  }
0x21b: {  	s9 =	sadd.s32 $0xC0, s25;
	s10 =	simm.s32 $0x7E80  }
0x21c: {  	[hbm4b:s9+s6] =	stream.linear.scatter [tilespmem:s10], [sflag:$0x3], $0x80, $0x38;
	[tilespmem:$0xE200] =	vst v63  }
0x21d: {  	s11 =	sadd.s32 $0xD0, s25;
	s12 =	simm.s32 $0x7F80  }
0x21e: {  	[hbm4b:s11+s6] =	stream.linear.scatter [tilespmem:s12], [sflag:$0x3], $0x80, $0x38;
	[tilespmem:$0xE200] =	vst v63  }
0x21f: {  	s13 =	sadd.s32 $0xE0, s25;
	s14 =	simm.s32 $0x8080  }
0x220: {  	[hbm4b:s13+s6] =	stream.linear.scatter [tilespmem:s14], [sflag:$0x3], $0x80, $0x38;
	[tilespmem:$0xE200] =	vst v63  }
0x221: {  	s15 =	sadd.s32 $0xF0, s25;
	s24 =	simm.s32 $0x8180;
	s25 =	rddreg [dreg:$0xa]  }
0x222: {  	[hbm4b:s15+s6] =	stream.linear.scatter [tilespmem:s24], [sflag:$0x3], $0x80, $0x38;
	[tilespmem:$0xE200] =	vst v63  }
0x223: {  	s1 =	sadd.s32 s25, s0;
	s26 =	simm.s32 $0x8280  }
0x224: {  	[hbm4b:s1+s6] =	stream.linear.scatter [tilespmem:s26], [sflag:$0x3], $0x80, $0x38;
	[tilespmem:$0xE200] =	vst v63  }
0x225: {  	s28 =	sadd.s32 $0x10, s1;
	s8 =	simm.s32 $0x8380  }
0x226: {  	[hbm4b:s28+s6] =	stream.linear.scatter [tilespmem:s8], [sflag:$0x3], $0x80, $0x38;
	[tilespmem:$0xE200] =	vst v63  }
0x227: {  	s30 =	sadd.s32 $0x20, s1;
	s31 =	simm.s32 $0x8480  }
0x228: {  	[hbm4b:s30+s6] =	stream.linear.scatter [tilespmem:s31], [sflag:$0x3], $0x80, $0x38;
	[tilespmem:$0xE200] =	vst v63  }
0x229: {  	s9 =	simm.s32 $0x8580;
	s8 =	sadd.s32 $0x30, s1  }
0x22a: {  	[hbm4b:s8+s6] =	stream.linear.scatter [tilespmem:s9], [sflag:$0x3], $0x80, $0x38;
	[tilespmem:$0xE200] =	vst v63  }
0x22b: {  	s10 =	sadd.s32 $0x40, s1;
	s11 =	simm.s32 $0x8680  }
0x22c: {  	[hbm4b:s10+s6] =	stream.linear.scatter [tilespmem:s11], [sflag:$0x3], $0x80, $0x38;
	[tilespmem:$0xE200] =	vst v63  }
0x22d: {  	s12 =	sadd.s32 $0x50, s1;
	s13 =	simm.s32 $0x8780  }
0x22e: {  	[hbm4b:s12+s6] =	stream.linear.scatter [tilespmem:s13], [sflag:$0x3], $0x80, $0x38;
	[tilespmem:$0xE200] =	vst v63  }
0x22f: {  	s14 =	sadd.s32 $0x60, s1;
	s15 =	simm.s32 $0x8880  }
0x230: {  	[hbm4b:s14+s6] =	stream.linear.scatter [tilespmem:s15], [sflag:$0x3], $0x80, $0x38;
	[tilespmem:$0xE200] =	vst v63  }
0x231: {  	s25 =	simm.s32 $0x8980;
	s24 =	sadd.s32 $0x70, s1  }
0x232: {  	[hbm4b:s24+s6] =	stream.linear.scatter [tilespmem:s25], [sflag:$0x3], $0x80, $0x38;
	[tilespmem:$0xE200] =	vst v63  }
0x233: {  	s26 =	sadd.s32 $0x80, s1;
	s28 =	simm.s32 $0x8A80  }
0x234: {  	[hbm4b:s26+s6] =	stream.linear.scatter [tilespmem:s28], [sflag:$0x3], $0x80, $0x38;
	[tilespmem:$0xE200] =	vst v63  }
0x235: {  	s30 =	sadd.s32 $0x90, s1;
	s31 =	simm.s32 $0x8B80  }
0x236: {  	[hbm4b:s30+s6] =	stream.linear.scatter [tilespmem:s31], [sflag:$0x3], $0x80, $0x38;
	[tilespmem:$0xE200] =	vst v63  }
0x237: {  	s9 =	sadd.s32 $0xA0, s1;
	s10 =	simm.s32 $0x8C80  }
0x238: {  	[hbm4b:s9+s6] =	stream.linear.scatter [tilespmem:s10], [sflag:$0x3], $0x80, $0x38;
	[tilespmem:$0xE200] =	vst v63  }
0x239: {  	s11 =	sadd.s32 $0xB0, s1;
	s12 =	simm.s32 $0x8D80  }
0x23a: {  	[hbm4b:s11+s6] =	stream.linear.scatter [tilespmem:s12], [sflag:$0x3], $0x80, $0x38;
	[tilespmem:$0xE200] =	vst v63  }
0x23b: {  	s13 =	sadd.s32 $0xC0, s1;
	s14 =	simm.s32 $0x8E80  }
0x23c: {  	[hbm4b:s13+s6] =	stream.linear.scatter [tilespmem:s14], [sflag:$0x3], $0x80, $0x38;
	[tilespmem:$0xE200] =	vst v63  }
0x23d: {  	s15 =	sadd.s32 $0xD0, s1;
	s24 =	simm.s32 $0x8F80  }
0x23e: {  	[hbm4b:s15+s6] =	stream.linear.scatter [tilespmem:s24], [sflag:$0x3], $0x80, $0x38;
	[tilespmem:$0xE200] =	vst v63  }
0x23f: {  	s25 =	sadd.s32 $0xE0, s1;
	s26 =	simm.s32 $0x9080  }
0x240: {  	[hbm4b:s25+s6] =	stream.linear.scatter [tilespmem:s26], [sflag:$0x3], $0x80, $0x38;
	[tilespmem:$0xE200] =	vst v63  }
0x241: {  	s1 =	sadd.s32 $0xF0, s1;
	s28 =	simm.s32 $0x9180;
	s30 =	rddreg [dreg:$0xb]  }
0x242: {  	[hbm4b:s1+s6] =	stream.linear.scatter [tilespmem:s28], [sflag:$0x3], $0x80, $0x38;
	[tilespmem:$0xE200] =	vst v63  }
0x243: {  	s31 =	simm.s32 $0x9280;
	s1 =	sadd.s32 s30, s0  }
0x244: {  	[hbm4b:s1+s6] =	stream.linear.scatter [tilespmem:s31], [sflag:$0x3], $0x80, $0x38;
	[tilespmem:$0xE200] =	vst v63  }
0x245: {  	s9 =	simm.s32 $0x9380;
	s8 =	sadd.s32 $0x10, s1  }
0x246: {  	[hbm4b:s8+s6] =	stream.linear.scatter [tilespmem:s9], [sflag:$0x3], $0x80, $0x38;
	[tilespmem:$0xE200] =	vst v63  }
0x247: {  	s11 =	simm.s32 $0x9480;
	s10 =	sadd.s32 $0x20, s1  }
0x248: {  	[hbm4b:s10+s6] =	stream.linear.scatter [tilespmem:s11], [sflag:$0x3], $0x80, $0x38;
	[tilespmem:$0xE200] =	vst v63  }
0x249: {  	s13 =	simm.s32 $0x9580;
	s12 =	sadd.s32 $0x30, s1  }
0x24a: {  	[hbm4b:s12+s6] =	stream.linear.scatter [tilespmem:s13], [sflag:$0x3], $0x80, $0x38;
	[tilespmem:$0xE200] =	vst v63  }
0x24b: {  	s15 =	simm.s32 $0x9680;
	s14 =	sadd.s32 $0x40, s1  }
0x24c: {  	[hbm4b:s14+s6] =	stream.linear.scatter [tilespmem:s15], [sflag:$0x3], $0x80, $0x38;
	[tilespmem:$0xE200] =	vst v63  }
0x24d: {  	s25 =	simm.s32 $0x9780;
	s24 =	sadd.s32 $0x50, s1  }
0x24e: {  	[hbm4b:s24+s6] =	stream.linear.scatter [tilespmem:s25], [sflag:$0x3], $0x80, $0x38;
	[tilespmem:$0xE200] =	vst v63  }
0x24f: {  	s28 =	simm.s32 $0x9880;
	s26 =	sadd.s32 $0x60, s1  }
0x250: {  	[hbm4b:s26+s6] =	stream.linear.scatter [tilespmem:s28], [sflag:$0x3], $0x80, $0x38;
	[tilespmem:$0xE200] =	vst v63  }
0x251: {  	s30 =	sadd.s32 $0x70, s1;
	s31 =	simm.s32 $0x9980  }
0x252: {  	[hbm4b:s30+s6] =	stream.linear.scatter [tilespmem:s31], [sflag:$0x3], $0x80, $0x38;
	[tilespmem:$0xE200] =	vst v63  }
0x253: {  	s8 =	sadd.s32 $0x80, s1;
	s9 =	simm.s32 $0x9A80  }
0x254: {  	[hbm4b:s8+s6] =	stream.linear.scatter [tilespmem:s9], [sflag:$0x3], $0x80, $0x38;
	[tilespmem:$0xE200] =	vst v63  }
0x255: {  	s10 =	sadd.s32 $0x90, s1;
	s11 =	simm.s32 $0x9B80  }
0x256: {  	[hbm4b:s10+s6] =	stream.linear.scatter [tilespmem:s11], [sflag:$0x3], $0x80, $0x38;
	[tilespmem:$0xE200] =	vst v63  }
0x257: {  	s12 =	sadd.s32 $0xA0, s1;
	s13 =	simm.s32 $0x9C80  }
0x258: {  	[hbm4b:s12+s6] =	stream.linear.scatter [tilespmem:s13], [sflag:$0x3], $0x80, $0x38;
	[tilespmem:$0xE200] =	vst v63  }
0x259: {  	s14 =	sadd.s32 $0xB0, s1;
	s15 =	simm.s32 $0x9D80  }
0x25a: {  	[hbm4b:s14+s6] =	stream.linear.scatter [tilespmem:s15], [sflag:$0x3], $0x80, $0x38;
	[tilespmem:$0xE200] =	vst v63  }
0x25b: {  	s24 =	sadd.s32 $0xC0, s1;
	s25 =	simm.s32 $0x9E80  }
0x25c: {  	[hbm4b:s24+s6] =	stream.linear.scatter [tilespmem:s25], [sflag:$0x3], $0x80, $0x38;
	[tilespmem:$0xE200] =	vst v63  }
0x25d: {  	s26 =	sadd.s32 $0xD0, s1;
	s28 =	simm.s32 $0x9F80  }
0x25e: {  	[hbm4b:s26+s6] =	stream.linear.scatter [tilespmem:s28], [sflag:$0x3], $0x80, $0x38;
	[tilespmem:$0xE200] =	vst v63  }
0x25f: {  	s30 =	sadd.s32 $0xE0, s1;
	s31 =	simm.s32 $0xA080  }
0x260: {  	[hbm4b:s30+s6] =	stream.linear.scatter [tilespmem:s31], [sflag:$0x3], $0x80, $0x38;
	[tilespmem:$0xE200] =	vst v63  }
0x261: {  	s1 =	sadd.s32 $0xF0, s1;
	s9 =	simm.s32 $0xA180;
	s10 =	rddreg [dreg:$0xc]  }
0x262: {  	[hbm4b:s1+s6] =	stream.linear.scatter [tilespmem:s9], [sflag:$0x3], $0x80, $0x38;
	[tilespmem:$0xE200] =	vst v63  }
0x263: {  	s11 =	simm.s32 $0xA280;
	s1 =	sadd.s32 s10, s0  }
0x264: {  	[hbm4b:s1+s6] =	stream.linear.scatter [tilespmem:s11], [sflag:$0x3], $0x80, $0x38;
	[tilespmem:$0xE200] =	vst v63  }
0x265: {  	s13 =	simm.s32 $0xA380;
	s12 =	sadd.s32 $0x10, s1  }
0x266: {  	[hbm4b:s12+s6] =	stream.linear.scatter [tilespmem:s13], [sflag:$0x3], $0x80, $0x38;
	[tilespmem:$0xE200] =	vst v63  }
0x267: {  	s15 =	simm.s32 $0xA480;
	s14 =	sadd.s32 $0x20, s1  }
0x268: {  	[hbm4b:s14+s6] =	stream.linear.scatter [tilespmem:s15], [sflag:$0x3], $0x80, $0x38;
	[tilespmem:$0xE200] =	vst v63  }
0x269: {  	s25 =	simm.s32 $0xA580;
	s24 =	sadd.s32 $0x30, s1  }
0x26a: {  	[hbm4b:s24+s6] =	stream.linear.scatter [tilespmem:s25], [sflag:$0x3], $0x80, $0x38;
	[tilespmem:$0xE200] =	vst v63  }
0x26b: {  	s28 =	simm.s32 $0xA680;
	s26 =	sadd.s32 $0x40, s1  }
0x26c: {  	[hbm4b:s26+s6] =	stream.linear.scatter [tilespmem:s28], [sflag:$0x3], $0x80, $0x38;
	[tilespmem:$0xE200] =	vst v63  }
0x26d: {  	s31 =	simm.s32 $0xA780;
	s30 =	sadd.s32 $0x50, s1  }
0x26e: {  	[hbm4b:s30+s6] =	stream.linear.scatter [tilespmem:s31], [sflag:$0x3], $0x80, $0x38;
	[tilespmem:$0xE200] =	vst v63  }
0x26f: {  	s9 =	simm.s32 $0xA880;
	s8 =	sadd.s32 $0x60, s1  }
0x270: {  	[hbm4b:s8+s6] =	stream.linear.scatter [tilespmem:s9], [sflag:$0x3], $0x80, $0x38;
	[tilespmem:$0xE200] =	vst v63  }
0x271: {  	s10 =	sadd.s32 $0x70, s1;
	s11 =	simm.s32 $0xA980  }
0x272: {  	[hbm4b:s10+s6] =	stream.linear.scatter [tilespmem:s11], [sflag:$0x3], $0x80, $0x38;
	[tilespmem:$0xE200] =	vst v63  }
0x273: {  	s12 =	sadd.s32 $0x80, s1;
	s13 =	simm.s32 $0xAA80  }
0x274: {  	[hbm4b:s12+s6] =	stream.linear.scatter [tilespmem:s13], [sflag:$0x3], $0x80, $0x38;
	[tilespmem:$0xE200] =	vst v63  }
0x275: {  	s14 =	sadd.s32 $0x90, s1;
	s15 =	simm.s32 $0xAB80  }
0x276: {  	[hbm4b:s14+s6] =	stream.linear.scatter [tilespmem:s15], [sflag:$0x3], $0x80, $0x38;
	[tilespmem:$0xE200] =	vst v63  }
0x277: {  	s24 =	sadd.s32 $0xA0, s1;
	s25 =	simm.s32 $0xAC80  }
0x278: {  	[hbm4b:s24+s6] =	stream.linear.scatter [tilespmem:s25], [sflag:$0x3], $0x80, $0x38;
	[tilespmem:$0xE200] =	vst v63  }
0x279: {  	s26 =	sadd.s32 $0xB0, s1;
	s28 =	simm.s32 $0xAD80  }
0x27a: {  	[hbm4b:s26+s6] =	stream.linear.scatter [tilespmem:s28], [sflag:$0x3], $0x80, $0x38;
	[tilespmem:$0xE200] =	vst v63  }
0x27b: {  	s30 =	sadd.s32 $0xC0, s1;
	s31 =	simm.s32 $0xAE80  }
0x27c: {  	[hbm4b:s30+s6] =	stream.linear.scatter [tilespmem:s31], [sflag:$0x3], $0x80, $0x38;
	[tilespmem:$0xE200] =	vst v63  }
0x27d: {  	s9 =	sadd.s32 $0xD0, s1;
	s10 =	simm.s32 $0xAF80  }
0x27e: {  	[hbm4b:s9+s6] =	stream.linear.scatter [tilespmem:s10], [sflag:$0x3], $0x80, $0x38;
	[tilespmem:$0xE200] =	vst v63  }
0x27f: {  	s11 =	sadd.s32 $0xE0, s1;
	s12 =	simm.s32 $0xB080  }
0x280: {  	[hbm4b:s11+s6] =	stream.linear.scatter [tilespmem:s12], [sflag:$0x3], $0x80, $0x38;
	[tilespmem:$0xE200] =	vst v63  }
0x281: {  	s1 =	sadd.s32 $0xF0, s1;
	s13 =	simm.s32 $0xB180;
	s14 =	rddreg [dreg:$0xd]  }
0x282: {  	[hbm4b:s1+s6] =	stream.linear.scatter [tilespmem:s13], [sflag:$0x3], $0x80, $0x38;
	[tilespmem:$0xE200] =	vst v63  }
0x283: {  	s15 =	simm.s32 $0xB280;
	s1 =	sadd.s32 s14, s0  }
0x284: {  	[hbm4b:s1+s6] =	stream.linear.scatter [tilespmem:s15], [sflag:$0x3], $0x80, $0x38;
	[tilespmem:$0xE200] =	vst v63  }
0x285: {  	s25 =	simm.s32 $0xB380;
	s24 =	sadd.s32 $0x10, s1  }
0x286: {  	[hbm4b:s24+s6] =	stream.linear.scatter [tilespmem:s25], [sflag:$0x3], $0x80, $0x38;
	[tilespmem:$0xE200] =	vst v63  }
0x287: {  	s28 =	simm.s32 $0xB480;
	s26 =	sadd.s32 $0x20, s1  }
0x288: {  	[hbm4b:s26+s6] =	stream.linear.scatter [tilespmem:s28], [sflag:$0x3], $0x80, $0x38;
	[tilespmem:$0xE200] =	vst v63  }
0x289: {  	s31 =	simm.s32 $0xB580;
	s30 =	sadd.s32 $0x30, s1  }
0x28a: {  	[hbm4b:s30+s6] =	stream.linear.scatter [tilespmem:s31], [sflag:$0x3], $0x80, $0x38;
	[tilespmem:$0xE200] =	vst v63  }
0x28b: {  	s9 =	simm.s32 $0xB680;
	s8 =	sadd.s32 $0x40, s1  }
0x28c: {  	[hbm4b:s8+s6] =	stream.linear.scatter [tilespmem:s9], [sflag:$0x3], $0x80, $0x38;
	[tilespmem:$0xE200] =	vst v63  }
0x28d: {  	s11 =	simm.s32 $0xB780;
	s10 =	sadd.s32 $0x50, s1  }
0x28e: {  	[hbm4b:s10+s6] =	stream.linear.scatter [tilespmem:s11], [sflag:$0x3], $0x80, $0x38;
	[tilespmem:$0xE200] =	vst v63  }
0x28f: {  	s13 =	simm.s32 $0xB880;
	s12 =	sadd.s32 $0x60, s1  }
0x290: {  	[hbm4b:s12+s6] =	stream.linear.scatter [tilespmem:s13], [sflag:$0x3], $0x80, $0x38;
	[tilespmem:$0xE200] =	vst v63  }
0x291: {  	s14 =	sadd.s32 $0x70, s1;
	s15 =	simm.s32 $0xB980  }
0x292: {  	[hbm4b:s14+s6] =	stream.linear.scatter [tilespmem:s15], [sflag:$0x3], $0x80, $0x38;
	[tilespmem:$0xE200] =	vst v63  }
0x293: {  	s24 =	sadd.s32 $0x80, s1;
	s25 =	simm.s32 $0xBA80  }
0x294: {  	[hbm4b:s24+s6] =	stream.linear.scatter [tilespmem:s25], [sflag:$0x3], $0x80, $0x38;
	[tilespmem:$0xE200] =	vst v63  }
0x295: {  	s26 =	sadd.s32 $0x90, s1;
	s28 =	simm.s32 $0xBB80  }
0x296: {  	[hbm4b:s26+s6] =	stream.linear.scatter [tilespmem:s28], [sflag:$0x3], $0x80, $0x38;
	[tilespmem:$0xE200] =	vst v63  }
0x297: {  	s30 =	sadd.s32 $0xA0, s1;
	s31 =	simm.s32 $0xBC80  }
0x298: {  	[hbm4b:s30+s6] =	stream.linear.scatter [tilespmem:s31], [sflag:$0x3], $0x80, $0x38;
	[tilespmem:$0xE200] =	vst v63  }
0x299: {  	s9 =	sadd.s32 $0xB0, s1;
	s10 =	simm.s32 $0xBD80  }
0x29a: {  	[hbm4b:s9+s6] =	stream.linear.scatter [tilespmem:s10], [sflag:$0x3], $0x80, $0x38;
	[tilespmem:$0xE200] =	vst v63  }
0x29b: {  	s11 =	sadd.s32 $0xC0, s1;
	s12 =	simm.s32 $0xBE80  }
0x29c: {  	[hbm4b:s11+s6] =	stream.linear.scatter [tilespmem:s12], [sflag:$0x3], $0x80, $0x38;
	[tilespmem:$0xE200] =	vst v63  }
0x29d: {  	s13 =	sadd.s32 $0xD0, s1;
	s14 =	simm.s32 $0xBF80  }
0x29e: {  	[hbm4b:s13+s6] =	stream.linear.scatter [tilespmem:s14], [sflag:$0x3], $0x80, $0x38;
	[tilespmem:$0xE200] =	vst v63  }
0x29f: {  	s15 =	sadd.s32 $0xE0, s1;
	s24 =	simm.s32 $0xC080  }
0x2a0: {  	[hbm4b:s15+s6] =	stream.linear.scatter [tilespmem:s24], [sflag:$0x3], $0x80, $0x38;
	[tilespmem:$0xE200] =	vst v63  }
0x2a1: {  	s1 =	sadd.s32 $0xF0, s1;
	s25 =	simm.s32 $0xC180;
	s26 =	rddreg [dreg:$0xe]  }
0x2a2: {  	[hbm4b:s1+s6] =	stream.linear.scatter [tilespmem:s25], [sflag:$0x3], $0x80, $0x38;
	[tilespmem:$0xE200] =	vst v63  }
0x2a3: {  	s28 =	simm.s32 $0xC280;
	s1 =	sadd.s32 s26, s0  }
0x2a4: {  	[hbm4b:s1+s6] =	stream.linear.scatter [tilespmem:s28], [sflag:$0x3], $0x80, $0x38;
	[tilespmem:$0xE200] =	vst v63  }
0x2a5: {  	s31 =	simm.s32 $0xC380;
	s30 =	sadd.s32 $0x10, s1  }
0x2a6: {  	[hbm4b:s30+s6] =	stream.linear.scatter [tilespmem:s31], [sflag:$0x3], $0x80, $0x38;
	[tilespmem:$0xE200] =	vst v63  }
0x2a7: {  	s9 =	simm.s32 $0xC480;
	s8 =	sadd.s32 $0x20, s1  }
0x2a8: {  	[hbm4b:s8+s6] =	stream.linear.scatter [tilespmem:s9], [sflag:$0x3], $0x80, $0x38;
	[tilespmem:$0xE200] =	vst v63  }
0x2a9: {  	s11 =	simm.s32 $0xC580;
	s10 =	sadd.s32 $0x30, s1  }
0x2aa: {  	[hbm4b:s10+s6] =	stream.linear.scatter [tilespmem:s11], [sflag:$0x3], $0x80, $0x38;
	[tilespmem:$0xE200] =	vst v63  }
0x2ab: {  	s13 =	simm.s32 $0xC680;
	s12 =	sadd.s32 $0x40, s1  }
0x2ac: {  	[hbm4b:s12+s6] =	stream.linear.scatter [tilespmem:s13], [sflag:$0x3], $0x80, $0x38;
	[tilespmem:$0xE200] =	vst v63  }
0x2ad: {  	s15 =	simm.s32 $0xC780;
	s14 =	sadd.s32 $0x50, s1  }
0x2ae: {  	[hbm4b:s14+s6] =	stream.linear.scatter [tilespmem:s15], [sflag:$0x3], $0x80, $0x38;
	[tilespmem:$0xE200] =	vst v63  }
0x2af: {  	s25 =	simm.s32 $0xC880;
	s24 =	sadd.s32 $0x60, s1  }
0x2b0: {  	[hbm4b:s24+s6] =	stream.linear.scatter [tilespmem:s25], [sflag:$0x3], $0x80, $0x38;
	[tilespmem:$0xE200] =	vst v63  }
0x2b1: {  	s26 =	sadd.s32 $0x70, s1;
	s28 =	simm.s32 $0xC980  }
0x2b2: {  	[hbm4b:s26+s6] =	stream.linear.scatter [tilespmem:s28], [sflag:$0x3], $0x80, $0x38;
	[tilespmem:$0xE200] =	vst v63  }
0x2b3: {  	s30 =	sadd.s32 $0x80, s1;
	s31 =	simm.s32 $0xCA80  }
0x2b4: {  	[hbm4b:s30+s6] =	stream.linear.scatter [tilespmem:s31], [sflag:$0x3], $0x80, $0x38;
	[tilespmem:$0xE200] =	vst v63  }
0x2b5: {  	s8 =	sadd.s32 $0x90, s1;
	s9 =	simm.s32 $0xCB80  }
0x2b6: {  	[hbm4b:s8+s6] =	stream.linear.scatter [tilespmem:s9], [sflag:$0x3], $0x80, $0x38;
	[tilespmem:$0xE200] =	vst v63  }
0x2b7: {  	s10 =	sadd.s32 $0xA0, s1;
	s11 =	simm.s32 $0xCC80  }
0x2b8: {  	[hbm4b:s10+s6] =	stream.linear.scatter [tilespmem:s11], [sflag:$0x3], $0x80, $0x38;
	[tilespmem:$0xE200] =	vst v63  }
0x2b9: {  	s12 =	sadd.s32 $0xB0, s1;
	s13 =	simm.s32 $0xCD80  }
0x2ba: {  	[hbm4b:s12+s6] =	stream.linear.scatter [tilespmem:s13], [sflag:$0x3], $0x80, $0x38;
	[tilespmem:$0xE200] =	vst v63  }
0x2bb: {  	s14 =	sadd.s32 $0xC0, s1;
	s15 =	simm.s32 $0xCE80  }
0x2bc: {  	[hbm4b:s14+s6] =	stream.linear.scatter [tilespmem:s15], [sflag:$0x3], $0x80, $0x38;
	[tilespmem:$0xE200] =	vst v63  }
0x2bd: {  	s24 =	sadd.s32 $0xD0, s1;
	s25 =	simm.s32 $0xCF80  }
0x2be: {  	[hbm4b:s24+s6] =	stream.linear.scatter [tilespmem:s25], [sflag:$0x3], $0x80, $0x38;
	[tilespmem:$0xE200] =	vst v63  }
0x2bf: {  	s26 =	sadd.s32 $0xE0, s1;
	s28 =	simm.s32 $0xD080  }
0x2c0: {  	[hbm4b:s26+s6] =	stream.linear.scatter [tilespmem:s28], [sflag:$0x3], $0x80, $0x38;
	[tilespmem:$0xE200] =	vst v63  }
0x2c1: {  	s1 =	sadd.s32 $0xF0, s1;
	s30 =	simm.s32 $0xD180;
	s31 =	rddreg [dreg:$0xf]  }
0x2c2: {  	[hbm4b:s1+s6] =	stream.linear.scatter [tilespmem:s30], [sflag:$0x3], $0x80, $0x38;
	[tilespmem:$0xE200] =	vst v63  }
0x2c3: {  	s7 =	simm.s32 $0xD280;
	s0 =	sadd.s32 s31, s0  }
0x2c4: {  	[hbm4b:s0+s6] =	stream.linear.scatter [tilespmem:s7], [sflag:$0x3], $0x80, $0x38;
	[tilespmem:$0xE200] =	vst v63  }
0x2c5: {  	s8 =	sadd.s32 $0x10, s0;
	s9 =	simm.s32 $0xD380  }
0x2c6: {  	[hbm4b:s8+s6] =	stream.linear.scatter [tilespmem:s9], [sflag:$0x3], $0x80, $0x38;
	[tilespmem:$0xE200] =	vst v63  }
0x2c7: {  	s10 =	sadd.s32 $0x20, s0;
	s11 =	simm.s32 $0xD480  }
0x2c8: {  	[hbm4b:s10+s6] =	stream.linear.scatter [tilespmem:s11], [sflag:$0x3], $0x80, $0x38;
	[tilespmem:$0xE200] =	vst v63  }
0x2c9: {  	s12 =	sadd.s32 $0x30, s0;
	s13 =	simm.s32 $0xD580  }
0x2ca: {  	[hbm4b:s12+s6] =	stream.linear.scatter [tilespmem:s13], [sflag:$0x3], $0x80, $0x38;
	[tilespmem:$0xE200] =	vst v63  }
0x2cb: {  	s14 =	sadd.s32 $0x40, s0;
	s15 =	simm.s32 $0xD680  }
0x2cc: {  	[hbm4b:s14+s6] =	stream.linear.scatter [tilespmem:s15], [sflag:$0x3], $0x80, $0x38;
	[tilespmem:$0xE200] =	vst v63  }
0x2cd: {  	s24 =	sadd.s32 $0x50, s0;
	s25 =	simm.s32 $0xD780  }
0x2ce: {  	[hbm4b:s24+s6] =	stream.linear.scatter [tilespmem:s25], [sflag:$0x3], $0x80, $0x38;
	[tilespmem:$0xE200] =	vst v63  }
0x2cf: {  	s26 =	sadd.s32 $0x60, s0;
	s28 =	simm.s32 $0xD880  }
0x2d0: {  	[hbm4b:s26+s6] =	stream.linear.scatter [tilespmem:s28], [sflag:$0x3], $0x80, $0x38;
	[tilespmem:$0xE200] =	vst v63  }
0x2d1: {  	s31 =	simm.s32 $0xD980;
	s30 =	sadd.s32 $0x70, s0  }
0x2d2: {  	[hbm4b:s30+s6] =	stream.linear.scatter [tilespmem:s31], [sflag:$0x3], $0x80, $0x38;
	[tilespmem:$0xE200] =	vst v63  }
0x2d3: {  	s7 =	sadd.s32 $0x80, s0;
	s8 =	simm.s32 $0xDA80  }
0x2d4: {  	[hbm4b:s7+s6] =	stream.linear.scatter [tilespmem:s8], [sflag:$0x3], $0x80, $0x38;
	[tilespmem:$0xE200] =	vst v63  }
0x2d5: {  	s9 =	sadd.s32 $0x90, s0;
	s10 =	simm.s32 $0xDB80  }
0x2d6: {  	[hbm4b:s9+s6] =	stream.linear.scatter [tilespmem:s10], [sflag:$0x3], $0x80, $0x38;
	[tilespmem:$0xE200] =	vst v63  }
0x2d7: {  	s11 =	sadd.s32 $0xA0, s0;
	s12 =	simm.s32 $0xDC80  }
0x2d8: {  	[hbm4b:s11+s6] =	stream.linear.scatter [tilespmem:s12], [sflag:$0x3], $0x80, $0x38;
	[tilespmem:$0xE200] =	vst v63  }
0x2d9: {  	s13 =	sadd.s32 $0xB0, s0;
	s14 =	simm.s32 $0xDD80  }
0x2da: {  	[hbm4b:s13+s6] =	stream.linear.scatter [tilespmem:s14], [sflag:$0x3], $0x80, $0x38;
	[tilespmem:$0xE200] =	vst v63  }
0x2db: {  	s15 =	sadd.s32 $0xC0, s0;
	s24 =	simm.s32 $0xDE80  }
0x2dc: {  	[hbm4b:s15+s6] =	stream.linear.scatter [tilespmem:s24], [sflag:$0x3], $0x80, $0x38;
	[tilespmem:$0xE200] =	vst v63  }
0x2dd: {  	s25 =	sadd.s32 $0xD0, s0;
	s26 =	simm.s32 $0xDF80  }
0x2de: {  	[hbm4b:s25+s6] =	stream.linear.scatter [tilespmem:s26], [sflag:$0x3], $0x80, $0x38;
	[tilespmem:$0xE200] =	vst v63  }
.Ltmp15:
0x2df: {  	_ = 	snop;
	(pc) =	sbr.rel .LBB2_24-.Ltmp15, $4  }
0x2e0: {  	s28 =	sadd.s32 $0xE0, s0;
	s30 =	simm.s32 $0xE080  }
0x2e1: {  	[hbm4b:s28+s6] =	stream.linear.scatter [tilespmem:s30], [sflag:$0x3], $0x80, $0x38;
	[tilespmem:$0xE200] =	vst v63  }
0x2e2: {  	s0 =	sadd.s32 $0xF0, s0;
	s31 =	simm.s32 $0xE180  }
0x2e3: {  	[hbm4b:s0+s6] =	stream.linear.scatter [tilespmem:s31], [sflag:$0x3], $0x80, $0x38;
	[tilespmem:$0xE200] =	vst v63  }
.LBB2_26:
0x2e4: {  	_ =	sfence.sel $0x180000  }
0x2e5: {  	[bflag:$0x0] =	sbarrier.arrive $0xFFFF  }
0x2e6: {  	_ =	strace $0x90000047  }
0x2e7: {  	s0 =	stileid.u32;
	[bflag:$0x2] =	sbarrier.arrive $0xFFFF  }
0x2e8: {  	p0 =	sne.s32 s0, $0x0;
	s0 =	rddreg [dreg:$0x6]  }
0x2e9: {  	s0 =	sadd.s32 @!p0 $0x100000, s0  }
0x2ea: {  	[sflag:s0] =	ssyncadd.tile.s32 @!p0 $0x1;
	_ =	shalt  }
.Lfunc_end2:
_tile_overlayer_lowered:
.L_overlay_start_2:
0x2eb: {  	(tag) =	ssettag $0x2  }
0x2ec: {  	s0 =	rddreg [dreg:$0x0];
	s2 =	stileid.u32  }
0x2ed: {  	s1 =	rddreg [dreg:$0x1];
	p0 =	sne.s32 s2, $0x0  }
0x2ee: {  	s3 =	rddreg [dreg:$0x2];
	[bflag:$0x3] =	sbarrier.arrive $0xFFFF;
	s2 =	simm.s32 @!p0 $0x1C04  }
0x2ef: {  	[timem:s3], [sflag:s2] =	dma.local @!p0 [hbm:s0], s1  }
0x2f0: {  	s0 =	simm.s32 @!p0 $0x4  }
0x2f1: {  	_ =	swait.ge @!p0 [sflag:s0], s1  }
0x2f2: {  	s1 =	ssub.s32 @!p0 $0x0, s1;
	[sflag:s0] =	ssyncset.done @!p0 $0x0  }
0x2f3: {  	[sflag:s0] =	ssyncadd.s32 @!p0 s1  }
0x2f4: {  	[bflag:$0x3] =	sbarrier.arrive $0xFFFF  }
0x2f5: {  	_ =	shalt  }

// kernel: kernel.8.cloned.1.call-start
scs
__scs_entry_jumppad:
0x0: {  	(pc) =	sbr.rel $0x88, $3  }
0x1: {  	(tag) =	ssettag $0x0;
	lr =	simm.s32 $0x1  }
0x2: {  	[smem:$0x3F95] =	sst lr;
	_ =	strace $0xD0000000  }
0x3: {  	_ = 	snop  }
0x4: {  	_ = 	snop  }
0x5: {  	_ = 	snop  }
0x6: {  	_ = 	snop  }
0x7: {  	_ = 	snop  }
__scs_overlays_trampoline_lowered:
0x8: {  	[smem:$0x3FA4] =	sst s0  }
0x9: {  	[smem:$0x3FA5] =	sst s1  }
0xa: {  	[smem:$0x3FA6] =	sst s2  }
0xb: {  	[smem:$0x3FA7] =	sst s3  }
0xc: {  	[smem:$0x3FA8] =	sst s4  }
0xd: {  	[smem:$0x3FA9] =	sst s5  }
0xe: {  	[smem:$0x3FAA] =	sst s6  }
0xf: {  	[smem:$0x3FAB] =	sst s7  }
0x10: {  	[smem:$0x3FAC] =	sst s8  }
0x11: {  	[smem:$0x3FAD] =	sst s9;
	s0 =	simm.s32 @!p0 $0x0  }
0x12: {  	s1 =	sld [smem:$0x3F93];
	s0 =	simm.s32 @p0 $0x1  }
0x13: {  	[smem:$0x3FAE] =	sst s0;
	s0 =	simm.s32 @!p1 $0x0  }
0x14: {  	s2 =	sld [smem:$0x3F92];
	s0 =	simm.s32 @p1 $0x1  }
0x15: {  	[smem:$0x3FAF] =	sst s0;
	s0 =	simm.s32 @!p2 $0x0  }
0x16: {  	s3 =	sld [smem:$0x3FDB];
	s0 =	simm.s32 @p2 $0x1  }
0x17: {  	s4 =	simm.s32 $0x1BF5;
	[smem:$0x3FB1] =	sst s0  }
0x18: {  	s0 =	sld [smem:$0x3F94];
	_ =	swait.ge [sflag:s4], $0x0  }
0x19: {  	s7 =	sld [smem:$0x3F95]  }
0x1a: {  	s8 =	sadd.s32 $0xFFFFE003, lr  }
0x1b: {  	s9 =	sadd.s32 $0xFFFFFEF7, lr;
	s5 =	simm.s32 $0xFFFFFFFF;
	p2 =	slt.u32 s8, $0xFFFFF086  }
0x1c: {  	p1 =	slt.u32 s9, $0xF7A;
	s5 =	simm.s32 @!p2 $0x0  }
0x1d: {  	s5 =	simm.s32 @p1 $0x1;
	p0 =	seq.s32 s7, s2  }
0x1e: {  	s7 =	smul.u32 @!p0 $0xF7A, s2;
	p2 =	seq.s32 @!p0 s5, $0x0  }
0x1f: {  	s9 =	smul.u32 $0xF7A, s1;
	s8 =	simm.s32 @!p0 $0x1BF5;
	p2 =	por !p2, p0  }
0x20: {  	[sflag:s8] =	ssyncset.s32 @!p0 $0xFFFFF086;
	s6 =	sadd.s32 @!p0 s3, s7;
	s7 =	simm.s32 @!p0 $0x108  }
0x21: {  	s3 =	sadd.s32 s3, s9;
	s6 =	sadd.s32 @!p0 $0x88, s6;
	s7 =	simm.s32 @p2 $0x1082  }
0x22: {  	[simem:s7], [sflag:s8] =	dma.local @!p0 [hbm:s6], $0xF7A  }
0x23: {  	s9 =	sor.u32 $0xD0000000, s2;
	s6 =	simm.s32 $0x108;
	_ =	swait.ge @!p0 [sflag:s8], $0x0  }
0x24: {  	s3 =	sadd.s32 $0x88, s3;
	s6 =	simm.s32 @!p1 $0x1082;
	[sflag:s4] =	ssyncset.s32 $0xFFFFF086  }
0x25: {  	[simem:s6], [sflag:s4] =	dma.local [hbm:s3], $0xF7A  }
0x26: {  	[smem:$0x3F95] =	sst s1;
	(tag) =	ssettag s2;
	_ =	strace s9  }
0x27: {  	s1 =	sld [smem:$0x3FA5]  }
0x28: {  	s2 =	sld [smem:$0x3FA6]  }
0x29: {  	s4 =	sld [smem:$0x3FA8]  }
0x2a: {  	p0 =	seq.s32 s5, $0x0;
	s5 =	sld [smem:$0x3FA9]  }
0x2b: {  	s6 =	sld [smem:$0x3FAA]  }
0x2c: {  	s7 =	sld [smem:$0x3FAB]  }
0x2d: {  	s3 =	simm.s32 $0x108;
	s8 =	sld [smem:$0x3FAC]  }
0x2e: {  	s3 =	simm.s32 @!p0 $0x1082;
	s9 =	sld [smem:$0x3FAD]  }
0x2f: {  	lr =	sadd.s32 s0, s3;
	s0 =	sld [smem:$0x3FA4]  }
0x30: {  	s3 =	sld [smem:$0x3FA7]  }
0x31: {  	[smem:$0x3FB0] =	sst s10  }
0x32: {  	s10 =	sld [smem:$0x3FAE];
	_ =	sdelay $0x3  }
0x33: {  	p0 =	seq.s32 s10, $0x1;
	s10 =	sld [smem:$0x3FB0];
	_ =	sdelay $0x3  }
0x34: {  	[smem:$0x3FB0] =	sst s10  }
0x35: {  	s10 =	sld [smem:$0x3FAF];
	_ =	sdelay $0x3  }
0x36: {  	p1 =	seq.s32 s10, $0x1;
	s10 =	sld [smem:$0x3FB0];
	_ =	sdelay $0x3  }
0x37: {  	[smem:$0x3FB0] =	sst s10  }
0x38: {  	s10 =	sld [smem:$0x3FB1]  }
0x39: {  	_ = 	snop;
	(pc) =	sbr.ind lr, $3  }
0x3a: {  	_ = 	snop  }
0x3b: {  	_ = 	snop  }
0x3c: {  	p2 =	seq.s32 s10, $0x1;
	s10 =	sld [smem:$0x3FB0]  }
0x3d: {  	_ =	shalt  }
0x3e: {  	_ =	shalt  }
0x3f: {  	_ =	shalt  }
0x40: {  	_ =	shalt  }
0x41: {  	_ =	shalt  }
0x42: {  	_ =	shalt  }
0x43: {  	_ =	shalt  }
0x44: {  	_ =	shalt  }
0x45: {  	_ =	shalt  }
0x46: {  	_ =	shalt  }
0x47: {  	_ =	shalt  }
0x48: {  	_ =	shalt  }
0x49: {  	_ =	shalt  }
0x4a: {  	_ =	shalt  }
0x4b: {  	_ =	shalt  }
0x4c: {  	_ =	shalt  }
0x4d: {  	_ =	shalt  }
0x4e: {  	_ =	shalt  }
0x4f: {  	_ =	shalt  }
0x50: {  	_ =	shalt  }
0x51: {  	_ =	shalt  }
0x52: {  	_ =	shalt  }
0x53: {  	_ =	shalt  }
0x54: {  	_ =	shalt  }
0x55: {  	_ =	shalt  }
0x56: {  	_ =	shalt  }
0x57: {  	_ =	shalt  }
0x58: {  	_ =	shalt  }
0x59: {  	_ =	shalt  }
0x5a: {  	_ =	shalt  }
0x5b: {  	_ =	shalt  }
0x5c: {  	_ =	shalt  }
0x5d: {  	_ =	shalt  }
0x5e: {  	_ =	shalt  }
0x5f: {  	_ =	shalt  }
0x60: {  	_ =	shalt  }
0x61: {  	_ =	shalt  }
0x62: {  	_ =	shalt  }
0x63: {  	_ =	shalt  }
0x64: {  	_ =	shalt  }
0x65: {  	_ =	shalt  }
0x66: {  	_ =	shalt  }
0x67: {  	_ =	shalt  }
0x68: {  	_ =	shalt  }
0x69: {  	_ =	shalt  }
0x6a: {  	_ =	shalt  }
0x6b: {  	_ =	shalt  }
0x6c: {  	_ =	shalt  }
0x6d: {  	_ =	shalt  }
0x6e: {  	_ =	shalt  }
0x6f: {  	_ =	shalt  }
0x70: {  	_ =	shalt  }
0x71: {  	_ =	shalt  }
0x72: {  	_ =	shalt  }
0x73: {  	_ =	shalt  }
0x74: {  	_ =	shalt  }
0x75: {  	_ =	shalt  }
0x76: {  	_ =	shalt  }
0x77: {  	_ =	shalt  }
0x78: {  	_ =	shalt  }
0x79: {  	_ =	shalt  }
0x7a: {  	_ =	shalt  }
0x7b: {  	_ =	shalt  }
0x7c: {  	_ =	shalt  }
0x7d: {  	_ =	shalt  }
0x7e: {  	_ =	shalt  }
0x7f: {  	_ =	shalt  }
0x80: {  	_ =	shalt  }
0x81: {  	_ =	shalt  }
0x82: {  	_ =	shalt  }
0x83: {  	_ =	shalt  }
0x84: {  	_ =	shalt  }
0x85: {  	_ =	shalt  }
0x86: {  	_ =	shalt  }
0x87: {  	_ =	shalt  }
.Lfunc_end0:
.L_simem_size_0:
called_computation.1_lowered:
.L_overlay_start_0:
0x88: {  	s2 =	sld [smem:$0x3FD9]  }
0x89: {  	s3 =	sld [smem:$0x3FFE];
	_ =	sdelay $0x1  }
0x8a: {  	s1 =	srdreg.scid  }
0x8b: {  	s0 =	sand.u32 $0x1, s1  }
0x8c: {  	s14 =	sshll.u32 s0, $0xA;
	s2 =	sadd.s32 s3, s2  }
0x8d: {  	s2 =	sadd.s32 s2, s14  }
0x8e: {  	[smem:$0x3FBC] =	sst s2  }
0x8f: {  	_ = 	snop  }
0x90: {  	s2 =	sld [smem:$0x3FD0];
	_ =	sdelay $0x2  }
0x91: {  	s15 =	simm.s32 $0xA;
	s4 =	simm.s32 $0x10  }
0x92: {  	[smem:s4], [sflag:s15] =	dma.local [hbm:s2], $0x1  }
0x93: {  	_ =	swait.eq [sflag:s15], $0x1  }
0x94: {  	[sflag:s15] =	ssyncset.done $0x0  }
0x95: {  	[sflag:s15] =	ssyncadd.s32 $0xFFFFFFFF  }
0x96: {  	s16 =	sld [smem:$0x11];
	(tm) =	ssettm $0x1  }
0x97: {  	s17 =	sld [smem:$0x3FFB];
	_ =	sdelay $0x3  }
0x98: {  	_ =	strace s17  }
0x99: {  	s3 =	sld [smem:$0x3FFC];
	_ =	sdelay $0x3  }
0x9a: {  	_ =	strace s3  }
0x9b: {  	s3 =	sld [smem:$0x3FFD];
	_ =	sdelay $0x3  }
0x9c: {  	_ =	strace s3  }
0x9d: {  	_ =	strace $0x8FFFFFFF  }
0x9e: {  	s18 =	sld [smem:$0x3FDB];
	_ =	sdelay $0x1  }
0x9f: {  	s19 =	simm.s32 $_scs_section_size  }
0xa0: {  	s5 =	simm.s32 $_size__tile_overlayer_lowered;
	s6 =	simm.s32 $_tile_overlayer_lowered  }
0xa1: {  	s22 =	simm.s32 $0x1BFF;
	s21 =	sshll.u32 s6, $0x1;
	s3 =	sadd.s32 s19, s18  }
0xa2: {  	s7 =	simm.s32 $0x0;
	s20 =	sshll.u32 s5, $0x1;
	s5 =	sadd.s32 s21, s3  }
0xa3: {  	[timem:s7], [sflag:s22] =	dma.local [hbm:s5], s20  }
0xa4: {  	_ =	swait.ge [sflag:s22], s20  }
0xa5: {  	s4 =	ssub.s32 $0x0, s20;
	[sflag:s22] =	ssyncset.done $0x0  }
0xa6: {  	[sflag:s22] =	ssyncadd.s32 s4;
	_ =	sdelay $0x1  }
0xa7: {  	s23 =	simm.s32 $0x1B8B  }
0xa8: {  	_ =	swait.ge [sflag:s23], $0x1  }
0xa9: {  	[sflag:s23] =	ssyncset.done $0x0  }
0xaa: {  	s25 =	simm.s32 $0x1B8E;
	s24 =	sld [smem:$0x3FFE];
	[sflag:s23] =	ssyncadd.s32 $0xFFFFFFFF  }
0xab: {  	s26 =	simm.s32 $execute0_lowered;
	[smem:$0x3FD2] =	sst s25  }
0xac: {  	s5 =	sshll.u32 s26, $0x1;
	_ =	strace $0x80000049;
	[dreg:$0x1] =	wrdreg $0xFFFFFFFF  }
0xad: {  	s28 =	simm.s32 $_size_execute0_lowered;
	s3 =	sadd.s32 s3, s5;
	[dreg:$0x0] =	wrdreg $0x0  }
0xae: {  	s5 =	sshll.u32 s28, $0x1;
	[dreg:$0x2] =	wrdreg s3  }
0xaf: {  	[dreg:$0x3] =	wrdreg s5  }
0xb0: {  	[dreg:$0x4] =	wrdreg $0xC0  }
0xb1: {  	_ =	task [dreg:s7], $0x5FFFF  }
0xb2: {  	[dreg:$0x1] =	wrdreg $0xFFFFFFFF  }
0xb3: {  	[dreg:$0x0] =	wrdreg $0x60  }
0xb4: {  	[dreg:$0x2] =	wrdreg s24  }
0xb5: {  	[dreg:$0x3] =	wrdreg s16  }
0xb6: {  	[dreg:$0x4] =	wrdreg $0x0  }
0xb7: {  	[dreg:$0x5] =	wrdreg $0x9  }
0xb8: {  	_ =	task.clear_ibuf [dreg:s7], $0x6FFFF;
	_ =	strace $0x90000049  }
0xb9: {  	s29 =	simm.s32 $0x9;
	_ =	strace $0x8000004B  }
0xba: {  	_ =	swait.ge [sflag:s29], $0x1  }
0xbb: {  	[sflag:s29] =	ssyncadd.s32 $0xFFFFFFFF  }
0xbc: {  	_ =	strace $0x9000004B  }
0xbd: {  	_ =	sfence  }
0xbe: {  	s30 =	sld [smem:$0x0];
	_ =	sdelay $0x2  }
0xbf: {  	s31 =	sshll.u32 s1, $0xD;
	s1 =	sshrl.u32 s1, $0x2  }
0xc0: {  	s3 =	sand.u32 $0x4000, s31;
	s1 =	sadd.s32 s1, s30  }
0xc1: {  	s0 =	sor.u32 s3, s0;
	s1 =	sshll.u32 s1, $0x11  }
0xc2: {  	s0 =	sor.u32 s1, s0  }
0xc3: {  	s0 =	sadd.s32 $0x8F2B, s0  }
0xc4: {  	[sflag:s0] =	ssyncadd.remote.s32 $0x1  }
0xc5: {  	_ =	sfence.sel $0xFFFF  }
0xc6: {  	[dreg:$0x0] =	wrdreg $0xFFFFFFFF;
	(pc) =	sbr.abs _section_cstart, $3  }
0xc7: {  	[dreg:$0x1] =	wrdreg $0xFFFFFFFF  }
0xc8: {  	_ =	task.clear_ibuf [dreg:s7], $0x2FFFF;
	_ =	strace $0x9FFFFFFF  }
0xc9: {  	(tm) =	ssettm $0x7FFFFFFF  }
tec
execute0_lowered:
.L_overlay_start_1:
0x0: {  	(tag) =	ssettag $0x1  }
0x1: {  	s0 =	rddreg [dreg:$0x0]  }
0x2: {  	s2 =	rddreg [dreg:$0x2];
	s1 =	srdreg.scid  }
0x3: {  	s23 =	simm.s32 $0x0;
	s7 =	stileid.u32;
	s15 =	simm.s32 $0x13CC00  }
0x4: {  	s1 =	sand.u32 $0x1, s1;
	[smem:$0x7FF] =	sst s23;
	s6 =	smul.u32 $0x6200, s7  }
0x5: {  	s5 =	sshll.u32 s7, $0x1;
	s30 =	smul.u32 $0x18800, s7;
	s25 =	sadd.s32 $0xCE800, s0  }
0x6: {  	s3 =	ssub.s32 $0x2, s1;
	_ =	strace $0x8000004A;
	p0 =	seq.s32 s1, $0x1  }
0x7: {  	[dreg:$0xc] =	wrdreg s25;
	s4 =	sshrl.u32 s3, $0x1;
	s31 =	sshrl.u32 s6, $0x3  }
0x8: {  	s7 =	sadd.s32 $0xC40, s6;
	s8 =	sadd.s32 $0x1880, s6;
	s9 =	sadd.s32 $0x24C0, s6  }
0x9: {  	s13 =	sadd.s32 $0x3100, s6;
	s14 =	sadd.s32 $0x3D40, s6;
	s15 =	simm.s32 @!p0 $0x130800  }
0xa: {  	s18 =	sadd.s32 $0x4980, s6;
	s19 =	sadd.s32 $0x55C0, s6;
	s6 =	sadd.s32 s6, s2  }
0xb: {  	s3 =	ssub.s32 s3, s4;
	s4 =	sor.u32 s1, s5;
	s16 =	sshrl.u32 s13, $0x3  }
0xc: {  	s17 =	sshrl.u32 s14, $0x3;
	[dreg:$0x15] =	wrdreg s6;
	s13 =	sadd.s32 s13, s2  }
0xd: {  	s15 =	sadd.s32 s15, s0;
	s14 =	sadd.s32 s14, s2;
	[dreg:$0x19] =	wrdreg s13  }
0xe: {  	s10 =	sshrl.u32 s7, $0x3;
	s1 =	sadd.s32 s15, s31;
	[dreg:$0x1a] =	wrdreg s14  }
0xf: {  	s11 =	sshrl.u32 s8, $0x3;
	s10 =	sadd.s32 s15, s10;
	[dreg:$0x4] =	wrdreg s1  }
0x10: {  	s12 =	sshrl.u32 s9, $0x3;
	s11 =	sadd.s32 s15, s11;
	[dreg:$0x5] =	wrdreg s10  }
0x11: {  	s12 =	sadd.s32 s15, s12;
	[dreg:$0x6] =	wrdreg s11  }
0x12: {  	s16 =	sadd.s32 s15, s16;
	[dreg:$0x7] =	wrdreg s12  }
0x13: {  	s20 =	sshrl.u32 s18, $0x3;
	s17 =	sadd.s32 s15, s17;
	[dreg:$0x8] =	wrdreg s16  }
0x14: {  	s21 =	sshrl.u32 s19, $0x3;
	s20 =	sadd.s32 s15, s20;
	[dreg:$0x9] =	wrdreg s17  }
0x15: {  	s21 =	sadd.s32 s15, s21;
	s28 =	smul.u32 $0x3100, s4;
	[dreg:$0xa] =	wrdreg s20  }
0x16: {  	s4 =	smul.u32 $0x18800, s4;
	s5 =	smax.u32 s3, $0x1;
	[dreg:$0xb] =	wrdreg s21  }
0x17: {  	[dreg:$0x14] =	wrdreg s5  }
0x18: {  	s12 =	sadd.s32 s9, s2;
	[dreg:$0x13] =	wrdreg s4  }
0x19: {  	s20 =	sadd.s32 s18, s2;
	[dreg:$0x18] =	wrdreg s12  }
0x1a: {  	s24 =	sshrl.u32 s30, $0x2;
	s21 =	sadd.s32 s19, s2;
	[dreg:$0x1b] =	wrdreg s20  }
0x1b: {  	s1 =	sadd.s32 s24, s2;
	[dreg:$0x1c] =	wrdreg s21  }
0x1c: {  	s22 =	sadd.s32 $0x4A2800, s0;
	s11 =	sadd.s32 s25, s28;
	[dreg:$0xd] =	wrdreg s1  }
0x1d: {  	s26 =	sadd.s32 $0x504800, s0;
	s10 =	sadd.s32 s22, s28;
	[dreg:$0xe] =	wrdreg s11  }
0x1e: {  	s29 =	sadd.s32 $0x6C800, s0;
	s30 =	sadd.s32 s26, s28;
	[dreg:$0xf] =	wrdreg s10  }
0x1f: {  	s0 =	sadd.s32 $0xA800, s0;
	s31 =	sadd.s32 s29, s28;
	[dreg:$0x10] =	wrdreg s30  }
0x20: {  	s24 =	smov.u32 s0;
	s0 =	sadd.s32 s0, s28;
	[dreg:$0x11] =	wrdreg s31  }
0x21: {  	s15 =	smov.u32 s22;
	s22 =	sadd.s32 $0xC40, s1;
	[dreg:$0x12] =	wrdreg s0  }
0x22: {  	s25 =	sadd.s32 $0x1880, s1;
	[dreg:$0x1d] =	wrdreg s22  }
0x23: {  	s17 =	smov.u32 s26;
	s26 =	sadd.s32 $0x24C0, s1;
	[dreg:$0x1e] =	wrdreg s25  }
0x24: {  	s28 =	sadd.s32 $0x3100, s1;
	[dreg:$0x1f] =	wrdreg s26  }
0x25: {  	s16 =	smov.u32 s29;
	s29 =	sadd.s32 $0x3D40, s1;
	[smem:$0x7FA] =	sst s28  }
0x26: {  	s3 =	simm.s32 $0x0;
	s10 =	sadd.s32 s7, s2;
	[smem:$0x7FB] =	sst s29  }
0x27: {  	s19 =	simm.s32 $0x3;
	s11 =	sadd.s32 s8, s2;
	[dreg:$0x16] =	wrdreg s10  }
0x28: {  	s20 =	simm.s32 $0x2;
	s30 =	sadd.s32 $0x4980, s1;
	[dreg:$0x17] =	wrdreg s11  }
0x29: {  	s21 =	simm.s32 $0x80;
	s31 =	sadd.s32 $0x55C0, s1;
	[smem:$0x7FC] =	sst s30  }
0x2a: {  	s1 =	simm.s32 $0xFA00;
	s22 =	simm.s32 $0x1;
	[smem:$0x7FD] =	sst s31  }
.LBB2_1:
0x2b: {  	[smem:$0x7F9] =	sst s3  }
0x2c: {  	s0 =	rddreg [dreg:$0x1]  }
0x2d: {  	[tilespmem:s1], [sflag:$0x3] =	stream.linear.gather [hbm4b:s0+s23], $0xC80, $0x38;
	[tilespmem:$0x10680] =	vst v63  }
0x2e: {  	_ =	swait.ge [sflag:s19], $0xC80  }
0x2f: {  	[sflag:s19] =	ssyncset.done $0x0  }
0x30: {  	s4 =	rddreg [dreg:$0xd];
	[sflag:s19] =	ssyncadd.s32 $0xFFFFF380  }
0x31: {  	[spmem:s4] =	stream.linear.scatter [tilespmem:s1], [sflag:$0x3], $0xC40, $0x38;
	[tilespmem:$0x10680] =	vst v63  }
0x32: {  	_ =	swait.ge [sflag:s19], $0xC40  }
0x33: {  	[sflag:s19] =	ssyncset.done $0x0  }
0x34: {  	s5 =	rddreg [dreg:$0x1d];
	[sflag:s19] =	ssyncadd.s32 $0xFFFFF3C0  }
0x35: {  	[spmem:s5] =	stream.linear.scatter [tilespmem:s1], [sflag:$0x3], $0xC40, $0x38;
	[tilespmem:$0x10680] =	vst v63  }
0x36: {  	_ =	swait.ge [sflag:s19], $0xC40  }
0x37: {  	[sflag:s19] =	ssyncset.done $0x0  }
0x38: {  	s6 =	rddreg [dreg:$0x1e];
	[sflag:s19] =	ssyncadd.s32 $0xFFFFF3C0  }
0x39: {  	[spmem:s6] =	stream.linear.scatter [tilespmem:s1], [sflag:$0x3], $0xC40, $0x38;
	[tilespmem:$0x10680] =	vst v63  }
0x3a: {  	_ =	swait.ge [sflag:s19], $0xC40  }
0x3b: {  	[sflag:s19] =	ssyncset.done $0x0  }
0x3c: {  	s7 =	rddreg [dreg:$0x1f];
	[sflag:s19] =	ssyncadd.s32 $0xFFFFF3C0  }
0x3d: {  	[spmem:s7] =	stream.linear.scatter [tilespmem:s1], [sflag:$0x3], $0xC40, $0x38;
	[tilespmem:$0x10680] =	vst v63  }
0x3e: {  	_ =	swait.ge [sflag:s19], $0xC40  }
0x3f: {  	s8 =	sld [smem:$0x7FA]  }
0x40: {  	[sflag:s19] =	ssyncset.done $0x0  }
0x41: {  	[sflag:s19] =	ssyncadd.s32 $0xFFFFF3C0  }
0x42: {  	[spmem:s8] =	stream.linear.scatter [tilespmem:s1], [sflag:$0x3], $0xC40, $0x38;
	[tilespmem:$0x10680] =	vst v63  }
0x43: {  	_ =	swait.ge [sflag:s19], $0xC40  }
0x44: {  	s9 =	sld [smem:$0x7FB]  }
0x45: {  	[sflag:s19] =	ssyncset.done $0x0  }
0x46: {  	[sflag:s19] =	ssyncadd.s32 $0xFFFFF3C0  }
0x47: {  	[spmem:s9] =	stream.linear.scatter [tilespmem:s1], [sflag:$0x3], $0xC40, $0x38;
	[tilespmem:$0x10680] =	vst v63  }
0x48: {  	_ =	swait.ge [sflag:s19], $0xC40  }
0x49: {  	s10 =	sld [smem:$0x7FC]  }
0x4a: {  	[sflag:s19] =	ssyncset.done $0x0  }
0x4b: {  	[sflag:s19] =	ssyncadd.s32 $0xFFFFF3C0  }
0x4c: {  	[spmem:s10] =	stream.linear.scatter [tilespmem:s1], [sflag:$0x3], $0xC40, $0x38;
	[tilespmem:$0x10680] =	vst v63  }
0x4d: {  	_ =	swait.ge [sflag:s19], $0xC40  }
0x4e: {  	s11 =	sld [smem:$0x7FD]  }
0x4f: {  	[sflag:s19] =	ssyncset.done $0x0  }
0x50: {  	[sflag:s19] =	ssyncadd.s32 $0xFFFFF3C0  }
0x51: {  	[spmem:s11] =	stream.linear.scatter [tilespmem:s1], [sflag:$0x3], $0xC40, $0x38;
	[tilespmem:$0x10680] =	vst v63  }
0x52: {  	_ =	swait.ge [sflag:s19], $0xC40  }
0x53: {  	[sflag:s19] =	ssyncset.done $0x0  }
0x54: {  	[sflag:s19] =	ssyncadd.s32 $0xFFFFF3C0  }
0x55: {  	[bflag:$0x0] =	sbarrier.arrive $0xFFFF  }
0x56: {  	s13 =	simm.s32 $0x6200;
	s12 =	rddreg [dreg:$0xe]  }
0x57: {  	[tilespmem:s13], [sflag:$0x2] =	stream.linear.gather [hbm4b:s12+s23], $0x800, $0x38;
	[tilespmem:$0x10680] =	vst v63  }
0x58: {  	s18 =	simm.s32 $0x7200;
	s14 =	rddreg [dreg:$0xf]  }
0x59: {  	[tilespmem:s18], [sflag:$0x2] =	stream.linear.gather [hbm4b:s14+s23], $0x800, $0x38;
	[tilespmem:$0x10680] =	vst v63  }
0x5a: {  	s26 =	simm.s32 $0x8200;
	s25 =	rddreg [dreg:$0x10]  }
0x5b: {  	[tilespmem:s26], [sflag:$0x2] =	stream.linear.gather [hbm4b:s25+s23], $0x800, $0x38;
	[tilespmem:$0x10680] =	vst v63  }
0x5c: {  	s29 =	simm.s32 $0x9200;
	s28 =	rddreg [dreg:$0x11]  }
0x5d: {  	[tilespmem:s29], [sflag:$0x2] =	stream.linear.gather [hbm4b:s28+s23], $0x800, $0x38;
	[tilespmem:$0x10680] =	vst v63  }
0x5e: {  	s31 =	simm.s32 $0xA200;
	s30 =	rddreg [dreg:$0x12];
	s25 =	simm.s32 $0x0  }
0x5f: {  	[tilespmem:s31], [sflag:$0x2] =	stream.linear.gather [hbm4b:s30+s23], $0x800, $0x38;
	[tilespmem:$0x10680] =	vst v63  }
.LBB2_3:
0x60: {  	_ =	swait.ge [sflag:s20], $0x800  }
0x61: {  	[sflag:s20] =	ssyncset.done $0x0  }
0x62: {  	[sflag:s20] =	ssyncadd.s32 $0xFFFFF800  }
0x63: {  	_ =	swait.ge [sflag:s20], $0x800  }
0x64: {  	[sflag:s20] =	ssyncset.done $0x0  }
0x65: {  	[sflag:s20] =	ssyncadd.s32 $0xFFFFF800  }
0x66: {  	_ =	swait.ge [sflag:s20], $0x800  }
0x67: {  	[sflag:s20] =	ssyncset.done $0x0  }
0x68: {  	s0 =	smov.u32 s25;
	s25 =	sadd.s32 $0x1, s25;
	[sflag:s20] =	ssyncadd.s32 $0xFFFFF800  }
0x69: {  	s7 =	simm.s32 $0xD200;
	s8 =	simm.s32 $0xDA00;
	_ =	swait.ge [sflag:s20], $0x800  }
0x6a: {  	s9 =	simm.s32 $0xE200;
	s10 =	simm.s32 $0xEA00;
	[sflag:s20] =	ssyncset.done $0x0  }
0x6b: {  	s11 =	simm.s32 $0xF200;
	p0 =	seq.s32 s0, $0x30;
	[sflag:s20] =	ssyncadd.s32 $0xFFFFF800  }
0x6c: {  	s0 =	sshll.u32 @!p0 s0, $0xB;
	s1 =	sshll.u32 @!p0 s25, $0xB;
	_ =	swait.ge [sflag:s20], $0x800  }
0x6d: {  	s6 =	simm.s32 @!p0 $0x0;
	s0 =	sand.u32 @!p0 $0x800, s0;
	s3 =	rddreg [dreg:$0x13]  }
0x6e: {  	[sflag:s20] =	ssyncset.done $0x0;
	s5 =	rddreg [dreg:$0xc];
	s1 =	sadd.s32 @!p0 s3, s1  }
0x6f: {  	[sflag:s20] =	ssyncadd.s32 $0xFFFFF800;
	s3 =	sxor.u32 @!p0 $0x800, s0;
	s0 =	simm.s32 @p0 $0x0  }
0x70: {  	s1 =	sshrl.u32 @!p0 s1, $0x3;
	s4 =	sor.u32 @!p0 $0x6200, s3;
	s26 =	sadd.s32 $0x8200, s0  }
0x71: {  	s28 =	sadd.s32 $0x7200, s0;
	s29 =	sadd.s32 $0x6200, s0;
	s30 =	sadd.s32 $0xA200, s0  }
0x72: {  	s31 =	sadd.s32 $0x9200, s0;
	s0 =	simm.s32 $0x0;
	s5 =	sadd.s32 @!p0 s5, s1  }
0x73: {  	[tilespmem:s4], [sflag:$0x2] =	stream.linear.gather @!p0 [hbm4b:s5+s6], $0x800, $0x38;
	[tilespmem:$0x10680] =	vst v63  }
0x74: {  	s18 =	smov.u32 s29;
	s4 =	sor.u32 @!p0 $0x7200, s3;
	s5 =	sadd.s32 @!p0 s15, s1  }
0x75: {  	[tilespmem:s4], [sflag:$0x2] =	stream.linear.gather @!p0 [hbm4b:s5+s6], $0x800, $0x38;
	[tilespmem:$0x10680] =	vst v63  }
0x76: {  	s23 =	smov.u32 s26;
	s4 =	sor.u32 @!p0 $0x8200, s3;
	s5 =	sadd.s32 @!p0 s17, s1  }
0x77: {  	[tilespmem:s4], [sflag:$0x2] =	stream.linear.gather @!p0 [hbm4b:s5+s6], $0x800, $0x38;
	[tilespmem:$0x10680] =	vst v63  }
0x78: {  	s4 =	sor.u32 @!p0 $0x9200, s3;
	s5 =	sadd.s32 @!p0 s16, s1;
	s3 =	sor.u32 @!p0 $0xA200, s3  }
0x79: {  	[tilespmem:s4], [sflag:$0x2] =	stream.linear.gather @!p0 [hbm4b:s5+s6], $0x800, $0x38;
	[tilespmem:$0x10680] =	vst v63  }
0x7a: {  	s1 =	sadd.s32 @!p0 s24, s1;
	s5 =	simm.s32 $0xC200;
	s4 =	smov.u32 s28  }
0x7b: {  	[tilespmem:s3], [sflag:$0x2] =	stream.linear.gather @!p0 [hbm4b:s1+s6], $0x800, $0x38;
	[tilespmem:$0x10680] =	vst v63  }
0x7c: {  	s3 =	simm.s32 $0xB200;
	s1 =	simm.s32 $0xBA00;
	s6 =	simm.s32 $0xCA00  }
.LBB2_4:
0x7d: {  	v4 =	vmov s31;
	_ =	sdelay $0x2  }
0x7e: {  	v5 =	vmov s30  }
0x7f: {  	s12 =	simm.s32 $0x0  }
0x80: {  	v2 =	vld.idx.msk [tilespmem:v4+s12+$0x0 ss:$0x1], $0xffff  }
0x81: {  	v9 =	vmov s3  }
0x82: {  	v6 =	vmov s1  }
0x83: {  	v0 =	vmov s5;
	v8 =	vld.idx.msk [tilespmem:v5+s12+$0x0 ss:$0x1], $0xffff  }
0x84: {  	v3 =	vmov s6  }
0x85: {  	v1 =	vmov s7;
	v10 =	vshll.u32 v2, $0x2  }
0x86: {  	v2 =	vmov s8;
	[tilespmem:v9+s12+$0x0 ss:$0x1] =	vst.idx.msk $0xffff, v10;
	v11 =	vor.u32 $0x1, v10  }
0x87: {  	v7 =	vmov s18;
	v10 =	vor.u32 $0x2, v10;
	[tilespmem:v6+s12+$0x0 ss:$0x1] =	vst.idx.msk $0xffff, v11  }
0x88: {  	v8 =	vshll.u32 v8, $0x2;
	[tilespmem:v0+s12+$0x0 ss:$0x1] =	vst.idx.msk $0xffff, v10  }
0x89: {  	v10 =	vor.u32 $0x1, v8;
	[tilespmem:v3+s12+$0x0 ss:$0x1] =	vst.idx.msk $0xffff, v8  }
0x8a: {  	v8 =	vor.u32 $0x2, v8;
	[tilespmem:v1+s12+$0x0 ss:$0x1] =	vst.idx.msk $0xffff, v10  }
0x8b: {  	[tilespmem:v2+s12+$0x0 ss:$0x1] =	vst.idx.msk $0xffff, v8  }
0x8c: {  	v8 =	vld.idx.msk [tilespmem:v7+s12+$0x0 ss:$0x1], $0xffff;
	_ =	sdelay $0x1  }
0x8d: {  	v10 =	vmov s9  }
0x8e: {  	v11 =	vmov s4;
	_ =	sdelay $0x1  }
0x8f: {  	v8 =	vsub.f32 $0.0e+00, v8;
	_ =	sdelay $0x1  }
0x90: {  	[tilespmem:v10+s12+$0x0 ss:$0x1] =	vst.idx.msk $0xffff, v8  }
0x91: {  	v8 =	vld.idx.msk [tilespmem:v11+s12+$0x0 ss:$0x1], $0xffff;
	_ =	sdelay $0x1  }
0x92: {  	v12 =	vmov s10  }
0x93: {  	v13 =	vmov s23;
	_ =	sdelay $0x1  }
0x94: {  	v8 =	vsub.f32 $0.0e+00, v8;
	_ =	sdelay $0x1  }
0x95: {  	[tilespmem:v12+s12+$0x0 ss:$0x1] =	vst.idx.msk $0xffff, v8  }
0x96: {  	v14 =	vld.idx.msk [tilespmem:v13+s12+$0x0 ss:$0x1], $0xffff;
	_ =	sdelay $0x1  }
0x97: {  	v8 =	vmov s11;
	_ =	sdelay $0x2  }
0x98: {  	s13 =	simm.s32 $0x40;
	s14 =	simm.s32 $0x80;
	v14 =	vsub.f32 $0.0e+00, v14  }
.LBB2_5:
0x99: {  	p0 =	sne.s32 s14, $0x1C0  }
0x9a: {  	[tilespmem:v8+s12+$0x0 ss:$0x1] =	vst.idx.msk $0xffff, v14;
	s12 =	sshra.s32 s13, $0x2;
	s13 =	smov.u32 s14;
	s14 =	sadd.s32 $0x40, s14  }
0x9b: {  	v14 =	vld.idx.msk [tilespmem:v4+s12+$0x0 ss:$0x1], $0xffff;
	_ =	sdelay $0x2  }
0x9c: {  	v15 =	vld.idx.msk [tilespmem:v5+s12+$0x0 ss:$0x1], $0xffff;
	_ =	sdelay $0x2  }
0x9d: {  	v14 =	vshll.u32 v14, $0x2  }
0x9e: {  	v16 =	vor.u32 $0x1, v14;
	[tilespmem:v9+s12+$0x0 ss:$0x1] =	vst.idx.msk $0xffff, v14  }
0x9f: {  	v14 =	vor.u32 $0x2, v14;
	[tilespmem:v6+s12+$0x0 ss:$0x1] =	vst.idx.msk $0xffff, v16  }
0xa0: {  	v15 =	vshll.u32 v15, $0x2;
	[tilespmem:v0+s12+$0x0 ss:$0x1] =	vst.idx.msk $0xffff, v14  }
0xa1: {  	v14 =	vor.u32 $0x1, v15;
	[tilespmem:v3+s12+$0x0 ss:$0x1] =	vst.idx.msk $0xffff, v15  }
0xa2: {  	[tilespmem:v1+s12+$0x0 ss:$0x1] =	vst.idx.msk $0xffff, v14;
	v14 =	vor.u32 $0x2, v15  }
0xa3: {  	[tilespmem:v2+s12+$0x0 ss:$0x1] =	vst.idx.msk $0xffff, v14  }
0xa4: {  	v14 =	vld.idx.msk [tilespmem:v7+s12+$0x0 ss:$0x1], $0xffff;
	_ =	sdelay $0x5  }
0xa5: {  	v14 =	vsub.f32 $0.0e+00, v14;
	_ =	sdelay $0x1  }
0xa6: {  	[tilespmem:v10+s12+$0x0 ss:$0x1] =	vst.idx.msk $0xffff, v14  }
0xa7: {  	v14 =	vld.idx.msk [tilespmem:v11+s12+$0x0 ss:$0x1], $0xffff;
	_ =	sdelay $0x5  }
0xa8: {  	v14 =	vsub.f32 $0.0e+00, v14;
	_ =	sdelay $0x1  }
0xa9: {  	[tilespmem:v12+s12+$0x0 ss:$0x1] =	vst.idx.msk $0xffff, v14  }
0xaa: {  	v14 =	vld.idx.msk [tilespmem:v13+s12+$0x0 ss:$0x1], $0xffff;
	_ =	sdelay $0x1  }
.Ltmp0:
0xab: {  	(pc) =	sbr.rel @p0 .LBB2_5-.Ltmp0, $2  }
0xac: {  	_ =	sdelay $0x2  }
0xad: {  	v14 =	vsub.f32 $0.0e+00, v14  }
0xae: {  	_ =	sdelay $0x3  }
0xaf: {  	s13 =	sshra.s32 s13, $0x2;
	[tilespmem:v8+s12+$0x0 ss:$0x1] =	vst.idx.msk $0xffff, v14  }
0xb0: {  	v4 =	vld.idx.msk [tilespmem:v4+s13+$0x0 ss:$0x1], $0xffff;
	_ =	sdelay $0x2  }
0xb1: {  	v5 =	vld.idx.msk [tilespmem:v5+s13+$0x0 ss:$0x1], $0xffff;
	_ =	sdelay $0x1  }
0xb2: {  	v4 =	vshll.u32 v4, $0x2  }
0xb3: {  	[tilespmem:v9+s13+$0x0 ss:$0x1] =	vst.idx.msk $0xffff, v4;
	v61 =	vor.u32 $0x1, v4  }
0xb4: {  	v4 =	vor.u32 $0x2, v4;
	[tilespmem:v6+s13+$0x0 ss:$0x1] =	vst.idx.msk $0xffff, v61  }
0xb5: {  	v5 =	vshll.u32 v5, $0x2;
	[tilespmem:v0+s13+$0x0 ss:$0x1] =	vst.idx.msk $0xffff, v4  }
0xb6: {  	v62 =	vor.u32 $0x1, v5;
	[tilespmem:v3+s13+$0x0 ss:$0x1] =	vst.idx.msk $0xffff, v5  }
0xb7: {  	v63 =	vor.u32 $0x2, v5;
	[tilespmem:v1+s13+$0x0 ss:$0x1] =	vst.idx.msk $0xffff, v62  }
0xb8: {  	[tilespmem:v2+s13+$0x0 ss:$0x1] =	vst.idx.msk $0xffff, v63  }
0xb9: {  	v0 =	vld.idx.msk [tilespmem:v7+s13+$0x0 ss:$0x1], $0xffff;
	_ =	sdelay $0x4  }
0xba: {  	v0 =	vsub.f32 $0.0e+00, v0;
	_ =	sdelay $0x1  }
0xbb: {  	[tilespmem:v10+s13+$0x0 ss:$0x1] =	vst.idx.msk $0xffff, v0  }
0xbc: {  	v0 =	vld.idx.msk [tilespmem:v11+s13+$0x0 ss:$0x1], $0xffff;
	_ =	sdelay $0x4  }
0xbd: {  	v0 =	vsub.f32 $0.0e+00, v0;
	_ =	sdelay $0x1  }
0xbe: {  	[tilespmem:v12+s13+$0x0 ss:$0x1] =	vst.idx.msk $0xffff, v0  }
0xbf: {  	v0 =	vld.idx.msk [tilespmem:v13+s13+$0x0 ss:$0x1], $0xffff  }
0xc0: {  	s0 =	sadd.s32 $0x1, s0  }
0xc1: {  	p0 =	sne.s32 s0, $0x10  }
.Ltmp1:
0xc2: {  	s23 =	sadd.s32 $0x80, s23;
	s4 =	sadd.s32 $0x80, s4;
	(pc) =	sbr.rel @p0 .LBB2_4-.Ltmp1, $4  }
0xc3: {  	s18 =	sadd.s32 $0x80, s18;
	s30 =	sadd.s32 $0x80, s30;
	s31 =	sadd.s32 $0x80, s31  }
0xc4: {  	s3 =	sadd.s32 $0x80, s3;
	s1 =	sadd.s32 $0x80, s1;
	s5 =	sadd.s32 $0x80, s5;
	v0 =	vsub.f32 $0.0e+00, v0  }
0xc5: {  	s6 =	sadd.s32 $0x80, s6;
	s7 =	sadd.s32 $0x80, s7;
	s8 =	sadd.s32 $0x80, s8  }
0xc6: {  	s9 =	sadd.s32 $0x80, s9;
	s10 =	sadd.s32 $0x80, s10;
	s11 =	sadd.s32 $0x80, s11;
	[tilespmem:v8+s13+$0x0 ss:$0x1] =	vst.idx.msk $0xffff, v0  }
0xc7: {  	s0 =	sadd.s32 $0x0, s29;
	s1 =	simm.s32 $0xB200  }
0xc8: {  	[spmem:s2] =	stream.indirect.scatter.add.f32 [tilespmem:s0], [sflag:$0x1], $0x1, s1, s21, $0xb8;
	[tilespmem:$0x10680] =	vst v63  }
0xc9: {  	s9 =	sadd.s32 $0x0, s28;
	s10 =	simm.s32 $0xBA00  }
0xca: {  	[spmem:s2] =	stream.indirect.scatter.add.f32 [tilespmem:s9], [sflag:$0x1], $0x1, s10, s21, $0xb8;
	[tilespmem:$0x10680] =	vst v63  }
0xcb: {  	s11 =	sadd.s32 $0x0, s26;
	s12 =	simm.s32 $0xC200  }
0xcc: {  	[spmem:s2] =	stream.indirect.scatter.add.f32 [tilespmem:s11], [sflag:$0x1], $0x1, s12, s21, $0xb8;
	[tilespmem:$0x10680] =	vst v63  }
0xcd: {  	_ =	swait.ge [sflag:s22], $0x80  }
0xce: {  	[sflag:s22] =	ssyncset.done $0x0  }
0xcf: {  	[sflag:s22] =	ssyncadd.s32 $0xFFFFFF80  }
0xd0: {  	_ =	swait.ge [sflag:s22], $0x80  }
0xd1: {  	[sflag:s22] =	ssyncset.done $0x0  }
0xd2: {  	[sflag:s22] =	ssyncadd.s32 $0xFFFFFF80  }
0xd3: {  	_ =	swait.ge [sflag:s22], $0x80  }
0xd4: {  	[sflag:s22] =	ssyncset.done $0x0  }
0xd5: {  	s13 =	simm.s32 $0xE200;
	s14 =	simm.s32 $0xCA00;
	[sflag:s22] =	ssyncadd.s32 $0xFFFFFF80  }
0xd6: {  	[spmem:s2] =	stream.indirect.scatter.add.f32 [tilespmem:s13], [sflag:$0x1], $0x1, s14, s21, $0xb8;
	[tilespmem:$0x10680] =	vst v63  }
0xd7: {  	s18 =	simm.s32 $0xEA00;
	s23 =	simm.s32 $0xD200  }
0xd8: {  	[spmem:s2] =	stream.indirect.scatter.add.f32 [tilespmem:s18], [sflag:$0x1], $0x1, s23, s21, $0xb8;
	[tilespmem:$0x10680] =	vst v63  }
0xd9: {  	s30 =	simm.s32 $0xF200;
	s31 =	simm.s32 $0xDA00  }
0xda: {  	[spmem:s2] =	stream.indirect.scatter.add.f32 [tilespmem:s30], [sflag:$0x1], $0x1, s31, s21, $0xb8;
	[tilespmem:$0x10680] =	vst v63  }
0xdb: {  	_ =	swait.ge [sflag:s22], $0x80  }
0xdc: {  	[sflag:s22] =	ssyncset.done $0x0  }
0xdd: {  	[sflag:s22] =	ssyncadd.s32 $0xFFFFFF80  }
0xde: {  	_ =	swait.ge [sflag:s22], $0x80  }
0xdf: {  	[sflag:s22] =	ssyncset.done $0x0  }
0xe0: {  	[sflag:s22] =	ssyncadd.s32 $0xFFFFFF80  }
0xe1: {  	_ =	swait.ge [sflag:s22], $0x80  }
0xe2: {  	s1 =	simm.s32 $0x400;
	s0 =	simm.s32 $0x80;
	[sflag:s22] =	ssyncset.done $0x0  }
.LBB2_8:
0xe3: {  	s3 =	sadd.s32 s0, s29  }
0xe4: {  	s4 =	sadd.s32 $0xB200, s0;
	[sflag:s22] =	ssyncadd.s32 $0xFFFFFF80;
	s5 =	smov.u32 s1  }
0xe5: {  	[spmem:s2] =	stream.indirect.scatter.add.f32 [tilespmem:s3], [sflag:$0x1], $0x1, s4, s21, $0xb8;
	[tilespmem:$0x10680] =	vst v63  }
0xe6: {  	s6 =	sadd.s32 $0xBA00, s0;
	s3 =	sadd.s32 $0x200, s1;
	s4 =	sadd.s32 s0, s28  }
0xe7: {  	[spmem:s2] =	stream.indirect.scatter.add.f32 [tilespmem:s4], [sflag:$0x1], $0x1, s6, s21, $0xb8;
	[tilespmem:$0x10680] =	vst v63  }
0xe8: {  	p0 =	seq.s32 s1, $0x1E00;
	s1 =	sadd.s32 s0, s26;
	s4 =	sadd.s32 $0xC200, s0  }
0xe9: {  	[spmem:s2] =	stream.indirect.scatter.add.f32 [tilespmem:s1], [sflag:$0x1], $0x1, s4, s21, $0xb8;
	[tilespmem:$0x10680] =	vst v63  }
0xea: {  	_ =	swait.ge [sflag:s22], $0x80  }
0xeb: {  	[sflag:s22] =	ssyncset.done $0x0  }
0xec: {  	[sflag:s22] =	ssyncadd.s32 $0xFFFFFF80  }
0xed: {  	_ =	swait.ge [sflag:s22], $0x80  }
0xee: {  	[sflag:s22] =	ssyncset.done $0x0  }
0xef: {  	[sflag:s22] =	ssyncadd.s32 $0xFFFFFF80  }
0xf0: {  	_ =	swait.ge [sflag:s22], $0x80  }
0xf1: {  	[sflag:s22] =	ssyncset.done $0x0  }
0xf2: {  	s1 =	sadd.s32 $0xE200, s0;
	s4 =	sadd.s32 $0xCA00, s0;
	[sflag:s22] =	ssyncadd.s32 $0xFFFFFF80  }
0xf3: {  	[spmem:s2] =	stream.indirect.scatter.add.f32 [tilespmem:s1], [sflag:$0x1], $0x1, s4, s21, $0xb8;
	[tilespmem:$0x10680] =	vst v63  }
0xf4: {  	s1 =	sadd.s32 $0xEA00, s0;
	s4 =	sadd.s32 $0xD200, s0  }
0xf5: {  	[spmem:s2] =	stream.indirect.scatter.add.f32 [tilespmem:s1], [sflag:$0x1], $0x1, s4, s21, $0xb8;
	[tilespmem:$0x10680] =	vst v63  }
0xf6: {  	s1 =	sadd.s32 $0xF200, s0;
	s0 =	sadd.s32 $0xDA00, s0  }
0xf7: {  	[spmem:s2] =	stream.indirect.scatter.add.f32 [tilespmem:s1], [sflag:$0x1], $0x1, s0, s21, $0xb8;
	[tilespmem:$0x10680] =	vst v63  }
0xf8: {  	_ =	swait.ge [sflag:s22], $0x80  }
0xf9: {  	[sflag:s22] =	ssyncset.done $0x0  }
0xfa: {  	[sflag:s22] =	ssyncadd.s32 $0xFFFFFF80  }
.Ltmp2:
0xfb: {  	_ =	swait.ge [sflag:s22], $0x80;
	(pc) =	sbr.rel @!p0 .LBB2_8-.Ltmp2, $4  }
0xfc: {  	[sflag:s22] =	ssyncset.done $0x0  }
0xfd: {  	[sflag:s22] =	ssyncadd.s32 $0xFFFFFF80  }
0xfe: {  	_ =	swait.ge [sflag:s22], $0x80  }
0xff: {  	s0 =	sshra.s32 s5, $0x2;
	s1 =	smov.u32 s3;
	[sflag:s22] =	ssyncset.done $0x0  }
0x100: {  	s1 =	sadd.s32 s0, s29;
	s3 =	sadd.s32 $0xB200, s0;
	[sflag:s22] =	ssyncadd.s32 $0xFFFFFF80  }
0x101: {  	[spmem:s2] =	stream.indirect.scatter.add.f32 [tilespmem:s1], [sflag:$0x1], $0x1, s3, s21, $0xb8;
	[tilespmem:$0x10680] =	vst v63  }
0x102: {  	s12 =	sadd.s32 s0, s28;
	s13 =	sadd.s32 $0xBA00, s0  }
0x103: {  	[spmem:s2] =	stream.indirect.scatter.add.f32 [tilespmem:s12], [sflag:$0x1], $0x1, s13, s21, $0xb8;
	[tilespmem:$0x10680] =	vst v63  }
0x104: {  	s14 =	sadd.s32 s0, s26;
	s18 =	sadd.s32 $0xC200, s0  }
0x105: {  	[spmem:s2] =	stream.indirect.scatter.add.f32 [tilespmem:s14], [sflag:$0x1], $0x1, s18, s21, $0xb8;
	[tilespmem:$0x10680] =	vst v63  }
0x106: {  	_ =	swait.ge [sflag:s22], $0x80  }
0x107: {  	[sflag:s22] =	ssyncset.done $0x0  }
0x108: {  	[sflag:s22] =	ssyncadd.s32 $0xFFFFFF80  }
0x109: {  	_ =	swait.ge [sflag:s22], $0x80  }
0x10a: {  	[sflag:s22] =	ssyncset.done $0x0  }
0x10b: {  	[sflag:s22] =	ssyncadd.s32 $0xFFFFFF80  }
0x10c: {  	_ =	swait.ge [sflag:s22], $0x80  }
0x10d: {  	[sflag:s22] =	ssyncset.done $0x0  }
0x10e: {  	s23 =	sadd.s32 $0xE200, s0;
	s26 =	sadd.s32 $0xCA00, s0;
	[sflag:s22] =	ssyncadd.s32 $0xFFFFFF80  }
0x10f: {  	[spmem:s2] =	stream.indirect.scatter.add.f32 [tilespmem:s23], [sflag:$0x1], $0x1, s26, s21, $0xb8;
	[tilespmem:$0x10680] =	vst v63  }
0x110: {  	s28 =	sadd.s32 $0xEA00, s0;
	s29 =	sadd.s32 $0xD200, s0  }
0x111: {  	[spmem:s2] =	stream.indirect.scatter.add.f32 [tilespmem:s28], [sflag:$0x1], $0x1, s29, s21, $0xb8;
	[tilespmem:$0x10680] =	vst v63  }
0x112: {  	s30 =	sadd.s32 $0xF200, s0;
	s31 =	sadd.s32 $0xDA00, s0  }
0x113: {  	[spmem:s2] =	stream.indirect.scatter.add.f32 [tilespmem:s30], [sflag:$0x1], $0x1, s31, s21, $0xb8;
	[tilespmem:$0x10680] =	vst v63  }
0x114: {  	_ =	swait.ge [sflag:s22], $0x80  }
0x115: {  	[sflag:s22] =	ssyncset.done $0x0  }
0x116: {  	[sflag:s22] =	ssyncadd.s32 $0xFFFFFF80  }
0x117: {  	_ =	swait.ge [sflag:s22], $0x80  }
0x118: {  	[sflag:s22] =	ssyncset.done $0x0  }
0x119: {  	[sflag:s22] =	ssyncadd.s32 $0xFFFFFF80  }
0x11a: {  	_ =	swait.ge [sflag:s22], $0x80  }
0x11b: {  	[sflag:s22] =	ssyncset.done $0x0  }
0x11c: {  	[sflag:s22] =	ssyncadd.s32 $0xFFFFFF80  }
0x11d: {  	p0 =	seq.s32 s25, $0x31  }
.Ltmp3:
0x11e: {  	_ = 	snop;
	(pc) =	sbr.rel @!p0 .LBB2_3-.Ltmp3, $1  }
0x11f: {  	_ =	sdelay $0x3  }
0x120: {  	[bflag:$0x0] =	sbarrier.arrive $0xFFFF  }
0x121: {  	s1 =	simm.s32 $0xFA00;
	s0 =	rddreg [dreg:$0x15]  }
0x122: {  	[tilespmem:s1], [sflag:$0x3] =	stream.linear.gather [spmem:s0], $0xC40, $0x38;
	[tilespmem:$0x10680] =	vst v63  }
0x123: {  	_ =	swait.ge [sflag:s19], $0xC40  }
0x124: {  	[sflag:s19] =	ssyncset.done $0x0  }
0x125: {  	s23 =	simm.s32 $0x0;
	s6 =	rddreg [dreg:$0x4];
	[sflag:s19] =	ssyncadd.s32 $0xFFFFF3C0  }
0x126: {  	[hbm4b:s6+s23] =	stream.linear.scatter [tilespmem:s1], [sflag:$0x3], $0xC40, $0x38;
	[tilespmem:$0x10680] =	vst v63  }
0x127: {  	_ =	swait.ge [sflag:s19], $0xC40  }
0x128: {  	[sflag:s19] =	ssyncset.done $0x0  }
0x129: {  	s7 =	rddreg [dreg:$0x16];
	[sflag:s19] =	ssyncadd.s32 $0xFFFFF3C0  }
0x12a: {  	[tilespmem:s1], [sflag:$0x3] =	stream.linear.gather [spmem:s7], $0xC40, $0x38;
	[tilespmem:$0x10680] =	vst v63  }
0x12b: {  	_ =	swait.ge [sflag:s19], $0xC40  }
0x12c: {  	[sflag:s19] =	ssyncset.done $0x0  }
0x12d: {  	s8 =	rddreg [dreg:$0x5];
	[sflag:s19] =	ssyncadd.s32 $0xFFFFF3C0  }
0x12e: {  	[hbm4b:s8+s23] =	stream.linear.scatter [tilespmem:s1], [sflag:$0x3], $0xC40, $0x38;
	[tilespmem:$0x10680] =	vst v63  }
0x12f: {  	_ =	swait.ge [sflag:s19], $0xC40  }
0x130: {  	[sflag:s19] =	ssyncset.done $0x0  }
0x131: {  	s9 =	rddreg [dreg:$0x17];
	[sflag:s19] =	ssyncadd.s32 $0xFFFFF3C0  }
0x132: {  	[tilespmem:s1], [sflag:$0x3] =	stream.linear.gather [spmem:s9], $0xC40, $0x38;
	[tilespmem:$0x10680] =	vst v63  }
0x133: {  	_ =	swait.ge [sflag:s19], $0xC40  }
0x134: {  	[sflag:s19] =	ssyncset.done $0x0  }
0x135: {  	s10 =	rddreg [dreg:$0x6];
	[sflag:s19] =	ssyncadd.s32 $0xFFFFF3C0  }
0x136: {  	[hbm4b:s10+s23] =	stream.linear.scatter [tilespmem:s1], [sflag:$0x3], $0xC40, $0x38;
	[tilespmem:$0x10680] =	vst v63  }
0x137: {  	_ =	swait.ge [sflag:s19], $0xC40  }
0x138: {  	[sflag:s19] =	ssyncset.done $0x0  }
0x139: {  	s11 =	rddreg [dreg:$0x18];
	[sflag:s19] =	ssyncadd.s32 $0xFFFFF3C0  }
0x13a: {  	[tilespmem:s1], [sflag:$0x3] =	stream.linear.gather [spmem:s11], $0xC40, $0x38;
	[tilespmem:$0x10680] =	vst v63  }
0x13b: {  	_ =	swait.ge [sflag:s19], $0xC40  }
0x13c: {  	[sflag:s19] =	ssyncset.done $0x0  }
0x13d: {  	s12 =	rddreg [dreg:$0x7];
	[sflag:s19] =	ssyncadd.s32 $0xFFFFF3C0  }
0x13e: {  	[hbm4b:s12+s23] =	stream.linear.scatter [tilespmem:s1], [sflag:$0x3], $0xC40, $0x38;
	[tilespmem:$0x10680] =	vst v63  }
0x13f: {  	_ =	swait.ge [sflag:s19], $0xC40  }
0x140: {  	[sflag:s19] =	ssyncset.done $0x0  }
0x141: {  	s13 =	rddreg [dreg:$0x19];
	[sflag:s19] =	ssyncadd.s32 $0xFFFFF3C0  }
0x142: {  	[tilespmem:s1], [sflag:$0x3] =	stream.linear.gather [spmem:s13], $0xC40, $0x38;
	[tilespmem:$0x10680] =	vst v63  }
0x143: {  	_ =	swait.ge [sflag:s19], $0xC40  }
0x144: {  	[sflag:s19] =	ssyncset.done $0x0  }
0x145: {  	s14 =	rddreg [dreg:$0x8];
	[sflag:s19] =	ssyncadd.s32 $0xFFFFF3C0  }
0x146: {  	[hbm4b:s14+s23] =	stream.linear.scatter [tilespmem:s1], [sflag:$0x3], $0xC40, $0x38;
	[tilespmem:$0x10680] =	vst v63  }
0x147: {  	_ =	swait.ge [sflag:s19], $0xC40  }
0x148: {  	[sflag:s19] =	ssyncset.done $0x0  }
0x149: {  	s18 =	rddreg [dreg:$0x1a];
	[sflag:s19] =	ssyncadd.s32 $0xFFFFF3C0  }
0x14a: {  	[tilespmem:s1], [sflag:$0x3] =	stream.linear.gather [spmem:s18], $0xC40, $0x38;
	[tilespmem:$0x10680] =	vst v63  }
0x14b: {  	_ =	swait.ge [sflag:s19], $0xC40  }
0x14c: {  	[sflag:s19] =	ssyncset.done $0x0  }
0x14d: {  	s25 =	rddreg [dreg:$0x9];
	[sflag:s19] =	ssyncadd.s32 $0xFFFFF3C0  }
0x14e: {  	[hbm4b:s25+s23] =	stream.linear.scatter [tilespmem:s1], [sflag:$0x3], $0xC40, $0x38;
	[tilespmem:$0x10680] =	vst v63  }
0x14f: {  	_ =	swait.ge [sflag:s19], $0xC40  }
0x150: {  	[sflag:s19] =	ssyncset.done $0x0  }
0x151: {  	s26 =	rddreg [dreg:$0x1b];
	[sflag:s19] =	ssyncadd.s32 $0xFFFFF3C0  }
0x152: {  	[tilespmem:s1], [sflag:$0x3] =	stream.linear.gather [spmem:s26], $0xC40, $0x38;
	[tilespmem:$0x10680] =	vst v63  }
0x153: {  	_ =	swait.ge [sflag:s19], $0xC40  }
0x154: {  	[sflag:s19] =	ssyncset.done $0x0  }
0x155: {  	s28 =	rddreg [dreg:$0xa];
	[sflag:s19] =	ssyncadd.s32 $0xFFFFF3C0  }
0x156: {  	[hbm4b:s28+s23] =	stream.linear.scatter [tilespmem:s1], [sflag:$0x3], $0xC40, $0x38;
	[tilespmem:$0x10680] =	vst v63  }
0x157: {  	_ =	swait.ge [sflag:s19], $0xC40  }
0x158: {  	[sflag:s19] =	ssyncset.done $0x0  }
0x159: {  	s29 =	rddreg [dreg:$0x1c];
	[sflag:s19] =	ssyncadd.s32 $0xFFFFF3C0  }
0x15a: {  	[tilespmem:s1], [sflag:$0x3] =	stream.linear.gather [spmem:s29], $0xC40, $0x38;
	[tilespmem:$0x10680] =	vst v63  }
0x15b: {  	_ =	swait.ge [sflag:s19], $0xC40  }
0x15c: {  	[sflag:s19] =	ssyncset.done $0x0  }
0x15d: {  	s30 =	rddreg [dreg:$0xb];
	[sflag:s19] =	ssyncadd.s32 $0xFFFFF3C0  }
0x15e: {  	[hbm4b:s30+s23] =	stream.linear.scatter [tilespmem:s1], [sflag:$0x3], $0xC40, $0x38;
	[tilespmem:$0x10680] =	vst v63  }
0x15f: {  	_ =	swait.ge [sflag:s19], $0xC40  }
0x160: {  	s3 =	sld [smem:$0x7F9];
	_ =	sdelay $0x2  }
0x161: {  	s31 =	rddreg [dreg:$0x14];
	s3 =	sadd.s32 $0x1, s3  }
0x162: {  	p0 =	sne.s32 s3, s31  }
.Ltmp4:
0x163: {  	_ = 	snop;
	(pc) =	sbr.rel @p0 .LBB2_1-.Ltmp4, $3  }
0x164: {  	_ =	sdelay $0x1  }
0x165: {  	[sflag:s19] =	ssyncset.done $0x0  }
0x166: {  	[sflag:s19] =	ssyncadd.s32 $0xFFFFF3C0  }
0x167: {  	_ =	sfence.sel $0x180000  }
0x168: {  	[bflag:$0x0] =	sbarrier.arrive $0xFFFF  }
0x169: {  	_ =	strace $0x9000004A  }
0x16a: {  	s0 =	stileid.u32;
	[bflag:$0x2] =	sbarrier.arrive $0xFFFF  }
0x16b: {  	p0 =	sne.s32 s0, $0x0;
	s0 =	rddreg [dreg:$0x3]  }
0x16c: {  	s0 =	sadd.s32 @!p0 $0x100000, s0  }
0x16d: {  	[sflag:s0] =	ssyncadd.tile.s32 @!p0 $0x1;
	_ =	shalt  }
.Lfunc_end2:
_tile_overlayer_lowered:
.L_overlay_start_2:
0x16e: {  	(tag) =	ssettag $0x2  }
0x16f: {  	s0 =	rddreg [dreg:$0x0];
	s2 =	stileid.u32  }
0x170: {  	s1 =	rddreg [dreg:$0x1];
	p0 =	sne.s32 s2, $0x0  }
0x171: {  	s3 =	rddreg [dreg:$0x2];
	[bflag:$0x3] =	sbarrier.arrive $0xFFFF;
	s2 =	simm.s32 @!p0 $0x1C03  }
0x172: {  	[timem:s3], [sflag:s2] =	dma.local @!p0 [hbm:s0], s1  }
0x173: {  	s0 =	simm.s32 @!p0 $0x3  }
0x174: {  	_ =	swait.ge @!p0 [sflag:s0], s1  }
0x175: {  	s1 =	ssub.s32 @!p0 $0x0, s1;
	[sflag:s0] =	ssyncset.done @!p0 $0x0  }
0x176: {  	[sflag:s0] =	ssyncadd.s32 @!p0 s1  }
0x177: {  	[bflag:$0x3] =	sbarrier.arrive $0xFFFF  }
0x178: {  	_ =	shalt  }

</sc_bundles>
